<compile_context>
chip_gen: v7x
topology: tpu7x:2x2x1
jax: 0.10.2.dev20260603
libtpu: 0.0.44.dev20260713+nightly
codegen_flags: <defaults>
</compile_context>

<pallas_src>
import jax
import jax.numpy as jnp
from jax import lax
from jax.experimental import pallas as pl
from jax.experimental.pallas import tpu as pltpu
from jax.experimental.pallas import tpu_sc as plsc

NC = 2
NS = 16
L = 16
NW = NC * NS
D = 128
NZ = 10000
E = 320000
EPW = 2 * E // NW
CHUNK = 80
NCHUNK = EPW // CHUNK
NPAIR = NCHUNK // 2
GRPS = CHUNK // L
KV = D // L
EPS = 1e-15
LN2 = 0.6931471805599453


def _vlog(x):
    bits = plsc.bitcast(x, jnp.int32)
    e = (bits >> 23) - 127
    m = plsc.bitcast((bits & 0x7FFFFF) | 0x3F800000, jnp.float32)
    big = m >= jnp.float32(1.4142135)
    m = jnp.where(big, m * jnp.float32(0.5), m)
    ef = (e + big.astype(jnp.int32)).astype(jnp.float32)
    s = (m - jnp.float32(1.0)) / (m + jnp.float32(1.0))
    u = s * s
    p = jnp.float32(1.0 / 11.0)
    for c in (1.0 / 9.0, 1.0 / 7.0, 1.0 / 5.0, 1.0 / 3.0):
        p = p * u + jnp.float32(c)
    return ef * jnp.float32(LN2) + jnp.float32(2.0) * s * (jnp.float32(1.0) + u * p)


def _body(z_hbm, src_hbm, dst_hbm, out_hbm,
          idx_s0, idx_d0, idx_s1, idx_d1,
          rows_s0, rows_d0, rows_s1, rows_d1,
          scr, accv, redv, outv, shared, z_sh,
          sem_i0, sem_i1, sem_r0, sem_r1):
    cid = lax.axis_index("c")
    sid = lax.axis_index("s")
    wid = sid * NC + cid
    base_w = wid * EPW
    negv = jnp.full((L,), wid >= NW // 2)
    iota = lax.iota(jnp.int32, L)

    @pl.when(sid < NS - 1)
    def _():
        pltpu.sync_copy(z_hbm.at[pl.ds(sid * 624, 624)],
                        z_sh.at[pl.ds(sid * 624, 624)])

    @pl.when(sid == NS - 1)
    def _():
        pltpu.sync_copy(z_hbm.at[pl.ds(9360, 640)],
                        z_sh.at[pl.ds(9360, 640)])

    def fire_idx(c, idx_s, idx_d, sem):
        base = base_w + c * CHUNK
        pltpu.async_copy(src_hbm.at[pl.ds(base, CHUNK)], idx_s, sem)
        pltpu.async_copy(dst_hbm.at[pl.ds(base, CHUNK)], idx_d, sem)

    def drain_idx(idx_s, idx_d, sem):
        pltpu.make_async_copy(src_hbm.at[pl.ds(0, CHUNK)], idx_s, sem).wait()
        pltpu.make_async_copy(src_hbm.at[pl.ds(0, CHUNK)], idx_d, sem).wait()

    def fire_rows(idx_s, idx_d, rows_s, rows_d, sem):
        pltpu.async_copy(z_sh.at[idx_s], rows_s, sem)
        pltpu.async_copy(z_sh.at[idx_d], rows_d, sem)

    def drain_rows(rows_s, rows_d, sem):
        pltpu.make_async_copy(z_hbm.at[pl.ds(0, CHUNK)], rows_s, sem).wait()
        pltpu.make_async_copy(z_hbm.at[pl.ds(0, CHUNK)], rows_d, sem).wait()

    def compute(rows_s, rows_d, acc):
        def grp_body(g, acc_g):
            for e_ in range(L):
                r = g * L + e_
                a = rows_s[r, pl.ds(0, L)] * rows_d[r, pl.ds(0, L)]
                for k in range(1, KV):
                    a = a + rows_s[r, pl.ds(k * L, L)] * rows_d[r, pl.ds(k * L, L)]
                scr[pl.ds(e_ * L, L)] = a
            base = iota * L
            t0 = plsc.load_gather(scr, [base])
            t1 = plsc.load_gather(scr, [base + 1])
            t2 = plsc.load_gather(scr, [base + 2])
            t3 = plsc.load_gather(scr, [base + 3])
            for l in range(4, L, 4):
                t0 = t0 + plsc.load_gather(scr, [base + l])
                t1 = t1 + plsc.load_gather(scr, [base + (l + 1)])
                t2 = t2 + plsc.load_gather(scr, [base + (l + 2)])
                t3 = t3 + plsc.load_gather(scr, [base + (l + 3)])
            t = (t0 + t1) + (t2 + t3)
            prob = jnp.float32(1.0) / (jnp.float32(1.0) + jnp.exp(-t))
            arg = jnp.where(negv,
                            (jnp.float32(1.0) - prob) + jnp.float32(EPS),
                            prob + jnp.float32(EPS))
            return acc_g - _vlog(arg)

        return lax.fori_loop(0, GRPS, grp_body, acc)

    plsc.subcore_barrier()

    pltpu.sync_copy(src_hbm.at[pl.ds(base_w, CHUNK)], idx_s0)
    pltpu.sync_copy(dst_hbm.at[pl.ds(base_w, CHUNK)], idx_d0)
    fire_rows(idx_s0, idx_d0, rows_s0, rows_d0, sem_r0)
    fire_idx(1, idx_s1, idx_d1, sem_i1)

    def pair_body(i, acc):
        drain_idx(idx_s1, idx_d1, sem_i1)
        fire_rows(idx_s1, idx_d1, rows_s1, rows_d1, sem_r1)

        @pl.when(i < NPAIR - 1)
        def _():
            fire_idx(2 * i + 2, idx_s0, idx_d0, sem_i0)

        drain_rows(rows_s0, rows_d0, sem_r0)
        acc = compute(rows_s0, rows_d0, acc)

        @pl.when(i < NPAIR - 1)
        def _():
            drain_idx(idx_s0, idx_d0, sem_i0)
            fire_rows(idx_s0, idx_d0, rows_s0, rows_d0, sem_r0)
            fire_idx(2 * i + 3, idx_s1, idx_d1, sem_i1)

        drain_rows(rows_s1, rows_d1, sem_r1)
        acc = compute(rows_s1, rows_d1, acc)
        return acc

    acc = lax.fori_loop(0, NPAIR, pair_body, jnp.zeros((L,), jnp.float32))
    accv[...] = acc

    pltpu.sync_copy(accv, shared.at[sid])
    plsc.subcore_barrier()

    @pl.when(sid == 0)
    def _():
        pltpu.sync_copy(shared, redv)
        tot = redv[0, :]
        for s_ in range(1, NS):
            tot = tot + redv[s_, :]
        total = jnp.sum(tot) * jnp.float32(1.0 / E)
        outv[...] = jnp.full((L,), total, jnp.float32)
        pltpu.sync_copy(outv, out_hbm.at[cid])


_mesh = plsc.VectorSubcoreMesh(
    core_axis_name="c", subcore_axis_name="s", num_cores=NC, num_subcores=NS)

_sc_call = pl.kernel(
    _body,
    out_type=jax.ShapeDtypeStruct((NC, L), jnp.float32),
    mesh=_mesh,
    scratch_types=[
        pltpu.VMEM((CHUNK,), jnp.int32),
        pltpu.VMEM((CHUNK,), jnp.int32),
        pltpu.VMEM((CHUNK,), jnp.int32),
        pltpu.VMEM((CHUNK,), jnp.int32),
        pltpu.VMEM((CHUNK, D), jnp.float32),
        pltpu.VMEM((CHUNK, D), jnp.float32),
        pltpu.VMEM((CHUNK, D), jnp.float32),
        pltpu.VMEM((CHUNK, D), jnp.float32),
        pltpu.VMEM((L * L,), jnp.float32),
        pltpu.VMEM((L,), jnp.float32),
        pltpu.VMEM((NS, L), jnp.float32),
        pltpu.VMEM((L,), jnp.float32),
        pltpu.VMEM_SHARED((NS, L), jnp.float32),
        pltpu.VMEM_SHARED((NZ, D), jnp.float32),
        pltpu.SemaphoreType.DMA,
        pltpu.SemaphoreType.DMA,
        pltpu.SemaphoreType.DMA,
        pltpu.SemaphoreType.DMA,
    ],
    compiler_params=pltpu.CompilerParams(needs_layout_passes=False),
)


@jax.jit
def kernel(z, pos_edge_index, pos_edge_weights, neg_edge_index):
    del pos_edge_weights
    src = jnp.concatenate(
        [pos_edge_index[0], neg_edge_index[0]]).astype(jnp.int32)
    dst = jnp.concatenate(
        [pos_edge_index[1], neg_edge_index[1]]).astype(jnp.int32)
    out = _sc_call(z, src, dst)
    return out[0, 0] + out[1, 0]

# --- scband reference (transcript-rebuilt; emitter-appended) ---
"""Pipeline reference for scband-edge-decoder-18837726560468 (READ-ONLY COPY).

The authoritative reference and input builder live on the scoring server;
editing this copy changes nothing except your own understanding.
"""

import jax, jax.numpy as jnp
import numpy as np

EPS = 1e-15

def setup_inputs(seed: int = 0) -> dict:
    key = jax.random.key(seed)
    k1, k2, k3, k4 = jax.random.split(key, 4)
    z = jax.random.normal(k1, (10000, 128), dtype=jnp.float32)
    pos_edge_index = jax.random.randint(k2, (2, 320000), 0, 10000, dtype=jnp.int64)
    pos_edge_weights = jax.random.uniform(k3, (320000,), dtype=jnp.float32)
    neg_edge_index = jax.random.randint(k4, (2, 320000), 0, 10000, dtype=jnp.int64)
    return {"z": z, "pos_edge_index": pos_edge_index, "pos_edge_weights": pos_edge_weights, "neg_edge_index": neg_edge_index}

def _decode(z, edge_index):
    # inner-product edge decoder: sigmoid(<z_src, z_dst>)
    src = edge_index[0]
    dst = edge_index[1]
    zs = jnp.take(z, src, axis=0)
    zd = jnp.take(z, dst, axis=0)
    logits = jnp.sum(zs * zd, axis=-1)
    return jax.nn.sigmoid(logits)

def reference(z, pos_edge_index, pos_edge_weights, neg_edge_index):
    # recon_loss: -log(sigmoid(pos)) mean + -log(1 - sigmoid(neg)) mean
    pos_prob = _decode(z, pos_edge_index)
    pos_loss = -jnp.log(pos_prob + EPS).mean()
    # neg_edge_index is provided, so negative_sampling branch is skipped;
    # the remove/add self loops on pos_edge_index have no effect on the output.
    neg_prob = _decode(z, neg_edge_index)
    neg_loss = -jnp.log(1.0 - neg_prob + EPS).mean()
    return pos_loss + neg_loss

if __name__ == "__main__":
    import jax
    _d = setup_inputs()
    print(jax.jit(kernel)(*tuple(_d.values())))

</pallas_src>

<mosaic_0001>
#map = affine_map<(d0, d1) -> (0, 0)>
#map1 = affine_map<(d0, d1) -> (0)>
module attributes {stable_mosaic.version = 14 : i64} {
  func.func @_body(%arg0: i32, %arg1: i32, %arg2: memref<10000x128xf32, #tpu.memory_space<hbm>>, %arg3: memref<640000xi32, #tpu.memory_space<hbm>>, %arg4: memref<640000xi32, #tpu.memory_space<hbm>>, %arg5: memref<2x16xf32, #tpu.memory_space<hbm>>, %arg6: memref<80xi32, #tpu.memory_space<vmem>>, %arg7: memref<80xi32, #tpu.memory_space<vmem>>, %arg8: memref<80xi32, #tpu.memory_space<vmem>>, %arg9: memref<80xi32, #tpu.memory_space<vmem>>, %arg10: memref<80x128xf32, #tpu.memory_space<vmem>>, %arg11: memref<80x128xf32, #tpu.memory_space<vmem>>, %arg12: memref<80x128xf32, #tpu.memory_space<vmem>>, %arg13: memref<80x128xf32, #tpu.memory_space<vmem>>, %arg14: memref<256xf32, #tpu.memory_space<vmem>>, %arg15: memref<16xf32, #tpu.memory_space<vmem>>, %arg16: memref<16x16xf32, #tpu.memory_space<vmem>>, %arg17: memref<16xf32, #tpu.memory_space<vmem>>, %arg18: memref<16x16xf32, #tpu.memory_space<vmem_shared>>, %arg19: memref<10000x128xf32, #tpu.memory_space<vmem_shared>>, %arg20: memref<!tpu.dma_semaphore, #tpu.memory_space<semaphore_mem>>, %arg21: memref<!tpu.dma_semaphore, #tpu.memory_space<semaphore_mem>>, %arg22: memref<!tpu.dma_semaphore, #tpu.memory_space<semaphore_mem>>, %arg23: memref<!tpu.dma_semaphore, #tpu.memory_space<semaphore_mem>>) attributes {dimension_semantics = [#tpu.dimension_semantics<core_parallel>, #tpu.dimension_semantics<subcore_parallel>], iteration_bounds = array<i64: 2, 16>, scalar_prefetch = 0 : i64, scratch_operands = 18 : i64, tpu.core_type = #tpu.core_type<sc_vector_subcore>, window_params = [{transform_indices = #map}, {transform_indices = #map1}, {transform_indices = #map1}, {transform_indices = #map}]} {
    %mul3A = arith.constant 2 : i32
    %mul3A_0 = arith.muli %arg1, %mul3A : i32
    %add3A = arith.addi %mul3A_0, %arg0 : i32
    %mul3A_1 = arith.constant 20000 : i32
    %mul3A_2 = arith.muli %add3A, %mul3A_1 : i32
    %ge3A = arith.constant 16 : i32
    %ge3A_3 = arith.cmpi sge, %add3A, %ge3A : i32
    %broadcast_in_dim3A = vector.broadcast %ge3A_3 : i1 to vector<16xi1>
    %iota3A = tpu.iota {dimensions = array<i32: 0>} : vector<16xi32>
    %lt3A = arith.constant 15 : i32
    %lt3A_4 = arith.cmpi slt, %arg1, %lt3A : i32
    %convert_element_type3A = arith.extui %lt3A_4 : i1 to i32
    %cond3A = arith.constant 0 : i32
    %cond3A_5 = arith.cmpi ne, %convert_element_type3A, %cond3A : i32
    scf.if %cond3A_5 {
      %mul3A_35 = arith.constant 624 : i32
      %mul3A_36 = arith.muli %arg1, %mul3A_35 : i32
      %mul3A_37 = arith.constant 624 : i32
      %mul3A_38 = arith.muli %arg1, %mul3A_37 : i32
      "tpu.region"() ({
        %run_scoped3A = tpu.sem_alloc : memref<!tpu.dma_semaphore, #tpu.memory_space<semaphore_mem>>
        %dma_start3A_39 = arith.constant 0 : i32
        %dma_start3A_40 = tpu.memref_slice %arg19[%mul3A_38, %dma_start3A_39] : memref<10000x128xf32, #tpu.memory_space<vmem_shared>> -> memref<624x128xf32, #tpu.memory_space<vmem_shared>>
        %dma_start3A_41 = arith.constant 0 : i32
        %dma_start3A_42 = tpu.memref_slice %arg2[%mul3A_36, %dma_start3A_41] : memref<10000x128xf32, #tpu.memory_space<hbm>> -> memref<624x128xf32, #tpu.memory_space<hbm>>
        tpu.enqueue_dma source(%dma_start3A_42 : memref<624x128xf32, #tpu.memory_space<hbm>>) target(%dma_start3A_40 : memref<624x128xf32, #tpu.memory_space<vmem_shared>>) target_semaphore(%run_scoped3A : memref<!tpu.dma_semaphore, #tpu.memory_space<semaphore_mem>>)
        %dma_wait3A = arith.constant 0 : i32
        %dma_wait3A_43 = tpu.memref_slice %arg19[%mul3A_38, %dma_wait3A] : memref<10000x128xf32, #tpu.memory_space<vmem_shared>> -> memref<624x128xf32, #tpu.memory_space<vmem_shared>>
        %dma_wait3A_44 = arith.constant 0 : i32
        %dma_wait3A_45 = tpu.memref_slice %arg2[%mul3A_36, %dma_wait3A_44] : memref<10000x128xf32, #tpu.memory_space<hbm>> -> memref<624x128xf32, #tpu.memory_space<hbm>>
        tpu.wait_dma2 semaphore(%run_scoped3A : memref<!tpu.dma_semaphore, #tpu.memory_space<semaphore_mem>>) src(%dma_wait3A_45 : memref<624x128xf32, #tpu.memory_space<hbm>>) dst(%dma_wait3A_43 : memref<624x128xf32, #tpu.memory_space<vmem_shared>>)
        tpu.yield
      }) : () -> ()
    } else {
    }
    %eq3A = arith.constant 15 : i32
    %eq3A_6 = arith.cmpi eq, %arg1, %eq3A : i32
    %convert_element_type3A_7 = arith.extui %eq3A_6 : i1 to i32
    %cond3A_8 = arith.constant 0 : i32
    %cond3A_9 = arith.cmpi ne, %convert_element_type3A_7, %cond3A_8 : i32
    scf.if %cond3A_9 {
      "tpu.region"() ({
        %run_scoped3A = tpu.sem_alloc : memref<!tpu.dma_semaphore, #tpu.memory_space<semaphore_mem>>
        %dma_start3A_35 = arith.constant 9360 : i32
        %dma_start3A_36 = arith.constant 0 : i32
        %dma_start3A_37 = tpu.memref_slice %arg19[%dma_start3A_35, %dma_start3A_36] : memref<10000x128xf32, #tpu.memory_space<vmem_shared>> -> memref<640x128xf32, #tpu.memory_space<vmem_shared>>
        %dma_start3A_38 = arith.constant 9360 : i32
        %dma_start3A_39 = arith.constant 0 : i32
        %dma_start3A_40 = tpu.memref_slice %arg2[%dma_start3A_38, %dma_start3A_39] : memref<10000x128xf32, #tpu.memory_space<hbm>> -> memref<640x128xf32, #tpu.memory_space<hbm>>
        tpu.enqueue_dma source(%dma_start3A_40 : memref<640x128xf32, #tpu.memory_space<hbm>>) target(%dma_start3A_37 : memref<640x128xf32, #tpu.memory_space<vmem_shared>>) target_semaphore(%run_scoped3A : memref<!tpu.dma_semaphore, #tpu.memory_space<semaphore_mem>>)
        %dma_wait3A = arith.constant 9360 : i32
        %dma_wait3A_41 = arith.constant 0 : i32
        %dma_wait3A_42 = tpu.memref_slice %arg19[%dma_wait3A, %dma_wait3A_41] : memref<10000x128xf32, #tpu.memory_space<vmem_shared>> -> memref<640x128xf32, #tpu.memory_space<vmem_shared>>
        %dma_wait3A_43 = arith.constant 9360 : i32
        %dma_wait3A_44 = arith.constant 0 : i32
        %dma_wait3A_45 = tpu.memref_slice %arg2[%dma_wait3A_43, %dma_wait3A_44] : memref<10000x128xf32, #tpu.memory_space<hbm>> -> memref<640x128xf32, #tpu.memory_space<hbm>>
        tpu.wait_dma2 semaphore(%run_scoped3A : memref<!tpu.dma_semaphore, #tpu.memory_space<semaphore_mem>>) src(%dma_wait3A_45 : memref<640x128xf32, #tpu.memory_space<hbm>>) dst(%dma_wait3A_42 : memref<640x128xf32, #tpu.memory_space<vmem_shared>>)
        tpu.yield
      }) : () -> ()
    } else {
    }
    %barrier3A = arith.constant 0 : index
    tpu.barrier barrier_id(%barrier3A)
    "tpu.region"() ({
      %run_scoped3A = tpu.sem_alloc : memref<!tpu.dma_semaphore, #tpu.memory_space<semaphore_mem>>
      %dma_start3A_35 = tpu.memref_slice %arg3[%mul3A_2] : memref<640000xi32, #tpu.memory_space<hbm>> -> memref<80xi32, #tpu.memory_space<hbm>>
      %dma_start3A_36 = tpu.memref_slice %arg3[%mul3A_2] : memref<640000xi32, #tpu.memory_space<hbm>> -> memref<80xi32, #tpu.memory_space<hbm>>
      tpu.enqueue_dma source(%dma_start3A_36 : memref<80xi32, #tpu.memory_space<hbm>>) target(%arg6 : memref<80xi32, #tpu.memory_space<vmem>>) target_semaphore(%run_scoped3A : memref<!tpu.dma_semaphore, #tpu.memory_space<semaphore_mem>>)
      %dma_wait3A = tpu.memref_slice %arg3[%mul3A_2] : memref<640000xi32, #tpu.memory_space<hbm>> -> memref<80xi32, #tpu.memory_space<hbm>>
      %dma_wait3A_37 = tpu.memref_slice %arg3[%mul3A_2] : memref<640000xi32, #tpu.memory_space<hbm>> -> memref<80xi32, #tpu.memory_space<hbm>>
      tpu.wait_dma2 semaphore(%run_scoped3A : memref<!tpu.dma_semaphore, #tpu.memory_space<semaphore_mem>>) src(%dma_wait3A_37 : memref<80xi32, #tpu.memory_space<hbm>>) dst(%arg6 : memref<80xi32, #tpu.memory_space<vmem>>)
      tpu.yield
    }) : () -> ()
    "tpu.region"() ({
      %run_scoped3A = tpu.sem_alloc : memref<!tpu.dma_semaphore, #tpu.memory_space<semaphore_mem>>
      %dma_start3A_35 = tpu.memref_slice %arg4[%mul3A_2] : memref<640000xi32, #tpu.memory_space<hbm>> -> memref<80xi32, #tpu.memory_space<hbm>>
      %dma_start3A_36 = tpu.memref_slice %arg4[%mul3A_2] : memref<640000xi32, #tpu.memory_space<hbm>> -> memref<80xi32, #tpu.memory_space<hbm>>
      tpu.enqueue_dma source(%dma_start3A_36 : memref<80xi32, #tpu.memory_space<hbm>>) target(%arg7 : memref<80xi32, #tpu.memory_space<vmem>>) target_semaphore(%run_scoped3A : memref<!tpu.dma_semaphore, #tpu.memory_space<semaphore_mem>>)
      %dma_wait3A = tpu.memref_slice %arg4[%mul3A_2] : memref<640000xi32, #tpu.memory_space<hbm>> -> memref<80xi32, #tpu.memory_space<hbm>>
      %dma_wait3A_37 = tpu.memref_slice %arg4[%mul3A_2] : memref<640000xi32, #tpu.memory_space<hbm>> -> memref<80xi32, #tpu.memory_space<hbm>>
      tpu.wait_dma2 semaphore(%run_scoped3A : memref<!tpu.dma_semaphore, #tpu.memory_space<semaphore_mem>>) src(%dma_wait3A_37 : memref<80xi32, #tpu.memory_space<hbm>>) dst(%arg7 : memref<80xi32, #tpu.memory_space<vmem>>)
      tpu.yield
    }) : () -> ()
    %dma_start3A = arith.constant 0 : i32
    %dma_start3A_10 = arith.constant 0 : i32
    %dma_start3A_11 = tpu.memref_slice %arg19[%dma_start3A, %dma_start3A_10] : memref<10000x128xf32, #tpu.memory_space<vmem_shared>> -> memref<10000x128xf32, #tpu.memory_space<vmem_shared>>
    tpu.enqueue_indirect_dma source(%dma_start3A_11 : memref<10000x128xf32, #tpu.memory_space<vmem_shared>>) target(%arg10 : memref<80x128xf32, #tpu.memory_space<vmem>>) offsets(%arg6 : memref<80xi32, #tpu.memory_space<vmem>>) semaphore(%arg22 : memref<!tpu.dma_semaphore, #tpu.memory_space<semaphore_mem>>)
    %dma_start3A_12 = arith.constant 0 : i32
    %dma_start3A_13 = arith.constant 0 : i32
    %dma_start3A_14 = tpu.memref_slice %arg19[%dma_start3A_12, %dma_start3A_13] : memref<10000x128xf32, #tpu.memory_space<vmem_shared>> -> memref<10000x128xf32, #tpu.memory_space<vmem_shared>>
    tpu.enqueue_indirect_dma source(%dma_start3A_14 : memref<10000x128xf32, #tpu.memory_space<vmem_shared>>) target(%arg11 : memref<80x128xf32, #tpu.memory_space<vmem>>) offsets(%arg7 : memref<80xi32, #tpu.memory_space<vmem>>) semaphore(%arg22 : memref<!tpu.dma_semaphore, #tpu.memory_space<semaphore_mem>>)
    %add3A_15 = arith.constant 80 : i32
    %add3A_16 = arith.addi %mul3A_2, %add3A_15 : i32
    %dma_start3A_17 = tpu.memref_slice %arg3[%add3A_16] : memref<640000xi32, #tpu.memory_space<hbm>> -> memref<80xi32, #tpu.memory_space<hbm>>
    %dma_start3A_18 = tpu.memref_slice %arg3[%add3A_16] : memref<640000xi32, #tpu.memory_space<hbm>> -> memref<80xi32, #tpu.memory_space<hbm>>
    tpu.enqueue_dma source(%dma_start3A_18 : memref<80xi32, #tpu.memory_space<hbm>>) target(%arg8 : memref<80xi32, #tpu.memory_space<vmem>>) target_semaphore(%arg21 : memref<!tpu.dma_semaphore, #tpu.memory_space<semaphore_mem>>)
    %dma_start3A_19 = tpu.memref_slice %arg4[%add3A_16] : memref<640000xi32, #tpu.memory_space<hbm>> -> memref<80xi32, #tpu.memory_space<hbm>>
    %dma_start3A_20 = tpu.memref_slice %arg4[%add3A_16] : memref<640000xi32, #tpu.memory_space<hbm>> -> memref<80xi32, #tpu.memory_space<hbm>>
    tpu.enqueue_dma source(%dma_start3A_20 : memref<80xi32, #tpu.memory_space<hbm>>) target(%arg9 : memref<80xi32, #tpu.memory_space<vmem>>) target_semaphore(%arg21 : memref<!tpu.dma_semaphore, #tpu.memory_space<semaphore_mem>>)
    %broadcast_in_dim3A_21 = arith.constant 0.000000e+00 : f32
    %broadcast_in_dim3A_22 = vector.broadcast %broadcast_in_dim3A_21 : f32 to vector<16xf32>
    %scan3A = arith.constant 0 : i32
    %scan3A_23 = arith.constant 125 : i32
    %scan3A_24 = arith.addi %scan3A, %scan3A_23 : i32
    %scan3A_25 = arith.constant 1 : i32
    %scan3A_26 = scf.for %scan3A_35 = %scan3A to %scan3A_24 step %scan3A_25 iter_args(%scan3A_36 = %broadcast_in_dim3A_22) -> (vector<16xf32>)  : i32 {
      %dma_wait3A = arith.constant 0 : i32
      %dma_wait3A_37 = tpu.memref_slice %arg3[%dma_wait3A] : memref<640000xi32, #tpu.memory_space<hbm>> -> memref<80xi32, #tpu.memory_space<hbm>>
      %dma_wait3A_38 = arith.constant 0 : i32
      %dma_wait3A_39 = tpu.memref_slice %arg3[%dma_wait3A_38] : memref<640000xi32, #tpu.memory_space<hbm>> -> memref<80xi32, #tpu.memory_space<hbm>>
      tpu.wait_dma2 semaphore(%arg21 : memref<!tpu.dma_semaphore, #tpu.memory_space<semaphore_mem>>) src(%dma_wait3A_39 : memref<80xi32, #tpu.memory_space<hbm>>) dst(%arg8 : memref<80xi32, #tpu.memory_space<vmem>>)
      %dma_wait3A_40 = arith.constant 0 : i32
      %dma_wait3A_41 = tpu.memref_slice %arg3[%dma_wait3A_40] : memref<640000xi32, #tpu.memory_space<hbm>> -> memref<80xi32, #tpu.memory_space<hbm>>
      %dma_wait3A_42 = arith.constant 0 : i32
      %dma_wait3A_43 = tpu.memref_slice %arg3[%dma_wait3A_42] : memref<640000xi32, #tpu.memory_space<hbm>> -> memref<80xi32, #tpu.memory_space<hbm>>
      tpu.wait_dma2 semaphore(%arg21 : memref<!tpu.dma_semaphore, #tpu.memory_space<semaphore_mem>>) src(%dma_wait3A_43 : memref<80xi32, #tpu.memory_space<hbm>>) dst(%arg9 : memref<80xi32, #tpu.memory_space<vmem>>)
      %dma_start3A_44 = arith.constant 0 : i32
      %dma_start3A_45 = arith.constant 0 : i32
      %dma_start3A_46 = tpu.memref_slice %arg19[%dma_start3A_44, %dma_start3A_45] : memref<10000x128xf32, #tpu.memory_space<vmem_shared>> -> memref<10000x128xf32, #tpu.memory_space<vmem_shared>>
      tpu.enqueue_indirect_dma source(%dma_start3A_46 : memref<10000x128xf32, #tpu.memory_space<vmem_shared>>) target(%arg12 : memref<80x128xf32, #tpu.memory_space<vmem>>) offsets(%arg8 : memref<80xi32, #tpu.memory_space<vmem>>) semaphore(%arg23 : memref<!tpu.dma_semaphore, #tpu.memory_space<semaphore_mem>>)
      %dma_start3A_47 = arith.constant 0 : i32
      %dma_start3A_48 = arith.constant 0 : i32
      %dma_start3A_49 = tpu.memref_slice %arg19[%dma_start3A_47, %dma_start3A_48] : memref<10000x128xf32, #tpu.memory_space<vmem_shared>> -> memref<10000x128xf32, #tpu.memory_space<vmem_shared>>
      tpu.enqueue_indirect_dma source(%dma_start3A_49 : memref<10000x128xf32, #tpu.memory_space<vmem_shared>>) target(%arg13 : memref<80x128xf32, #tpu.memory_space<vmem>>) offsets(%arg9 : memref<80xi32, #tpu.memory_space<vmem>>) semaphore(%arg23 : memref<!tpu.dma_semaphore, #tpu.memory_space<semaphore_mem>>)
      %lt3A_50 = arith.constant 124 : i32
      %lt3A_51 = arith.cmpi slt, %scan3A_35, %lt3A_50 : i32
      %convert_element_type3A_52 = arith.extui %lt3A_51 : i1 to i32
      %cond3A_53 = arith.constant 0 : i32
      %cond3A_54 = arith.cmpi ne, %convert_element_type3A_52, %cond3A_53 : i32
      scf.if %cond3A_54 {
        %mul3A_96 = arith.constant 2 : i32
        %mul3A_97 = arith.muli %mul3A_96, %scan3A_35 : i32
        %add3A_98 = arith.constant 2 : i32
        %add3A_99 = arith.addi %mul3A_97, %add3A_98 : i32
        %mul3A_100 = arith.constant 80 : i32
        %mul3A_101 = arith.muli %add3A_99, %mul3A_100 : i32
        %add3A_102 = arith.addi %mul3A_2, %mul3A_101 : i32
        %dma_start3A_103 = tpu.memref_slice %arg3[%add3A_102] : memref<640000xi32, #tpu.memory_space<hbm>> -> memref<80xi32, #tpu.memory_space<hbm>>
        %dma_start3A_104 = tpu.memref_slice %arg3[%add3A_102] : memref<640000xi32, #tpu.memory_space<hbm>> -> memref<80xi32, #tpu.memory_space<hbm>>
        tpu.enqueue_dma source(%dma_start3A_104 : memref<80xi32, #tpu.memory_space<hbm>>) target(%arg6 : memref<80xi32, #tpu.memory_space<vmem>>) target_semaphore(%arg20 : memref<!tpu.dma_semaphore, #tpu.memory_space<semaphore_mem>>)
        %dma_start3A_105 = tpu.memref_slice %arg4[%add3A_102] : memref<640000xi32, #tpu.memory_space<hbm>> -> memref<80xi32, #tpu.memory_space<hbm>>
        %dma_start3A_106 = tpu.memref_slice %arg4[%add3A_102] : memref<640000xi32, #tpu.memory_space<hbm>> -> memref<80xi32, #tpu.memory_space<hbm>>
        tpu.enqueue_dma source(%dma_start3A_106 : memref<80xi32, #tpu.memory_space<hbm>>) target(%arg7 : memref<80xi32, #tpu.memory_space<vmem>>) target_semaphore(%arg20 : memref<!tpu.dma_semaphore, #tpu.memory_space<semaphore_mem>>)
      } else {
      }
      %dma_wait3A_55 = arith.constant 0 : i32
      %dma_wait3A_56 = arith.constant 0 : i32
      %dma_wait3A_57 = tpu.memref_slice %arg2[%dma_wait3A_55, %dma_wait3A_56] : memref<10000x128xf32, #tpu.memory_space<hbm>> -> memref<80x128xf32, #tpu.memory_space<hbm>>
      %dma_wait3A_58 = arith.constant 0 : i32
      %dma_wait3A_59 = arith.constant 0 : i32
      %dma_wait3A_60 = tpu.memref_slice %arg2[%dma_wait3A_58, %dma_wait3A_59] : memref<10000x128xf32, #tpu.memory_space<hbm>> -> memref<80x128xf32, #tpu.memory_space<hbm>>
      tpu.wait_dma2 semaphore(%arg22 : memref<!tpu.dma_semaphore, #tpu.memory_space<semaphore_mem>>) src(%dma_wait3A_60 : memref<80x128xf32, #tpu.memory_space<hbm>>) dst(%arg10 : memref<80x128xf32, #tpu.memory_space<vmem>>)
      %dma_wait3A_61 = arith.constant 0 : i32
      %dma_wait3A_62 = arith.constant 0 : i32
      %dma_wait3A_63 = tpu.memref_slice %arg2[%dma_wait3A_61, %dma_wait3A_62] : memref<10000x128xf32, #tpu.memory_space<hbm>> -> memref<80x128xf32, #tpu.memory_space<hbm>>
      %dma_wait3A_64 = arith.constant 0 : i32
      %dma_wait3A_65 = arith.constant 0 : i32
      %dma_wait3A_66 = tpu.memref_slice %arg2[%dma_wait3A_64, %dma_wait3A_65] : memref<10000x128xf32, #tpu.memory_space<hbm>> -> memref<80x128xf32, #tpu.memory_space<hbm>>
      tpu.wait_dma2 semaphore(%arg22 : memref<!tpu.dma_semaphore, #tpu.memory_space<semaphore_mem>>) src(%dma_wait3A_66 : memref<80x128xf32, #tpu.memory_space<hbm>>) dst(%arg11 : memref<80x128xf32, #tpu.memory_space<vmem>>)
      %scan3A_67 = arith.constant 0 : i32
      %scan3A_68 = arith.constant 5 : i32
      %scan3A_69 = arith.addi %scan3A_67, %scan3A_68 : i32
      %scan3A_70 = arith.constant 1 : i32
      %scan3A_71 = scf.for %scan3A_96 = %scan3A_67 to %scan3A_69 step %scan3A_70 iter_args(%scan3A_97 = %scan3A_36) -> (vector<16xf32>)  : i32 {
        %mul3A_98 = arith.constant 16 : i32
        %mul3A_99 = arith.muli %scan3A_96, %mul3A_98 : i32
        %add3A_100 = arith.constant 0 : i32
        %add3A_101 = arith.addi %mul3A_99, %add3A_100 : i32
        %get3A = arith.index_cast %add3A_101 : i32 to index
        %get3A_102 = arith.constant 0 : index
        %get3A_103 = tpu.vector_load %arg10[%get3A, %get3A_102] {strides = array<i32>} : memref<80x128xf32, #tpu.memory_space<vmem>>, vector<16xf32>,
        %get3A_104 = arith.index_cast %add3A_101 : i32 to index
        %get3A_105 = arith.constant 0 : index
        %get3A_106 = tpu.vector_load %arg11[%get3A_104, %get3A_105] {strides = array<i32>} : memref<80x128xf32, #tpu.memory_space<vmem>>, vector<16xf32>,
        %mul3A_107 = arith.mulf %get3A_103, %get3A_106 : vector<16xf32>
        %get3A_108 = arith.index_cast %add3A_101 : i32 to index
        %get3A_109 = arith.constant 16 : index
        %get3A_110 = tpu.vector_load %arg10[%get3A_108, %get3A_109] {strides = array<i32>} : memref<80x128xf32, #tpu.memory_space<vmem>>, vector<16xf32>,
        %get3A_111 = arith.index_cast %add3A_101 : i32 to index
        %get3A_112 = arith.constant 16 : index
        %get3A_113 = tpu.vector_load %arg11[%get3A_111, %get3A_112] {strides = array<i32>} : memref<80x128xf32, #tpu.memory_space<vmem>>, vector<16xf32>,
        %mul3A_114 = arith.mulf %get3A_110, %get3A_113 : vector<16xf32>
        %add3A_115 = arith.addf %mul3A_107, %mul3A_114 : vector<16xf32>
        %get3A_116 = arith.index_cast %add3A_101 : i32 to index
        %get3A_117 = arith.constant 32 : index
        %get3A_118 = tpu.vector_load %arg10[%get3A_116, %get3A_117] {strides = array<i32>} : memref<80x128xf32, #tpu.memory_space<vmem>>, vector<16xf32>,
        %get3A_119 = arith.index_cast %add3A_101 : i32 to index
        %get3A_120 = arith.constant 32 : index
        %get3A_121 = tpu.vector_load %arg11[%get3A_119, %get3A_120] {strides = array<i32>} : memref<80x128xf32, #tpu.memory_space<vmem>>, vector<16xf32>,
        %mul3A_122 = arith.mulf %get3A_118, %get3A_121 : vector<16xf32>
        %add3A_123 = arith.addf %add3A_115, %mul3A_122 : vector<16xf32>
        %get3A_124 = arith.index_cast %add3A_101 : i32 to index
        %get3A_125 = arith.constant 48 : index
        %get3A_126 = tpu.vector_load %arg10[%get3A_124, %get3A_125] {strides = array<i32>} : memref<80x128xf32, #tpu.memory_space<vmem>>, vector<16xf32>,
        %get3A_127 = arith.index_cast %add3A_101 : i32 to index
        %get3A_128 = arith.constant 48 : index
        %get3A_129 = tpu.vector_load %arg11[%get3A_127, %get3A_128] {strides = array<i32>} : memref<80x128xf32, #tpu.memory_space<vmem>>, vector<16xf32>,
        %mul3A_130 = arith.mulf %get3A_126, %get3A_129 : vector<16xf32>
        %add3A_131 = arith.addf %add3A_123, %mul3A_130 : vector<16xf32>
        %get3A_132 = arith.index_cast %add3A_101 : i32 to index
        %get3A_133 = arith.constant 64 : index
        %get3A_134 = tpu.vector_load %arg10[%get3A_132, %get3A_133] {strides = array<i32>} : memref<80x128xf32, #tpu.memory_space<vmem>>, vector<16xf32>,
        %get3A_135 = arith.index_cast %add3A_101 : i32 to index
        %get3A_136 = arith.constant 64 : index
        %get3A_137 = tpu.vector_load %arg11[%get3A_135, %get3A_136] {strides = array<i32>} : memref<80x128xf32, #tpu.memory_space<vmem>>, vector<16xf32>,
        %mul3A_138 = arith.mulf %get3A_134, %get3A_137 : vector<16xf32>
        %add3A_139 = arith.addf %add3A_131, %mul3A_138 : vector<16xf32>
        %get3A_140 = arith.index_cast %add3A_101 : i32 to index
        %get3A_141 = arith.constant 80 : index
        %get3A_142 = tpu.vector_load %arg10[%get3A_140, %get3A_141] {strides = array<i32>} : memref<80x128xf32, #tpu.memory_space<vmem>>, vector<16xf32>,
        %get3A_143 = arith.index_cast %add3A_101 : i32 to index
        %get3A_144 = arith.constant 80 : index
        %get3A_145 = tpu.vector_load %arg11[%get3A_143, %get3A_144] {strides = array<i32>} : memref<80x128xf32, #tpu.memory_space<vmem>>, vector<16xf32>,
        %mul3A_146 = arith.mulf %get3A_142, %get3A_145 : vector<16xf32>
        %add3A_147 = arith.addf %add3A_139, %mul3A_146 : vector<16xf32>
        %get3A_148 = arith.index_cast %add3A_101 : i32 to index
        %get3A_149 = arith.constant 96 : index
        %get3A_150 = tpu.vector_load %arg10[%get3A_148, %get3A_149] {strides = array<i32>} : memref<80x128xf32, #tpu.memory_space<vmem>>, vector<16xf32>,
        %get3A_151 = arith.index_cast %add3A_101 : i32 to index
        %get3A_152 = arith.constant 96 : index
        %get3A_153 = tpu.vector_load %arg11[%get3A_151, %get3A_152] {strides = array<i32>} : memref<80x128xf32, #tpu.memory_space<vmem>>, vector<16xf32>,
        %mul3A_154 = arith.mulf %get3A_150, %get3A_153 : vector<16xf32>
        %add3A_155 = arith.addf %add3A_147, %mul3A_154 : vector<16xf32>
        %get3A_156 = arith.index_cast %add3A_101 : i32 to index
        %get3A_157 = arith.constant 112 : index
        %get3A_158 = tpu.vector_load %arg10[%get3A_156, %get3A_157] {strides = array<i32>} : memref<80x128xf32, #tpu.memory_space<vmem>>, vector<16xf32>,
        %get3A_159 = arith.index_cast %add3A_101 : i32 to index
        %get3A_160 = arith.constant 112 : index
        %get3A_161 = tpu.vector_load %arg11[%get3A_159, %get3A_160] {strides = array<i32>} : memref<80x128xf32, #tpu.memory_space<vmem>>, vector<16xf32>,
        %mul3A_162 = arith.mulf %get3A_158, %get3A_161 : vector<16xf32>
        %add3A_163 = arith.addf %add3A_155, %mul3A_162 : vector<16xf32>
        %swap3A_164 = arith.constant 0 : index
        %swap3A_165 = tpu.vector_load %arg14[%swap3A_164] {strides = array<i32>} : memref<256xf32, #tpu.memory_space<vmem>>, vector<16xf32>,
        tpu.vector_store %arg14[%swap3A_164], %add3A_163 {strides = array<i32>} : memref<256xf32, #tpu.memory_space<vmem>>, vector<16xf32>,
        %mul3A_166 = arith.constant 16 : i32
        %mul3A_167 = arith.muli %scan3A_96, %mul3A_166 : i32
        %add3A_168 = arith.constant 1 : i32
        %add3A_169 = arith.addi %mul3A_167, %add3A_168 : i32
        %get3A_170 = arith.index_cast %add3A_169 : i32 to index
        %get3A_171 = arith.constant 0 : index
        %get3A_172 = tpu.vector_load %arg10[%get3A_170, %get3A_171] {strides = array<i32>} : memref<80x128xf32, #tpu.memory_space<vmem>>, vector<16xf32>,
        %get3A_173 = arith.index_cast %add3A_169 : i32 to index
        %get3A_174 = arith.constant 0 : index
        %get3A_175 = tpu.vector_load %arg11[%get3A_173, %get3A_174] {strides = array<i32>} : memref<80x128xf32, #tpu.memory_space<vmem>>, vector<16xf32>,
        %mul3A_176 = arith.mulf %get3A_172, %get3A_175 : vector<16xf32>
        %get3A_177 = arith.index_cast %add3A_169 : i32 to index
        %get3A_178 = arith.constant 16 : index
        %get3A_179 = tpu.vector_load %arg10[%get3A_177, %get3A_178] {strides = array<i32>} : memref<80x128xf32, #tpu.memory_space<vmem>>, vector<16xf32>,
        %get3A_180 = arith.index_cast %add3A_169 : i32 to index
        %get3A_181 = arith.constant 16 : index
        %get3A_182 = tpu.vector_load %arg11[%get3A_180, %get3A_181] {strides = array<i32>} : memref<80x128xf32, #tpu.memory_space<vmem>>, vector<16xf32>,
        %mul3A_183 = arith.mulf %get3A_179, %get3A_182 : vector<16xf32>
        %add3A_184 = arith.addf %mul3A_176, %mul3A_183 : vector<16xf32>
        %get3A_185 = arith.index_cast %add3A_169 : i32 to index
        %get3A_186 = arith.constant 32 : index
        %get3A_187 = tpu.vector_load %arg10[%get3A_185, %get3A_186] {strides = array<i32>} : memref<80x128xf32, #tpu.memory_space<vmem>>, vector<16xf32>,
        %get3A_188 = arith.index_cast %add3A_169 : i32 to index
        %get3A_189 = arith.constant 32 : index
        %get3A_190 = tpu.vector_load %arg11[%get3A_188, %get3A_189] {strides = array<i32>} : memref<80x128xf32, #tpu.memory_space<vmem>>, vector<16xf32>,
        %mul3A_191 = arith.mulf %get3A_187, %get3A_190 : vector<16xf32>
        %add3A_192 = arith.addf %add3A_184, %mul3A_191 : vector<16xf32>
        %get3A_193 = arith.index_cast %add3A_169 : i32 to index
        %get3A_194 = arith.constant 48 : index
        %get3A_195 = tpu.vector_load %arg10[%get3A_193, %get3A_194] {strides = array<i32>} : memref<80x128xf32, #tpu.memory_space<vmem>>, vector<16xf32>,
        %get3A_196 = arith.index_cast %add3A_169 : i32 to index
        %get3A_197 = arith.constant 48 : index
        %get3A_198 = tpu.vector_load %arg11[%get3A_196, %get3A_197] {strides = array<i32>} : memref<80x128xf32, #tpu.memory_space<vmem>>, vector<16xf32>,
        %mul3A_199 = arith.mulf %get3A_195, %get3A_198 : vector<16xf32>
        %add3A_200 = arith.addf %add3A_192, %mul3A_199 : vector<16xf32>
        %get3A_201 = arith.index_cast %add3A_169 : i32 to index
        %get3A_202 = arith.constant 64 : index
        %get3A_203 = tpu.vector_load %arg10[%get3A_201, %get3A_202] {strides = array<i32>} : memref<80x128xf32, #tpu.memory_space<vmem>>, vector<16xf32>,
        %get3A_204 = arith.index_cast %add3A_169 : i32 to index
        %get3A_205 = arith.constant 64 : index
        %get3A_206 = tpu.vector_load %arg11[%get3A_204, %get3A_205] {strides = array<i32>} : memref<80x128xf32, #tpu.memory_space<vmem>>, vector<16xf32>,
        %mul3A_207 = arith.mulf %get3A_203, %get3A_206 : vector<16xf32>
        %add3A_208 = arith.addf %add3A_200, %mul3A_207 : vector<16xf32>
        %get3A_209 = arith.index_cast %add3A_169 : i32 to index
        %get3A_210 = arith.constant 80 : index
        %get3A_211 = tpu.vector_load %arg10[%get3A_209, %get3A_210] {strides = array<i32>} : memref<80x128xf32, #tpu.memory_space<vmem>>, vector<16xf32>,
        %get3A_212 = arith.index_cast %add3A_169 : i32 to index
        %get3A_213 = arith.constant 80 : index
        %get3A_214 = tpu.vector_load %arg11[%get3A_212, %get3A_213] {strides = array<i32>} : memref<80x128xf32, #tpu.memory_space<vmem>>, vector<16xf32>,
        %mul3A_215 = arith.mulf %get3A_211, %get3A_214 : vector<16xf32>
        %add3A_216 = arith.addf %add3A_208, %mul3A_215 : vector<16xf32>
        %get3A_217 = arith.index_cast %add3A_169 : i32 to index
        %get3A_218 = arith.constant 96 : index
        %get3A_219 = tpu.vector_load %arg10[%get3A_217, %get3A_218] {strides = array<i32>} : memref<80x128xf32, #tpu.memory_space<vmem>>, vector<16xf32>,
        %get3A_220 = arith.index_cast %add3A_169 : i32 to index
        %get3A_221 = arith.constant 96 : index
        %get3A_222 = tpu.vector_load %arg11[%get3A_220, %get3A_221] {strides = array<i32>} : memref<80x128xf32, #tpu.memory_space<vmem>>, vector<16xf32>,
        %mul3A_223 = arith.mulf %get3A_219, %get3A_222 : vector<16xf32>
        %add3A_224 = arith.addf %add3A_216, %mul3A_223 : vector<16xf32>
        %get3A_225 = arith.index_cast %add3A_169 : i32 to index
        %get3A_226 = arith.constant 112 : index
        %get3A_227 = tpu.vector_load %arg10[%get3A_225, %get3A_226] {strides = array<i32>} : memref<80x128xf32, #tpu.memory_space<vmem>>, vector<16xf32>,
        %get3A_228 = arith.index_cast %add3A_169 : i32 to index
        %get3A_229 = arith.constant 112 : index
        %get3A_230 = tpu.vector_load %arg11[%get3A_228, %get3A_229] {strides = array<i32>} : memref<80x128xf32, #tpu.memory_space<vmem>>, vector<16xf32>,
        %mul3A_231 = arith.mulf %get3A_227, %get3A_230 : vector<16xf32>
        %add3A_232 = arith.addf %add3A_224, %mul3A_231 : vector<16xf32>
        %swap3A_233 = arith.constant 16 : index
        %swap3A_234 = tpu.vector_load %arg14[%swap3A_233] {strides = array<i32>} : memref<256xf32, #tpu.memory_space<vmem>>, vector<16xf32>,
        tpu.vector_store %arg14[%swap3A_233], %add3A_232 {strides = array<i32>} : memref<256xf32, #tpu.memory_space<vmem>>, vector<16xf32>,
        %mul3A_235 = arith.constant 16 : i32
        %mul3A_236 = arith.muli %scan3A_96, %mul3A_235 : i32
        %add3A_237 = arith.constant 2 : i32
        %add3A_238 = arith.addi %mul3A_236, %add3A_237 : i32
        %get3A_239 = arith.index_cast %add3A_238 : i32 to index
        %get3A_240 = arith.constant 0 : index
        %get3A_241 = tpu.vector_load %arg10[%get3A_239, %get3A_240] {strides = array<i32>} : memref<80x128xf32, #tpu.memory_space<vmem>>, vector<16xf32>,
        %get3A_242 = arith.index_cast %add3A_238 : i32 to index
        %get3A_243 = arith.constant 0 : index
        %get3A_244 = tpu.vector_load %arg11[%get3A_242, %get3A_243] {strides = array<i32>} : memref<80x128xf32, #tpu.memory_space<vmem>>, vector<16xf32>,
        %mul3A_245 = arith.mulf %get3A_241, %get3A_244 : vector<16xf32>
        %get3A_246 = arith.index_cast %add3A_238 : i32 to index
        %get3A_247 = arith.constant 16 : index
        %get3A_248 = tpu.vector_load %arg10[%get3A_246, %get3A_247] {strides = array<i32>} : memref<80x128xf32, #tpu.memory_space<vmem>>, vector<16xf32>,
        %get3A_249 = arith.index_cast %add3A_238 : i32 to index
        %get3A_250 = arith.constant 16 : index
        %get3A_251 = tpu.vector_load %arg11[%get3A_249, %get3A_250] {strides = array<i32>} : memref<80x128xf32, #tpu.memory_space<vmem>>, vector<16xf32>,
        %mul3A_252 = arith.mulf %get3A_248, %get3A_251 : vector<16xf32>
        %add3A_253 = arith.addf %mul3A_245, %mul3A_252 : vector<16xf32>
        %get3A_254 = arith.index_cast %add3A_238 : i32 to index
        %get3A_255 = arith.constant 32 : index
        %get3A_256 = tpu.vector_load %arg10[%get3A_254, %get3A_255] {strides = array<i32>} : memref<80x128xf32, #tpu.memory_space<vmem>>, vector<16xf32>,
        %get3A_257 = arith.index_cast %add3A_238 : i32 to index
        %get3A_258 = arith.constant 32 : index
        %get3A_259 = tpu.vector_load %arg11[%get3A_257, %get3A_258] {strides = array<i32>} : memref<80x128xf32, #tpu.memory_space<vmem>>, vector<16xf32>,
        %mul3A_260 = arith.mulf %get3A_256, %get3A_259 : vector<16xf32>
        %add3A_261 = arith.addf %add3A_253, %mul3A_260 : vector<16xf32>
        %get3A_262 = arith.index_cast %add3A_238 : i32 to index
        %get3A_263 = arith.constant 48 : index
        %get3A_264 = tpu.vector_load %arg10[%get3A_262, %get3A_263] {strides = array<i32>} : memref<80x128xf32, #tpu.memory_space<vmem>>, vector<16xf32>,
        %get3A_265 = arith.index_cast %add3A_238 : i32 to index
        %get3A_266 = arith.constant 48 : index
        %get3A_267 = tpu.vector_load %arg11[%get3A_265, %get3A_266] {strides = array<i32>} : memref<80x128xf32, #tpu.memory_space<vmem>>, vector<16xf32>,
        %mul3A_268 = arith.mulf %get3A_264, %get3A_267 : vector<16xf32>
        %add3A_269 = arith.addf %add3A_261, %mul3A_268 : vector<16xf32>
        %get3A_270 = arith.index_cast %add3A_238 : i32 to index
        %get3A_271 = arith.constant 64 : index
        %get3A_272 = tpu.vector_load %arg10[%get3A_270, %get3A_271] {strides = array<i32>} : memref<80x128xf32, #tpu.memory_space<vmem>>, vector<16xf32>,
        %get3A_273 = arith.index_cast %add3A_238 : i32 to index
        %get3A_274 = arith.constant 64 : index
        %get3A_275 = tpu.vector_load %arg11[%get3A_273, %get3A_274] {strides = array<i32>} : memref<80x128xf32, #tpu.memory_space<vmem>>, vector<16xf32>,
        %mul3A_276 = arith.mulf %get3A_272, %get3A_275 : vector<16xf32>
        %add3A_277 = arith.addf %add3A_269, %mul3A_276 : vector<16xf32>
        %get3A_278 = arith.index_cast %add3A_238 : i32 to index
        %get3A_279 = arith.constant 80 : index
        %get3A_280 = tpu.vector_load %arg10[%get3A_278, %get3A_279] {strides = array<i32>} : memref<80x128xf32, #tpu.memory_space<vmem>>, vector<16xf32>,
        %get3A_281 = arith.index_cast %add3A_238 : i32 to index
        %get3A_282 = arith.constant 80 : index
        %get3A_283 = tpu.vector_load %arg11[%get3A_281, %get3A_282] {strides = array<i32>} : memref<80x128xf32, #tpu.memory_space<vmem>>, vector<16xf32>,
        %mul3A_284 = arith.mulf %get3A_280, %get3A_283 : vector<16xf32>
        %add3A_285 = arith.addf %add3A_277, %mul3A_284 : vector<16xf32>
        %get3A_286 = arith.index_cast %add3A_238 : i32 to index
        %get3A_287 = arith.constant 96 : index
        %get3A_288 = tpu.vector_load %arg10[%get3A_286, %get3A_287] {strides = array<i32>} : memref<80x128xf32, #tpu.memory_space<vmem>>, vector<16xf32>,
        %get3A_289 = arith.index_cast %add3A_238 : i32 to index
        %get3A_290 = arith.constant 96 : index
        %get3A_291 = tpu.vector_load %arg11[%get3A_289, %get3A_290] {strides = array<i32>} : memref<80x128xf32, #tpu.memory_space<vmem>>, vector<16xf32>,
        %mul3A_292 = arith.mulf %get3A_288, %get3A_291 : vector<16xf32>
        %add3A_293 = arith.addf %add3A_285, %mul3A_292 : vector<16xf32>
        %get3A_294 = arith.index_cast %add3A_238 : i32 to index
        %get3A_295 = arith.constant 112 : index
        %get3A_296 = tpu.vector_load %arg10[%get3A_294, %get3A_295] {strides = array<i32>} : memref<80x128xf32, #tpu.memory_space<vmem>>, vector<16xf32>,
        %get3A_297 = arith.index_cast %add3A_238 : i32 to index
        %get3A_298 = arith.constant 112 : index
        %get3A_299 = tpu.vector_load %arg11[%get3A_297, %get3A_298] {strides = array<i32>} : memref<80x128xf32, #tpu.memory_space<vmem>>, vector<16xf32>,
        %mul3A_300 = arith.mulf %get3A_296, %get3A_299 : vector<16xf32>
        %add3A_301 = arith.addf %add3A_293, %mul3A_300 : vector<16xf32>
        %swap3A_302 = arith.constant 32 : index
        %swap3A_303 = tpu.vector_load %arg14[%swap3A_302] {strides = array<i32>} : memref<256xf32, #tpu.memory_space<vmem>>, vector<16xf32>,
        tpu.vector_store %arg14[%swap3A_302], %add3A_301 {strides = array<i32>} : memref<256xf32, #tpu.memory_space<vmem>>, vector<16xf32>,
        %mul3A_304 = arith.constant 16 : i32
        %mul3A_305 = arith.muli %scan3A_96, %mul3A_304 : i32
        %add3A_306 = arith.constant 3 : i32
        %add3A_307 = arith.addi %mul3A_305, %add3A_306 : i32
        %get3A_308 = arith.index_cast %add3A_307 : i32 to index
        %get3A_309 = arith.constant 0 : index
        %get3A_310 = tpu.vector_load %arg10[%get3A_308, %get3A_309] {strides = array<i32>} : memref<80x128xf32, #tpu.memory_space<vmem>>, vector<16xf32>,
        %get3A_311 = arith.index_cast %add3A_307 : i32 to index
        %get3A_312 = arith.constant 0 : index
        %get3A_313 = tpu.vector_load %arg11[%get3A_311, %get3A_312] {strides = array<i32>} : memref<80x128xf32, #tpu.memory_space<vmem>>, vector<16xf32>,
        %mul3A_314 = arith.mulf %get3A_310, %get3A_313 : vector<16xf32>
        %get3A_315 = arith.index_cast %add3A_307 : i32 to index
        %get3A_316 = arith.constant 16 : index
        %get3A_317 = tpu.vector_load %arg10[%get3A_315, %get3A_316] {strides = array<i32>} : memref<80x128xf32, #tpu.memory_space<vmem>>, vector<16xf32>,
        %get3A_318 = arith.index_cast %add3A_307 : i32 to index
        %get3A_319 = arith.constant 16 : index
        %get3A_320 = tpu.vector_load %arg11[%get3A_318, %get3A_319] {strides = array<i32>} : memref<80x128xf32, #tpu.memory_space<vmem>>, vector<16xf32>,
        %mul3A_321 = arith.mulf %get3A_317, %get3A_320 : vector<16xf32>
        %add3A_322 = arith.addf %mul3A_314, %mul3A_321 : vector<16xf32>
        %get3A_323 = arith.index_cast %add3A_307 : i32 to index
        %get3A_324 = arith.constant 32 : index
        %get3A_325 = tpu.vector_load %arg10[%get3A_323, %get3A_324] {strides = array<i32>} : memref<80x128xf32, #tpu.memory_space<vmem>>, vector<16xf32>,
        %get3A_326 = arith.index_cast %add3A_307 : i32 to index
        %get3A_327 = arith.constant 32 : index
        %get3A_328 = tpu.vector_load %arg11[%get3A_326, %get3A_327] {strides = array<i32>} : memref<80x128xf32, #tpu.memory_space<vmem>>, vector<16xf32>,
        %mul3A_329 = arith.mulf %get3A_325, %get3A_328 : vector<16xf32>
        %add3A_330 = arith.addf %add3A_322, %mul3A_329 : vector<16xf32>
        %get3A_331 = arith.index_cast %add3A_307 : i32 to index
        %get3A_332 = arith.constant 48 : index
        %get3A_333 = tpu.vector_load %arg10[%get3A_331, %get3A_332] {strides = array<i32>} : memref<80x128xf32, #tpu.memory_space<vmem>>, vector<16xf32>,
        %get3A_334 = arith.index_cast %add3A_307 : i32 to index
        %get3A_335 = arith.constant 48 : index
        %get3A_336 = tpu.vector_load %arg11[%get3A_334, %get3A_335] {strides = array<i32>} : memref<80x128xf32, #tpu.memory_space<vmem>>, vector<16xf32>,
        %mul3A_337 = arith.mulf %get3A_333, %get3A_336 : vector<16xf32>
        %add3A_338 = arith.addf %add3A_330, %mul3A_337 : vector<16xf32>
        %get3A_339 = arith.index_cast %add3A_307 : i32 to index
        %get3A_340 = arith.constant 64 : index
        %get3A_341 = tpu.vector_load %arg10[%get3A_339, %get3A_340] {strides = array<i32>} : memref<80x128xf32, #tpu.memory_space<vmem>>, vector<16xf32>,
        %get3A_342 = arith.index_cast %add3A_307 : i32 to index
        %get3A_343 = arith.constant 64 : index
        %get3A_344 = tpu.vector_load %arg11[%get3A_342, %get3A_343] {strides = array<i32>} : memref<80x128xf32, #tpu.memory_space<vmem>>, vector<16xf32>,
        %mul3A_345 = arith.mulf %get3A_341, %get3A_344 : vector<16xf32>
        %add3A_346 = arith.addf %add3A_338, %mul3A_345 : vector<16xf32>
        %get3A_347 = arith.index_cast %add3A_307 : i32 to index
        %get3A_348 = arith.constant 80 : index
        %get3A_349 = tpu.vector_load %arg10[%get3A_347, %get3A_348] {strides = array<i32>} : memref<80x128xf32, #tpu.memory_space<vmem>>, vector<16xf32>,
        %get3A_350 = arith.index_cast %add3A_307 : i32 to index
        %get3A_351 = arith.constant 80 : index
        %get3A_352 = tpu.vector_load %arg11[%get3A_350, %get3A_351] {strides = array<i32>} : memref<80x128xf32, #tpu.memory_space<vmem>>, vector<16xf32>,
        %mul3A_353 = arith.mulf %get3A_349, %get3A_352 : vector<16xf32>
        %add3A_354 = arith.addf %add3A_346, %mul3A_353 : vector<16xf32>
        %get3A_355 = arith.index_cast %add3A_307 : i32 to index
        %get3A_356 = arith.constant 96 : index
        %get3A_357 = tpu.vector_load %arg10[%get3A_355, %get3A_356] {strides = array<i32>} : memref<80x128xf32, #tpu.memory_space<vmem>>, vector<16xf32>,
        %get3A_358 = arith.index_cast %add3A_307 : i32 to index
        %get3A_359 = arith.constant 96 : index
        %get3A_360 = tpu.vector_load %arg11[%get3A_358, %get3A_359] {strides = array<i32>} : memref<80x128xf32, #tpu.memory_space<vmem>>, vector<16xf32>,
        %mul3A_361 = arith.mulf %get3A_357, %get3A_360 : vector<16xf32>
        %add3A_362 = arith.addf %add3A_354, %mul3A_361 : vector<16xf32>
        %get3A_363 = arith.index_cast %add3A_307 : i32 to index
        %get3A_364 = arith.constant 112 : index
        %get3A_365 = tpu.vector_load %arg10[%get3A_363, %get3A_364] {strides = array<i32>} : memref<80x128xf32, #tpu.memory_space<vmem>>, vector<16xf32>,
        %get3A_366 = arith.index_cast %add3A_307 : i32 to index
        %get3A_367 = arith.constant 112 : index
        %get3A_368 = tpu.vector_load %arg11[%get3A_366, %get3A_367] {strides = array<i32>} : memref<80x128xf32, #tpu.memory_space<vmem>>, vector<16xf32>,
        %mul3A_369 = arith.mulf %get3A_365, %get3A_368 : vector<16xf32>
        %add3A_370 = arith.addf %add3A_362, %mul3A_369 : vector<16xf32>
        %swap3A_371 = arith.constant 48 : index
        %swap3A_372 = tpu.vector_load %arg14[%swap3A_371] {strides = array<i32>} : memref<256xf32, #tpu.memory_space<vmem>>, vector<16xf32>,
        tpu.vector_store %arg14[%swap3A_371], %add3A_370 {strides = array<i32>} : memref<256xf32, #tpu.memory_space<vmem>>, vector<16xf32>,
        %mul3A_373 = arith.constant 16 : i32
        %mul3A_374 = arith.muli %scan3A_96, %mul3A_373 : i32
        %add3A_375 = arith.constant 4 : i32
        %add3A_376 = arith.addi %mul3A_374, %add3A_375 : i32
        %get3A_377 = arith.index_cast %add3A_376 : i32 to index
        %get3A_378 = arith.constant 0 : index
        %get3A_379 = tpu.vector_load %arg10[%get3A_377, %get3A_378] {strides = array<i32>} : memref<80x128xf32, #tpu.memory_space<vmem>>, vector<16xf32>,
        %get3A_380 = arith.index_cast %add3A_376 : i32 to index
        %get3A_381 = arith.constant 0 : index
        %get3A_382 = tpu.vector_load %arg11[%get3A_380, %get3A_381] {strides = array<i32>} : memref<80x128xf32, #tpu.memory_space<vmem>>, vector<16xf32>,
        %mul3A_383 = arith.mulf %get3A_379, %get3A_382 : vector<16xf32>
        %get3A_384 = arith.index_cast %add3A_376 : i32 to index
        %get3A_385 = arith.constant 16 : index
        %get3A_386 = tpu.vector_load %arg10[%get3A_384, %get3A_385] {strides = array<i32>} : memref<80x128xf32, #tpu.memory_space<vmem>>, vector<16xf32>,
        %get3A_387 = arith.index_cast %add3A_376 : i32 to index
        %get3A_388 = arith.constant 16 : index
        %get3A_389 = tpu.vector_load %arg11[%get3A_387, %get3A_388] {strides = array<i32>} : memref<80x128xf32, #tpu.memory_space<vmem>>, vector<16xf32>,
        %mul3A_390 = arith.mulf %get3A_386, %get3A_389 : vector<16xf32>
        %add3A_391 = arith.addf %mul3A_383, %mul3A_390 : vector<16xf32>
        %get3A_392 = arith.index_cast %add3A_376 : i32 to index
        %get3A_393 = arith.constant 32 : index
        %get3A_394 = tpu.vector_load %arg10[%get3A_392, %get3A_393] {strides = array<i32>} : memref<80x128xf32, #tpu.memory_space<vmem>>, vector<16xf32>,
        %get3A_395 = arith.index_cast %add3A_376 : i32 to index
        %get3A_396 = arith.constant 32 : index
        %get3A_397 = tpu.vector_load %arg11[%get3A_395, %get3A_396] {strides = array<i32>} : memref<80x128xf32, #tpu.memory_space<vmem>>, vector<16xf32>,
        %mul3A_398 = arith.mulf %get3A_394, %get3A_397 : vector<16xf32>
        %add3A_399 = arith.addf %add3A_391, %mul3A_398 : vector<16xf32>
        %get3A_400 = arith.index_cast %add3A_376 : i32 to index
        %get3A_401 = arith.constant 48 : index
        %get3A_402 = tpu.vector_load %arg10[%get3A_400, %get3A_401] {strides = array<i32>} : memref<80x128xf32, #tpu.memory_space<vmem>>, vector<16xf32>,
        %get3A_403 = arith.index_cast %add3A_376 : i32 to index
        %get3A_404 = arith.constant 48 : index
        %get3A_405 = tpu.vector_load %arg11[%get3A_403, %get3A_404] {strides = array<i32>} : memref<80x128xf32, #tpu.memory_space<vmem>>, vector<16xf32>,
        %mul3A_406 = arith.mulf %get3A_402, %get3A_405 : vector<16xf32>
        %add3A_407 = arith.addf %add3A_399, %mul3A_406 : vector<16xf32>
        %get3A_408 = arith.index_cast %add3A_376 : i32 to index
        %get3A_409 = arith.constant 64 : index
        %get3A_410 = tpu.vector_load %arg10[%get3A_408, %get3A_409] {strides = array<i32>} : memref<80x128xf32, #tpu.memory_space<vmem>>, vector<16xf32>,
        %get3A_411 = arith.index_cast %add3A_376 : i32 to index
        %get3A_412 = arith.constant 64 : index
        %get3A_413 = tpu.vector_load %arg11[%get3A_411, %get3A_412] {strides = array<i32>} : memref<80x128xf32, #tpu.memory_space<vmem>>, vector<16xf32>,
        %mul3A_414 = arith.mulf %get3A_410, %get3A_413 : vector<16xf32>
        %add3A_415 = arith.addf %add3A_407, %mul3A_414 : vector<16xf32>
        %get3A_416 = arith.index_cast %add3A_376 : i32 to index
        %get3A_417 = arith.constant 80 : index
        %get3A_418 = tpu.vector_load %arg10[%get3A_416, %get3A_417] {strides = array<i32>} : memref<80x128xf32, #tpu.memory_space<vmem>>, vector<16xf32>,
        %get3A_419 = arith.index_cast %add3A_376 : i32 to index
        %get3A_420 = arith.constant 80 : index
        %get3A_421 = tpu.vector_load %arg11[%get3A_419, %get3A_420] {strides = array<i32>} : memref<80x128xf32, #tpu.memory_space<vmem>>, vector<16xf32>,
        %mul3A_422 = arith.mulf %get3A_418, %get3A_421 : vector<16xf32>
        %add3A_423 = arith.addf %add3A_415, %mul3A_422 : vector<16xf32>
        %get3A_424 = arith.index_cast %add3A_376 : i32 to index
        %get3A_425 = arith.constant 96 : index
        %get3A_426 = tpu.vector_load %arg10[%get3A_424, %get3A_425] {strides = array<i32>} : memref<80x128xf32, #tpu.memory_space<vmem>>, vector<16xf32>,
        %get3A_427 = arith.index_cast %add3A_376 : i32 to index
        %get3A_428 = arith.constant 96 : index
        %get3A_429 = tpu.vector_load %arg11[%get3A_427, %get3A_428] {strides = array<i32>} : memref<80x128xf32, #tpu.memory_space<vmem>>, vector<16xf32>,
        %mul3A_430 = arith.mulf %get3A_426, %get3A_429 : vector<16xf32>
        %add3A_431 = arith.addf %add3A_423, %mul3A_430 : vector<16xf32>
        %get3A_432 = arith.index_cast %add3A_376 : i32 to index
        %get3A_433 = arith.constant 112 : index
        %get3A_434 = tpu.vector_load %arg10[%get3A_432, %get3A_433] {strides = array<i32>} : memref<80x128xf32, #tpu.memory_space<vmem>>, vector<16xf32>,
        %get3A_435 = arith.index_cast %add3A_376 : i32 to index
        %get3A_436 = arith.constant 112 : index
        %get3A_437 = tpu.vector_load %arg11[%get3A_435, %get3A_436] {strides = array<i32>} : memref<80x128xf32, #tpu.memory_space<vmem>>, vector<16xf32>,
        %mul3A_438 = arith.mulf %get3A_434, %get3A_437 : vector<16xf32>
        %add3A_439 = arith.addf %add3A_431, %mul3A_438 : vector<16xf32>
        %swap3A_440 = arith.constant 64 : index
        %swap3A_441 = tpu.vector_load %arg14[%swap3A_440] {strides = array<i32>} : memref<256xf32, #tpu.memory_space<vmem>>, vector<16xf32>,
        tpu.vector_store %arg14[%swap3A_440], %add3A_439 {strides = array<i32>} : memref<256xf32, #tpu.memory_space<vmem>>, vector<16xf32>,
        %mul3A_442 = arith.constant 16 : i32
        %mul3A_443 = arith.muli %scan3A_96, %mul3A_442 : i32
        %add3A_444 = arith.constant 5 : i32
        %add3A_445 = arith.addi %mul3A_443, %add3A_444 : i32
        %get3A_446 = arith.index_cast %add3A_445 : i32 to index
        %get3A_447 = arith.constant 0 : index
        %get3A_448 = tpu.vector_load %arg10[%get3A_446, %get3A_447] {strides = array<i32>} : memref<80x128xf32, #tpu.memory_space<vmem>>, vector<16xf32>,
        %get3A_449 = arith.index_cast %add3A_445 : i32 to index
        %get3A_450 = arith.constant 0 : index
        %get3A_451 = tpu.vector_load %arg11[%get3A_449, %get3A_450] {strides = array<i32>} : memref<80x128xf32, #tpu.memory_space<vmem>>, vector<16xf32>,
        %mul3A_452 = arith.mulf %get3A_448, %get3A_451 : vector<16xf32>
        %get3A_453 = arith.index_cast %add3A_445 : i32 to index
        %get3A_454 = arith.constant 16 : index
        %get3A_455 = tpu.vector_load %arg10[%get3A_453, %get3A_454] {strides = array<i32>} : memref<80x128xf32, #tpu.memory_space<vmem>>, vector<16xf32>,
        %get3A_456 = arith.index_cast %add3A_445 : i32 to index
        %get3A_457 = arith.constant 16 : index
        %get3A_458 = tpu.vector_load %arg11[%get3A_456, %get3A_457] {strides = array<i32>} : memref<80x128xf32, #tpu.memory_space<vmem>>, vector<16xf32>,
        %mul3A_459 = arith.mulf %get3A_455, %get3A_458 : vector<16xf32>
        %add3A_460 = arith.addf %mul3A_452, %mul3A_459 : vector<16xf32>
        %get3A_461 = arith.index_cast %add3A_445 : i32 to index
        %get3A_462 = arith.constant 32 : index
        %get3A_463 = tpu.vector_load %arg10[%get3A_461, %get3A_462] {strides = array<i32>} : memref<80x128xf32, #tpu.memory_space<vmem>>, vector<16xf32>,
        %get3A_464 = arith.index_cast %add3A_445 : i32 to index
        %get3A_465 = arith.constant 32 : index
        %get3A_466 = tpu.vector_load %arg11[%get3A_464, %get3A_465] {strides = array<i32>} : memref<80x128xf32, #tpu.memory_space<vmem>>, vector<16xf32>,
        %mul3A_467 = arith.mulf %get3A_463, %get3A_466 : vector<16xf32>
        %add3A_468 = arith.addf %add3A_460, %mul3A_467 : vector<16xf32>
        %get3A_469 = arith.index_cast %add3A_445 : i32 to index
        %get3A_470 = arith.constant 48 : index
        %get3A_471 = tpu.vector_load %arg10[%get3A_469, %get3A_470] {strides = array<i32>} : memref<80x128xf32, #tpu.memory_space<vmem>>, vector<16xf32>,
        %get3A_472 = arith.index_cast %add3A_445 : i32 to index
        %get3A_473 = arith.constant 48 : index
        %get3A_474 = tpu.vector_load %arg11[%get3A_472, %get3A_473] {strides = array<i32>} : memref<80x128xf32, #tpu.memory_space<vmem>>, vector<16xf32>,
        %mul3A_475 = arith.mulf %get3A_471, %get3A_474 : vector<16xf32>
        %add3A_476 = arith.addf %add3A_468, %mul3A_475 : vector<16xf32>
        %get3A_477 = arith.index_cast %add3A_445 : i32 to index
        %get3A_478 = arith.constant 64 : index
        %get3A_479 = tpu.vector_load %arg10[%get3A_477, %get3A_478] {strides = array<i32>} : memref<80x128xf32, #tpu.memory_space<vmem>>, vector<16xf32>,
        %get3A_480 = arith.index_cast %add3A_445 : i32 to index
        %get3A_481 = arith.constant 64 : index
        %get3A_482 = tpu.vector_load %arg11[%get3A_480, %get3A_481] {strides = array<i32>} : memref<80x128xf32, #tpu.memory_space<vmem>>, vector<16xf32>,
        %mul3A_483 = arith.mulf %get3A_479, %get3A_482 : vector<16xf32>
        %add3A_484 = arith.addf %add3A_476, %mul3A_483 : vector<16xf32>
        %get3A_485 = arith.index_cast %add3A_445 : i32 to index
        %get3A_486 = arith.constant 80 : index
        %get3A_487 = tpu.vector_load %arg10[%get3A_485, %get3A_486] {strides = array<i32>} : memref<80x128xf32, #tpu.memory_space<vmem>>, vector<16xf32>,
        %get3A_488 = arith.index_cast %add3A_445 : i32 to index
        %get3A_489 = arith.constant 80 : index
        %get3A_490 = tpu.vector_load %arg11[%get3A_488, %get3A_489] {strides = array<i32>} : memref<80x128xf32, #tpu.memory_space<vmem>>, vector<16xf32>,
        %mul3A_491 = arith.mulf %get3A_487, %get3A_490 : vector<16xf32>
        %add3A_492 = arith.addf %add3A_484, %mul3A_491 : vector<16xf32>
        %get3A_493 = arith.index_cast %add3A_445 : i32 to index
        %get3A_494 = arith.constant 96 : index
        %get3A_495 = tpu.vector_load %arg10[%get3A_493, %get3A_494] {strides = array<i32>} : memref<80x128xf32, #tpu.memory_space<vmem>>, vector<16xf32>,
        %get3A_496 = arith.index_cast %add3A_445 : i32 to index
        %get3A_497 = arith.constant 96 : index
        %get3A_498 = tpu.vector_load %arg11[%get3A_496, %get3A_497] {strides = array<i32>} : memref<80x128xf32, #tpu.memory_space<vmem>>, vector<16xf32>,
        %mul3A_499 = arith.mulf %get3A_495, %get3A_498 : vector<16xf32>
        %add3A_500 = arith.addf %add3A_492, %mul3A_499 : vector<16xf32>
        %get3A_501 = arith.index_cast %add3A_445 : i32 to index
        %get3A_502 = arith.constant 112 : index
        %get3A_503 = tpu.vector_load %arg10[%get3A_501, %get3A_502] {strides = array<i32>} : memref<80x128xf32, #tpu.memory_space<vmem>>, vector<16xf32>,
        %get3A_504 = arith.index_cast %add3A_445 : i32 to index
        %get3A_505 = arith.constant 112 : index
        %get3A_506 = tpu.vector_load %arg11[%get3A_504, %get3A_505] {strides = array<i32>} : memref<80x128xf32, #tpu.memory_space<vmem>>, vector<16xf32>,
        %mul3A_507 = arith.mulf %get3A_503, %get3A_506 : vector<16xf32>
        %add3A_508 = arith.addf %add3A_500, %mul3A_507 : vector<16xf32>
        %swap3A_509 = arith.constant 80 : index
        %swap3A_510 = tpu.vector_load %arg14[%swap3A_509] {strides = array<i32>} : memref<256xf32, #tpu.memory_space<vmem>>, vector<16xf32>,
        tpu.vector_store %arg14[%swap3A_509], %add3A_508 {strides = array<i32>} : memref<256xf32, #tpu.memory_space<vmem>>, vector<16xf32>,
        %mul3A_511 = arith.constant 16 : i32
        %mul3A_512 = arith.muli %scan3A_96, %mul3A_511 : i32
        %add3A_513 = arith.constant 6 : i32
        %add3A_514 = arith.addi %mul3A_512, %add3A_513 : i32
        %get3A_515 = arith.index_cast %add3A_514 : i32 to index
        %get3A_516 = arith.constant 0 : index
        %get3A_517 = tpu.vector_load %arg10[%get3A_515, %get3A_516] {strides = array<i32>} : memref<80x128xf32, #tpu.memory_space<vmem>>, vector<16xf32>,
        %get3A_518 = arith.index_cast %add3A_514 : i32 to index
        %get3A_519 = arith.constant 0 : index
        %get3A_520 = tpu.vector_load %arg11[%get3A_518, %get3A_519] {strides = array<i32>} : memref<80x128xf32, #tpu.memory_space<vmem>>, vector<16xf32>,
        %mul3A_521 = arith.mulf %get3A_517, %get3A_520 : vector<16xf32>
        %get3A_522 = arith.index_cast %add3A_514 : i32 to index
        %get3A_523 = arith.constant 16 : index
        %get3A_524 = tpu.vector_load %arg10[%get3A_522, %get3A_523] {strides = array<i32>} : memref<80x128xf32, #tpu.memory_space<vmem>>, vector<16xf32>,
        %get3A_525 = arith.index_cast %add3A_514 : i32 to index
        %get3A_526 = arith.constant 16 : index
        %get3A_527 = tpu.vector_load %arg11[%get3A_525, %get3A_526] {strides = array<i32>} : memref<80x128xf32, #tpu.memory_space<vmem>>, vector<16xf32>,
        %mul3A_528 = arith.mulf %get3A_524, %get3A_527 : vector<16xf32>
        %add3A_529 = arith.addf %mul3A_521, %mul3A_528 : vector<16xf32>
        %get3A_530 = arith.index_cast %add3A_514 : i32 to index
        %get3A_531 = arith.constant 32 : index
        %get3A_532 = tpu.vector_load %arg10[%get3A_530, %get3A_531] {strides = array<i32>} : memref<80x128xf32, #tpu.memory_space<vmem>>, vector<16xf32>,
        %get3A_533 = arith.index_cast %add3A_514 : i32 to index
        %get3A_534 = arith.constant 32 : index
        %get3A_535 = tpu.vector_load %arg11[%get3A_533, %get3A_534] {strides = array<i32>} : memref<80x128xf32, #tpu.memory_space<vmem>>, vector<16xf32>,
        %mul3A_536 = arith.mulf %get3A_532, %get3A_535 : vector<16xf32>
        %add3A_537 = arith.addf %add3A_529, %mul3A_536 : vector<16xf32>
        %get3A_538 = arith.index_cast %add3A_514 : i32 to index
        %get3A_539 = arith.constant 48 : index
        %get3A_540 = tpu.vector_load %arg10[%get3A_538, %get3A_539] {strides = array<i32>} : memref<80x128xf32, #tpu.memory_space<vmem>>, vector<16xf32>,
        %get3A_541 = arith.index_cast %add3A_514 : i32 to index
        %get3A_542 = arith.constant 48 : index
        %get3A_543 = tpu.vector_load %arg11[%get3A_541, %get3A_542] {strides = array<i32>} : memref<80x128xf32, #tpu.memory_space<vmem>>, vector<16xf32>,
        %mul3A_544 = arith.mulf %get3A_540, %get3A_543 : vector<16xf32>
        %add3A_545 = arith.addf %add3A_537, %mul3A_544 : vector<16xf32>
        %get3A_546 = arith.index_cast %add3A_514 : i32 to index
        %get3A_547 = arith.constant 64 : index
        %get3A_548 = tpu.vector_load %arg10[%get3A_546, %get3A_547] {strides = array<i32>} : memref<80x128xf32, #tpu.memory_space<vmem>>, vector<16xf32>,
        %get3A_549 = arith.index_cast %add3A_514 : i32 to index
        %get3A_550 = arith.constant 64 : index
        %get3A_551 = tpu.vector_load %arg11[%get3A_549, %get3A_550] {strides = array<i32>} : memref<80x128xf32, #tpu.memory_space<vmem>>, vector<16xf32>,
        %mul3A_552 = arith.mulf %get3A_548, %get3A_551 : vector<16xf32>
        %add3A_553 = arith.addf %add3A_545, %mul3A_552 : vector<16xf32>
        %get3A_554 = arith.index_cast %add3A_514 : i32 to index
        %get3A_555 = arith.constant 80 : index
        %get3A_556 = tpu.vector_load %arg10[%get3A_554, %get3A_555] {strides = array<i32>} : memref<80x128xf32, #tpu.memory_space<vmem>>, vector<16xf32>,
        %get3A_557 = arith.index_cast %add3A_514 : i32 to index
        %get3A_558 = arith.constant 80 : index
        %get3A_559 = tpu.vector_load %arg11[%get3A_557, %get3A_558] {strides = array<i32>} : memref<80x128xf32, #tpu.memory_space<vmem>>, vector<16xf32>,
        %mul3A_560 = arith.mulf %get3A_556, %get3A_559 : vector<16xf32>
        %add3A_561 = arith.addf %add3A_553, %mul3A_560 : vector<16xf32>
        %get3A_562 = arith.index_cast %add3A_514 : i32 to index
        %get3A_563 = arith.constant 96 : index
        %get3A_564 = tpu.vector_load %arg10[%get3A_562, %get3A_563] {strides = array<i32>} : memref<80x128xf32, #tpu.memory_space<vmem>>, vector<16xf32>,
        %get3A_565 = arith.index_cast %add3A_514 : i32 to index
        %get3A_566 = arith.constant 96 : index
        %get3A_567 = tpu.vector_load %arg11[%get3A_565, %get3A_566] {strides = array<i32>} : memref<80x128xf32, #tpu.memory_space<vmem>>, vector<16xf32>,
        %mul3A_568 = arith.mulf %get3A_564, %get3A_567 : vector<16xf32>
        %add3A_569 = arith.addf %add3A_561, %mul3A_568 : vector<16xf32>
        %get3A_570 = arith.index_cast %add3A_514 : i32 to index
        %get3A_571 = arith.constant 112 : index
        %get3A_572 = tpu.vector_load %arg10[%get3A_570, %get3A_571] {strides = array<i32>} : memref<80x128xf32, #tpu.memory_space<vmem>>, vector<16xf32>,
        %get3A_573 = arith.index_cast %add3A_514 : i32 to index
        %get3A_574 = arith.constant 112 : index
        %get3A_575 = tpu.vector_load %arg11[%get3A_573, %get3A_574] {strides = array<i32>} : memref<80x128xf32, #tpu.memory_space<vmem>>, vector<16xf32>,
        %mul3A_576 = arith.mulf %get3A_572, %get3A_575 : vector<16xf32>
        %add3A_577 = arith.addf %add3A_569, %mul3A_576 : vector<16xf32>
        %swap3A_578 = arith.constant 96 : index
        %swap3A_579 = tpu.vector_load %arg14[%swap3A_578] {strides = array<i32>} : memref<256xf32, #tpu.memory_space<vmem>>, vector<16xf32>,
        tpu.vector_store %arg14[%swap3A_578], %add3A_577 {strides = array<i32>} : memref<256xf32, #tpu.memory_space<vmem>>, vector<16xf32>,
        %mul3A_580 = arith.constant 16 : i32
        %mul3A_581 = arith.muli %scan3A_96, %mul3A_580 : i32
        %add3A_582 = arith.constant 7 : i32
        %add3A_583 = arith.addi %mul3A_581, %add3A_582 : i32
        %get3A_584 = arith.index_cast %add3A_583 : i32 to index
        %get3A_585 = arith.constant 0 : index
        %get3A_586 = tpu.vector_load %arg10[%get3A_584, %get3A_585] {strides = array<i32>} : memref<80x128xf32, #tpu.memory_space<vmem>>, vector<16xf32>,
        %get3A_587 = arith.index_cast %add3A_583 : i32 to index
        %get3A_588 = arith.constant 0 : index
        %get3A_589 = tpu.vector_load %arg11[%get3A_587, %get3A_588] {strides = array<i32>} : memref<80x128xf32, #tpu.memory_space<vmem>>, vector<16xf32>,
        %mul3A_590 = arith.mulf %get3A_586, %get3A_589 : vector<16xf32>
        %get3A_591 = arith.index_cast %add3A_583 : i32 to index
        %get3A_592 = arith.constant 16 : index
        %get3A_593 = tpu.vector_load %arg10[%get3A_591, %get3A_592] {strides = array<i32>} : memref<80x128xf32, #tpu.memory_space<vmem>>, vector<16xf32>,
        %get3A_594 = arith.index_cast %add3A_583 : i32 to index
        %get3A_595 = arith.constant 16 : index
        %get3A_596 = tpu.vector_load %arg11[%get3A_594, %get3A_595] {strides = array<i32>} : memref<80x128xf32, #tpu.memory_space<vmem>>, vector<16xf32>,
        %mul3A_597 = arith.mulf %get3A_593, %get3A_596 : vector<16xf32>
        %add3A_598 = arith.addf %mul3A_590, %mul3A_597 : vector<16xf32>
        %get3A_599 = arith.index_cast %add3A_583 : i32 to index
        %get3A_600 = arith.constant 32 : index
        %get3A_601 = tpu.vector_load %arg10[%get3A_599, %get3A_600] {strides = array<i32>} : memref<80x128xf32, #tpu.memory_space<vmem>>, vector<16xf32>,
        %get3A_602 = arith.index_cast %add3A_583 : i32 to index
        %get3A_603 = arith.constant 32 : index
        %get3A_604 = tpu.vector_load %arg11[%get3A_602, %get3A_603] {strides = array<i32>} : memref<80x128xf32, #tpu.memory_space<vmem>>, vector<16xf32>,
        %mul3A_605 = arith.mulf %get3A_601, %get3A_604 : vector<16xf32>
        %add3A_606 = arith.addf %add3A_598, %mul3A_605 : vector<16xf32>
        %get3A_607 = arith.index_cast %add3A_583 : i32 to index
        %get3A_608 = arith.constant 48 : index
        %get3A_609 = tpu.vector_load %arg10[%get3A_607, %get3A_608] {strides = array<i32>} : memref<80x128xf32, #tpu.memory_space<vmem>>, vector<16xf32>,
        %get3A_610 = arith.index_cast %add3A_583 : i32 to index
        %get3A_611 = arith.constant 48 : index
        %get3A_612 = tpu.vector_load %arg11[%get3A_610, %get3A_611] {strides = array<i32>} : memref<80x128xf32, #tpu.memory_space<vmem>>, vector<16xf32>,
        %mul3A_613 = arith.mulf %get3A_609, %get3A_612 : vector<16xf32>
        %add3A_614 = arith.addf %add3A_606, %mul3A_613 : vector<16xf32>
        %get3A_615 = arith.index_cast %add3A_583 : i32 to index
        %get3A_616 = arith.constant 64 : index
        %get3A_617 = tpu.vector_load %arg10[%get3A_615, %get3A_616] {strides = array<i32>} : memref<80x128xf32, #tpu.memory_space<vmem>>, vector<16xf32>,
        %get3A_618 = arith.index_cast %add3A_583 : i32 to index
        %get3A_619 = arith.constant 64 : index
        %get3A_620 = tpu.vector_load %arg11[%get3A_618, %get3A_619] {strides = array<i32>} : memref<80x128xf32, #tpu.memory_space<vmem>>, vector<16xf32>,
        %mul3A_621 = arith.mulf %get3A_617, %get3A_620 : vector<16xf32>
        %add3A_622 = arith.addf %add3A_614, %mul3A_621 : vector<16xf32>
        %get3A_623 = arith.index_cast %add3A_583 : i32 to index
        %get3A_624 = arith.constant 80 : index
        %get3A_625 = tpu.vector_load %arg10[%get3A_623, %get3A_624] {strides = array<i32>} : memref<80x128xf32, #tpu.memory_space<vmem>>, vector<16xf32>,
        %get3A_626 = arith.index_cast %add3A_583 : i32 to index
        %get3A_627 = arith.constant 80 : index
        %get3A_628 = tpu.vector_load %arg11[%get3A_626, %get3A_627] {strides = array<i32>} : memref<80x128xf32, #tpu.memory_space<vmem>>, vector<16xf32>,
        %mul3A_629 = arith.mulf %get3A_625, %get3A_628 : vector<16xf32>
        %add3A_630 = arith.addf %add3A_622, %mul3A_629 : vector<16xf32>
        %get3A_631 = arith.index_cast %add3A_583 : i32 to index
        %get3A_632 = arith.constant 96 : index
        %get3A_633 = tpu.vector_load %arg10[%get3A_631, %get3A_632] {strides = array<i32>} : memref<80x128xf32, #tpu.memory_space<vmem>>, vector<16xf32>,
        %get3A_634 = arith.index_cast %add3A_583 : i32 to index
        %get3A_635 = arith.constant 96 : index
        %get3A_636 = tpu.vector_load %arg11[%get3A_634, %get3A_635] {strides = array<i32>} : memref<80x128xf32, #tpu.memory_space<vmem>>, vector<16xf32>,
        %mul3A_637 = arith.mulf %get3A_633, %get3A_636 : vector<16xf32>
        %add3A_638 = arith.addf %add3A_630, %mul3A_637 : vector<16xf32>
        %get3A_639 = arith.index_cast %add3A_583 : i32 to index
        %get3A_640 = arith.constant 112 : index
        %get3A_641 = tpu.vector_load %arg10[%get3A_639, %get3A_640] {strides = array<i32>} : memref<80x128xf32, #tpu.memory_space<vmem>>, vector<16xf32>,
        %get3A_642 = arith.index_cast %add3A_583 : i32 to index
        %get3A_643 = arith.constant 112 : index
        %get3A_644 = tpu.vector_load %arg11[%get3A_642, %get3A_643] {strides = array<i32>} : memref<80x128xf32, #tpu.memory_space<vmem>>, vector<16xf32>,
        %mul3A_645 = arith.mulf %get3A_641, %get3A_644 : vector<16xf32>
        %add3A_646 = arith.addf %add3A_638, %mul3A_645 : vector<16xf32>
        %swap3A_647 = arith.constant 112 : index
        %swap3A_648 = tpu.vector_load %arg14[%swap3A_647] {strides = array<i32>} : memref<256xf32, #tpu.memory_space<vmem>>, vector<16xf32>,
        tpu.vector_store %arg14[%swap3A_647], %add3A_646 {strides = array<i32>} : memref<256xf32, #tpu.memory_space<vmem>>, vector<16xf32>,
        %mul3A_649 = arith.constant 16 : i32
        %mul3A_650 = arith.muli %scan3A_96, %mul3A_649 : i32
        %add3A_651 = arith.constant 8 : i32
        %add3A_652 = arith.addi %mul3A_650, %add3A_651 : i32
        %get3A_653 = arith.index_cast %add3A_652 : i32 to index
        %get3A_654 = arith.constant 0 : index
        %get3A_655 = tpu.vector_load %arg10[%get3A_653, %get3A_654] {strides = array<i32>} : memref<80x128xf32, #tpu.memory_space<vmem>>, vector<16xf32>,
        %get3A_656 = arith.index_cast %add3A_652 : i32 to index
        %get3A_657 = arith.constant 0 : index
        %get3A_658 = tpu.vector_load %arg11[%get3A_656, %get3A_657] {strides = array<i32>} : memref<80x128xf32, #tpu.memory_space<vmem>>, vector<16xf32>,
        %mul3A_659 = arith.mulf %get3A_655, %get3A_658 : vector<16xf32>
        %get3A_660 = arith.index_cast %add3A_652 : i32 to index
        %get3A_661 = arith.constant 16 : index
        %get3A_662 = tpu.vector_load %arg10[%get3A_660, %get3A_661] {strides = array<i32>} : memref<80x128xf32, #tpu.memory_space<vmem>>, vector<16xf32>,
        %get3A_663 = arith.index_cast %add3A_652 : i32 to index
        %get3A_664 = arith.constant 16 : index
        %get3A_665 = tpu.vector_load %arg11[%get3A_663, %get3A_664] {strides = array<i32>} : memref<80x128xf32, #tpu.memory_space<vmem>>, vector<16xf32>,
        %mul3A_666 = arith.mulf %get3A_662, %get3A_665 : vector<16xf32>
        %add3A_667 = arith.addf %mul3A_659, %mul3A_666 : vector<16xf32>
        %get3A_668 = arith.index_cast %add3A_652 : i32 to index
        %get3A_669 = arith.constant 32 : index
        %get3A_670 = tpu.vector_load %arg10[%get3A_668, %get3A_669] {strides = array<i32>} : memref<80x128xf32, #tpu.memory_space<vmem>>, vector<16xf32>,
        %get3A_671 = arith.index_cast %add3A_652 : i32 to index
        %get3A_672 = arith.constant 32 : index
        %get3A_673 = tpu.vector_load %arg11[%get3A_671, %get3A_672] {strides = array<i32>} : memref<80x128xf32, #tpu.memory_space<vmem>>, vector<16xf32>,
        %mul3A_674 = arith.mulf %get3A_670, %get3A_673 : vector<16xf32>
        %add3A_675 = arith.addf %add3A_667, %mul3A_674 : vector<16xf32>
        %get3A_676 = arith.index_cast %add3A_652 : i32 to index
        %get3A_677 = arith.constant 48 : index
        %get3A_678 = tpu.vector_load %arg10[%get3A_676, %get3A_677] {strides = array<i32>} : memref<80x128xf32, #tpu.memory_space<vmem>>, vector<16xf32>,
        %get3A_679 = arith.index_cast %add3A_652 : i32 to index
        %get3A_680 = arith.constant 48 : index
        %get3A_681 = tpu.vector_load %arg11[%get3A_679, %get3A_680] {strides = array<i32>} : memref<80x128xf32, #tpu.memory_space<vmem>>, vector<16xf32>,
        %mul3A_682 = arith.mulf %get3A_678, %get3A_681 : vector<16xf32>
        %add3A_683 = arith.addf %add3A_675, %mul3A_682 : vector<16xf32>
        %get3A_684 = arith.index_cast %add3A_652 : i32 to index
        %get3A_685 = arith.constant 64 : index
        %get3A_686 = tpu.vector_load %arg10[%get3A_684, %get3A_685] {strides = array<i32>} : memref<80x128xf32, #tpu.memory_space<vmem>>, vector<16xf32>,
        %get3A_687 = arith.index_cast %add3A_652 : i32 to index
        %get3A_688 = arith.constant 64 : index
        %get3A_689 = tpu.vector_load %arg11[%get3A_687, %get3A_688] {strides = array<i32>} : memref<80x128xf32, #tpu.memory_space<vmem>>, vector<16xf32>,
        %mul3A_690 = arith.mulf %get3A_686, %get3A_689 : vector<16xf32>
        %add3A_691 = arith.addf %add3A_683, %mul3A_690 : vector<16xf32>
        %get3A_692 = arith.index_cast %add3A_652 : i32 to index
        %get3A_693 = arith.constant 80 : index
        %get3A_694 = tpu.vector_load %arg10[%get3A_692, %get3A_693] {strides = array<i32>} : memref<80x128xf32, #tpu.memory_space<vmem>>, vector<16xf32>,
        %get3A_695 = arith.index_cast %add3A_652 : i32 to index
        %get3A_696 = arith.constant 80 : index
        %get3A_697 = tpu.vector_load %arg11[%get3A_695, %get3A_696] {strides = array<i32>} : memref<80x128xf32, #tpu.memory_space<vmem>>, vector<16xf32>,
        %mul3A_698 = arith.mulf %get3A_694, %get3A_697 : vector<16xf32>
        %add3A_699 = arith.addf %add3A_691, %mul3A_698 : vector<16xf32>
        %get3A_700 = arith.index_cast %add3A_652 : i32 to index
        %get3A_701 = arith.constant 96 : index
        %get3A_702 = tpu.vector_load %arg10[%get3A_700, %get3A_701] {strides = array<i32>} : memref<80x128xf32, #tpu.memory_space<vmem>>, vector<16xf32>,
        %get3A_703 = arith.index_cast %add3A_652 : i32 to index
        %get3A_704 = arith.constant 96 : index
        %get3A_705 = tpu.vector_load %arg11[%get3A_703, %get3A_704] {strides = array<i32>} : memref<80x128xf32, #tpu.memory_space<vmem>>, vector<16xf32>,
        %mul3A_706 = arith.mulf %get3A_702, %get3A_705 : vector<16xf32>
        %add3A_707 = arith.addf %add3A_699, %mul3A_706 : vector<16xf32>
        %get3A_708 = arith.index_cast %add3A_652 : i32 to index
        %get3A_709 = arith.constant 112 : index
        %get3A_710 = tpu.vector_load %arg10[%get3A_708, %get3A_709] {strides = array<i32>} : memref<80x128xf32, #tpu.memory_space<vmem>>, vector<16xf32>,
        %get3A_711 = arith.index_cast %add3A_652 : i32 to index
        %get3A_712 = arith.constant 112 : index
        %get3A_713 = tpu.vector_load %arg11[%get3A_711, %get3A_712] {strides = array<i32>} : memref<80x128xf32, #tpu.memory_space<vmem>>, vector<16xf32>,
        %mul3A_714 = arith.mulf %get3A_710, %get3A_713 : vector<16xf32>
        %add3A_715 = arith.addf %add3A_707, %mul3A_714 : vector<16xf32>
        %swap3A_716 = arith.constant 128 : index
        %swap3A_717 = tpu.vector_load %arg14[%swap3A_716] {strides = array<i32>} : memref<256xf32, #tpu.memory_space<vmem>>, vector<16xf32>,
        tpu.vector_store %arg14[%swap3A_716], %add3A_715 {strides = array<i32>} : memref<256xf32, #tpu.memory_space<vmem>>, vector<16xf32>,
        %mul3A_718 = arith.constant 16 : i32
        %mul3A_719 = arith.muli %scan3A_96, %mul3A_718 : i32
        %add3A_720 = arith.constant 9 : i32
        %add3A_721 = arith.addi %mul3A_719, %add3A_720 : i32
        %get3A_722 = arith.index_cast %add3A_721 : i32 to index
        %get3A_723 = arith.constant 0 : index
        %get3A_724 = tpu.vector_load %arg10[%get3A_722, %get3A_723] {strides = array<i32>} : memref<80x128xf32, #tpu.memory_space<vmem>>, vector<16xf32>,
        %get3A_725 = arith.index_cast %add3A_721 : i32 to index
        %get3A_726 = arith.constant 0 : index
        %get3A_727 = tpu.vector_load %arg11[%get3A_725, %get3A_726] {strides = array<i32>} : memref<80x128xf32, #tpu.memory_space<vmem>>, vector<16xf32>,
        %mul3A_728 = arith.mulf %get3A_724, %get3A_727 : vector<16xf32>
        %get3A_729 = arith.index_cast %add3A_721 : i32 to index
        %get3A_730 = arith.constant 16 : index
        %get3A_731 = tpu.vector_load %arg10[%get3A_729, %get3A_730] {strides = array<i32>} : memref<80x128xf32, #tpu.memory_space<vmem>>, vector<16xf32>,
        %get3A_732 = arith.index_cast %add3A_721 : i32 to index
        %get3A_733 = arith.constant 16 : index
        %get3A_734 = tpu.vector_load %arg11[%get3A_732, %get3A_733] {strides = array<i32>} : memref<80x128xf32, #tpu.memory_space<vmem>>, vector<16xf32>,
        %mul3A_735 = arith.mulf %get3A_731, %get3A_734 : vector<16xf32>
        %add3A_736 = arith.addf %mul3A_728, %mul3A_735 : vector<16xf32>
        %get3A_737 = arith.index_cast %add3A_721 : i32 to index
        %get3A_738 = arith.constant 32 : index
        %get3A_739 = tpu.vector_load %arg10[%get3A_737, %get3A_738] {strides = array<i32>} : memref<80x128xf32, #tpu.memory_space<vmem>>, vector<16xf32>,
        %get3A_740 = arith.index_cast %add3A_721 : i32 to index
        %get3A_741 = arith.constant 32 : index
        %get3A_742 = tpu.vector_load %arg11[%get3A_740, %get3A_741] {strides = array<i32>} : memref<80x128xf32, #tpu.memory_space<vmem>>, vector<16xf32>,
        %mul3A_743 = arith.mulf %get3A_739, %get3A_742 : vector<16xf32>
        %add3A_744 = arith.addf %add3A_736, %mul3A_743 : vector<16xf32>
        %get3A_745 = arith.index_cast %add3A_721 : i32 to index
        %get3A_746 = arith.constant 48 : index
        %get3A_747 = tpu.vector_load %arg10[%get3A_745, %get3A_746] {strides = array<i32>} : memref<80x128xf32, #tpu.memory_space<vmem>>, vector<16xf32>,
        %get3A_748 = arith.index_cast %add3A_721 : i32 to index
        %get3A_749 = arith.constant 48 : index
        %get3A_750 = tpu.vector_load %arg11[%get3A_748, %get3A_749] {strides = array<i32>} : memref<80x128xf32, #tpu.memory_space<vmem>>, vector<16xf32>,
        %mul3A_751 = arith.mulf %get3A_747, %get3A_750 : vector<16xf32>
        %add3A_752 = arith.addf %add3A_744, %mul3A_751 : vector<16xf32>
        %get3A_753 = arith.index_cast %add3A_721 : i32 to index
        %get3A_754 = arith.constant 64 : index
        %get3A_755 = tpu.vector_load %arg10[%get3A_753, %get3A_754] {strides = array<i32>} : memref<80x128xf32, #tpu.memory_space<vmem>>, vector<16xf32>,
        %get3A_756 = arith.index_cast %add3A_721 : i32 to index
        %get3A_757 = arith.constant 64 : index
        %get3A_758 = tpu.vector_load %arg11[%get3A_756, %get3A_757] {strides = array<i32>} : memref<80x128xf32, #tpu.memory_space<vmem>>, vector<16xf32>,
        %mul3A_759 = arith.mulf %get3A_755, %get3A_758 : vector<16xf32>
        %add3A_760 = arith.addf %add3A_752, %mul3A_759 : vector<16xf32>
        %get3A_761 = arith.index_cast %add3A_721 : i32 to index
        %get3A_762 = arith.constant 80 : index
        %get3A_763 = tpu.vector_load %arg10[%get3A_761, %get3A_762] {strides = array<i32>} : memref<80x128xf32, #tpu.memory_space<vmem>>, vector<16xf32>,
        %get3A_764 = arith.index_cast %add3A_721 : i32 to index
        %get3A_765 = arith.constant 80 : index
        %get3A_766 = tpu.vector_load %arg11[%get3A_764, %get3A_765] {strides = array<i32>} : memref<80x128xf32, #tpu.memory_space<vmem>>, vector<16xf32>,
        %mul3A_767 = arith.mulf %get3A_763, %get3A_766 : vector<16xf32>
        %add3A_768 = arith.addf %add3A_760, %mul3A_767 : vector<16xf32>
        %get3A_769 = arith.index_cast %add3A_721 : i32 to index
        %get3A_770 = arith.constant 96 : index
        %get3A_771 = tpu.vector_load %arg10[%get3A_769, %get3A_770] {strides = array<i32>} : memref<80x128xf32, #tpu.memory_space<vmem>>, vector<16xf32>,
        %get3A_772 = arith.index_cast %add3A_721 : i32 to index
        %get3A_773 = arith.constant 96 : index
        %get3A_774 = tpu.vector_load %arg11[%get3A_772, %get3A_773] {strides = array<i32>} : memref<80x128xf32, #tpu.memory_space<vmem>>, vector<16xf32>,
        %mul3A_775 = arith.mulf %get3A_771, %get3A_774 : vector<16xf32>
        %add3A_776 = arith.addf %add3A_768, %mul3A_775 : vector<16xf32>
        %get3A_777 = arith.index_cast %add3A_721 : i32 to index
        %get3A_778 = arith.constant 112 : index
        %get3A_779 = tpu.vector_load %arg10[%get3A_777, %get3A_778] {strides = array<i32>} : memref<80x128xf32, #tpu.memory_space<vmem>>, vector<16xf32>,
        %get3A_780 = arith.index_cast %add3A_721 : i32 to index
        %get3A_781 = arith.constant 112 : index
        %get3A_782 = tpu.vector_load %arg11[%get3A_780, %get3A_781] {strides = array<i32>} : memref<80x128xf32, #tpu.memory_space<vmem>>, vector<16xf32>,
        %mul3A_783 = arith.mulf %get3A_779, %get3A_782 : vector<16xf32>
        %add3A_784 = arith.addf %add3A_776, %mul3A_783 : vector<16xf32>
        %swap3A_785 = arith.constant 144 : index
        %swap3A_786 = tpu.vector_load %arg14[%swap3A_785] {strides = array<i32>} : memref<256xf32, #tpu.memory_space<vmem>>, vector<16xf32>,
        tpu.vector_store %arg14[%swap3A_785], %add3A_784 {strides = array<i32>} : memref<256xf32, #tpu.memory_space<vmem>>, vector<16xf32>,
        %mul3A_787 = arith.constant 16 : i32
        %mul3A_788 = arith.muli %scan3A_96, %mul3A_787 : i32
        %add3A_789 = arith.constant 10 : i32
        %add3A_790 = arith.addi %mul3A_788, %add3A_789 : i32
        %get3A_791 = arith.index_cast %add3A_790 : i32 to index
        %get3A_792 = arith.constant 0 : index
        %get3A_793 = tpu.vector_load %arg10[%get3A_791, %get3A_792] {strides = array<i32>} : memref<80x128xf32, #tpu.memory_space<vmem>>, vector<16xf32>,
        %get3A_794 = arith.index_cast %add3A_790 : i32 to index
        %get3A_795 = arith.constant 0 : index
        %get3A_796 = tpu.vector_load %arg11[%get3A_794, %get3A_795] {strides = array<i32>} : memref<80x128xf32, #tpu.memory_space<vmem>>, vector<16xf32>,
        %mul3A_797 = arith.mulf %get3A_793, %get3A_796 : vector<16xf32>
        %get3A_798 = arith.index_cast %add3A_790 : i32 to index
        %get3A_799 = arith.constant 16 : index
        %get3A_800 = tpu.vector_load %arg10[%get3A_798, %get3A_799] {strides = array<i32>} : memref<80x128xf32, #tpu.memory_space<vmem>>, vector<16xf32>,
        %get3A_801 = arith.index_cast %add3A_790 : i32 to index
        %get3A_802 = arith.constant 16 : index
        %get3A_803 = tpu.vector_load %arg11[%get3A_801, %get3A_802] {strides = array<i32>} : memref<80x128xf32, #tpu.memory_space<vmem>>, vector<16xf32>,
        %mul3A_804 = arith.mulf %get3A_800, %get3A_803 : vector<16xf32>
        %add3A_805 = arith.addf %mul3A_797, %mul3A_804 : vector<16xf32>
        %get3A_806 = arith.index_cast %add3A_790 : i32 to index
        %get3A_807 = arith.constant 32 : index
        %get3A_808 = tpu.vector_load %arg10[%get3A_806, %get3A_807] {strides = array<i32>} : memref<80x128xf32, #tpu.memory_space<vmem>>, vector<16xf32>,
        %get3A_809 = arith.index_cast %add3A_790 : i32 to index
        %get3A_810 = arith.constant 32 : index
        %get3A_811 = tpu.vector_load %arg11[%get3A_809, %get3A_810] {strides = array<i32>} : memref<80x128xf32, #tpu.memory_space<vmem>>, vector<16xf32>,
        %mul3A_812 = arith.mulf %get3A_808, %get3A_811 : vector<16xf32>
        %add3A_813 = arith.addf %add3A_805, %mul3A_812 : vector<16xf32>
        %get3A_814 = arith.index_cast %add3A_790 : i32 to index
        %get3A_815 = arith.constant 48 : index
        %get3A_816 = tpu.vector_load %arg10[%get3A_814, %get3A_815] {strides = array<i32>} : memref<80x128xf32, #tpu.memory_space<vmem>>, vector<16xf32>,
        %get3A_817 = arith.index_cast %add3A_790 : i32 to index
        %get3A_818 = arith.constant 48 : index
        %get3A_819 = tpu.vector_load %arg11[%get3A_817, %get3A_818] {strides = array<i32>} : memref<80x128xf32, #tpu.memory_space<vmem>>, vector<16xf32>,
        %mul3A_820 = arith.mulf %get3A_816, %get3A_819 : vector<16xf32>
        %add3A_821 = arith.addf %add3A_813, %mul3A_820 : vector<16xf32>
        %get3A_822 = arith.index_cast %add3A_790 : i32 to index
        %get3A_823 = arith.constant 64 : index
        %get3A_824 = tpu.vector_load %arg10[%get3A_822, %get3A_823] {strides = array<i32>} : memref<80x128xf32, #tpu.memory_space<vmem>>, vector<16xf32>,
        %get3A_825 = arith.index_cast %add3A_790 : i32 to index
        %get3A_826 = arith.constant 64 : index
        %get3A_827 = tpu.vector_load %arg11[%get3A_825, %get3A_826] {strides = array<i32>} : memref<80x128xf32, #tpu.memory_space<vmem>>, vector<16xf32>,
        %mul3A_828 = arith.mulf %get3A_824, %get3A_827 : vector<16xf32>
        %add3A_829 = arith.addf %add3A_821, %mul3A_828 : vector<16xf32>
        %get3A_830 = arith.index_cast %add3A_790 : i32 to index
        %get3A_831 = arith.constant 80 : index
        %get3A_832 = tpu.vector_load %arg10[%get3A_830, %get3A_831] {strides = array<i32>} : memref<80x128xf32, #tpu.memory_space<vmem>>, vector<16xf32>,
        %get3A_833 = arith.index_cast %add3A_790 : i32 to index
        %get3A_834 = arith.constant 80 : index
        %get3A_835 = tpu.vector_load %arg11[%get3A_833, %get3A_834] {strides = array<i32>} : memref<80x128xf32, #tpu.memory_space<vmem>>, vector<16xf32>,
        %mul3A_836 = arith.mulf %get3A_832, %get3A_835 : vector<16xf32>
        %add3A_837 = arith.addf %add3A_829, %mul3A_836 : vector<16xf32>
        %get3A_838 = arith.index_cast %add3A_790 : i32 to index
        %get3A_839 = arith.constant 96 : index
        %get3A_840 = tpu.vector_load %arg10[%get3A_838, %get3A_839] {strides = array<i32>} : memref<80x128xf32, #tpu.memory_space<vmem>>, vector<16xf32>,
        %get3A_841 = arith.index_cast %add3A_790 : i32 to index
        %get3A_842 = arith.constant 96 : index
        %get3A_843 = tpu.vector_load %arg11[%get3A_841, %get3A_842] {strides = array<i32>} : memref<80x128xf32, #tpu.memory_space<vmem>>, vector<16xf32>,
        %mul3A_844 = arith.mulf %get3A_840, %get3A_843 : vector<16xf32>
        %add3A_845 = arith.addf %add3A_837, %mul3A_844 : vector<16xf32>
        %get3A_846 = arith.index_cast %add3A_790 : i32 to index
        %get3A_847 = arith.constant 112 : index
        %get3A_848 = tpu.vector_load %arg10[%get3A_846, %get3A_847] {strides = array<i32>} : memref<80x128xf32, #tpu.memory_space<vmem>>, vector<16xf32>,
        %get3A_849 = arith.index_cast %add3A_790 : i32 to index
        %get3A_850 = arith.constant 112 : index
        %get3A_851 = tpu.vector_load %arg11[%get3A_849, %get3A_850] {strides = array<i32>} : memref<80x128xf32, #tpu.memory_space<vmem>>, vector<16xf32>,
        %mul3A_852 = arith.mulf %get3A_848, %get3A_851 : vector<16xf32>
        %add3A_853 = arith.addf %add3A_845, %mul3A_852 : vector<16xf32>
        %swap3A_854 = arith.constant 160 : index
        %swap3A_855 = tpu.vector_load %arg14[%swap3A_854] {strides = array<i32>} : memref<256xf32, #tpu.memory_space<vmem>>, vector<16xf32>,
        tpu.vector_store %arg14[%swap3A_854], %add3A_853 {strides = array<i32>} : memref<256xf32, #tpu.memory_space<vmem>>, vector<16xf32>,
        %mul3A_856 = arith.constant 16 : i32
        %mul3A_857 = arith.muli %scan3A_96, %mul3A_856 : i32
        %add3A_858 = arith.constant 11 : i32
        %add3A_859 = arith.addi %mul3A_857, %add3A_858 : i32
        %get3A_860 = arith.index_cast %add3A_859 : i32 to index
        %get3A_861 = arith.constant 0 : index
        %get3A_862 = tpu.vector_load %arg10[%get3A_860, %get3A_861] {strides = array<i32>} : memref<80x128xf32, #tpu.memory_space<vmem>>, vector<16xf32>,
        %get3A_863 = arith.index_cast %add3A_859 : i32 to index
        %get3A_864 = arith.constant 0 : index
        %get3A_865 = tpu.vector_load %arg11[%get3A_863, %get3A_864] {strides = array<i32>} : memref<80x128xf32, #tpu.memory_space<vmem>>, vector<16xf32>,
        %mul3A_866 = arith.mulf %get3A_862, %get3A_865 : vector<16xf32>
        %get3A_867 = arith.index_cast %add3A_859 : i32 to index
        %get3A_868 = arith.constant 16 : index
        %get3A_869 = tpu.vector_load %arg10[%get3A_867, %get3A_868] {strides = array<i32>} : memref<80x128xf32, #tpu.memory_space<vmem>>, vector<16xf32>,
        %get3A_870 = arith.index_cast %add3A_859 : i32 to index
        %get3A_871 = arith.constant 16 : index
        %get3A_872 = tpu.vector_load %arg11[%get3A_870, %get3A_871] {strides = array<i32>} : memref<80x128xf32, #tpu.memory_space<vmem>>, vector<16xf32>,
        %mul3A_873 = arith.mulf %get3A_869, %get3A_872 : vector<16xf32>
        %add3A_874 = arith.addf %mul3A_866, %mul3A_873 : vector<16xf32>
        %get3A_875 = arith.index_cast %add3A_859 : i32 to index
        %get3A_876 = arith.constant 32 : index
        %get3A_877 = tpu.vector_load %arg10[%get3A_875, %get3A_876] {strides = array<i32>} : memref<80x128xf32, #tpu.memory_space<vmem>>, vector<16xf32>,
        %get3A_878 = arith.index_cast %add3A_859 : i32 to index
        %get3A_879 = arith.constant 32 : index
        %get3A_880 = tpu.vector_load %arg11[%get3A_878, %get3A_879] {strides = array<i32>} : memref<80x128xf32, #tpu.memory_space<vmem>>, vector<16xf32>,
        %mul3A_881 = arith.mulf %get3A_877, %get3A_880 : vector<16xf32>
        %add3A_882 = arith.addf %add3A_874, %mul3A_881 : vector<16xf32>
        %get3A_883 = arith.index_cast %add3A_859 : i32 to index
        %get3A_884 = arith.constant 48 : index
        %get3A_885 = tpu.vector_load %arg10[%get3A_883, %get3A_884] {strides = array<i32>} : memref<80x128xf32, #tpu.memory_space<vmem>>, vector<16xf32>,
        %get3A_886 = arith.index_cast %add3A_859 : i32 to index
        %get3A_887 = arith.constant 48 : index
        %get3A_888 = tpu.vector_load %arg11[%get3A_886, %get3A_887] {strides = array<i32>} : memref<80x128xf32, #tpu.memory_space<vmem>>, vector<16xf32>,
        %mul3A_889 = arith.mulf %get3A_885, %get3A_888 : vector<16xf32>
        %add3A_890 = arith.addf %add3A_882, %mul3A_889 : vector<16xf32>
        %get3A_891 = arith.index_cast %add3A_859 : i32 to index
        %get3A_892 = arith.constant 64 : index
        %get3A_893 = tpu.vector_load %arg10[%get3A_891, %get3A_892] {strides = array<i32>} : memref<80x128xf32, #tpu.memory_space<vmem>>, vector<16xf32>,
        %get3A_894 = arith.index_cast %add3A_859 : i32 to index
        %get3A_895 = arith.constant 64 : index
        %get3A_896 = tpu.vector_load %arg11[%get3A_894, %get3A_895] {strides = array<i32>} : memref<80x128xf32, #tpu.memory_space<vmem>>, vector<16xf32>,
        %mul3A_897 = arith.mulf %get3A_893, %get3A_896 : vector<16xf32>
        %add3A_898 = arith.addf %add3A_890, %mul3A_897 : vector<16xf32>
        %get3A_899 = arith.index_cast %add3A_859 : i32 to index
        %get3A_900 = arith.constant 80 : index
        %get3A_901 = tpu.vector_load %arg10[%get3A_899, %get3A_900] {strides = array<i32>} : memref<80x128xf32, #tpu.memory_space<vmem>>, vector<16xf32>,
        %get3A_902 = arith.index_cast %add3A_859 : i32 to index
        %get3A_903 = arith.constant 80 : index
        %get3A_904 = tpu.vector_load %arg11[%get3A_902, %get3A_903] {strides = array<i32>} : memref<80x128xf32, #tpu.memory_space<vmem>>, vector<16xf32>,
        %mul3A_905 = arith.mulf %get3A_901, %get3A_904 : vector<16xf32>
        %add3A_906 = arith.addf %add3A_898, %mul3A_905 : vector<16xf32>
        %get3A_907 = arith.index_cast %add3A_859 : i32 to index
        %get3A_908 = arith.constant 96 : index
        %get3A_909 = tpu.vector_load %arg10[%get3A_907, %get3A_908] {strides = array<i32>} : memref<80x128xf32, #tpu.memory_space<vmem>>, vector<16xf32>,
        %get3A_910 = arith.index_cast %add3A_859 : i32 to index
        %get3A_911 = arith.constant 96 : index
        %get3A_912 = tpu.vector_load %arg11[%get3A_910, %get3A_911] {strides = array<i32>} : memref<80x128xf32, #tpu.memory_space<vmem>>, vector<16xf32>,
        %mul3A_913 = arith.mulf %get3A_909, %get3A_912 : vector<16xf32>
        %add3A_914 = arith.addf %add3A_906, %mul3A_913 : vector<16xf32>
        %get3A_915 = arith.index_cast %add3A_859 : i32 to index
        %get3A_916 = arith.constant 112 : index
        %get3A_917 = tpu.vector_load %arg10[%get3A_915, %get3A_916] {strides = array<i32>} : memref<80x128xf32, #tpu.memory_space<vmem>>, vector<16xf32>,
        %get3A_918 = arith.index_cast %add3A_859 : i32 to index
        %get3A_919 = arith.constant 112 : index
        %get3A_920 = tpu.vector_load %arg11[%get3A_918, %get3A_919] {strides = array<i32>} : memref<80x128xf32, #tpu.memory_space<vmem>>, vector<16xf32>,
        %mul3A_921 = arith.mulf %get3A_917, %get3A_920 : vector<16xf32>
        %add3A_922 = arith.addf %add3A_914, %mul3A_921 : vector<16xf32>
        %swap3A_923 = arith.constant 176 : index
        %swap3A_924 = tpu.vector_load %arg14[%swap3A_923] {strides = array<i32>} : memref<256xf32, #tpu.memory_space<vmem>>, vector<16xf32>,
        tpu.vector_store %arg14[%swap3A_923], %add3A_922 {strides = array<i32>} : memref<256xf32, #tpu.memory_space<vmem>>, vector<16xf32>,
        %mul3A_925 = arith.constant 16 : i32
        %mul3A_926 = arith.muli %scan3A_96, %mul3A_925 : i32
        %add3A_927 = arith.constant 12 : i32
        %add3A_928 = arith.addi %mul3A_926, %add3A_927 : i32
        %get3A_929 = arith.index_cast %add3A_928 : i32 to index
        %get3A_930 = arith.constant 0 : index
        %get3A_931 = tpu.vector_load %arg10[%get3A_929, %get3A_930] {strides = array<i32>} : memref<80x128xf32, #tpu.memory_space<vmem>>, vector<16xf32>,
        %get3A_932 = arith.index_cast %add3A_928 : i32 to index
        %get3A_933 = arith.constant 0 : index
        %get3A_934 = tpu.vector_load %arg11[%get3A_932, %get3A_933] {strides = array<i32>} : memref<80x128xf32, #tpu.memory_space<vmem>>, vector<16xf32>,
        %mul3A_935 = arith.mulf %get3A_931, %get3A_934 : vector<16xf32>
        %get3A_936 = arith.index_cast %add3A_928 : i32 to index
        %get3A_937 = arith.constant 16 : index
        %get3A_938 = tpu.vector_load %arg10[%get3A_936, %get3A_937] {strides = array<i32>} : memref<80x128xf32, #tpu.memory_space<vmem>>, vector<16xf32>,
        %get3A_939 = arith.index_cast %add3A_928 : i32 to index
        %get3A_940 = arith.constant 16 : index
        %get3A_941 = tpu.vector_load %arg11[%get3A_939, %get3A_940] {strides = array<i32>} : memref<80x128xf32, #tpu.memory_space<vmem>>, vector<16xf32>,
        %mul3A_942 = arith.mulf %get3A_938, %get3A_941 : vector<16xf32>
        %add3A_943 = arith.addf %mul3A_935, %mul3A_942 : vector<16xf32>
        %get3A_944 = arith.index_cast %add3A_928 : i32 to index
        %get3A_945 = arith.constant 32 : index
        %get3A_946 = tpu.vector_load %arg10[%get3A_944, %get3A_945] {strides = array<i32>} : memref<80x128xf32, #tpu.memory_space<vmem>>, vector<16xf32>,
        %get3A_947 = arith.index_cast %add3A_928 : i32 to index
        %get3A_948 = arith.constant 32 : index
        %get3A_949 = tpu.vector_load %arg11[%get3A_947, %get3A_948] {strides = array<i32>} : memref<80x128xf32, #tpu.memory_space<vmem>>, vector<16xf32>,
        %mul3A_950 = arith.mulf %get3A_946, %get3A_949 : vector<16xf32>
        %add3A_951 = arith.addf %add3A_943, %mul3A_950 : vector<16xf32>
        %get3A_952 = arith.index_cast %add3A_928 : i32 to index
        %get3A_953 = arith.constant 48 : index
        %get3A_954 = tpu.vector_load %arg10[%get3A_952, %get3A_953] {strides = array<i32>} : memref<80x128xf32, #tpu.memory_space<vmem>>, vector<16xf32>,
        %get3A_955 = arith.index_cast %add3A_928 : i32 to index
        %get3A_956 = arith.constant 48 : index
        %get3A_957 = tpu.vector_load %arg11[%get3A_955, %get3A_956] {strides = array<i32>} : memref<80x128xf32, #tpu.memory_space<vmem>>, vector<16xf32>,
        %mul3A_958 = arith.mulf %get3A_954, %get3A_957 : vector<16xf32>
        %add3A_959 = arith.addf %add3A_951, %mul3A_958 : vector<16xf32>
        %get3A_960 = arith.index_cast %add3A_928 : i32 to index
        %get3A_961 = arith.constant 64 : index
        %get3A_962 = tpu.vector_load %arg10[%get3A_960, %get3A_961] {strides = array<i32>} : memref<80x128xf32, #tpu.memory_space<vmem>>, vector<16xf32>,
        %get3A_963 = arith.index_cast %add3A_928 : i32 to index
        %get3A_964 = arith.constant 64 : index
        %get3A_965 = tpu.vector_load %arg11[%get3A_963, %get3A_964] {strides = array<i32>} : memref<80x128xf32, #tpu.memory_space<vmem>>, vector<16xf32>,
        %mul3A_966 = arith.mulf %get3A_962, %get3A_965 : vector<16xf32>
        %add3A_967 = arith.addf %add3A_959, %mul3A_966 : vector<16xf32>
        %get3A_968 = arith.index_cast %add3A_928 : i32 to index
        %get3A_969 = arith.constant 80 : index
        %get3A_970 = tpu.vector_load %arg10[%get3A_968, %get3A_969] {strides = array<i32>} : memref<80x128xf32, #tpu.memory_space<vmem>>, vector<16xf32>,
        %get3A_971 = arith.index_cast %add3A_928 : i32 to index
        %get3A_972 = arith.constant 80 : index
        %get3A_973 = tpu.vector_load %arg11[%get3A_971, %get3A_972] {strides = array<i32>} : memref<80x128xf32, #tpu.memory_space<vmem>>, vector<16xf32>,
        %mul3A_974 = arith.mulf %get3A_970, %get3A_973 : vector<16xf32>
        %add3A_975 = arith.addf %add3A_967, %mul3A_974 : vector<16xf32>
        %get3A_976 = arith.index_cast %add3A_928 : i32 to index
        %get3A_977 = arith.constant 96 : index
        %get3A_978 = tpu.vector_load %arg10[%get3A_976, %get3A_977] {strides = array<i32>} : memref<80x128xf32, #tpu.memory_space<vmem>>, vector<16xf32>,
        %get3A_979 = arith.index_cast %add3A_928 : i32 to index
        %get3A_980 = arith.constant 96 : index
        %get3A_981 = tpu.vector_load %arg11[%get3A_979, %get3A_980] {strides = array<i32>} : memref<80x128xf32, #tpu.memory_space<vmem>>, vector<16xf32>,
        %mul3A_982 = arith.mulf %get3A_978, %get3A_981 : vector<16xf32>
        %add3A_983 = arith.addf %add3A_975, %mul3A_982 : vector<16xf32>
        %get3A_984 = arith.index_cast %add3A_928 : i32 to index
        %get3A_985 = arith.constant 112 : index
        %get3A_986 = tpu.vector_load %arg10[%get3A_984, %get3A_985] {strides = array<i32>} : memref<80x128xf32, #tpu.memory_space<vmem>>, vector<16xf32>,
        %get3A_987 = arith.index_cast %add3A_928 : i32 to index
        %get3A_988 = arith.constant 112 : index
        %get3A_989 = tpu.vector_load %arg11[%get3A_987, %get3A_988] {strides = array<i32>} : memref<80x128xf32, #tpu.memory_space<vmem>>, vector<16xf32>,
        %mul3A_990 = arith.mulf %get3A_986, %get3A_989 : vector<16xf32>
        %add3A_991 = arith.addf %add3A_983, %mul3A_990 : vector<16xf32>
        %swap3A_992 = arith.constant 192 : index
        %swap3A_993 = tpu.vector_load %arg14[%swap3A_992] {strides = array<i32>} : memref<256xf32, #tpu.memory_space<vmem>>, vector<16xf32>,
        tpu.vector_store %arg14[%swap3A_992], %add3A_991 {strides = array<i32>} : memref<256xf32, #tpu.memory_space<vmem>>, vector<16xf32>,
        %mul3A_994 = arith.constant 16 : i32
        %mul3A_995 = arith.muli %scan3A_96, %mul3A_994 : i32
        %add3A_996 = arith.constant 13 : i32
        %add3A_997 = arith.addi %mul3A_995, %add3A_996 : i32
        %get3A_998 = arith.index_cast %add3A_997 : i32 to index
        %get3A_999 = arith.constant 0 : index
        %get3A_1000 = tpu.vector_load %arg10[%get3A_998, %get3A_999] {strides = array<i32>} : memref<80x128xf32, #tpu.memory_space<vmem>>, vector<16xf32>,
        %get3A_1001 = arith.index_cast %add3A_997 : i32 to index
        %get3A_1002 = arith.constant 0 : index
        %get3A_1003 = tpu.vector_load %arg11[%get3A_1001, %get3A_1002] {strides = array<i32>} : memref<80x128xf32, #tpu.memory_space<vmem>>, vector<16xf32>,
        %mul3A_1004 = arith.mulf %get3A_1000, %get3A_1003 : vector<16xf32>
        %get3A_1005 = arith.index_cast %add3A_997 : i32 to index
        %get3A_1006 = arith.constant 16 : index
        %get3A_1007 = tpu.vector_load %arg10[%get3A_1005, %get3A_1006] {strides = array<i32>} : memref<80x128xf32, #tpu.memory_space<vmem>>, vector<16xf32>,
        %get3A_1008 = arith.index_cast %add3A_997 : i32 to index
        %get3A_1009 = arith.constant 16 : index
        %get3A_1010 = tpu.vector_load %arg11[%get3A_1008, %get3A_1009] {strides = array<i32>} : memref<80x128xf32, #tpu.memory_space<vmem>>, vector<16xf32>,
        %mul3A_1011 = arith.mulf %get3A_1007, %get3A_1010 : vector<16xf32>
        %add3A_1012 = arith.addf %mul3A_1004, %mul3A_1011 : vector<16xf32>
        %get3A_1013 = arith.index_cast %add3A_997 : i32 to index
        %get3A_1014 = arith.constant 32 : index
        %get3A_1015 = tpu.vector_load %arg10[%get3A_1013, %get3A_1014] {strides = array<i32>} : memref<80x128xf32, #tpu.memory_space<vmem>>, vector<16xf32>,
        %get3A_1016 = arith.index_cast %add3A_997 : i32 to index
        %get3A_1017 = arith.constant 32 : index
        %get3A_1018 = tpu.vector_load %arg11[%get3A_1016, %get3A_1017] {strides = array<i32>} : memref<80x128xf32, #tpu.memory_space<vmem>>, vector<16xf32>,
        %mul3A_1019 = arith.mulf %get3A_1015, %get3A_1018 : vector<16xf32>
        %add3A_1020 = arith.addf %add3A_1012, %mul3A_1019 : vector<16xf32>
        %get3A_1021 = arith.index_cast %add3A_997 : i32 to index
        %get3A_1022 = arith.constant 48 : index
        %get3A_1023 = tpu.vector_load %arg10[%get3A_1021, %get3A_1022] {strides = array<i32>} : memref<80x128xf32, #tpu.memory_space<vmem>>, vector<16xf32>,
        %get3A_1024 = arith.index_cast %add3A_997 : i32 to index
        %get3A_1025 = arith.constant 48 : index
        %get3A_1026 = tpu.vector_load %arg11[%get3A_1024, %get3A_1025] {strides = array<i32>} : memref<80x128xf32, #tpu.memory_space<vmem>>, vector<16xf32>,
        %mul3A_1027 = arith.mulf %get3A_1023, %get3A_1026 : vector<16xf32>
        %add3A_1028 = arith.addf %add3A_1020, %mul3A_1027 : vector<16xf32>
        %get3A_1029 = arith.index_cast %add3A_997 : i32 to index
        %get3A_1030 = arith.constant 64 : index
        %get3A_1031 = tpu.vector_load %arg10[%get3A_1029, %get3A_1030] {strides = array<i32>} : memref<80x128xf32, #tpu.memory_space<vmem>>, vector<16xf32>,
        %get3A_1032 = arith.index_cast %add3A_997 : i32 to index
        %get3A_1033 = arith.constant 64 : index
        %get3A_1034 = tpu.vector_load %arg11[%get3A_1032, %get3A_1033] {strides = array<i32>} : memref<80x128xf32, #tpu.memory_space<vmem>>, vector<16xf32>,
        %mul3A_1035 = arith.mulf %get3A_1031, %get3A_1034 : vector<16xf32>
        %add3A_1036 = arith.addf %add3A_1028, %mul3A_1035 : vector<16xf32>
        %get3A_1037 = arith.index_cast %add3A_997 : i32 to index
        %get3A_1038 = arith.constant 80 : index
        %get3A_1039 = tpu.vector_load %arg10[%get3A_1037, %get3A_1038] {strides = array<i32>} : memref<80x128xf32, #tpu.memory_space<vmem>>, vector<16xf32>,
        %get3A_1040 = arith.index_cast %add3A_997 : i32 to index
        %get3A_1041 = arith.constant 80 : index
        %get3A_1042 = tpu.vector_load %arg11[%get3A_1040, %get3A_1041] {strides = array<i32>} : memref<80x128xf32, #tpu.memory_space<vmem>>, vector<16xf32>,
        %mul3A_1043 = arith.mulf %get3A_1039, %get3A_1042 : vector<16xf32>
        %add3A_1044 = arith.addf %add3A_1036, %mul3A_1043 : vector<16xf32>
        %get3A_1045 = arith.index_cast %add3A_997 : i32 to index
        %get3A_1046 = arith.constant 96 : index
        %get3A_1047 = tpu.vector_load %arg10[%get3A_1045, %get3A_1046] {strides = array<i32>} : memref<80x128xf32, #tpu.memory_space<vmem>>, vector<16xf32>,
        %get3A_1048 = arith.index_cast %add3A_997 : i32 to index
        %get3A_1049 = arith.constant 96 : index
        %get3A_1050 = tpu.vector_load %arg11[%get3A_1048, %get3A_1049] {strides = array<i32>} : memref<80x128xf32, #tpu.memory_space<vmem>>, vector<16xf32>,
        %mul3A_1051 = arith.mulf %get3A_1047, %get3A_1050 : vector<16xf32>
        %add3A_1052 = arith.addf %add3A_1044, %mul3A_1051 : vector<16xf32>
        %get3A_1053 = arith.index_cast %add3A_997 : i32 to index
        %get3A_1054 = arith.constant 112 : index
        %get3A_1055 = tpu.vector_load %arg10[%get3A_1053, %get3A_1054] {strides = array<i32>} : memref<80x128xf32, #tpu.memory_space<vmem>>, vector<16xf32>,
        %get3A_1056 = arith.index_cast %add3A_997 : i32 to index
        %get3A_1057 = arith.constant 112 : index
        %get3A_1058 = tpu.vector_load %arg11[%get3A_1056, %get3A_1057] {strides = array<i32>} : memref<80x128xf32, #tpu.memory_space<vmem>>, vector<16xf32>,
        %mul3A_1059 = arith.mulf %get3A_1055, %get3A_1058 : vector<16xf32>
        %add3A_1060 = arith.addf %add3A_1052, %mul3A_1059 : vector<16xf32>
        %swap3A_1061 = arith.constant 208 : index
        %swap3A_1062 = tpu.vector_load %arg14[%swap3A_1061] {strides = array<i32>} : memref<256xf32, #tpu.memory_space<vmem>>, vector<16xf32>,
        tpu.vector_store %arg14[%swap3A_1061], %add3A_1060 {strides = array<i32>} : memref<256xf32, #tpu.memory_space<vmem>>, vector<16xf32>,
        %mul3A_1063 = arith.constant 16 : i32
        %mul3A_1064 = arith.muli %scan3A_96, %mul3A_1063 : i32
        %add3A_1065 = arith.constant 14 : i32
        %add3A_1066 = arith.addi %mul3A_1064, %add3A_1065 : i32
        %get3A_1067 = arith.index_cast %add3A_1066 : i32 to index
        %get3A_1068 = arith.constant 0 : index
        %get3A_1069 = tpu.vector_load %arg10[%get3A_1067, %get3A_1068] {strides = array<i32>} : memref<80x128xf32, #tpu.memory_space<vmem>>, vector<16xf32>,
        %get3A_1070 = arith.index_cast %add3A_1066 : i32 to index
        %get3A_1071 = arith.constant 0 : index
        %get3A_1072 = tpu.vector_load %arg11[%get3A_1070, %get3A_1071] {strides = array<i32>} : memref<80x128xf32, #tpu.memory_space<vmem>>, vector<16xf32>,
        %mul3A_1073 = arith.mulf %get3A_1069, %get3A_1072 : vector<16xf32>
        %get3A_1074 = arith.index_cast %add3A_1066 : i32 to index
        %get3A_1075 = arith.constant 16 : index
        %get3A_1076 = tpu.vector_load %arg10[%get3A_1074, %get3A_1075] {strides = array<i32>} : memref<80x128xf32, #tpu.memory_space<vmem>>, vector<16xf32>,
        %get3A_1077 = arith.index_cast %add3A_1066 : i32 to index
        %get3A_1078 = arith.constant 16 : index
        %get3A_1079 = tpu.vector_load %arg11[%get3A_1077, %get3A_1078] {strides = array<i32>} : memref<80x128xf32, #tpu.memory_space<vmem>>, vector<16xf32>,
        %mul3A_1080 = arith.mulf %get3A_1076, %get3A_1079 : vector<16xf32>
        %add3A_1081 = arith.addf %mul3A_1073, %mul3A_1080 : vector<16xf32>
        %get3A_1082 = arith.index_cast %add3A_1066 : i32 to index
        %get3A_1083 = arith.constant 32 : index
        %get3A_1084 = tpu.vector_load %arg10[%get3A_1082, %get3A_1083] {strides = array<i32>} : memref<80x128xf32, #tpu.memory_space<vmem>>, vector<16xf32>,
        %get3A_1085 = arith.index_cast %add3A_1066 : i32 to index
        %get3A_1086 = arith.constant 32 : index
        %get3A_1087 = tpu.vector_load %arg11[%get3A_1085, %get3A_1086] {strides = array<i32>} : memref<80x128xf32, #tpu.memory_space<vmem>>, vector<16xf32>,
        %mul3A_1088 = arith.mulf %get3A_1084, %get3A_1087 : vector<16xf32>
        %add3A_1089 = arith.addf %add3A_1081, %mul3A_1088 : vector<16xf32>
        %get3A_1090 = arith.index_cast %add3A_1066 : i32 to index
        %get3A_1091 = arith.constant 48 : index
        %get3A_1092 = tpu.vector_load %arg10[%get3A_1090, %get3A_1091] {strides = array<i32>} : memref<80x128xf32, #tpu.memory_space<vmem>>, vector<16xf32>,
        %get3A_1093 = arith.index_cast %add3A_1066 : i32 to index
        %get3A_1094 = arith.constant 48 : index
        %get3A_1095 = tpu.vector_load %arg11[%get3A_1093, %get3A_1094] {strides = array<i32>} : memref<80x128xf32, #tpu.memory_space<vmem>>, vector<16xf32>,
        %mul3A_1096 = arith.mulf %get3A_1092, %get3A_1095 : vector<16xf32>
        %add3A_1097 = arith.addf %add3A_1089, %mul3A_1096 : vector<16xf32>
        %get3A_1098 = arith.index_cast %add3A_1066 : i32 to index
        %get3A_1099 = arith.constant 64 : index
        %get3A_1100 = tpu.vector_load %arg10[%get3A_1098, %get3A_1099] {strides = array<i32>} : memref<80x128xf32, #tpu.memory_space<vmem>>, vector<16xf32>,
        %get3A_1101 = arith.index_cast %add3A_1066 : i32 to index
        %get3A_1102 = arith.constant 64 : index
        %get3A_1103 = tpu.vector_load %arg11[%get3A_1101, %get3A_1102] {strides = array<i32>} : memref<80x128xf32, #tpu.memory_space<vmem>>, vector<16xf32>,
        %mul3A_1104 = arith.mulf %get3A_1100, %get3A_1103 : vector<16xf32>
        %add3A_1105 = arith.addf %add3A_1097, %mul3A_1104 : vector<16xf32>
        %get3A_1106 = arith.index_cast %add3A_1066 : i32 to index
        %get3A_1107 = arith.constant 80 : index
        %get3A_1108 = tpu.vector_load %arg10[%get3A_1106, %get3A_1107] {strides = array<i32>} : memref<80x128xf32, #tpu.memory_space<vmem>>, vector<16xf32>,
        %get3A_1109 = arith.index_cast %add3A_1066 : i32 to index
        %get3A_1110 = arith.constant 80 : index
        %get3A_1111 = tpu.vector_load %arg11[%get3A_1109, %get3A_1110] {strides = array<i32>} : memref<80x128xf32, #tpu.memory_space<vmem>>, vector<16xf32>,
        %mul3A_1112 = arith.mulf %get3A_1108, %get3A_1111 : vector<16xf32>
        %add3A_1113 = arith.addf %add3A_1105, %mul3A_1112 : vector<16xf32>
        %get3A_1114 = arith.index_cast %add3A_1066 : i32 to index
        %get3A_1115 = arith.constant 96 : index
        %get3A_1116 = tpu.vector_load %arg10[%get3A_1114, %get3A_1115] {strides = array<i32>} : memref<80x128xf32, #tpu.memory_space<vmem>>, vector<16xf32>,
        %get3A_1117 = arith.index_cast %add3A_1066 : i32 to index
        %get3A_1118 = arith.constant 96 : index
        %get3A_1119 = tpu.vector_load %arg11[%get3A_1117, %get3A_1118] {strides = array<i32>} : memref<80x128xf32, #tpu.memory_space<vmem>>, vector<16xf32>,
        %mul3A_1120 = arith.mulf %get3A_1116, %get3A_1119 : vector<16xf32>
        %add3A_1121 = arith.addf %add3A_1113, %mul3A_1120 : vector<16xf32>
        %get3A_1122 = arith.index_cast %add3A_1066 : i32 to index
        %get3A_1123 = arith.constant 112 : index
        %get3A_1124 = tpu.vector_load %arg10[%get3A_1122, %get3A_1123] {strides = array<i32>} : memref<80x128xf32, #tpu.memory_space<vmem>>, vector<16xf32>,
        %get3A_1125 = arith.index_cast %add3A_1066 : i32 to index
        %get3A_1126 = arith.constant 112 : index
        %get3A_1127 = tpu.vector_load %arg11[%get3A_1125, %get3A_1126] {strides = array<i32>} : memref<80x128xf32, #tpu.memory_space<vmem>>, vector<16xf32>,
        %mul3A_1128 = arith.mulf %get3A_1124, %get3A_1127 : vector<16xf32>
        %add3A_1129 = arith.addf %add3A_1121, %mul3A_1128 : vector<16xf32>
        %swap3A_1130 = arith.constant 224 : index
        %swap3A_1131 = tpu.vector_load %arg14[%swap3A_1130] {strides = array<i32>} : memref<256xf32, #tpu.memory_space<vmem>>, vector<16xf32>,
        tpu.vector_store %arg14[%swap3A_1130], %add3A_1129 {strides = array<i32>} : memref<256xf32, #tpu.memory_space<vmem>>, vector<16xf32>,
        %mul3A_1132 = arith.constant 16 : i32
        %mul3A_1133 = arith.muli %scan3A_96, %mul3A_1132 : i32
        %add3A_1134 = arith.constant 15 : i32
        %add3A_1135 = arith.addi %mul3A_1133, %add3A_1134 : i32
        %get3A_1136 = arith.index_cast %add3A_1135 : i32 to index
        %get3A_1137 = arith.constant 0 : index
        %get3A_1138 = tpu.vector_load %arg10[%get3A_1136, %get3A_1137] {strides = array<i32>} : memref<80x128xf32, #tpu.memory_space<vmem>>, vector<16xf32>,
        %get3A_1139 = arith.index_cast %add3A_1135 : i32 to index
        %get3A_1140 = arith.constant 0 : index
        %get3A_1141 = tpu.vector_load %arg11[%get3A_1139, %get3A_1140] {strides = array<i32>} : memref<80x128xf32, #tpu.memory_space<vmem>>, vector<16xf32>,
        %mul3A_1142 = arith.mulf %get3A_1138, %get3A_1141 : vector<16xf32>
        %get3A_1143 = arith.index_cast %add3A_1135 : i32 to index
        %get3A_1144 = arith.constant 16 : index
        %get3A_1145 = tpu.vector_load %arg10[%get3A_1143, %get3A_1144] {strides = array<i32>} : memref<80x128xf32, #tpu.memory_space<vmem>>, vector<16xf32>,
        %get3A_1146 = arith.index_cast %add3A_1135 : i32 to index
        %get3A_1147 = arith.constant 16 : index
        %get3A_1148 = tpu.vector_load %arg11[%get3A_1146, %get3A_1147] {strides = array<i32>} : memref<80x128xf32, #tpu.memory_space<vmem>>, vector<16xf32>,
        %mul3A_1149 = arith.mulf %get3A_1145, %get3A_1148 : vector<16xf32>
        %add3A_1150 = arith.addf %mul3A_1142, %mul3A_1149 : vector<16xf32>
        %get3A_1151 = arith.index_cast %add3A_1135 : i32 to index
        %get3A_1152 = arith.constant 32 : index
        %get3A_1153 = tpu.vector_load %arg10[%get3A_1151, %get3A_1152] {strides = array<i32>} : memref<80x128xf32, #tpu.memory_space<vmem>>, vector<16xf32>,
        %get3A_1154 = arith.index_cast %add3A_1135 : i32 to index
        %get3A_1155 = arith.constant 32 : index
        %get3A_1156 = tpu.vector_load %arg11[%get3A_1154, %get3A_1155] {strides = array<i32>} : memref<80x128xf32, #tpu.memory_space<vmem>>, vector<16xf32>,
        %mul3A_1157 = arith.mulf %get3A_1153, %get3A_1156 : vector<16xf32>
        %add3A_1158 = arith.addf %add3A_1150, %mul3A_1157 : vector<16xf32>
        %get3A_1159 = arith.index_cast %add3A_1135 : i32 to index
        %get3A_1160 = arith.constant 48 : index
        %get3A_1161 = tpu.vector_load %arg10[%get3A_1159, %get3A_1160] {strides = array<i32>} : memref<80x128xf32, #tpu.memory_space<vmem>>, vector<16xf32>,
        %get3A_1162 = arith.index_cast %add3A_1135 : i32 to index
        %get3A_1163 = arith.constant 48 : index
        %get3A_1164 = tpu.vector_load %arg11[%get3A_1162, %get3A_1163] {strides = array<i32>} : memref<80x128xf32, #tpu.memory_space<vmem>>, vector<16xf32>,
        %mul3A_1165 = arith.mulf %get3A_1161, %get3A_1164 : vector<16xf32>
        %add3A_1166 = arith.addf %add3A_1158, %mul3A_1165 : vector<16xf32>
        %get3A_1167 = arith.index_cast %add3A_1135 : i32 to index
        %get3A_1168 = arith.constant 64 : index
        %get3A_1169 = tpu.vector_load %arg10[%get3A_1167, %get3A_1168] {strides = array<i32>} : memref<80x128xf32, #tpu.memory_space<vmem>>, vector<16xf32>,
        %get3A_1170 = arith.index_cast %add3A_1135 : i32 to index
        %get3A_1171 = arith.constant 64 : index
        %get3A_1172 = tpu.vector_load %arg11[%get3A_1170, %get3A_1171] {strides = array<i32>} : memref<80x128xf32, #tpu.memory_space<vmem>>, vector<16xf32>,
        %mul3A_1173 = arith.mulf %get3A_1169, %get3A_1172 : vector<16xf32>
        %add3A_1174 = arith.addf %add3A_1166, %mul3A_1173 : vector<16xf32>
        %get3A_1175 = arith.index_cast %add3A_1135 : i32 to index
        %get3A_1176 = arith.constant 80 : index
        %get3A_1177 = tpu.vector_load %arg10[%get3A_1175, %get3A_1176] {strides = array<i32>} : memref<80x128xf32, #tpu.memory_space<vmem>>, vector<16xf32>,
        %get3A_1178 = arith.index_cast %add3A_1135 : i32 to index
        %get3A_1179 = arith.constant 80 : index
        %get3A_1180 = tpu.vector_load %arg11[%get3A_1178, %get3A_1179] {strides = array<i32>} : memref<80x128xf32, #tpu.memory_space<vmem>>, vector<16xf32>,
        %mul3A_1181 = arith.mulf %get3A_1177, %get3A_1180 : vector<16xf32>
        %add3A_1182 = arith.addf %add3A_1174, %mul3A_1181 : vector<16xf32>
        %get3A_1183 = arith.index_cast %add3A_1135 : i32 to index
        %get3A_1184 = arith.constant 96 : index
        %get3A_1185 = tpu.vector_load %arg10[%get3A_1183, %get3A_1184] {strides = array<i32>} : memref<80x128xf32, #tpu.memory_space<vmem>>, vector<16xf32>,
        %get3A_1186 = arith.index_cast %add3A_1135 : i32 to index
        %get3A_1187 = arith.constant 96 : index
        %get3A_1188 = tpu.vector_load %arg11[%get3A_1186, %get3A_1187] {strides = array<i32>} : memref<80x128xf32, #tpu.memory_space<vmem>>, vector<16xf32>,
        %mul3A_1189 = arith.mulf %get3A_1185, %get3A_1188 : vector<16xf32>
        %add3A_1190 = arith.addf %add3A_1182, %mul3A_1189 : vector<16xf32>
        %get3A_1191 = arith.index_cast %add3A_1135 : i32 to index
        %get3A_1192 = arith.constant 112 : index
        %get3A_1193 = tpu.vector_load %arg10[%get3A_1191, %get3A_1192] {strides = array<i32>} : memref<80x128xf32, #tpu.memory_space<vmem>>, vector<16xf32>,
        %get3A_1194 = arith.index_cast %add3A_1135 : i32 to index
        %get3A_1195 = arith.constant 112 : index
        %get3A_1196 = tpu.vector_load %arg11[%get3A_1194, %get3A_1195] {strides = array<i32>} : memref<80x128xf32, #tpu.memory_space<vmem>>, vector<16xf32>,
        %mul3A_1197 = arith.mulf %get3A_1193, %get3A_1196 : vector<16xf32>
        %add3A_1198 = arith.addf %add3A_1190, %mul3A_1197 : vector<16xf32>
        %swap3A_1199 = arith.constant 240 : index
        %swap3A_1200 = tpu.vector_load %arg14[%swap3A_1199] {strides = array<i32>} : memref<256xf32, #tpu.memory_space<vmem>>, vector<16xf32>,
        tpu.vector_store %arg14[%swap3A_1199], %add3A_1198 {strides = array<i32>} : memref<256xf32, #tpu.memory_space<vmem>>, vector<16xf32>,
        %mul3A_1201 = arith.constant 16 : i32
        %mul3A_1202 = vector.broadcast %mul3A_1201 : i32 to vector<16xi32>
        %mul3A_1203 = arith.muli %iota3A, %mul3A_1202 : vector<16xi32>
        %gather3A = tpu.vector_load_idx %arg14[%mul3A_1203] : memref<256xf32, #tpu.memory_space<vmem>>[vector<16xi32>], vector<16xf32>,
        %add3A_1204 = arith.constant 1 : i32
        %add3A_1205 = vector.broadcast %add3A_1204 : i32 to vector<16xi32>
        %add3A_1206 = arith.addi %mul3A_1203, %add3A_1205 : vector<16xi32>
        %gather3A_1207 = tpu.vector_load_idx %arg14[%add3A_1206] : memref<256xf32, #tpu.memory_space<vmem>>[vector<16xi32>], vector<16xf32>,
        %add3A_1208 = arith.constant 2 : i32
        %add3A_1209 = vector.broadcast %add3A_1208 : i32 to vector<16xi32>
        %add3A_1210 = arith.addi %mul3A_1203, %add3A_1209 : vector<16xi32>
        %gather3A_1211 = tpu.vector_load_idx %arg14[%add3A_1210] : memref<256xf32, #tpu.memory_space<vmem>>[vector<16xi32>], vector<16xf32>,
        %add3A_1212 = arith.constant 3 : i32
        %add3A_1213 = vector.broadcast %add3A_1212 : i32 to vector<16xi32>
        %add3A_1214 = arith.addi %mul3A_1203, %add3A_1213 : vector<16xi32>
        %gather3A_1215 = tpu.vector_load_idx %arg14[%add3A_1214] : memref<256xf32, #tpu.memory_space<vmem>>[vector<16xi32>], vector<16xf32>,
        %add3A_1216 = arith.constant 4 : i32
        %add3A_1217 = vector.broadcast %add3A_1216 : i32 to vector<16xi32>
        %add3A_1218 = arith.addi %mul3A_1203, %add3A_1217 : vector<16xi32>
        %gather3A_1219 = tpu.vector_load_idx %arg14[%add3A_1218] : memref<256xf32, #tpu.memory_space<vmem>>[vector<16xi32>], vector<16xf32>,
        %add3A_1220 = arith.addf %gather3A, %gather3A_1219 : vector<16xf32>
        %add3A_1221 = arith.constant 5 : i32
        %add3A_1222 = vector.broadcast %add3A_1221 : i32 to vector<16xi32>
        %add3A_1223 = arith.addi %mul3A_1203, %add3A_1222 : vector<16xi32>
        %gather3A_1224 = tpu.vector_load_idx %arg14[%add3A_1223] : memref<256xf32, #tpu.memory_space<vmem>>[vector<16xi32>], vector<16xf32>,
        %add3A_1225 = arith.addf %gather3A_1207, %gather3A_1224 : vector<16xf32>
        %add3A_1226 = arith.constant 6 : i32
        %add3A_1227 = vector.broadcast %add3A_1226 : i32 to vector<16xi32>
        %add3A_1228 = arith.addi %mul3A_1203, %add3A_1227 : vector<16xi32>
        %gather3A_1229 = tpu.vector_load_idx %arg14[%add3A_1228] : memref<256xf32, #tpu.memory_space<vmem>>[vector<16xi32>], vector<16xf32>,
        %add3A_1230 = arith.addf %gather3A_1211, %gather3A_1229 : vector<16xf32>
        %add3A_1231 = arith.constant 7 : i32
        %add3A_1232 = vector.broadcast %add3A_1231 : i32 to vector<16xi32>
        %add3A_1233 = arith.addi %mul3A_1203, %add3A_1232 : vector<16xi32>
        %gather3A_1234 = tpu.vector_load_idx %arg14[%add3A_1233] : memref<256xf32, #tpu.memory_space<vmem>>[vector<16xi32>], vector<16xf32>,
        %add3A_1235 = arith.addf %gather3A_1215, %gather3A_1234 : vector<16xf32>
        %add3A_1236 = arith.constant 8 : i32
        %add3A_1237 = vector.broadcast %add3A_1236 : i32 to vector<16xi32>
        %add3A_1238 = arith.addi %mul3A_1203, %add3A_1237 : vector<16xi32>
        %gather3A_1239 = tpu.vector_load_idx %arg14[%add3A_1238] : memref<256xf32, #tpu.memory_space<vmem>>[vector<16xi32>], vector<16xf32>,
        %add3A_1240 = arith.addf %add3A_1220, %gather3A_1239 : vector<16xf32>
        %add3A_1241 = arith.constant 9 : i32
        %add3A_1242 = vector.broadcast %add3A_1241 : i32 to vector<16xi32>
        %add3A_1243 = arith.addi %mul3A_1203, %add3A_1242 : vector<16xi32>
        %gather3A_1244 = tpu.vector_load_idx %arg14[%add3A_1243] : memref<256xf32, #tpu.memory_space<vmem>>[vector<16xi32>], vector<16xf32>,
        %add3A_1245 = arith.addf %add3A_1225, %gather3A_1244 : vector<16xf32>
        %add3A_1246 = arith.constant 10 : i32
        %add3A_1247 = vector.broadcast %add3A_1246 : i32 to vector<16xi32>
        %add3A_1248 = arith.addi %mul3A_1203, %add3A_1247 : vector<16xi32>
        %gather3A_1249 = tpu.vector_load_idx %arg14[%add3A_1248] : memref<256xf32, #tpu.memory_space<vmem>>[vector<16xi32>], vector<16xf32>,
        %add3A_1250 = arith.addf %add3A_1230, %gather3A_1249 : vector<16xf32>
        %add3A_1251 = arith.constant 11 : i32
        %add3A_1252 = vector.broadcast %add3A_1251 : i32 to vector<16xi32>
        %add3A_1253 = arith.addi %mul3A_1203, %add3A_1252 : vector<16xi32>
        %gather3A_1254 = tpu.vector_load_idx %arg14[%add3A_1253] : memref<256xf32, #tpu.memory_space<vmem>>[vector<16xi32>], vector<16xf32>,
        %add3A_1255 = arith.addf %add3A_1235, %gather3A_1254 : vector<16xf32>
        %add3A_1256 = arith.constant 12 : i32
        %add3A_1257 = vector.broadcast %add3A_1256 : i32 to vector<16xi32>
        %add3A_1258 = arith.addi %mul3A_1203, %add3A_1257 : vector<16xi32>
        %gather3A_1259 = tpu.vector_load_idx %arg14[%add3A_1258] : memref<256xf32, #tpu.memory_space<vmem>>[vector<16xi32>], vector<16xf32>,
        %add3A_1260 = arith.addf %add3A_1240, %gather3A_1259 : vector<16xf32>
        %add3A_1261 = arith.constant 13 : i32
        %add3A_1262 = vector.broadcast %add3A_1261 : i32 to vector<16xi32>
        %add3A_1263 = arith.addi %mul3A_1203, %add3A_1262 : vector<16xi32>
        %gather3A_1264 = tpu.vector_load_idx %arg14[%add3A_1263] : memref<256xf32, #tpu.memory_space<vmem>>[vector<16xi32>], vector<16xf32>,
        %add3A_1265 = arith.addf %add3A_1245, %gather3A_1264 : vector<16xf32>
        %add3A_1266 = arith.constant 14 : i32
        %add3A_1267 = vector.broadcast %add3A_1266 : i32 to vector<16xi32>
        %add3A_1268 = arith.addi %mul3A_1203, %add3A_1267 : vector<16xi32>
        %gather3A_1269 = tpu.vector_load_idx %arg14[%add3A_1268] : memref<256xf32, #tpu.memory_space<vmem>>[vector<16xi32>], vector<16xf32>,
        %add3A_1270 = arith.addf %add3A_1250, %gather3A_1269 : vector<16xf32>
        %add3A_1271 = arith.constant 15 : i32
        %add3A_1272 = vector.broadcast %add3A_1271 : i32 to vector<16xi32>
        %add3A_1273 = arith.addi %mul3A_1203, %add3A_1272 : vector<16xi32>
        %gather3A_1274 = tpu.vector_load_idx %arg14[%add3A_1273] : memref<256xf32, #tpu.memory_space<vmem>>[vector<16xi32>], vector<16xf32>,
        %add3A_1275 = arith.addf %add3A_1255, %gather3A_1274 : vector<16xf32>
        %add3A_1276 = arith.addf %add3A_1260, %add3A_1265 : vector<16xf32>
        %add3A_1277 = arith.addf %add3A_1270, %add3A_1275 : vector<16xf32>
        %add3A_1278 = arith.addf %add3A_1276, %add3A_1277 : vector<16xf32>
        %neg3A = arith.constant 0.000000e+00 : f32
        %neg3A_1279 = vector.broadcast %neg3A : f32 to vector<16xf32>
        %neg3A_1280 = arith.subf %neg3A_1279, %add3A_1278 : vector<16xf32>
        %exp3A = math.exp %neg3A_1280 : vector<16xf32>
        %add3A_1281 = arith.constant 1.000000e+00 : f32
        %add3A_1282 = vector.broadcast %add3A_1281 : f32 to vector<16xf32>
        %add3A_1283 = arith.addf %add3A_1282, %exp3A : vector<16xf32>
        %div3A = arith.constant 1.000000e+00 : f32
        %div3A_1284 = vector.broadcast %div3A : f32 to vector<16xf32>
        %div3A_1285 = arith.divf %div3A_1284, %add3A_1283 : vector<16xf32>
        %sub3A = arith.constant 1.000000e+00 : f32
        %sub3A_1286 = vector.broadcast %sub3A : f32 to vector<16xf32>
        %sub3A_1287 = arith.subf %sub3A_1286, %div3A_1285 : vector<16xf32>
        %add3A_1288 = arith.constant 1.000000e-15 : f32
        %add3A_1289 = vector.broadcast %add3A_1288 : f32 to vector<16xf32>
        %add3A_1290 = arith.addf %sub3A_1287, %add3A_1289 : vector<16xf32>
        %add3A_1291 = arith.constant 1.000000e-15 : f32
        %add3A_1292 = vector.broadcast %add3A_1291 : f32 to vector<16xf32>
        %add3A_1293 = arith.addf %div3A_1285, %add3A_1292 : vector<16xf32>
        %select_n3A = arith.select %broadcast_in_dim3A, %add3A_1290, %add3A_1293 : vector<16xi1>, vector<16xf32>
        %bitcast3A = vector.bitcast %select_n3A : vector<16xf32> to vector<16xi32>
        %shift_right_arithmetic3A = arith.constant 23 : i32
        %shift_right_arithmetic3A_1294 = vector.broadcast %shift_right_arithmetic3A : i32 to vector<16xi32>
        %shift_right_arithmetic3A_1295 = arith.shrsi %bitcast3A, %shift_right_arithmetic3A_1294 : vector<16xi32>
        %sub3A_1296 = arith.constant 127 : i32
        %sub3A_1297 = vector.broadcast %sub3A_1296 : i32 to vector<16xi32>
        %sub3A_1298 = arith.subi %shift_right_arithmetic3A_1295, %sub3A_1297 : vector<16xi32>
        %and3A = arith.constant 8388607 : i32
        %and3A_1299 = vector.broadcast %and3A : i32 to vector<16xi32>
        %and3A_1300 = arith.andi %bitcast3A, %and3A_1299 : vector<16xi32>
        %or3A = arith.constant 1065353216 : i32
        %or3A_1301 = vector.broadcast %or3A : i32 to vector<16xi32>
        %or3A_1302 = arith.ori %and3A_1300, %or3A_1301 : vector<16xi32>
        %bitcast3A_1303 = vector.bitcast %or3A_1302 : vector<16xi32> to vector<16xf32>
        %ge3A_1304 = arith.constant 1.41421354 : f32
        %ge3A_1305 = vector.broadcast %ge3A_1304 : f32 to vector<16xf32>
        %ge3A_1306 = arith.cmpf oge, %bitcast3A_1303, %ge3A_1305 : vector<16xf32>
        %mul3A_1307 = arith.constant 5.000000e-01 : f32
        %mul3A_1308 = vector.broadcast %mul3A_1307 : f32 to vector<16xf32>
        %mul3A_1309 = arith.mulf %bitcast3A_1303, %mul3A_1308 : vector<16xf32>
        %select_n3A_1310 = arith.select %ge3A_1306, %mul3A_1309, %bitcast3A_1303 : vector<16xi1>, vector<16xf32>
        %convert_element_type3A_1311 = arith.extui %ge3A_1306 : vector<16xi1> to vector<16xi32>
        %add3A_1312 = arith.addi %sub3A_1298, %convert_element_type3A_1311 : vector<16xi32>
        %convert_element_type3A_1313 = arith.sitofp %add3A_1312 : vector<16xi32> to vector<16xf32>
        %sub3A_1314 = arith.constant 1.000000e+00 : f32
        %sub3A_1315 = vector.broadcast %sub3A_1314 : f32 to vector<16xf32>
        %sub3A_1316 = arith.subf %select_n3A_1310, %sub3A_1315 : vector<16xf32>
        %add3A_1317 = arith.constant 1.000000e+00 : f32
        %add3A_1318 = vector.broadcast %add3A_1317 : f32 to vector<16xf32>
        %add3A_1319 = arith.addf %select_n3A_1310, %add3A_1318 : vector<16xf32>
        %div3A_1320 = arith.divf %sub3A_1316, %add3A_1319 : vector<16xf32>
        %mul3A_1321 = arith.mulf %div3A_1320, %div3A_1320 : vector<16xf32>
        %mul3A_1322 = arith.constant 0.0909090936 : f32
        %mul3A_1323 = vector.broadcast %mul3A_1322 : f32 to vector<16xf32>
        %mul3A_1324 = arith.mulf %mul3A_1323, %mul3A_1321 : vector<16xf32>
        %add3A_1325 = arith.constant 0.111111112 : f32
        %add3A_1326 = vector.broadcast %add3A_1325 : f32 to vector<16xf32>
        %add3A_1327 = arith.addf %mul3A_1324, %add3A_1326 : vector<16xf32>
        %mul3A_1328 = arith.mulf %add3A_1327, %mul3A_1321 : vector<16xf32>
        %add3A_1329 = arith.constant 0.142857149 : f32
        %add3A_1330 = vector.broadcast %add3A_1329 : f32 to vector<16xf32>
        %add3A_1331 = arith.addf %mul3A_1328, %add3A_1330 : vector<16xf32>
        %mul3A_1332 = arith.mulf %add3A_1331, %mul3A_1321 : vector<16xf32>
        %add3A_1333 = arith.constant 2.000000e-01 : f32
        %add3A_1334 = vector.broadcast %add3A_1333 : f32 to vector<16xf32>
        %add3A_1335 = arith.addf %mul3A_1332, %add3A_1334 : vector<16xf32>
        %mul3A_1336 = arith.mulf %add3A_1335, %mul3A_1321 : vector<16xf32>
        %add3A_1337 = arith.constant 0.333333343 : f32
        %add3A_1338 = vector.broadcast %add3A_1337 : f32 to vector<16xf32>
        %add3A_1339 = arith.addf %mul3A_1336, %add3A_1338 : vector<16xf32>
        %mul3A_1340 = arith.constant 0.693147182 : f32
        %mul3A_1341 = vector.broadcast %mul3A_1340 : f32 to vector<16xf32>
        %mul3A_1342 = arith.mulf %convert_element_type3A_1313, %mul3A_1341 : vector<16xf32>
        %mul3A_1343 = arith.constant 2.000000e+00 : f32
        %mul3A_1344 = vector.broadcast %mul3A_1343 : f32 to vector<16xf32>
        %mul3A_1345 = arith.mulf %mul3A_1344, %div3A_1320 : vector<16xf32>
        %mul3A_1346 = arith.mulf %mul3A_1321, %add3A_1339 : vector<16xf32>
        %add3A_1347 = arith.constant 1.000000e+00 : f32
        %add3A_1348 = vector.broadcast %add3A_1347 : f32 to vector<16xf32>
        %add3A_1349 = arith.addf %add3A_1348, %mul3A_1346 : vector<16xf32>
        %mul3A_1350 = arith.mulf %mul3A_1345, %add3A_1349 : vector<16xf32>
        %add3A_1351 = arith.addf %mul3A_1342, %mul3A_1350 : vector<16xf32>
        %sub3A_1352 = arith.subf %scan3A_97, %add3A_1351 : vector<16xf32>
        scf.yield %sub3A_1352 : vector<16xf32>
      }
      %scan3A_72 = arith.constant 5 : i32
      %lt3A_73 = arith.constant 124 : i32
      %lt3A_74 = arith.cmpi slt, %scan3A_35, %lt3A_73 : i32
      %convert_element_type3A_75 = arith.extui %lt3A_74 : i1 to i32
      %cond3A_76 = arith.constant 0 : i32
      %cond3A_77 = arith.cmpi ne, %convert_element_type3A_75, %cond3A_76 : i32
      scf.if %cond3A_77 {
        %dma_wait3A_96 = arith.constant 0 : i32
        %dma_wait3A_97 = tpu.memref_slice %arg3[%dma_wait3A_96] : memref<640000xi32, #tpu.memory_space<hbm>> -> memref<80xi32, #tpu.memory_space<hbm>>
        %dma_wait3A_98 = arith.constant 0 : i32
        %dma_wait3A_99 = tpu.memref_slice %arg3[%dma_wait3A_98] : memref<640000xi32, #tpu.memory_space<hbm>> -> memref<80xi32, #tpu.memory_space<hbm>>
        tpu.wait_dma2 semaphore(%arg20 : memref<!tpu.dma_semaphore, #tpu.memory_space<semaphore_mem>>) src(%dma_wait3A_99 : memref<80xi32, #tpu.memory_space<hbm>>) dst(%arg6 : memref<80xi32, #tpu.memory_space<vmem>>)
        %dma_wait3A_100 = arith.constant 0 : i32
        %dma_wait3A_101 = tpu.memref_slice %arg3[%dma_wait3A_100] : memref<640000xi32, #tpu.memory_space<hbm>> -> memref<80xi32, #tpu.memory_space<hbm>>
        %dma_wait3A_102 = arith.constant 0 : i32
        %dma_wait3A_103 = tpu.memref_slice %arg3[%dma_wait3A_102] : memref<640000xi32, #tpu.memory_space<hbm>> -> memref<80xi32, #tpu.memory_space<hbm>>
        tpu.wait_dma2 semaphore(%arg20 : memref<!tpu.dma_semaphore, #tpu.memory_space<semaphore_mem>>) src(%dma_wait3A_103 : memref<80xi32, #tpu.memory_space<hbm>>) dst(%arg7 : memref<80xi32, #tpu.memory_space<vmem>>)
        %dma_start3A_104 = arith.constant 0 : i32
        %dma_start3A_105 = arith.constant 0 : i32
        %dma_start3A_106 = tpu.memref_slice %arg19[%dma_start3A_104, %dma_start3A_105] : memref<10000x128xf32, #tpu.memory_space<vmem_shared>> -> memref<10000x128xf32, #tpu.memory_space<vmem_shared>>
        tpu.enqueue_indirect_dma source(%dma_start3A_106 : memref<10000x128xf32, #tpu.memory_space<vmem_shared>>) target(%arg10 : memref<80x128xf32, #tpu.memory_space<vmem>>) offsets(%arg6 : memref<80xi32, #tpu.memory_space<vmem>>) semaphore(%arg22 : memref<!tpu.dma_semaphore, #tpu.memory_space<semaphore_mem>>)
        %dma_start3A_107 = arith.constant 0 : i32
        %dma_start3A_108 = arith.constant 0 : i32
        %dma_start3A_109 = tpu.memref_slice %arg19[%dma_start3A_107, %dma_start3A_108] : memref<10000x128xf32, #tpu.memory_space<vmem_shared>> -> memref<10000x128xf32, #tpu.memory_space<vmem_shared>>
        tpu.enqueue_indirect_dma source(%dma_start3A_109 : memref<10000x128xf32, #tpu.memory_space<vmem_shared>>) target(%arg11 : memref<80x128xf32, #tpu.memory_space<vmem>>) offsets(%arg7 : memref<80xi32, #tpu.memory_space<vmem>>) semaphore(%arg22 : memref<!tpu.dma_semaphore, #tpu.memory_space<semaphore_mem>>)
        %mul3A_110 = arith.constant 2 : i32
        %mul3A_111 = arith.muli %mul3A_110, %scan3A_35 : i32
        %add3A_112 = arith.constant 3 : i32
        %add3A_113 = arith.addi %mul3A_111, %add3A_112 : i32
        %mul3A_114 = arith.constant 80 : i32
        %mul3A_115 = arith.muli %add3A_113, %mul3A_114 : i32
        %add3A_116 = arith.addi %mul3A_2, %mul3A_115 : i32
        %dma_start3A_117 = tpu.memref_slice %arg3[%add3A_116] : memref<640000xi32, #tpu.memory_space<hbm>> -> memref<80xi32, #tpu.memory_space<hbm>>
        %dma_start3A_118 = tpu.memref_slice %arg3[%add3A_116] : memref<640000xi32, #tpu.memory_space<hbm>> -> memref<80xi32, #tpu.memory_space<hbm>>
        tpu.enqueue_dma source(%dma_start3A_118 : memref<80xi32, #tpu.memory_space<hbm>>) target(%arg8 : memref<80xi32, #tpu.memory_space<vmem>>) target_semaphore(%arg21 : memref<!tpu.dma_semaphore, #tpu.memory_space<semaphore_mem>>)
        %dma_start3A_119 = tpu.memref_slice %arg4[%add3A_116] : memref<640000xi32, #tpu.memory_space<hbm>> -> memref<80xi32, #tpu.memory_space<hbm>>
        %dma_start3A_120 = tpu.memref_slice %arg4[%add3A_116] : memref<640000xi32, #tpu.memory_space<hbm>> -> memref<80xi32, #tpu.memory_space<hbm>>
        tpu.enqueue_dma source(%dma_start3A_120 : memref<80xi32, #tpu.memory_space<hbm>>) target(%arg9 : memref<80xi32, #tpu.memory_space<vmem>>) target_semaphore(%arg21 : memref<!tpu.dma_semaphore, #tpu.memory_space<semaphore_mem>>)
      } else {
      }
      %dma_wait3A_78 = arith.constant 0 : i32
      %dma_wait3A_79 = arith.constant 0 : i32
      %dma_wait3A_80 = tpu.memref_slice %arg2[%dma_wait3A_78, %dma_wait3A_79] : memref<10000x128xf32, #tpu.memory_space<hbm>> -> memref<80x128xf32, #tpu.memory_space<hbm>>
      %dma_wait3A_81 = arith.constant 0 : i32
      %dma_wait3A_82 = arith.constant 0 : i32
      %dma_wait3A_83 = tpu.memref_slice %arg2[%dma_wait3A_81, %dma_wait3A_82] : memref<10000x128xf32, #tpu.memory_space<hbm>> -> memref<80x128xf32, #tpu.memory_space<hbm>>
      tpu.wait_dma2 semaphore(%arg23 : memref<!tpu.dma_semaphore, #tpu.memory_space<semaphore_mem>>) src(%dma_wait3A_83 : memref<80x128xf32, #tpu.memory_space<hbm>>) dst(%arg12 : memref<80x128xf32, #tpu.memory_space<vmem>>)
      %dma_wait3A_84 = arith.constant 0 : i32
      %dma_wait3A_85 = arith.constant 0 : i32
      %dma_wait3A_86 = tpu.memref_slice %arg2[%dma_wait3A_84, %dma_wait3A_85] : memref<10000x128xf32, #tpu.memory_space<hbm>> -> memref<80x128xf32, #tpu.memory_space<hbm>>
      %dma_wait3A_87 = arith.constant 0 : i32
      %dma_wait3A_88 = arith.constant 0 : i32
      %dma_wait3A_89 = tpu.memref_slice %arg2[%dma_wait3A_87, %dma_wait3A_88] : memref<10000x128xf32, #tpu.memory_space<hbm>> -> memref<80x128xf32, #tpu.memory_space<hbm>>
      tpu.wait_dma2 semaphore(%arg23 : memref<!tpu.dma_semaphore, #tpu.memory_space<semaphore_mem>>) src(%dma_wait3A_89 : memref<80x128xf32, #tpu.memory_space<hbm>>) dst(%arg13 : memref<80x128xf32, #tpu.memory_space<vmem>>)
      %scan3A_90 = arith.constant 0 : i32
      %scan3A_91 = arith.constant 5 : i32
      %scan3A_92 = arith.addi %scan3A_90, %scan3A_91 : i32
      %scan3A_93 = arith.constant 1 : i32
      %scan3A_94 = scf.for %scan3A_96 = %scan3A_90 to %scan3A_92 step %scan3A_93 iter_args(%scan3A_97 = %scan3A_71) -> (vector<16xf32>)  : i32 {
        %mul3A_98 = arith.constant 16 : i32
        %mul3A_99 = arith.muli %scan3A_96, %mul3A_98 : i32
        %add3A_100 = arith.constant 0 : i32
        %add3A_101 = arith.addi %mul3A_99, %add3A_100 : i32
        %get3A = arith.index_cast %add3A_101 : i32 to index
        %get3A_102 = arith.constant 0 : index
        %get3A_103 = tpu.vector_load %arg12[%get3A, %get3A_102] {strides = array<i32>} : memref<80x128xf32, #tpu.memory_space<vmem>>, vector<16xf32>,
        %get3A_104 = arith.index_cast %add3A_101 : i32 to index
        %get3A_105 = arith.constant 0 : index
        %get3A_106 = tpu.vector_load %arg13[%get3A_104, %get3A_105] {strides = array<i32>} : memref<80x128xf32, #tpu.memory_space<vmem>>, vector<16xf32>,
        %mul3A_107 = arith.mulf %get3A_103, %get3A_106 : vector<16xf32>
        %get3A_108 = arith.index_cast %add3A_101 : i32 to index
        %get3A_109 = arith.constant 16 : index
        %get3A_110 = tpu.vector_load %arg12[%get3A_108, %get3A_109] {strides = array<i32>} : memref<80x128xf32, #tpu.memory_space<vmem>>, vector<16xf32>,
        %get3A_111 = arith.index_cast %add3A_101 : i32 to index
        %get3A_112 = arith.constant 16 : index
        %get3A_113 = tpu.vector_load %arg13[%get3A_111, %get3A_112] {strides = array<i32>} : memref<80x128xf32, #tpu.memory_space<vmem>>, vector<16xf32>,
        %mul3A_114 = arith.mulf %get3A_110, %get3A_113 : vector<16xf32>
        %add3A_115 = arith.addf %mul3A_107, %mul3A_114 : vector<16xf32>
        %get3A_116 = arith.index_cast %add3A_101 : i32 to index
        %get3A_117 = arith.constant 32 : index
        %get3A_118 = tpu.vector_load %arg12[%get3A_116, %get3A_117] {strides = array<i32>} : memref<80x128xf32, #tpu.memory_space<vmem>>, vector<16xf32>,
        %get3A_119 = arith.index_cast %add3A_101 : i32 to index
        %get3A_120 = arith.constant 32 : index
        %get3A_121 = tpu.vector_load %arg13[%get3A_119, %get3A_120] {strides = array<i32>} : memref<80x128xf32, #tpu.memory_space<vmem>>, vector<16xf32>,
        %mul3A_122 = arith.mulf %get3A_118, %get3A_121 : vector<16xf32>
        %add3A_123 = arith.addf %add3A_115, %mul3A_122 : vector<16xf32>
        %get3A_124 = arith.index_cast %add3A_101 : i32 to index
        %get3A_125 = arith.constant 48 : index
        %get3A_126 = tpu.vector_load %arg12[%get3A_124, %get3A_125] {strides = array<i32>} : memref<80x128xf32, #tpu.memory_space<vmem>>, vector<16xf32>,
        %get3A_127 = arith.index_cast %add3A_101 : i32 to index
        %get3A_128 = arith.constant 48 : index
        %get3A_129 = tpu.vector_load %arg13[%get3A_127, %get3A_128] {strides = array<i32>} : memref<80x128xf32, #tpu.memory_space<vmem>>, vector<16xf32>,
        %mul3A_130 = arith.mulf %get3A_126, %get3A_129 : vector<16xf32>
        %add3A_131 = arith.addf %add3A_123, %mul3A_130 : vector<16xf32>
        %get3A_132 = arith.index_cast %add3A_101 : i32 to index
        %get3A_133 = arith.constant 64 : index
        %get3A_134 = tpu.vector_load %arg12[%get3A_132, %get3A_133] {strides = array<i32>} : memref<80x128xf32, #tpu.memory_space<vmem>>, vector<16xf32>,
        %get3A_135 = arith.index_cast %add3A_101 : i32 to index
        %get3A_136 = arith.constant 64 : index
        %get3A_137 = tpu.vector_load %arg13[%get3A_135, %get3A_136] {strides = array<i32>} : memref<80x128xf32, #tpu.memory_space<vmem>>, vector<16xf32>,
        %mul3A_138 = arith.mulf %get3A_134, %get3A_137 : vector<16xf32>
        %add3A_139 = arith.addf %add3A_131, %mul3A_138 : vector<16xf32>
        %get3A_140 = arith.index_cast %add3A_101 : i32 to index
        %get3A_141 = arith.constant 80 : index
        %get3A_142 = tpu.vector_load %arg12[%get3A_140, %get3A_141] {strides = array<i32>} : memref<80x128xf32, #tpu.memory_space<vmem>>, vector<16xf32>,
        %get3A_143 = arith.index_cast %add3A_101 : i32 to index
        %get3A_144 = arith.constant 80 : index
        %get3A_145 = tpu.vector_load %arg13[%get3A_143, %get3A_144] {strides = array<i32>} : memref<80x128xf32, #tpu.memory_space<vmem>>, vector<16xf32>,
        %mul3A_146 = arith.mulf %get3A_142, %get3A_145 : vector<16xf32>
        %add3A_147 = arith.addf %add3A_139, %mul3A_146 : vector<16xf32>
        %get3A_148 = arith.index_cast %add3A_101 : i32 to index
        %get3A_149 = arith.constant 96 : index
        %get3A_150 = tpu.vector_load %arg12[%get3A_148, %get3A_149] {strides = array<i32>} : memref<80x128xf32, #tpu.memory_space<vmem>>, vector<16xf32>,
        %get3A_151 = arith.index_cast %add3A_101 : i32 to index
        %get3A_152 = arith.constant 96 : index
        %get3A_153 = tpu.vector_load %arg13[%get3A_151, %get3A_152] {strides = array<i32>} : memref<80x128xf32, #tpu.memory_space<vmem>>, vector<16xf32>,
        %mul3A_154 = arith.mulf %get3A_150, %get3A_153 : vector<16xf32>
        %add3A_155 = arith.addf %add3A_147, %mul3A_154 : vector<16xf32>
        %get3A_156 = arith.index_cast %add3A_101 : i32 to index
        %get3A_157 = arith.constant 112 : index
        %get3A_158 = tpu.vector_load %arg12[%get3A_156, %get3A_157] {strides = array<i32>} : memref<80x128xf32, #tpu.memory_space<vmem>>, vector<16xf32>,
        %get3A_159 = arith.index_cast %add3A_101 : i32 to index
        %get3A_160 = arith.constant 112 : index
        %get3A_161 = tpu.vector_load %arg13[%get3A_159, %get3A_160] {strides = array<i32>} : memref<80x128xf32, #tpu.memory_space<vmem>>, vector<16xf32>,
        %mul3A_162 = arith.mulf %get3A_158, %get3A_161 : vector<16xf32>
        %add3A_163 = arith.addf %add3A_155, %mul3A_162 : vector<16xf32>
        %swap3A_164 = arith.constant 0 : index
        %swap3A_165 = tpu.vector_load %arg14[%swap3A_164] {strides = array<i32>} : memref<256xf32, #tpu.memory_space<vmem>>, vector<16xf32>,
        tpu.vector_store %arg14[%swap3A_164], %add3A_163 {strides = array<i32>} : memref<256xf32, #tpu.memory_space<vmem>>, vector<16xf32>,
        %mul3A_166 = arith.constant 16 : i32
        %mul3A_167 = arith.muli %scan3A_96, %mul3A_166 : i32
        %add3A_168 = arith.constant 1 : i32
        %add3A_169 = arith.addi %mul3A_167, %add3A_168 : i32
        %get3A_170 = arith.index_cast %add3A_169 : i32 to index
        %get3A_171 = arith.constant 0 : index
        %get3A_172 = tpu.vector_load %arg12[%get3A_170, %get3A_171] {strides = array<i32>} : memref<80x128xf32, #tpu.memory_space<vmem>>, vector<16xf32>,
        %get3A_173 = arith.index_cast %add3A_169 : i32 to index
        %get3A_174 = arith.constant 0 : index
        %get3A_175 = tpu.vector_load %arg13[%get3A_173, %get3A_174] {strides = array<i32>} : memref<80x128xf32, #tpu.memory_space<vmem>>, vector<16xf32>,
        %mul3A_176 = arith.mulf %get3A_172, %get3A_175 : vector<16xf32>
        %get3A_177 = arith.index_cast %add3A_169 : i32 to index
        %get3A_178 = arith.constant 16 : index
        %get3A_179 = tpu.vector_load %arg12[%get3A_177, %get3A_178] {strides = array<i32>} : memref<80x128xf32, #tpu.memory_space<vmem>>, vector<16xf32>,
        %get3A_180 = arith.index_cast %add3A_169 : i32 to index
        %get3A_181 = arith.constant 16 : index
        %get3A_182 = tpu.vector_load %arg13[%get3A_180, %get3A_181] {strides = array<i32>} : memref<80x128xf32, #tpu.memory_space<vmem>>, vector<16xf32>,
        %mul3A_183 = arith.mulf %get3A_179, %get3A_182 : vector<16xf32>
        %add3A_184 = arith.addf %mul3A_176, %mul3A_183 : vector<16xf32>
        %get3A_185 = arith.index_cast %add3A_169 : i32 to index
        %get3A_186 = arith.constant 32 : index
        %get3A_187 = tpu.vector_load %arg12[%get3A_185, %get3A_186] {strides = array<i32>} : memref<80x128xf32, #tpu.memory_space<vmem>>, vector<16xf32>,
        %get3A_188 = arith.index_cast %add3A_169 : i32 to index
        %get3A_189 = arith.constant 32 : index
        %get3A_190 = tpu.vector_load %arg13[%get3A_188, %get3A_189] {strides = array<i32>} : memref<80x128xf32, #tpu.memory_space<vmem>>, vector<16xf32>,
        %mul3A_191 = arith.mulf %get3A_187, %get3A_190 : vector<16xf32>
        %add3A_192 = arith.addf %add3A_184, %mul3A_191 : vector<16xf32>
        %get3A_193 = arith.index_cast %add3A_169 : i32 to index
        %get3A_194 = arith.constant 48 : index
        %get3A_195 = tpu.vector_load %arg12[%get3A_193, %get3A_194] {strides = array<i32>} : memref<80x128xf32, #tpu.memory_space<vmem>>, vector<16xf32>,
        %get3A_196 = arith.index_cast %add3A_169 : i32 to index
        %get3A_197 = arith.constant 48 : index
        %get3A_198 = tpu.vector_load %arg13[%get3A_196, %get3A_197] {strides = array<i32>} : memref<80x128xf32, #tpu.memory_space<vmem>>, vector<16xf32>,
        %mul3A_199 = arith.mulf %get3A_195, %get3A_198 : vector<16xf32>
        %add3A_200 = arith.addf %add3A_192, %mul3A_199 : vector<16xf32>
        %get3A_201 = arith.index_cast %add3A_169 : i32 to index
        %get3A_202 = arith.constant 64 : index
        %get3A_203 = tpu.vector_load %arg12[%get3A_201, %get3A_202] {strides = array<i32>} : memref<80x128xf32, #tpu.memory_space<vmem>>, vector<16xf32>,
        %get3A_204 = arith.index_cast %add3A_169 : i32 to index
        %get3A_205 = arith.constant 64 : index
        %get3A_206 = tpu.vector_load %arg13[%get3A_204, %get3A_205] {strides = array<i32>} : memref<80x128xf32, #tpu.memory_space<vmem>>, vector<16xf32>,
        %mul3A_207 = arith.mulf %get3A_203, %get3A_206 : vector<16xf32>
        %add3A_208 = arith.addf %add3A_200, %mul3A_207 : vector<16xf32>
        %get3A_209 = arith.index_cast %add3A_169 : i32 to index
        %get3A_210 = arith.constant 80 : index
        %get3A_211 = tpu.vector_load %arg12[%get3A_209, %get3A_210] {strides = array<i32>} : memref<80x128xf32, #tpu.memory_space<vmem>>, vector<16xf32>,
        %get3A_212 = arith.index_cast %add3A_169 : i32 to index
        %get3A_213 = arith.constant 80 : index
        %get3A_214 = tpu.vector_load %arg13[%get3A_212, %get3A_213] {strides = array<i32>} : memref<80x128xf32, #tpu.memory_space<vmem>>, vector<16xf32>,
        %mul3A_215 = arith.mulf %get3A_211, %get3A_214 : vector<16xf32>
        %add3A_216 = arith.addf %add3A_208, %mul3A_215 : vector<16xf32>
        %get3A_217 = arith.index_cast %add3A_169 : i32 to index
        %get3A_218 = arith.constant 96 : index
        %get3A_219 = tpu.vector_load %arg12[%get3A_217, %get3A_218] {strides = array<i32>} : memref<80x128xf32, #tpu.memory_space<vmem>>, vector<16xf32>,
        %get3A_220 = arith.index_cast %add3A_169 : i32 to index
        %get3A_221 = arith.constant 96 : index
        %get3A_222 = tpu.vector_load %arg13[%get3A_220, %get3A_221] {strides = array<i32>} : memref<80x128xf32, #tpu.memory_space<vmem>>, vector<16xf32>,
        %mul3A_223 = arith.mulf %get3A_219, %get3A_222 : vector<16xf32>
        %add3A_224 = arith.addf %add3A_216, %mul3A_223 : vector<16xf32>
        %get3A_225 = arith.index_cast %add3A_169 : i32 to index
        %get3A_226 = arith.constant 112 : index
        %get3A_227 = tpu.vector_load %arg12[%get3A_225, %get3A_226] {strides = array<i32>} : memref<80x128xf32, #tpu.memory_space<vmem>>, vector<16xf32>,
        %get3A_228 = arith.index_cast %add3A_169 : i32 to index
        %get3A_229 = arith.constant 112 : index
        %get3A_230 = tpu.vector_load %arg13[%get3A_228, %get3A_229] {strides = array<i32>} : memref<80x128xf32, #tpu.memory_space<vmem>>, vector<16xf32>,
        %mul3A_231 = arith.mulf %get3A_227, %get3A_230 : vector<16xf32>
        %add3A_232 = arith.addf %add3A_224, %mul3A_231 : vector<16xf32>
        %swap3A_233 = arith.constant 16 : index
        %swap3A_234 = tpu.vector_load %arg14[%swap3A_233] {strides = array<i32>} : memref<256xf32, #tpu.memory_space<vmem>>, vector<16xf32>,
        tpu.vector_store %arg14[%swap3A_233], %add3A_232 {strides = array<i32>} : memref<256xf32, #tpu.memory_space<vmem>>, vector<16xf32>,
        %mul3A_235 = arith.constant 16 : i32
        %mul3A_236 = arith.muli %scan3A_96, %mul3A_235 : i32
        %add3A_237 = arith.constant 2 : i32
        %add3A_238 = arith.addi %mul3A_236, %add3A_237 : i32
        %get3A_239 = arith.index_cast %add3A_238 : i32 to index
        %get3A_240 = arith.constant 0 : index
        %get3A_241 = tpu.vector_load %arg12[%get3A_239, %get3A_240] {strides = array<i32>} : memref<80x128xf32, #tpu.memory_space<vmem>>, vector<16xf32>,
        %get3A_242 = arith.index_cast %add3A_238 : i32 to index
        %get3A_243 = arith.constant 0 : index
        %get3A_244 = tpu.vector_load %arg13[%get3A_242, %get3A_243] {strides = array<i32>} : memref<80x128xf32, #tpu.memory_space<vmem>>, vector<16xf32>,
        %mul3A_245 = arith.mulf %get3A_241, %get3A_244 : vector<16xf32>
        %get3A_246 = arith.index_cast %add3A_238 : i32 to index
        %get3A_247 = arith.constant 16 : index
        %get3A_248 = tpu.vector_load %arg12[%get3A_246, %get3A_247] {strides = array<i32>} : memref<80x128xf32, #tpu.memory_space<vmem>>, vector<16xf32>,
        %get3A_249 = arith.index_cast %add3A_238 : i32 to index
        %get3A_250 = arith.constant 16 : index
        %get3A_251 = tpu.vector_load %arg13[%get3A_249, %get3A_250] {strides = array<i32>} : memref<80x128xf32, #tpu.memory_space<vmem>>, vector<16xf32>,
        %mul3A_252 = arith.mulf %get3A_248, %get3A_251 : vector<16xf32>
        %add3A_253 = arith.addf %mul3A_245, %mul3A_252 : vector<16xf32>
        %get3A_254 = arith.index_cast %add3A_238 : i32 to index
        %get3A_255 = arith.constant 32 : index
        %get3A_256 = tpu.vector_load %arg12[%get3A_254, %get3A_255] {strides = array<i32>} : memref<80x128xf32, #tpu.memory_space<vmem>>, vector<16xf32>,
        %get3A_257 = arith.index_cast %add3A_238 : i32 to index
        %get3A_258 = arith.constant 32 : index
        %get3A_259 = tpu.vector_load %arg13[%get3A_257, %get3A_258] {strides = array<i32>} : memref<80x128xf32, #tpu.memory_space<vmem>>, vector<16xf32>,
        %mul3A_260 = arith.mulf %get3A_256, %get3A_259 : vector<16xf32>
        %add3A_261 = arith.addf %add3A_253, %mul3A_260 : vector<16xf32>
        %get3A_262 = arith.index_cast %add3A_238 : i32 to index
        %get3A_263 = arith.constant 48 : index
        %get3A_264 = tpu.vector_load %arg12[%get3A_262, %get3A_263] {strides = array<i32>} : memref<80x128xf32, #tpu.memory_space<vmem>>, vector<16xf32>,
        %get3A_265 = arith.index_cast %add3A_238 : i32 to index
        %get3A_266 = arith.constant 48 : index
        %get3A_267 = tpu.vector_load %arg13[%get3A_265, %get3A_266] {strides = array<i32>} : memref<80x128xf32, #tpu.memory_space<vmem>>, vector<16xf32>,
        %mul3A_268 = arith.mulf %get3A_264, %get3A_267 : vector<16xf32>
        %add3A_269 = arith.addf %add3A_261, %mul3A_268 : vector<16xf32>
        %get3A_270 = arith.index_cast %add3A_238 : i32 to index
        %get3A_271 = arith.constant 64 : index
        %get3A_272 = tpu.vector_load %arg12[%get3A_270, %get3A_271] {strides = array<i32>} : memref<80x128xf32, #tpu.memory_space<vmem>>, vector<16xf32>,
        %get3A_273 = arith.index_cast %add3A_238 : i32 to index
        %get3A_274 = arith.constant 64 : index
        %get3A_275 = tpu.vector_load %arg13[%get3A_273, %get3A_274] {strides = array<i32>} : memref<80x128xf32, #tpu.memory_space<vmem>>, vector<16xf32>,
        %mul3A_276 = arith.mulf %get3A_272, %get3A_275 : vector<16xf32>
        %add3A_277 = arith.addf %add3A_269, %mul3A_276 : vector<16xf32>
        %get3A_278 = arith.index_cast %add3A_238 : i32 to index
        %get3A_279 = arith.constant 80 : index
        %get3A_280 = tpu.vector_load %arg12[%get3A_278, %get3A_279] {strides = array<i32>} : memref<80x128xf32, #tpu.memory_space<vmem>>, vector<16xf32>,
        %get3A_281 = arith.index_cast %add3A_238 : i32 to index
        %get3A_282 = arith.constant 80 : index
        %get3A_283 = tpu.vector_load %arg13[%get3A_281, %get3A_282] {strides = array<i32>} : memref<80x128xf32, #tpu.memory_space<vmem>>, vector<16xf32>,
        %mul3A_284 = arith.mulf %get3A_280, %get3A_283 : vector<16xf32>
        %add3A_285 = arith.addf %add3A_277, %mul3A_284 : vector<16xf32>
        %get3A_286 = arith.index_cast %add3A_238 : i32 to index
        %get3A_287 = arith.constant 96 : index
        %get3A_288 = tpu.vector_load %arg12[%get3A_286, %get3A_287] {strides = array<i32>} : memref<80x128xf32, #tpu.memory_space<vmem>>, vector<16xf32>,
        %get3A_289 = arith.index_cast %add3A_238 : i32 to index
        %get3A_290 = arith.constant 96 : index
        %get3A_291 = tpu.vector_load %arg13[%get3A_289, %get3A_290] {strides = array<i32>} : memref<80x128xf32, #tpu.memory_space<vmem>>, vector<16xf32>,
        %mul3A_292 = arith.mulf %get3A_288, %get3A_291 : vector<16xf32>
        %add3A_293 = arith.addf %add3A_285, %mul3A_292 : vector<16xf32>
        %get3A_294 = arith.index_cast %add3A_238 : i32 to index
        %get3A_295 = arith.constant 112 : index
        %get3A_296 = tpu.vector_load %arg12[%get3A_294, %get3A_295] {strides = array<i32>} : memref<80x128xf32, #tpu.memory_space<vmem>>, vector<16xf32>,
        %get3A_297 = arith.index_cast %add3A_238 : i32 to index
        %get3A_298 = arith.constant 112 : index
        %get3A_299 = tpu.vector_load %arg13[%get3A_297, %get3A_298] {strides = array<i32>} : memref<80x128xf32, #tpu.memory_space<vmem>>, vector<16xf32>,
        %mul3A_300 = arith.mulf %get3A_296, %get3A_299 : vector<16xf32>
        %add3A_301 = arith.addf %add3A_293, %mul3A_300 : vector<16xf32>
        %swap3A_302 = arith.constant 32 : index
        %swap3A_303 = tpu.vector_load %arg14[%swap3A_302] {strides = array<i32>} : memref<256xf32, #tpu.memory_space<vmem>>, vector<16xf32>,
        tpu.vector_store %arg14[%swap3A_302], %add3A_301 {strides = array<i32>} : memref<256xf32, #tpu.memory_space<vmem>>, vector<16xf32>,
        %mul3A_304 = arith.constant 16 : i32
        %mul3A_305 = arith.muli %scan3A_96, %mul3A_304 : i32
        %add3A_306 = arith.constant 3 : i32
        %add3A_307 = arith.addi %mul3A_305, %add3A_306 : i32
        %get3A_308 = arith.index_cast %add3A_307 : i32 to index
        %get3A_309 = arith.constant 0 : index
        %get3A_310 = tpu.vector_load %arg12[%get3A_308, %get3A_309] {strides = array<i32>} : memref<80x128xf32, #tpu.memory_space<vmem>>, vector<16xf32>,
        %get3A_311 = arith.index_cast %add3A_307 : i32 to index
        %get3A_312 = arith.constant 0 : index
        %get3A_313 = tpu.vector_load %arg13[%get3A_311, %get3A_312] {strides = array<i32>} : memref<80x128xf32, #tpu.memory_space<vmem>>, vector<16xf32>,
        %mul3A_314 = arith.mulf %get3A_310, %get3A_313 : vector<16xf32>
        %get3A_315 = arith.index_cast %add3A_307 : i32 to index
        %get3A_316 = arith.constant 16 : index
        %get3A_317 = tpu.vector_load %arg12[%get3A_315, %get3A_316] {strides = array<i32>} : memref<80x128xf32, #tpu.memory_space<vmem>>, vector<16xf32>,
        %get3A_318 = arith.index_cast %add3A_307 : i32 to index
        %get3A_319 = arith.constant 16 : index
        %get3A_320 = tpu.vector_load %arg13[%get3A_318, %get3A_319] {strides = array<i32>} : memref<80x128xf32, #tpu.memory_space<vmem>>, vector<16xf32>,
        %mul3A_321 = arith.mulf %get3A_317, %get3A_320 : vector<16xf32>
        %add3A_322 = arith.addf %mul3A_314, %mul3A_321 : vector<16xf32>
        %get3A_323 = arith.index_cast %add3A_307 : i32 to index
        %get3A_324 = arith.constant 32 : index
        %get3A_325 = tpu.vector_load %arg12[%get3A_323, %get3A_324] {strides = array<i32>} : memref<80x128xf32, #tpu.memory_space<vmem>>, vector<16xf32>,
        %get3A_326 = arith.index_cast %add3A_307 : i32 to index
        %get3A_327 = arith.constant 32 : index
        %get3A_328 = tpu.vector_load %arg13[%get3A_326, %get3A_327] {strides = array<i32>} : memref<80x128xf32, #tpu.memory_space<vmem>>, vector<16xf32>,
        %mul3A_329 = arith.mulf %get3A_325, %get3A_328 : vector<16xf32>
        %add3A_330 = arith.addf %add3A_322, %mul3A_329 : vector<16xf32>
        %get3A_331 = arith.index_cast %add3A_307 : i32 to index
        %get3A_332 = arith.constant 48 : index
        %get3A_333 = tpu.vector_load %arg12[%get3A_331, %get3A_332] {strides = array<i32>} : memref<80x128xf32, #tpu.memory_space<vmem>>, vector<16xf32>,
        %get3A_334 = arith.index_cast %add3A_307 : i32 to index
        %get3A_335 = arith.constant 48 : index
        %get3A_336 = tpu.vector_load %arg13[%get3A_334, %get3A_335] {strides = array<i32>} : memref<80x128xf32, #tpu.memory_space<vmem>>, vector<16xf32>,
        %mul3A_337 = arith.mulf %get3A_333, %get3A_336 : vector<16xf32>
        %add3A_338 = arith.addf %add3A_330, %mul3A_337 : vector<16xf32>
        %get3A_339 = arith.index_cast %add3A_307 : i32 to index
        %get3A_340 = arith.constant 64 : index
        %get3A_341 = tpu.vector_load %arg12[%get3A_339, %get3A_340] {strides = array<i32>} : memref<80x128xf32, #tpu.memory_space<vmem>>, vector<16xf32>,
        %get3A_342 = arith.index_cast %add3A_307 : i32 to index
        %get3A_343 = arith.constant 64 : index
        %get3A_344 = tpu.vector_load %arg13[%get3A_342, %get3A_343] {strides = array<i32>} : memref<80x128xf32, #tpu.memory_space<vmem>>, vector<16xf32>,
        %mul3A_345 = arith.mulf %get3A_341, %get3A_344 : vector<16xf32>
        %add3A_346 = arith.addf %add3A_338, %mul3A_345 : vector<16xf32>
        %get3A_347 = arith.index_cast %add3A_307 : i32 to index
        %get3A_348 = arith.constant 80 : index
        %get3A_349 = tpu.vector_load %arg12[%get3A_347, %get3A_348] {strides = array<i32>} : memref<80x128xf32, #tpu.memory_space<vmem>>, vector<16xf32>,
        %get3A_350 = arith.index_cast %add3A_307 : i32 to index
        %get3A_351 = arith.constant 80 : index
        %get3A_352 = tpu.vector_load %arg13[%get3A_350, %get3A_351] {strides = array<i32>} : memref<80x128xf32, #tpu.memory_space<vmem>>, vector<16xf32>,
        %mul3A_353 = arith.mulf %get3A_349, %get3A_352 : vector<16xf32>
        %add3A_354 = arith.addf %add3A_346, %mul3A_353 : vector<16xf32>
        %get3A_355 = arith.index_cast %add3A_307 : i32 to index
        %get3A_356 = arith.constant 96 : index
        %get3A_357 = tpu.vector_load %arg12[%get3A_355, %get3A_356] {strides = array<i32>} : memref<80x128xf32, #tpu.memory_space<vmem>>, vector<16xf32>,
        %get3A_358 = arith.index_cast %add3A_307 : i32 to index
        %get3A_359 = arith.constant 96 : index
        %get3A_360 = tpu.vector_load %arg13[%get3A_358, %get3A_359] {strides = array<i32>} : memref<80x128xf32, #tpu.memory_space<vmem>>, vector<16xf32>,
        %mul3A_361 = arith.mulf %get3A_357, %get3A_360 : vector<16xf32>
        %add3A_362 = arith.addf %add3A_354, %mul3A_361 : vector<16xf32>
        %get3A_363 = arith.index_cast %add3A_307 : i32 to index
        %get3A_364 = arith.constant 112 : index
        %get3A_365 = tpu.vector_load %arg12[%get3A_363, %get3A_364] {strides = array<i32>} : memref<80x128xf32, #tpu.memory_space<vmem>>, vector<16xf32>,
        %get3A_366 = arith.index_cast %add3A_307 : i32 to index
        %get3A_367 = arith.constant 112 : index
        %get3A_368 = tpu.vector_load %arg13[%get3A_366, %get3A_367] {strides = array<i32>} : memref<80x128xf32, #tpu.memory_space<vmem>>, vector<16xf32>,
        %mul3A_369 = arith.mulf %get3A_365, %get3A_368 : vector<16xf32>
        %add3A_370 = arith.addf %add3A_362, %mul3A_369 : vector<16xf32>
        %swap3A_371 = arith.constant 48 : index
        %swap3A_372 = tpu.vector_load %arg14[%swap3A_371] {strides = array<i32>} : memref<256xf32, #tpu.memory_space<vmem>>, vector<16xf32>,
        tpu.vector_store %arg14[%swap3A_371], %add3A_370 {strides = array<i32>} : memref<256xf32, #tpu.memory_space<vmem>>, vector<16xf32>,
        %mul3A_373 = arith.constant 16 : i32
        %mul3A_374 = arith.muli %scan3A_96, %mul3A_373 : i32
        %add3A_375 = arith.constant 4 : i32
        %add3A_376 = arith.addi %mul3A_374, %add3A_375 : i32
        %get3A_377 = arith.index_cast %add3A_376 : i32 to index
        %get3A_378 = arith.constant 0 : index
        %get3A_379 = tpu.vector_load %arg12[%get3A_377, %get3A_378] {strides = array<i32>} : memref<80x128xf32, #tpu.memory_space<vmem>>, vector<16xf32>,
        %get3A_380 = arith.index_cast %add3A_376 : i32 to index
        %get3A_381 = arith.constant 0 : index
        %get3A_382 = tpu.vector_load %arg13[%get3A_380, %get3A_381] {strides = array<i32>} : memref<80x128xf32, #tpu.memory_space<vmem>>, vector<16xf32>,
        %mul3A_383 = arith.mulf %get3A_379, %get3A_382 : vector<16xf32>
        %get3A_384 = arith.index_cast %add3A_376 : i32 to index
        %get3A_385 = arith.constant 16 : index
        %get3A_386 = tpu.vector_load %arg12[%get3A_384, %get3A_385] {strides = array<i32>} : memref<80x128xf32, #tpu.memory_space<vmem>>, vector<16xf32>,
        %get3A_387 = arith.index_cast %add3A_376 : i32 to index
        %get3A_388 = arith.constant 16 : index
        %get3A_389 = tpu.vector_load %arg13[%get3A_387, %get3A_388] {strides = array<i32>} : memref<80x128xf32, #tpu.memory_space<vmem>>, vector<16xf32>,
        %mul3A_390 = arith.mulf %get3A_386, %get3A_389 : vector<16xf32>
        %add3A_391 = arith.addf %mul3A_383, %mul3A_390 : vector<16xf32>
        %get3A_392 = arith.index_cast %add3A_376 : i32 to index
        %get3A_393 = arith.constant 32 : index
        %get3A_394 = tpu.vector_load %arg12[%get3A_392, %get3A_393] {strides = array<i32>} : memref<80x128xf32, #tpu.memory_space<vmem>>, vector<16xf32>,
        %get3A_395 = arith.index_cast %add3A_376 : i32 to index
        %get3A_396 = arith.constant 32 : index
        %get3A_397 = tpu.vector_load %arg13[%get3A_395, %get3A_396] {strides = array<i32>} : memref<80x128xf32, #tpu.memory_space<vmem>>, vector<16xf32>,
        %mul3A_398 = arith.mulf %get3A_394, %get3A_397 : vector<16xf32>
        %add3A_399 = arith.addf %add3A_391, %mul3A_398 : vector<16xf32>
        %get3A_400 = arith.index_cast %add3A_376 : i32 to index
        %get3A_401 = arith.constant 48 : index
        %get3A_402 = tpu.vector_load %arg12[%get3A_400, %get3A_401] {strides = array<i32>} : memref<80x128xf32, #tpu.memory_space<vmem>>, vector<16xf32>,
        %get3A_403 = arith.index_cast %add3A_376 : i32 to index
        %get3A_404 = arith.constant 48 : index
        %get3A_405 = tpu.vector_load %arg13[%get3A_403, %get3A_404] {strides = array<i32>} : memref<80x128xf32, #tpu.memory_space<vmem>>, vector<16xf32>,
        %mul3A_406 = arith.mulf %get3A_402, %get3A_405 : vector<16xf32>
        %add3A_407 = arith.addf %add3A_399, %mul3A_406 : vector<16xf32>
        %get3A_408 = arith.index_cast %add3A_376 : i32 to index
        %get3A_409 = arith.constant 64 : index
        %get3A_410 = tpu.vector_load %arg12[%get3A_408, %get3A_409] {strides = array<i32>} : memref<80x128xf32, #tpu.memory_space<vmem>>, vector<16xf32>,
        %get3A_411 = arith.index_cast %add3A_376 : i32 to index
        %get3A_412 = arith.constant 64 : index
        %get3A_413 = tpu.vector_load %arg13[%get3A_411, %get3A_412] {strides = array<i32>} : memref<80x128xf32, #tpu.memory_space<vmem>>, vector<16xf32>,
        %mul3A_414 = arith.mulf %get3A_410, %get3A_413 : vector<16xf32>
        %add3A_415 = arith.addf %add3A_407, %mul3A_414 : vector<16xf32>
        %get3A_416 = arith.index_cast %add3A_376 : i32 to index
        %get3A_417 = arith.constant 80 : index
        %get3A_418 = tpu.vector_load %arg12[%get3A_416, %get3A_417] {strides = array<i32>} : memref<80x128xf32, #tpu.memory_space<vmem>>, vector<16xf32>,
        %get3A_419 = arith.index_cast %add3A_376 : i32 to index
        %get3A_420 = arith.constant 80 : index
        %get3A_421 = tpu.vector_load %arg13[%get3A_419, %get3A_420] {strides = array<i32>} : memref<80x128xf32, #tpu.memory_space<vmem>>, vector<16xf32>,
        %mul3A_422 = arith.mulf %get3A_418, %get3A_421 : vector<16xf32>
        %add3A_423 = arith.addf %add3A_415, %mul3A_422 : vector<16xf32>
        %get3A_424 = arith.index_cast %add3A_376 : i32 to index
        %get3A_425 = arith.constant 96 : index
        %get3A_426 = tpu.vector_load %arg12[%get3A_424, %get3A_425] {strides = array<i32>} : memref<80x128xf32, #tpu.memory_space<vmem>>, vector<16xf32>,
        %get3A_427 = arith.index_cast %add3A_376 : i32 to index
        %get3A_428 = arith.constant 96 : index
        %get3A_429 = tpu.vector_load %arg13[%get3A_427, %get3A_428] {strides = array<i32>} : memref<80x128xf32, #tpu.memory_space<vmem>>, vector<16xf32>,
        %mul3A_430 = arith.mulf %get3A_426, %get3A_429 : vector<16xf32>
        %add3A_431 = arith.addf %add3A_423, %mul3A_430 : vector<16xf32>
        %get3A_432 = arith.index_cast %add3A_376 : i32 to index
        %get3A_433 = arith.constant 112 : index
        %get3A_434 = tpu.vector_load %arg12[%get3A_432, %get3A_433] {strides = array<i32>} : memref<80x128xf32, #tpu.memory_space<vmem>>, vector<16xf32>,
        %get3A_435 = arith.index_cast %add3A_376 : i32 to index
        %get3A_436 = arith.constant 112 : index
        %get3A_437 = tpu.vector_load %arg13[%get3A_435, %get3A_436] {strides = array<i32>} : memref<80x128xf32, #tpu.memory_space<vmem>>, vector<16xf32>,
        %mul3A_438 = arith.mulf %get3A_434, %get3A_437 : vector<16xf32>
        %add3A_439 = arith.addf %add3A_431, %mul3A_438 : vector<16xf32>
        %swap3A_440 = arith.constant 64 : index
        %swap3A_441 = tpu.vector_load %arg14[%swap3A_440] {strides = array<i32>} : memref<256xf32, #tpu.memory_space<vmem>>, vector<16xf32>,
        tpu.vector_store %arg14[%swap3A_440], %add3A_439 {strides = array<i32>} : memref<256xf32, #tpu.memory_space<vmem>>, vector<16xf32>,
        %mul3A_442 = arith.constant 16 : i32
        %mul3A_443 = arith.muli %scan3A_96, %mul3A_442 : i32
        %add3A_444 = arith.constant 5 : i32
        %add3A_445 = arith.addi %mul3A_443, %add3A_444 : i32
        %get3A_446 = arith.index_cast %add3A_445 : i32 to index
        %get3A_447 = arith.constant 0 : index
        %get3A_448 = tpu.vector_load %arg12[%get3A_446, %get3A_447] {strides = array<i32>} : memref<80x128xf32, #tpu.memory_space<vmem>>, vector<16xf32>,
        %get3A_449 = arith.index_cast %add3A_445 : i32 to index
        %get3A_450 = arith.constant 0 : index
        %get3A_451 = tpu.vector_load %arg13[%get3A_449, %get3A_450] {strides = array<i32>} : memref<80x128xf32, #tpu.memory_space<vmem>>, vector<16xf32>,
        %mul3A_452 = arith.mulf %get3A_448, %get3A_451 : vector<16xf32>
        %get3A_453 = arith.index_cast %add3A_445 : i32 to index
        %get3A_454 = arith.constant 16 : index
        %get3A_455 = tpu.vector_load %arg12[%get3A_453, %get3A_454] {strides = array<i32>} : memref<80x128xf32, #tpu.memory_space<vmem>>, vector<16xf32>,
        %get3A_456 = arith.index_cast %add3A_445 : i32 to index
        %get3A_457 = arith.constant 16 : index
        %get3A_458 = tpu.vector_load %arg13[%get3A_456, %get3A_457] {strides = array<i32>} : memref<80x128xf32, #tpu.memory_space<vmem>>, vector<16xf32>,
        %mul3A_459 = arith.mulf %get3A_455, %get3A_458 : vector<16xf32>
        %add3A_460 = arith.addf %mul3A_452, %mul3A_459 : vector<16xf32>
        %get3A_461 = arith.index_cast %add3A_445 : i32 to index
        %get3A_462 = arith.constant 32 : index
        %get3A_463 = tpu.vector_load %arg12[%get3A_461, %get3A_462] {strides = array<i32>} : memref<80x128xf32, #tpu.memory_space<vmem>>, vector<16xf32>,
        %get3A_464 = arith.index_cast %add3A_445 : i32 to index
        %get3A_465 = arith.constant 32 : index
        %get3A_466 = tpu.vector_load %arg13[%get3A_464, %get3A_465] {strides = array<i32>} : memref<80x128xf32, #tpu.memory_space<vmem>>, vector<16xf32>,
        %mul3A_467 = arith.mulf %get3A_463, %get3A_466 : vector<16xf32>
        %add3A_468 = arith.addf %add3A_460, %mul3A_467 : vector<16xf32>
        %get3A_469 = arith.index_cast %add3A_445 : i32 to index
        %get3A_470 = arith.constant 48 : index
        %get3A_471 = tpu.vector_load %arg12[%get3A_469, %get3A_470] {strides = array<i32>} : memref<80x128xf32, #tpu.memory_space<vmem>>, vector<16xf32>,
        %get3A_472 = arith.index_cast %add3A_445 : i32 to index
        %get3A_473 = arith.constant 48 : index
        %get3A_474 = tpu.vector_load %arg13[%get3A_472, %get3A_473] {strides = array<i32>} : memref<80x128xf32, #tpu.memory_space<vmem>>, vector<16xf32>,
        %mul3A_475 = arith.mulf %get3A_471, %get3A_474 : vector<16xf32>
        %add3A_476 = arith.addf %add3A_468, %mul3A_475 : vector<16xf32>
        %get3A_477 = arith.index_cast %add3A_445 : i32 to index
        %get3A_478 = arith.constant 64 : index
        %get3A_479 = tpu.vector_load %arg12[%get3A_477, %get3A_478] {strides = array<i32>} : memref<80x128xf32, #tpu.memory_space<vmem>>, vector<16xf32>,
        %get3A_480 = arith.index_cast %add3A_445 : i32 to index
        %get3A_481 = arith.constant 64 : index
        %get3A_482 = tpu.vector_load %arg13[%get3A_480, %get3A_481] {strides = array<i32>} : memref<80x128xf32, #tpu.memory_space<vmem>>, vector<16xf32>,
        %mul3A_483 = arith.mulf %get3A_479, %get3A_482 : vector<16xf32>
        %add3A_484 = arith.addf %add3A_476, %mul3A_483 : vector<16xf32>
        %get3A_485 = arith.index_cast %add3A_445 : i32 to index
        %get3A_486 = arith.constant 80 : index
        %get3A_487 = tpu.vector_load %arg12[%get3A_485, %get3A_486] {strides = array<i32>} : memref<80x128xf32, #tpu.memory_space<vmem>>, vector<16xf32>,
        %get3A_488 = arith.index_cast %add3A_445 : i32 to index
        %get3A_489 = arith.constant 80 : index
        %get3A_490 = tpu.vector_load %arg13[%get3A_488, %get3A_489] {strides = array<i32>} : memref<80x128xf32, #tpu.memory_space<vmem>>, vector<16xf32>,
        %mul3A_491 = arith.mulf %get3A_487, %get3A_490 : vector<16xf32>
        %add3A_492 = arith.addf %add3A_484, %mul3A_491 : vector<16xf32>
        %get3A_493 = arith.index_cast %add3A_445 : i32 to index
        %get3A_494 = arith.constant 96 : index
        %get3A_495 = tpu.vector_load %arg12[%get3A_493, %get3A_494] {strides = array<i32>} : memref<80x128xf32, #tpu.memory_space<vmem>>, vector<16xf32>,
        %get3A_496 = arith.index_cast %add3A_445 : i32 to index
        %get3A_497 = arith.constant 96 : index
        %get3A_498 = tpu.vector_load %arg13[%get3A_496, %get3A_497] {strides = array<i32>} : memref<80x128xf32, #tpu.memory_space<vmem>>, vector<16xf32>,
        %mul3A_499 = arith.mulf %get3A_495, %get3A_498 : vector<16xf32>
        %add3A_500 = arith.addf %add3A_492, %mul3A_499 : vector<16xf32>
        %get3A_501 = arith.index_cast %add3A_445 : i32 to index
        %get3A_502 = arith.constant 112 : index
        %get3A_503 = tpu.vector_load %arg12[%get3A_501, %get3A_502] {strides = array<i32>} : memref<80x128xf32, #tpu.memory_space<vmem>>, vector<16xf32>,
        %get3A_504 = arith.index_cast %add3A_445 : i32 to index
        %get3A_505 = arith.constant 112 : index
        %get3A_506 = tpu.vector_load %arg13[%get3A_504, %get3A_505] {strides = array<i32>} : memref<80x128xf32, #tpu.memory_space<vmem>>, vector<16xf32>,
        %mul3A_507 = arith.mulf %get3A_503, %get3A_506 : vector<16xf32>
        %add3A_508 = arith.addf %add3A_500, %mul3A_507 : vector<16xf32>
        %swap3A_509 = arith.constant 80 : index
        %swap3A_510 = tpu.vector_load %arg14[%swap3A_509] {strides = array<i32>} : memref<256xf32, #tpu.memory_space<vmem>>, vector<16xf32>,
        tpu.vector_store %arg14[%swap3A_509], %add3A_508 {strides = array<i32>} : memref<256xf32, #tpu.memory_space<vmem>>, vector<16xf32>,
        %mul3A_511 = arith.constant 16 : i32
        %mul3A_512 = arith.muli %scan3A_96, %mul3A_511 : i32
        %add3A_513 = arith.constant 6 : i32
        %add3A_514 = arith.addi %mul3A_512, %add3A_513 : i32
        %get3A_515 = arith.index_cast %add3A_514 : i32 to index
        %get3A_516 = arith.constant 0 : index
        %get3A_517 = tpu.vector_load %arg12[%get3A_515, %get3A_516] {strides = array<i32>} : memref<80x128xf32, #tpu.memory_space<vmem>>, vector<16xf32>,
        %get3A_518 = arith.index_cast %add3A_514 : i32 to index
        %get3A_519 = arith.constant 0 : index
        %get3A_520 = tpu.vector_load %arg13[%get3A_518, %get3A_519] {strides = array<i32>} : memref<80x128xf32, #tpu.memory_space<vmem>>, vector<16xf32>,
        %mul3A_521 = arith.mulf %get3A_517, %get3A_520 : vector<16xf32>
        %get3A_522 = arith.index_cast %add3A_514 : i32 to index
        %get3A_523 = arith.constant 16 : index
        %get3A_524 = tpu.vector_load %arg12[%get3A_522, %get3A_523] {strides = array<i32>} : memref<80x128xf32, #tpu.memory_space<vmem>>, vector<16xf32>,
        %get3A_525 = arith.index_cast %add3A_514 : i32 to index
        %get3A_526 = arith.constant 16 : index
        %get3A_527 = tpu.vector_load %arg13[%get3A_525, %get3A_526] {strides = array<i32>} : memref<80x128xf32, #tpu.memory_space<vmem>>, vector<16xf32>,
        %mul3A_528 = arith.mulf %get3A_524, %get3A_527 : vector<16xf32>
        %add3A_529 = arith.addf %mul3A_521, %mul3A_528 : vector<16xf32>
        %get3A_530 = arith.index_cast %add3A_514 : i32 to index
        %get3A_531 = arith.constant 32 : index
        %get3A_532 = tpu.vector_load %arg12[%get3A_530, %get3A_531] {strides = array<i32>} : memref<80x128xf32, #tpu.memory_space<vmem>>, vector<16xf32>,
        %get3A_533 = arith.index_cast %add3A_514 : i32 to index
        %get3A_534 = arith.constant 32 : index
        %get3A_535 = tpu.vector_load %arg13[%get3A_533, %get3A_534] {strides = array<i32>} : memref<80x128xf32, #tpu.memory_space<vmem>>, vector<16xf32>,
        %mul3A_536 = arith.mulf %get3A_532, %get3A_535 : vector<16xf32>
        %add3A_537 = arith.addf %add3A_529, %mul3A_536 : vector<16xf32>
        %get3A_538 = arith.index_cast %add3A_514 : i32 to index
        %get3A_539 = arith.constant 48 : index
        %get3A_540 = tpu.vector_load %arg12[%get3A_538, %get3A_539] {strides = array<i32>} : memref<80x128xf32, #tpu.memory_space<vmem>>, vector<16xf32>,
        %get3A_541 = arith.index_cast %add3A_514 : i32 to index
        %get3A_542 = arith.constant 48 : index
        %get3A_543 = tpu.vector_load %arg13[%get3A_541, %get3A_542] {strides = array<i32>} : memref<80x128xf32, #tpu.memory_space<vmem>>, vector<16xf32>,
        %mul3A_544 = arith.mulf %get3A_540, %get3A_543 : vector<16xf32>
        %add3A_545 = arith.addf %add3A_537, %mul3A_544 : vector<16xf32>
        %get3A_546 = arith.index_cast %add3A_514 : i32 to index
        %get3A_547 = arith.constant 64 : index
        %get3A_548 = tpu.vector_load %arg12[%get3A_546, %get3A_547] {strides = array<i32>} : memref<80x128xf32, #tpu.memory_space<vmem>>, vector<16xf32>,
        %get3A_549 = arith.index_cast %add3A_514 : i32 to index
        %get3A_550 = arith.constant 64 : index
        %get3A_551 = tpu.vector_load %arg13[%get3A_549, %get3A_550] {strides = array<i32>} : memref<80x128xf32, #tpu.memory_space<vmem>>, vector<16xf32>,
        %mul3A_552 = arith.mulf %get3A_548, %get3A_551 : vector<16xf32>
        %add3A_553 = arith.addf %add3A_545, %mul3A_552 : vector<16xf32>
        %get3A_554 = arith.index_cast %add3A_514 : i32 to index
        %get3A_555 = arith.constant 80 : index
        %get3A_556 = tpu.vector_load %arg12[%get3A_554, %get3A_555] {strides = array<i32>} : memref<80x128xf32, #tpu.memory_space<vmem>>, vector<16xf32>,
        %get3A_557 = arith.index_cast %add3A_514 : i32 to index
        %get3A_558 = arith.constant 80 : index
        %get3A_559 = tpu.vector_load %arg13[%get3A_557, %get3A_558] {strides = array<i32>} : memref<80x128xf32, #tpu.memory_space<vmem>>, vector<16xf32>,
        %mul3A_560 = arith.mulf %get3A_556, %get3A_559 : vector<16xf32>
        %add3A_561 = arith.addf %add3A_553, %mul3A_560 : vector<16xf32>
        %get3A_562 = arith.index_cast %add3A_514 : i32 to index
        %get3A_563 = arith.constant 96 : index
        %get3A_564 = tpu.vector_load %arg12[%get3A_562, %get3A_563] {strides = array<i32>} : memref<80x128xf32, #tpu.memory_space<vmem>>, vector<16xf32>,
        %get3A_565 = arith.index_cast %add3A_514 : i32 to index
        %get3A_566 = arith.constant 96 : index
        %get3A_567 = tpu.vector_load %arg13[%get3A_565, %get3A_566] {strides = array<i32>} : memref<80x128xf32, #tpu.memory_space<vmem>>, vector<16xf32>,
        %mul3A_568 = arith.mulf %get3A_564, %get3A_567 : vector<16xf32>
        %add3A_569 = arith.addf %add3A_561, %mul3A_568 : vector<16xf32>
        %get3A_570 = arith.index_cast %add3A_514 : i32 to index
        %get3A_571 = arith.constant 112 : index
        %get3A_572 = tpu.vector_load %arg12[%get3A_570, %get3A_571] {strides = array<i32>} : memref<80x128xf32, #tpu.memory_space<vmem>>, vector<16xf32>,
        %get3A_573 = arith.index_cast %add3A_514 : i32 to index
        %get3A_574 = arith.constant 112 : index
        %get3A_575 = tpu.vector_load %arg13[%get3A_573, %get3A_574] {strides = array<i32>} : memref<80x128xf32, #tpu.memory_space<vmem>>, vector<16xf32>,
        %mul3A_576 = arith.mulf %get3A_572, %get3A_575 : vector<16xf32>
        %add3A_577 = arith.addf %add3A_569, %mul3A_576 : vector<16xf32>
        %swap3A_578 = arith.constant 96 : index
        %swap3A_579 = tpu.vector_load %arg14[%swap3A_578] {strides = array<i32>} : memref<256xf32, #tpu.memory_space<vmem>>, vector<16xf32>,
        tpu.vector_store %arg14[%swap3A_578], %add3A_577 {strides = array<i32>} : memref<256xf32, #tpu.memory_space<vmem>>, vector<16xf32>,
        %mul3A_580 = arith.constant 16 : i32
        %mul3A_581 = arith.muli %scan3A_96, %mul3A_580 : i32
        %add3A_582 = arith.constant 7 : i32
        %add3A_583 = arith.addi %mul3A_581, %add3A_582 : i32
        %get3A_584 = arith.index_cast %add3A_583 : i32 to index
        %get3A_585 = arith.constant 0 : index
        %get3A_586 = tpu.vector_load %arg12[%get3A_584, %get3A_585] {strides = array<i32>} : memref<80x128xf32, #tpu.memory_space<vmem>>, vector<16xf32>,
        %get3A_587 = arith.index_cast %add3A_583 : i32 to index
        %get3A_588 = arith.constant 0 : index
        %get3A_589 = tpu.vector_load %arg13[%get3A_587, %get3A_588] {strides = array<i32>} : memref<80x128xf32, #tpu.memory_space<vmem>>, vector<16xf32>,
        %mul3A_590 = arith.mulf %get3A_586, %get3A_589 : vector<16xf32>
        %get3A_591 = arith.index_cast %add3A_583 : i32 to index
        %get3A_592 = arith.constant 16 : index
        %get3A_593 = tpu.vector_load %arg12[%get3A_591, %get3A_592] {strides = array<i32>} : memref<80x128xf32, #tpu.memory_space<vmem>>, vector<16xf32>,
        %get3A_594 = arith.index_cast %add3A_583 : i32 to index
        %get3A_595 = arith.constant 16 : index
        %get3A_596 = tpu.vector_load %arg13[%get3A_594, %get3A_595] {strides = array<i32>} : memref<80x128xf32, #tpu.memory_space<vmem>>, vector<16xf32>,
        %mul3A_597 = arith.mulf %get3A_593, %get3A_596 : vector<16xf32>
        %add3A_598 = arith.addf %mul3A_590, %mul3A_597 : vector<16xf32>
        %get3A_599 = arith.index_cast %add3A_583 : i32 to index
        %get3A_600 = arith.constant 32 : index
        %get3A_601 = tpu.vector_load %arg12[%get3A_599, %get3A_600] {strides = array<i32>} : memref<80x128xf32, #tpu.memory_space<vmem>>, vector<16xf32>,
        %get3A_602 = arith.index_cast %add3A_583 : i32 to index
        %get3A_603 = arith.constant 32 : index
        %get3A_604 = tpu.vector_load %arg13[%get3A_602, %get3A_603] {strides = array<i32>} : memref<80x128xf32, #tpu.memory_space<vmem>>, vector<16xf32>,
        %mul3A_605 = arith.mulf %get3A_601, %get3A_604 : vector<16xf32>
        %add3A_606 = arith.addf %add3A_598, %mul3A_605 : vector<16xf32>
        %get3A_607 = arith.index_cast %add3A_583 : i32 to index
        %get3A_608 = arith.constant 48 : index
        %get3A_609 = tpu.vector_load %arg12[%get3A_607, %get3A_608] {strides = array<i32>} : memref<80x128xf32, #tpu.memory_space<vmem>>, vector<16xf32>,
        %get3A_610 = arith.index_cast %add3A_583 : i32 to index
        %get3A_611 = arith.constant 48 : index
        %get3A_612 = tpu.vector_load %arg13[%get3A_610, %get3A_611] {strides = array<i32>} : memref<80x128xf32, #tpu.memory_space<vmem>>, vector<16xf32>,
        %mul3A_613 = arith.mulf %get3A_609, %get3A_612 : vector<16xf32>
        %add3A_614 = arith.addf %add3A_606, %mul3A_613 : vector<16xf32>
        %get3A_615 = arith.index_cast %add3A_583 : i32 to index
        %get3A_616 = arith.constant 64 : index
        %get3A_617 = tpu.vector_load %arg12[%get3A_615, %get3A_616] {strides = array<i32>} : memref<80x128xf32, #tpu.memory_space<vmem>>, vector<16xf32>,
        %get3A_618 = arith.index_cast %add3A_583 : i32 to index
        %get3A_619 = arith.constant 64 : index
        %get3A_620 = tpu.vector_load %arg13[%get3A_618, %get3A_619] {strides = array<i32>} : memref<80x128xf32, #tpu.memory_space<vmem>>, vector<16xf32>,
        %mul3A_621 = arith.mulf %get3A_617, %get3A_620 : vector<16xf32>
        %add3A_622 = arith.addf %add3A_614, %mul3A_621 : vector<16xf32>
        %get3A_623 = arith.index_cast %add3A_583 : i32 to index
        %get3A_624 = arith.constant 80 : index
        %get3A_625 = tpu.vector_load %arg12[%get3A_623, %get3A_624] {strides = array<i32>} : memref<80x128xf32, #tpu.memory_space<vmem>>, vector<16xf32>,
        %get3A_626 = arith.index_cast %add3A_583 : i32 to index
        %get3A_627 = arith.constant 80 : index
        %get3A_628 = tpu.vector_load %arg13[%get3A_626, %get3A_627] {strides = array<i32>} : memref<80x128xf32, #tpu.memory_space<vmem>>, vector<16xf32>,
        %mul3A_629 = arith.mulf %get3A_625, %get3A_628 : vector<16xf32>
        %add3A_630 = arith.addf %add3A_622, %mul3A_629 : vector<16xf32>
        %get3A_631 = arith.index_cast %add3A_583 : i32 to index
        %get3A_632 = arith.constant 96 : index
        %get3A_633 = tpu.vector_load %arg12[%get3A_631, %get3A_632] {strides = array<i32>} : memref<80x128xf32, #tpu.memory_space<vmem>>, vector<16xf32>,
        %get3A_634 = arith.index_cast %add3A_583 : i32 to index
        %get3A_635 = arith.constant 96 : index
        %get3A_636 = tpu.vector_load %arg13[%get3A_634, %get3A_635] {strides = array<i32>} : memref<80x128xf32, #tpu.memory_space<vmem>>, vector<16xf32>,
        %mul3A_637 = arith.mulf %get3A_633, %get3A_636 : vector<16xf32>
        %add3A_638 = arith.addf %add3A_630, %mul3A_637 : vector<16xf32>
        %get3A_639 = arith.index_cast %add3A_583 : i32 to index
        %get3A_640 = arith.constant 112 : index
        %get3A_641 = tpu.vector_load %arg12[%get3A_639, %get3A_640] {strides = array<i32>} : memref<80x128xf32, #tpu.memory_space<vmem>>, vector<16xf32>,
        %get3A_642 = arith.index_cast %add3A_583 : i32 to index
        %get3A_643 = arith.constant 112 : index
        %get3A_644 = tpu.vector_load %arg13[%get3A_642, %get3A_643] {strides = array<i32>} : memref<80x128xf32, #tpu.memory_space<vmem>>, vector<16xf32>,
        %mul3A_645 = arith.mulf %get3A_641, %get3A_644 : vector<16xf32>
        %add3A_646 = arith.addf %add3A_638, %mul3A_645 : vector<16xf32>
        %swap3A_647 = arith.constant 112 : index
        %swap3A_648 = tpu.vector_load %arg14[%swap3A_647] {strides = array<i32>} : memref<256xf32, #tpu.memory_space<vmem>>, vector<16xf32>,
        tpu.vector_store %arg14[%swap3A_647], %add3A_646 {strides = array<i32>} : memref<256xf32, #tpu.memory_space<vmem>>, vector<16xf32>,
        %mul3A_649 = arith.constant 16 : i32
        %mul3A_650 = arith.muli %scan3A_96, %mul3A_649 : i32
        %add3A_651 = arith.constant 8 : i32
        %add3A_652 = arith.addi %mul3A_650, %add3A_651 : i32
        %get3A_653 = arith.index_cast %add3A_652 : i32 to index
        %get3A_654 = arith.constant 0 : index
        %get3A_655 = tpu.vector_load %arg12[%get3A_653, %get3A_654] {strides = array<i32>} : memref<80x128xf32, #tpu.memory_space<vmem>>, vector<16xf32>,
        %get3A_656 = arith.index_cast %add3A_652 : i32 to index
        %get3A_657 = arith.constant 0 : index
        %get3A_658 = tpu.vector_load %arg13[%get3A_656, %get3A_657] {strides = array<i32>} : memref<80x128xf32, #tpu.memory_space<vmem>>, vector<16xf32>,
        %mul3A_659 = arith.mulf %get3A_655, %get3A_658 : vector<16xf32>
        %get3A_660 = arith.index_cast %add3A_652 : i32 to index
        %get3A_661 = arith.constant 16 : index
        %get3A_662 = tpu.vector_load %arg12[%get3A_660, %get3A_661] {strides = array<i32>} : memref<80x128xf32, #tpu.memory_space<vmem>>, vector<16xf32>,
        %get3A_663 = arith.index_cast %add3A_652 : i32 to index
        %get3A_664 = arith.constant 16 : index
        %get3A_665 = tpu.vector_load %arg13[%get3A_663, %get3A_664] {strides = array<i32>} : memref<80x128xf32, #tpu.memory_space<vmem>>, vector<16xf32>,
        %mul3A_666 = arith.mulf %get3A_662, %get3A_665 : vector<16xf32>
        %add3A_667 = arith.addf %mul3A_659, %mul3A_666 : vector<16xf32>
        %get3A_668 = arith.index_cast %add3A_652 : i32 to index
        %get3A_669 = arith.constant 32 : index
        %get3A_670 = tpu.vector_load %arg12[%get3A_668, %get3A_669] {strides = array<i32>} : memref<80x128xf32, #tpu.memory_space<vmem>>, vector<16xf32>,
        %get3A_671 = arith.index_cast %add3A_652 : i32 to index
        %get3A_672 = arith.constant 32 : index
        %get3A_673 = tpu.vector_load %arg13[%get3A_671, %get3A_672] {strides = array<i32>} : memref<80x128xf32, #tpu.memory_space<vmem>>, vector<16xf32>,
        %mul3A_674 = arith.mulf %get3A_670, %get3A_673 : vector<16xf32>
        %add3A_675 = arith.addf %add3A_667, %mul3A_674 : vector<16xf32>
        %get3A_676 = arith.index_cast %add3A_652 : i32 to index
        %get3A_677 = arith.constant 48 : index
        %get3A_678 = tpu.vector_load %arg12[%get3A_676, %get3A_677] {strides = array<i32>} : memref<80x128xf32, #tpu.memory_space<vmem>>, vector<16xf32>,
        %get3A_679 = arith.index_cast %add3A_652 : i32 to index
        %get3A_680 = arith.constant 48 : index
        %get3A_681 = tpu.vector_load %arg13[%get3A_679, %get3A_680] {strides = array<i32>} : memref<80x128xf32, #tpu.memory_space<vmem>>, vector<16xf32>,
        %mul3A_682 = arith.mulf %get3A_678, %get3A_681 : vector<16xf32>
        %add3A_683 = arith.addf %add3A_675, %mul3A_682 : vector<16xf32>
        %get3A_684 = arith.index_cast %add3A_652 : i32 to index
        %get3A_685 = arith.constant 64 : index
        %get3A_686 = tpu.vector_load %arg12[%get3A_684, %get3A_685] {strides = array<i32>} : memref<80x128xf32, #tpu.memory_space<vmem>>, vector<16xf32>,
        %get3A_687 = arith.index_cast %add3A_652 : i32 to index
        %get3A_688 = arith.constant 64 : index
        %get3A_689 = tpu.vector_load %arg13[%get3A_687, %get3A_688] {strides = array<i32>} : memref<80x128xf32, #tpu.memory_space<vmem>>, vector<16xf32>,
        %mul3A_690 = arith.mulf %get3A_686, %get3A_689 : vector<16xf32>
        %add3A_691 = arith.addf %add3A_683, %mul3A_690 : vector<16xf32>
        %get3A_692 = arith.index_cast %add3A_652 : i32 to index
        %get3A_693 = arith.constant 80 : index
        %get3A_694 = tpu.vector_load %arg12[%get3A_692, %get3A_693] {strides = array<i32>} : memref<80x128xf32, #tpu.memory_space<vmem>>, vector<16xf32>,
        %get3A_695 = arith.index_cast %add3A_652 : i32 to index
        %get3A_696 = arith.constant 80 : index
        %get3A_697 = tpu.vector_load %arg13[%get3A_695, %get3A_696] {strides = array<i32>} : memref<80x128xf32, #tpu.memory_space<vmem>>, vector<16xf32>,
        %mul3A_698 = arith.mulf %get3A_694, %get3A_697 : vector<16xf32>
        %add3A_699 = arith.addf %add3A_691, %mul3A_698 : vector<16xf32>
        %get3A_700 = arith.index_cast %add3A_652 : i32 to index
        %get3A_701 = arith.constant 96 : index
        %get3A_702 = tpu.vector_load %arg12[%get3A_700, %get3A_701] {strides = array<i32>} : memref<80x128xf32, #tpu.memory_space<vmem>>, vector<16xf32>,
        %get3A_703 = arith.index_cast %add3A_652 : i32 to index
        %get3A_704 = arith.constant 96 : index
        %get3A_705 = tpu.vector_load %arg13[%get3A_703, %get3A_704] {strides = array<i32>} : memref<80x128xf32, #tpu.memory_space<vmem>>, vector<16xf32>,
        %mul3A_706 = arith.mulf %get3A_702, %get3A_705 : vector<16xf32>
        %add3A_707 = arith.addf %add3A_699, %mul3A_706 : vector<16xf32>
        %get3A_708 = arith.index_cast %add3A_652 : i32 to index
        %get3A_709 = arith.constant 112 : index
        %get3A_710 = tpu.vector_load %arg12[%get3A_708, %get3A_709] {strides = array<i32>} : memref<80x128xf32, #tpu.memory_space<vmem>>, vector<16xf32>,
        %get3A_711 = arith.index_cast %add3A_652 : i32 to index
        %get3A_712 = arith.constant 112 : index
        %get3A_713 = tpu.vector_load %arg13[%get3A_711, %get3A_712] {strides = array<i32>} : memref<80x128xf32, #tpu.memory_space<vmem>>, vector<16xf32>,
        %mul3A_714 = arith.mulf %get3A_710, %get3A_713 : vector<16xf32>
        %add3A_715 = arith.addf %add3A_707, %mul3A_714 : vector<16xf32>
        %swap3A_716 = arith.constant 128 : index
        %swap3A_717 = tpu.vector_load %arg14[%swap3A_716] {strides = array<i32>} : memref<256xf32, #tpu.memory_space<vmem>>, vector<16xf32>,
        tpu.vector_store %arg14[%swap3A_716], %add3A_715 {strides = array<i32>} : memref<256xf32, #tpu.memory_space<vmem>>, vector<16xf32>,
        %mul3A_718 = arith.constant 16 : i32
        %mul3A_719 = arith.muli %scan3A_96, %mul3A_718 : i32
        %add3A_720 = arith.constant 9 : i32
        %add3A_721 = arith.addi %mul3A_719, %add3A_720 : i32
        %get3A_722 = arith.index_cast %add3A_721 : i32 to index
        %get3A_723 = arith.constant 0 : index
        %get3A_724 = tpu.vector_load %arg12[%get3A_722, %get3A_723] {strides = array<i32>} : memref<80x128xf32, #tpu.memory_space<vmem>>, vector<16xf32>,
        %get3A_725 = arith.index_cast %add3A_721 : i32 to index
        %get3A_726 = arith.constant 0 : index
        %get3A_727 = tpu.vector_load %arg13[%get3A_725, %get3A_726] {strides = array<i32>} : memref<80x128xf32, #tpu.memory_space<vmem>>, vector<16xf32>,
        %mul3A_728 = arith.mulf %get3A_724, %get3A_727 : vector<16xf32>
        %get3A_729 = arith.index_cast %add3A_721 : i32 to index
        %get3A_730 = arith.constant 16 : index
        %get3A_731 = tpu.vector_load %arg12[%get3A_729, %get3A_730] {strides = array<i32>} : memref<80x128xf32, #tpu.memory_space<vmem>>, vector<16xf32>,
        %get3A_732 = arith.index_cast %add3A_721 : i32 to index
        %get3A_733 = arith.constant 16 : index
        %get3A_734 = tpu.vector_load %arg13[%get3A_732, %get3A_733] {strides = array<i32>} : memref<80x128xf32, #tpu.memory_space<vmem>>, vector<16xf32>,
        %mul3A_735 = arith.mulf %get3A_731, %get3A_734 : vector<16xf32>
        %add3A_736 = arith.addf %mul3A_728, %mul3A_735 : vector<16xf32>
        %get3A_737 = arith.index_cast %add3A_721 : i32 to index
        %get3A_738 = arith.constant 32 : index
        %get3A_739 = tpu.vector_load %arg12[%get3A_737, %get3A_738] {strides = array<i32>} : memref<80x128xf32, #tpu.memory_space<vmem>>, vector<16xf32>,
        %get3A_740 = arith.index_cast %add3A_721 : i32 to index
        %get3A_741 = arith.constant 32 : index
        %get3A_742 = tpu.vector_load %arg13[%get3A_740, %get3A_741] {strides = array<i32>} : memref<80x128xf32, #tpu.memory_space<vmem>>, vector<16xf32>,
        %mul3A_743 = arith.mulf %get3A_739, %get3A_742 : vector<16xf32>
        %add3A_744 = arith.addf %add3A_736, %mul3A_743 : vector<16xf32>
        %get3A_745 = arith.index_cast %add3A_721 : i32 to index
        %get3A_746 = arith.constant 48 : index
        %get3A_747 = tpu.vector_load %arg12[%get3A_745, %get3A_746] {strides = array<i32>} : memref<80x128xf32, #tpu.memory_space<vmem>>, vector<16xf32>,
        %get3A_748 = arith.index_cast %add3A_721 : i32 to index
        %get3A_749 = arith.constant 48 : index
        %get3A_750 = tpu.vector_load %arg13[%get3A_748, %get3A_749] {strides = array<i32>} : memref<80x128xf32, #tpu.memory_space<vmem>>, vector<16xf32>,
        %mul3A_751 = arith.mulf %get3A_747, %get3A_750 : vector<16xf32>
        %add3A_752 = arith.addf %add3A_744, %mul3A_751 : vector<16xf32>
        %get3A_753 = arith.index_cast %add3A_721 : i32 to index
        %get3A_754 = arith.constant 64 : index
        %get3A_755 = tpu.vector_load %arg12[%get3A_753, %get3A_754] {strides = array<i32>} : memref<80x128xf32, #tpu.memory_space<vmem>>, vector<16xf32>,
        %get3A_756 = arith.index_cast %add3A_721 : i32 to index
        %get3A_757 = arith.constant 64 : index
        %get3A_758 = tpu.vector_load %arg13[%get3A_756, %get3A_757] {strides = array<i32>} : memref<80x128xf32, #tpu.memory_space<vmem>>, vector<16xf32>,
        %mul3A_759 = arith.mulf %get3A_755, %get3A_758 : vector<16xf32>
        %add3A_760 = arith.addf %add3A_752, %mul3A_759 : vector<16xf32>
        %get3A_761 = arith.index_cast %add3A_721 : i32 to index
        %get3A_762 = arith.constant 80 : index
        %get3A_763 = tpu.vector_load %arg12[%get3A_761, %get3A_762] {strides = array<i32>} : memref<80x128xf32, #tpu.memory_space<vmem>>, vector<16xf32>,
        %get3A_764 = arith.index_cast %add3A_721 : i32 to index
        %get3A_765 = arith.constant 80 : index
        %get3A_766 = tpu.vector_load %arg13[%get3A_764, %get3A_765] {strides = array<i32>} : memref<80x128xf32, #tpu.memory_space<vmem>>, vector<16xf32>,
        %mul3A_767 = arith.mulf %get3A_763, %get3A_766 : vector<16xf32>
        %add3A_768 = arith.addf %add3A_760, %mul3A_767 : vector<16xf32>
        %get3A_769 = arith.index_cast %add3A_721 : i32 to index
        %get3A_770 = arith.constant 96 : index
        %get3A_771 = tpu.vector_load %arg12[%get3A_769, %get3A_770] {strides = array<i32>} : memref<80x128xf32, #tpu.memory_space<vmem>>, vector<16xf32>,
        %get3A_772 = arith.index_cast %add3A_721 : i32 to index
        %get3A_773 = arith.constant 96 : index
        %get3A_774 = tpu.vector_load %arg13[%get3A_772, %get3A_773] {strides = array<i32>} : memref<80x128xf32, #tpu.memory_space<vmem>>, vector<16xf32>,
        %mul3A_775 = arith.mulf %get3A_771, %get3A_774 : vector<16xf32>
        %add3A_776 = arith.addf %add3A_768, %mul3A_775 : vector<16xf32>
        %get3A_777 = arith.index_cast %add3A_721 : i32 to index
        %get3A_778 = arith.constant 112 : index
        %get3A_779 = tpu.vector_load %arg12[%get3A_777, %get3A_778] {strides = array<i32>} : memref<80x128xf32, #tpu.memory_space<vmem>>, vector<16xf32>,
        %get3A_780 = arith.index_cast %add3A_721 : i32 to index
        %get3A_781 = arith.constant 112 : index
        %get3A_782 = tpu.vector_load %arg13[%get3A_780, %get3A_781] {strides = array<i32>} : memref<80x128xf32, #tpu.memory_space<vmem>>, vector<16xf32>,
        %mul3A_783 = arith.mulf %get3A_779, %get3A_782 : vector<16xf32>
        %add3A_784 = arith.addf %add3A_776, %mul3A_783 : vector<16xf32>
        %swap3A_785 = arith.constant 144 : index
        %swap3A_786 = tpu.vector_load %arg14[%swap3A_785] {strides = array<i32>} : memref<256xf32, #tpu.memory_space<vmem>>, vector<16xf32>,
        tpu.vector_store %arg14[%swap3A_785], %add3A_784 {strides = array<i32>} : memref<256xf32, #tpu.memory_space<vmem>>, vector<16xf32>,
        %mul3A_787 = arith.constant 16 : i32
        %mul3A_788 = arith.muli %scan3A_96, %mul3A_787 : i32
        %add3A_789 = arith.constant 10 : i32
        %add3A_790 = arith.addi %mul3A_788, %add3A_789 : i32
        %get3A_791 = arith.index_cast %add3A_790 : i32 to index
        %get3A_792 = arith.constant 0 : index
        %get3A_793 = tpu.vector_load %arg12[%get3A_791, %get3A_792] {strides = array<i32>} : memref<80x128xf32, #tpu.memory_space<vmem>>, vector<16xf32>,
        %get3A_794 = arith.index_cast %add3A_790 : i32 to index
        %get3A_795 = arith.constant 0 : index
        %get3A_796 = tpu.vector_load %arg13[%get3A_794, %get3A_795] {strides = array<i32>} : memref<80x128xf32, #tpu.memory_space<vmem>>, vector<16xf32>,
        %mul3A_797 = arith.mulf %get3A_793, %get3A_796 : vector<16xf32>
        %get3A_798 = arith.index_cast %add3A_790 : i32 to index
        %get3A_799 = arith.constant 16 : index
        %get3A_800 = tpu.vector_load %arg12[%get3A_798, %get3A_799] {strides = array<i32>} : memref<80x128xf32, #tpu.memory_space<vmem>>, vector<16xf32>,
        %get3A_801 = arith.index_cast %add3A_790 : i32 to index
        %get3A_802 = arith.constant 16 : index
        %get3A_803 = tpu.vector_load %arg13[%get3A_801, %get3A_802] {strides = array<i32>} : memref<80x128xf32, #tpu.memory_space<vmem>>, vector<16xf32>,
        %mul3A_804 = arith.mulf %get3A_800, %get3A_803 : vector<16xf32>
        %add3A_805 = arith.addf %mul3A_797, %mul3A_804 : vector<16xf32>
        %get3A_806 = arith.index_cast %add3A_790 : i32 to index
        %get3A_807 = arith.constant 32 : index
        %get3A_808 = tpu.vector_load %arg12[%get3A_806, %get3A_807] {strides = array<i32>} : memref<80x128xf32, #tpu.memory_space<vmem>>, vector<16xf32>,
        %get3A_809 = arith.index_cast %add3A_790 : i32 to index
        %get3A_810 = arith.constant 32 : index
        %get3A_811 = tpu.vector_load %arg13[%get3A_809, %get3A_810] {strides = array<i32>} : memref<80x128xf32, #tpu.memory_space<vmem>>, vector<16xf32>,
        %mul3A_812 = arith.mulf %get3A_808, %get3A_811 : vector<16xf32>
        %add3A_813 = arith.addf %add3A_805, %mul3A_812 : vector<16xf32>
        %get3A_814 = arith.index_cast %add3A_790 : i32 to index
        %get3A_815 = arith.constant 48 : index
        %get3A_816 = tpu.vector_load %arg12[%get3A_814, %get3A_815] {strides = array<i32>} : memref<80x128xf32, #tpu.memory_space<vmem>>, vector<16xf32>,
        %get3A_817 = arith.index_cast %add3A_790 : i32 to index
        %get3A_818 = arith.constant 48 : index
        %get3A_819 = tpu.vector_load %arg13[%get3A_817, %get3A_818] {strides = array<i32>} : memref<80x128xf32, #tpu.memory_space<vmem>>, vector<16xf32>,
        %mul3A_820 = arith.mulf %get3A_816, %get3A_819 : vector<16xf32>
        %add3A_821 = arith.addf %add3A_813, %mul3A_820 : vector<16xf32>
        %get3A_822 = arith.index_cast %add3A_790 : i32 to index
        %get3A_823 = arith.constant 64 : index
        %get3A_824 = tpu.vector_load %arg12[%get3A_822, %get3A_823] {strides = array<i32>} : memref<80x128xf32, #tpu.memory_space<vmem>>, vector<16xf32>,
        %get3A_825 = arith.index_cast %add3A_790 : i32 to index
        %get3A_826 = arith.constant 64 : index
        %get3A_827 = tpu.vector_load %arg13[%get3A_825, %get3A_826] {strides = array<i32>} : memref<80x128xf32, #tpu.memory_space<vmem>>, vector<16xf32>,
        %mul3A_828 = arith.mulf %get3A_824, %get3A_827 : vector<16xf32>
        %add3A_829 = arith.addf %add3A_821, %mul3A_828 : vector<16xf32>
        %get3A_830 = arith.index_cast %add3A_790 : i32 to index
        %get3A_831 = arith.constant 80 : index
        %get3A_832 = tpu.vector_load %arg12[%get3A_830, %get3A_831] {strides = array<i32>} : memref<80x128xf32, #tpu.memory_space<vmem>>, vector<16xf32>,
        %get3A_833 = arith.index_cast %add3A_790 : i32 to index
        %get3A_834 = arith.constant 80 : index
        %get3A_835 = tpu.vector_load %arg13[%get3A_833, %get3A_834] {strides = array<i32>} : memref<80x128xf32, #tpu.memory_space<vmem>>, vector<16xf32>,
        %mul3A_836 = arith.mulf %get3A_832, %get3A_835 : vector<16xf32>
        %add3A_837 = arith.addf %add3A_829, %mul3A_836 : vector<16xf32>
        %get3A_838 = arith.index_cast %add3A_790 : i32 to index
        %get3A_839 = arith.constant 96 : index
        %get3A_840 = tpu.vector_load %arg12[%get3A_838, %get3A_839] {strides = array<i32>} : memref<80x128xf32, #tpu.memory_space<vmem>>, vector<16xf32>,
        %get3A_841 = arith.index_cast %add3A_790 : i32 to index
        %get3A_842 = arith.constant 96 : index
        %get3A_843 = tpu.vector_load %arg13[%get3A_841, %get3A_842] {strides = array<i32>} : memref<80x128xf32, #tpu.memory_space<vmem>>, vector<16xf32>,
        %mul3A_844 = arith.mulf %get3A_840, %get3A_843 : vector<16xf32>
        %add3A_845 = arith.addf %add3A_837, %mul3A_844 : vector<16xf32>
        %get3A_846 = arith.index_cast %add3A_790 : i32 to index
        %get3A_847 = arith.constant 112 : index
        %get3A_848 = tpu.vector_load %arg12[%get3A_846, %get3A_847] {strides = array<i32>} : memref<80x128xf32, #tpu.memory_space<vmem>>, vector<16xf32>,
        %get3A_849 = arith.index_cast %add3A_790 : i32 to index
        %get3A_850 = arith.constant 112 : index
        %get3A_851 = tpu.vector_load %arg13[%get3A_849, %get3A_850] {strides = array<i32>} : memref<80x128xf32, #tpu.memory_space<vmem>>, vector<16xf32>,
        %mul3A_852 = arith.mulf %get3A_848, %get3A_851 : vector<16xf32>
        %add3A_853 = arith.addf %add3A_845, %mul3A_852 : vector<16xf32>
        %swap3A_854 = arith.constant 160 : index
        %swap3A_855 = tpu.vector_load %arg14[%swap3A_854] {strides = array<i32>} : memref<256xf32, #tpu.memory_space<vmem>>, vector<16xf32>,
        tpu.vector_store %arg14[%swap3A_854], %add3A_853 {strides = array<i32>} : memref<256xf32, #tpu.memory_space<vmem>>, vector<16xf32>,
        %mul3A_856 = arith.constant 16 : i32
        %mul3A_857 = arith.muli %scan3A_96, %mul3A_856 : i32
        %add3A_858 = arith.constant 11 : i32
        %add3A_859 = arith.addi %mul3A_857, %add3A_858 : i32
        %get3A_860 = arith.index_cast %add3A_859 : i32 to index
        %get3A_861 = arith.constant 0 : index
        %get3A_862 = tpu.vector_load %arg12[%get3A_860, %get3A_861] {strides = array<i32>} : memref<80x128xf32, #tpu.memory_space<vmem>>, vector<16xf32>,
        %get3A_863 = arith.index_cast %add3A_859 : i32 to index
        %get3A_864 = arith.constant 0 : index
        %get3A_865 = tpu.vector_load %arg13[%get3A_863, %get3A_864] {strides = array<i32>} : memref<80x128xf32, #tpu.memory_space<vmem>>, vector<16xf32>,
        %mul3A_866 = arith.mulf %get3A_862, %get3A_865 : vector<16xf32>
        %get3A_867 = arith.index_cast %add3A_859 : i32 to index
        %get3A_868 = arith.constant 16 : index
        %get3A_869 = tpu.vector_load %arg12[%get3A_867, %get3A_868] {strides = array<i32>} : memref<80x128xf32, #tpu.memory_space<vmem>>, vector<16xf32>,
        %get3A_870 = arith.index_cast %add3A_859 : i32 to index
        %get3A_871 = arith.constant 16 : index
        %get3A_872 = tpu.vector_load %arg13[%get3A_870, %get3A_871] {strides = array<i32>} : memref<80x128xf32, #tpu.memory_space<vmem>>, vector<16xf32>,
        %mul3A_873 = arith.mulf %get3A_869, %get3A_872 : vector<16xf32>
        %add3A_874 = arith.addf %mul3A_866, %mul3A_873 : vector<16xf32>
        %get3A_875 = arith.index_cast %add3A_859 : i32 to index
        %get3A_876 = arith.constant 32 : index
        %get3A_877 = tpu.vector_load %arg12[%get3A_875, %get3A_876] {strides = array<i32>} : memref<80x128xf32, #tpu.memory_space<vmem>>, vector<16xf32>,
        %get3A_878 = arith.index_cast %add3A_859 : i32 to index
        %get3A_879 = arith.constant 32 : index
        %get3A_880 = tpu.vector_load %arg13[%get3A_878, %get3A_879] {strides = array<i32>} : memref<80x128xf32, #tpu.memory_space<vmem>>, vector<16xf32>,
        %mul3A_881 = arith.mulf %get3A_877, %get3A_880 : vector<16xf32>
        %add3A_882 = arith.addf %add3A_874, %mul3A_881 : vector<16xf32>
        %get3A_883 = arith.index_cast %add3A_859 : i32 to index
        %get3A_884 = arith.constant 48 : index
        %get3A_885 = tpu.vector_load %arg12[%get3A_883, %get3A_884] {strides = array<i32>} : memref<80x128xf32, #tpu.memory_space<vmem>>, vector<16xf32>,
        %get3A_886 = arith.index_cast %add3A_859 : i32 to index
        %get3A_887 = arith.constant 48 : index
        %get3A_888 = tpu.vector_load %arg13[%get3A_886, %get3A_887] {strides = array<i32>} : memref<80x128xf32, #tpu.memory_space<vmem>>, vector<16xf32>,
        %mul3A_889 = arith.mulf %get3A_885, %get3A_888 : vector<16xf32>
        %add3A_890 = arith.addf %add3A_882, %mul3A_889 : vector<16xf32>
        %get3A_891 = arith.index_cast %add3A_859 : i32 to index
        %get3A_892 = arith.constant 64 : index
        %get3A_893 = tpu.vector_load %arg12[%get3A_891, %get3A_892] {strides = array<i32>} : memref<80x128xf32, #tpu.memory_space<vmem>>, vector<16xf32>,
        %get3A_894 = arith.index_cast %add3A_859 : i32 to index
        %get3A_895 = arith.constant 64 : index
        %get3A_896 = tpu.vector_load %arg13[%get3A_894, %get3A_895] {strides = array<i32>} : memref<80x128xf32, #tpu.memory_space<vmem>>, vector<16xf32>,
        %mul3A_897 = arith.mulf %get3A_893, %get3A_896 : vector<16xf32>
        %add3A_898 = arith.addf %add3A_890, %mul3A_897 : vector<16xf32>
        %get3A_899 = arith.index_cast %add3A_859 : i32 to index
        %get3A_900 = arith.constant 80 : index
        %get3A_901 = tpu.vector_load %arg12[%get3A_899, %get3A_900] {strides = array<i32>} : memref<80x128xf32, #tpu.memory_space<vmem>>, vector<16xf32>,
        %get3A_902 = arith.index_cast %add3A_859 : i32 to index
        %get3A_903 = arith.constant 80 : index
        %get3A_904 = tpu.vector_load %arg13[%get3A_902, %get3A_903] {strides = array<i32>} : memref<80x128xf32, #tpu.memory_space<vmem>>, vector<16xf32>,
        %mul3A_905 = arith.mulf %get3A_901, %get3A_904 : vector<16xf32>
        %add3A_906 = arith.addf %add3A_898, %mul3A_905 : vector<16xf32>
        %get3A_907 = arith.index_cast %add3A_859 : i32 to index
        %get3A_908 = arith.constant 96 : index
        %get3A_909 = tpu.vector_load %arg12[%get3A_907, %get3A_908] {strides = array<i32>} : memref<80x128xf32, #tpu.memory_space<vmem>>, vector<16xf32>,
        %get3A_910 = arith.index_cast %add3A_859 : i32 to index
        %get3A_911 = arith.constant 96 : index
        %get3A_912 = tpu.vector_load %arg13[%get3A_910, %get3A_911] {strides = array<i32>} : memref<80x128xf32, #tpu.memory_space<vmem>>, vector<16xf32>,
        %mul3A_913 = arith.mulf %get3A_909, %get3A_912 : vector<16xf32>
        %add3A_914 = arith.addf %add3A_906, %mul3A_913 : vector<16xf32>
        %get3A_915 = arith.index_cast %add3A_859 : i32 to index
        %get3A_916 = arith.constant 112 : index
        %get3A_917 = tpu.vector_load %arg12[%get3A_915, %get3A_916] {strides = array<i32>} : memref<80x128xf32, #tpu.memory_space<vmem>>, vector<16xf32>,
        %get3A_918 = arith.index_cast %add3A_859 : i32 to index
        %get3A_919 = arith.constant 112 : index
        %get3A_920 = tpu.vector_load %arg13[%get3A_918, %get3A_919] {strides = array<i32>} : memref<80x128xf32, #tpu.memory_space<vmem>>, vector<16xf32>,
        %mul3A_921 = arith.mulf %get3A_917, %get3A_920 : vector<16xf32>
        %add3A_922 = arith.addf %add3A_914, %mul3A_921 : vector<16xf32>
        %swap3A_923 = arith.constant 176 : index
        %swap3A_924 = tpu.vector_load %arg14[%swap3A_923] {strides = array<i32>} : memref<256xf32, #tpu.memory_space<vmem>>, vector<16xf32>,
        tpu.vector_store %arg14[%swap3A_923], %add3A_922 {strides = array<i32>} : memref<256xf32, #tpu.memory_space<vmem>>, vector<16xf32>,
        %mul3A_925 = arith.constant 16 : i32
        %mul3A_926 = arith.muli %scan3A_96, %mul3A_925 : i32
        %add3A_927 = arith.constant 12 : i32
        %add3A_928 = arith.addi %mul3A_926, %add3A_927 : i32
        %get3A_929 = arith.index_cast %add3A_928 : i32 to index
        %get3A_930 = arith.constant 0 : index
        %get3A_931 = tpu.vector_load %arg12[%get3A_929, %get3A_930] {strides = array<i32>} : memref<80x128xf32, #tpu.memory_space<vmem>>, vector<16xf32>,
        %get3A_932 = arith.index_cast %add3A_928 : i32 to index
        %get3A_933 = arith.constant 0 : index
        %get3A_934 = tpu.vector_load %arg13[%get3A_932, %get3A_933] {strides = array<i32>} : memref<80x128xf32, #tpu.memory_space<vmem>>, vector<16xf32>,
        %mul3A_935 = arith.mulf %get3A_931, %get3A_934 : vector<16xf32>
        %get3A_936 = arith.index_cast %add3A_928 : i32 to index
        %get3A_937 = arith.constant 16 : index
        %get3A_938 = tpu.vector_load %arg12[%get3A_936, %get3A_937] {strides = array<i32>} : memref<80x128xf32, #tpu.memory_space<vmem>>, vector<16xf32>,
        %get3A_939 = arith.index_cast %add3A_928 : i32 to index
        %get3A_940 = arith.constant 16 : index
        %get3A_941 = tpu.vector_load %arg13[%get3A_939, %get3A_940] {strides = array<i32>} : memref<80x128xf32, #tpu.memory_space<vmem>>, vector<16xf32>,
        %mul3A_942 = arith.mulf %get3A_938, %get3A_941 : vector<16xf32>
        %add3A_943 = arith.addf %mul3A_935, %mul3A_942 : vector<16xf32>
        %get3A_944 = arith.index_cast %add3A_928 : i32 to index
        %get3A_945 = arith.constant 32 : index
        %get3A_946 = tpu.vector_load %arg12[%get3A_944, %get3A_945] {strides = array<i32>} : memref<80x128xf32, #tpu.memory_space<vmem>>, vector<16xf32>,
        %get3A_947 = arith.index_cast %add3A_928 : i32 to index
        %get3A_948 = arith.constant 32 : index
        %get3A_949 = tpu.vector_load %arg13[%get3A_947, %get3A_948] {strides = array<i32>} : memref<80x128xf32, #tpu.memory_space<vmem>>, vector<16xf32>,
        %mul3A_950 = arith.mulf %get3A_946, %get3A_949 : vector<16xf32>
        %add3A_951 = arith.addf %add3A_943, %mul3A_950 : vector<16xf32>
        %get3A_952 = arith.index_cast %add3A_928 : i32 to index
        %get3A_953 = arith.constant 48 : index
        %get3A_954 = tpu.vector_load %arg12[%get3A_952, %get3A_953] {strides = array<i32>} : memref<80x128xf32, #tpu.memory_space<vmem>>, vector<16xf32>,
        %get3A_955 = arith.index_cast %add3A_928 : i32 to index
        %get3A_956 = arith.constant 48 : index
        %get3A_957 = tpu.vector_load %arg13[%get3A_955, %get3A_956] {strides = array<i32>} : memref<80x128xf32, #tpu.memory_space<vmem>>, vector<16xf32>,
        %mul3A_958 = arith.mulf %get3A_954, %get3A_957 : vector<16xf32>
        %add3A_959 = arith.addf %add3A_951, %mul3A_958 : vector<16xf32>
        %get3A_960 = arith.index_cast %add3A_928 : i32 to index
        %get3A_961 = arith.constant 64 : index
        %get3A_962 = tpu.vector_load %arg12[%get3A_960, %get3A_961] {strides = array<i32>} : memref<80x128xf32, #tpu.memory_space<vmem>>, vector<16xf32>,
        %get3A_963 = arith.index_cast %add3A_928 : i32 to index
        %get3A_964 = arith.constant 64 : index
        %get3A_965 = tpu.vector_load %arg13[%get3A_963, %get3A_964] {strides = array<i32>} : memref<80x128xf32, #tpu.memory_space<vmem>>, vector<16xf32>,
        %mul3A_966 = arith.mulf %get3A_962, %get3A_965 : vector<16xf32>
        %add3A_967 = arith.addf %add3A_959, %mul3A_966 : vector<16xf32>
        %get3A_968 = arith.index_cast %add3A_928 : i32 to index
        %get3A_969 = arith.constant 80 : index
        %get3A_970 = tpu.vector_load %arg12[%get3A_968, %get3A_969] {strides = array<i32>} : memref<80x128xf32, #tpu.memory_space<vmem>>, vector<16xf32>,
        %get3A_971 = arith.index_cast %add3A_928 : i32 to index
        %get3A_972 = arith.constant 80 : index
        %get3A_973 = tpu.vector_load %arg13[%get3A_971, %get3A_972] {strides = array<i32>} : memref<80x128xf32, #tpu.memory_space<vmem>>, vector<16xf32>,
        %mul3A_974 = arith.mulf %get3A_970, %get3A_973 : vector<16xf32>
        %add3A_975 = arith.addf %add3A_967, %mul3A_974 : vector<16xf32>
        %get3A_976 = arith.index_cast %add3A_928 : i32 to index
        %get3A_977 = arith.constant 96 : index
        %get3A_978 = tpu.vector_load %arg12[%get3A_976, %get3A_977] {strides = array<i32>} : memref<80x128xf32, #tpu.memory_space<vmem>>, vector<16xf32>,
        %get3A_979 = arith.index_cast %add3A_928 : i32 to index
        %get3A_980 = arith.constant 96 : index
        %get3A_981 = tpu.vector_load %arg13[%get3A_979, %get3A_980] {strides = array<i32>} : memref<80x128xf32, #tpu.memory_space<vmem>>, vector<16xf32>,
        %mul3A_982 = arith.mulf %get3A_978, %get3A_981 : vector<16xf32>
        %add3A_983 = arith.addf %add3A_975, %mul3A_982 : vector<16xf32>
        %get3A_984 = arith.index_cast %add3A_928 : i32 to index
        %get3A_985 = arith.constant 112 : index
        %get3A_986 = tpu.vector_load %arg12[%get3A_984, %get3A_985] {strides = array<i32>} : memref<80x128xf32, #tpu.memory_space<vmem>>, vector<16xf32>,
        %get3A_987 = arith.index_cast %add3A_928 : i32 to index
        %get3A_988 = arith.constant 112 : index
        %get3A_989 = tpu.vector_load %arg13[%get3A_987, %get3A_988] {strides = array<i32>} : memref<80x128xf32, #tpu.memory_space<vmem>>, vector<16xf32>,
        %mul3A_990 = arith.mulf %get3A_986, %get3A_989 : vector<16xf32>
        %add3A_991 = arith.addf %add3A_983, %mul3A_990 : vector<16xf32>
        %swap3A_992 = arith.constant 192 : index
        %swap3A_993 = tpu.vector_load %arg14[%swap3A_992] {strides = array<i32>} : memref<256xf32, #tpu.memory_space<vmem>>, vector<16xf32>,
        tpu.vector_store %arg14[%swap3A_992], %add3A_991 {strides = array<i32>} : memref<256xf32, #tpu.memory_space<vmem>>, vector<16xf32>,
        %mul3A_994 = arith.constant 16 : i32
        %mul3A_995 = arith.muli %scan3A_96, %mul3A_994 : i32
        %add3A_996 = arith.constant 13 : i32
        %add3A_997 = arith.addi %mul3A_995, %add3A_996 : i32
        %get3A_998 = arith.index_cast %add3A_997 : i32 to index
        %get3A_999 = arith.constant 0 : index
        %get3A_1000 = tpu.vector_load %arg12[%get3A_998, %get3A_999] {strides = array<i32>} : memref<80x128xf32, #tpu.memory_space<vmem>>, vector<16xf32>,
        %get3A_1001 = arith.index_cast %add3A_997 : i32 to index
        %get3A_1002 = arith.constant 0 : index
        %get3A_1003 = tpu.vector_load %arg13[%get3A_1001, %get3A_1002] {strides = array<i32>} : memref<80x128xf32, #tpu.memory_space<vmem>>, vector<16xf32>,
        %mul3A_1004 = arith.mulf %get3A_1000, %get3A_1003 : vector<16xf32>
        %get3A_1005 = arith.index_cast %add3A_997 : i32 to index
        %get3A_1006 = arith.constant 16 : index
        %get3A_1007 = tpu.vector_load %arg12[%get3A_1005, %get3A_1006] {strides = array<i32>} : memref<80x128xf32, #tpu.memory_space<vmem>>, vector<16xf32>,
        %get3A_1008 = arith.index_cast %add3A_997 : i32 to index
        %get3A_1009 = arith.constant 16 : index
        %get3A_1010 = tpu.vector_load %arg13[%get3A_1008, %get3A_1009] {strides = array<i32>} : memref<80x128xf32, #tpu.memory_space<vmem>>, vector<16xf32>,
        %mul3A_1011 = arith.mulf %get3A_1007, %get3A_1010 : vector<16xf32>
        %add3A_1012 = arith.addf %mul3A_1004, %mul3A_1011 : vector<16xf32>
        %get3A_1013 = arith.index_cast %add3A_997 : i32 to index
        %get3A_1014 = arith.constant 32 : index
        %get3A_1015 = tpu.vector_load %arg12[%get3A_1013, %get3A_1014] {strides = array<i32>} : memref<80x128xf32, #tpu.memory_space<vmem>>, vector<16xf32>,
        %get3A_1016 = arith.index_cast %add3A_997 : i32 to index
        %get3A_1017 = arith.constant 32 : index
        %get3A_1018 = tpu.vector_load %arg13[%get3A_1016, %get3A_1017] {strides = array<i32>} : memref<80x128xf32, #tpu.memory_space<vmem>>, vector<16xf32>,
        %mul3A_1019 = arith.mulf %get3A_1015, %get3A_1018 : vector<16xf32>
        %add3A_1020 = arith.addf %add3A_1012, %mul3A_1019 : vector<16xf32>
        %get3A_1021 = arith.index_cast %add3A_997 : i32 to index
        %get3A_1022 = arith.constant 48 : index
        %get3A_1023 = tpu.vector_load %arg12[%get3A_1021, %get3A_1022] {strides = array<i32>} : memref<80x128xf32, #tpu.memory_space<vmem>>, vector<16xf32>,
        %get3A_1024 = arith.index_cast %add3A_997 : i32 to index
        %get3A_1025 = arith.constant 48 : index
        %get3A_1026 = tpu.vector_load %arg13[%get3A_1024, %get3A_1025] {strides = array<i32>} : memref<80x128xf32, #tpu.memory_space<vmem>>, vector<16xf32>,
        %mul3A_1027 = arith.mulf %get3A_1023, %get3A_1026 : vector<16xf32>
        %add3A_1028 = arith.addf %add3A_1020, %mul3A_1027 : vector<16xf32>
        %get3A_1029 = arith.index_cast %add3A_997 : i32 to index
        %get3A_1030 = arith.constant 64 : index
        %get3A_1031 = tpu.vector_load %arg12[%get3A_1029, %get3A_1030] {strides = array<i32>} : memref<80x128xf32, #tpu.memory_space<vmem>>, vector<16xf32>,
        %get3A_1032 = arith.index_cast %add3A_997 : i32 to index
        %get3A_1033 = arith.constant 64 : index
        %get3A_1034 = tpu.vector_load %arg13[%get3A_1032, %get3A_1033] {strides = array<i32>} : memref<80x128xf32, #tpu.memory_space<vmem>>, vector<16xf32>,
        %mul3A_1035 = arith.mulf %get3A_1031, %get3A_1034 : vector<16xf32>
        %add3A_1036 = arith.addf %add3A_1028, %mul3A_1035 : vector<16xf32>
        %get3A_1037 = arith.index_cast %add3A_997 : i32 to index
        %get3A_1038 = arith.constant 80 : index
        %get3A_1039 = tpu.vector_load %arg12[%get3A_1037, %get3A_1038] {strides = array<i32>} : memref<80x128xf32, #tpu.memory_space<vmem>>, vector<16xf32>,
        %get3A_1040 = arith.index_cast %add3A_997 : i32 to index
        %get3A_1041 = arith.constant 80 : index
        %get3A_1042 = tpu.vector_load %arg13[%get3A_1040, %get3A_1041] {strides = array<i32>} : memref<80x128xf32, #tpu.memory_space<vmem>>, vector<16xf32>,
        %mul3A_1043 = arith.mulf %get3A_1039, %get3A_1042 : vector<16xf32>
        %add3A_1044 = arith.addf %add3A_1036, %mul3A_1043 : vector<16xf32>
        %get3A_1045 = arith.index_cast %add3A_997 : i32 to index
        %get3A_1046 = arith.constant 96 : index
        %get3A_1047 = tpu.vector_load %arg12[%get3A_1045, %get3A_1046] {strides = array<i32>} : memref<80x128xf32, #tpu.memory_space<vmem>>, vector<16xf32>,
        %get3A_1048 = arith.index_cast %add3A_997 : i32 to index
        %get3A_1049 = arith.constant 96 : index
        %get3A_1050 = tpu.vector_load %arg13[%get3A_1048, %get3A_1049] {strides = array<i32>} : memref<80x128xf32, #tpu.memory_space<vmem>>, vector<16xf32>,
        %mul3A_1051 = arith.mulf %get3A_1047, %get3A_1050 : vector<16xf32>
        %add3A_1052 = arith.addf %add3A_1044, %mul3A_1051 : vector<16xf32>
        %get3A_1053 = arith.index_cast %add3A_997 : i32 to index
        %get3A_1054 = arith.constant 112 : index
        %get3A_1055 = tpu.vector_load %arg12[%get3A_1053, %get3A_1054] {strides = array<i32>} : memref<80x128xf32, #tpu.memory_space<vmem>>, vector<16xf32>,
        %get3A_1056 = arith.index_cast %add3A_997 : i32 to index
        %get3A_1057 = arith.constant 112 : index
        %get3A_1058 = tpu.vector_load %arg13[%get3A_1056, %get3A_1057] {strides = array<i32>} : memref<80x128xf32, #tpu.memory_space<vmem>>, vector<16xf32>,
        %mul3A_1059 = arith.mulf %get3A_1055, %get3A_1058 : vector<16xf32>
        %add3A_1060 = arith.addf %add3A_1052, %mul3A_1059 : vector<16xf32>
        %swap3A_1061 = arith.constant 208 : index
        %swap3A_1062 = tpu.vector_load %arg14[%swap3A_1061] {strides = array<i32>} : memref<256xf32, #tpu.memory_space<vmem>>, vector<16xf32>,
        tpu.vector_store %arg14[%swap3A_1061], %add3A_1060 {strides = array<i32>} : memref<256xf32, #tpu.memory_space<vmem>>, vector<16xf32>,
        %mul3A_1063 = arith.constant 16 : i32
        %mul3A_1064 = arith.muli %scan3A_96, %mul3A_1063 : i32
        %add3A_1065 = arith.constant 14 : i32
        %add3A_1066 = arith.addi %mul3A_1064, %add3A_1065 : i32
        %get3A_1067 = arith.index_cast %add3A_1066 : i32 to index
        %get3A_1068 = arith.constant 0 : index
        %get3A_1069 = tpu.vector_load %arg12[%get3A_1067, %get3A_1068] {strides = array<i32>} : memref<80x128xf32, #tpu.memory_space<vmem>>, vector<16xf32>,
        %get3A_1070 = arith.index_cast %add3A_1066 : i32 to index
        %get3A_1071 = arith.constant 0 : index
        %get3A_1072 = tpu.vector_load %arg13[%get3A_1070, %get3A_1071] {strides = array<i32>} : memref<80x128xf32, #tpu.memory_space<vmem>>, vector<16xf32>,
        %mul3A_1073 = arith.mulf %get3A_1069, %get3A_1072 : vector<16xf32>
        %get3A_1074 = arith.index_cast %add3A_1066 : i32 to index
        %get3A_1075 = arith.constant 16 : index
        %get3A_1076 = tpu.vector_load %arg12[%get3A_1074, %get3A_1075] {strides = array<i32>} : memref<80x128xf32, #tpu.memory_space<vmem>>, vector<16xf32>,
        %get3A_1077 = arith.index_cast %add3A_1066 : i32 to index
        %get3A_1078 = arith.constant 16 : index
        %get3A_1079 = tpu.vector_load %arg13[%get3A_1077, %get3A_1078] {strides = array<i32>} : memref<80x128xf32, #tpu.memory_space<vmem>>, vector<16xf32>,
        %mul3A_1080 = arith.mulf %get3A_1076, %get3A_1079 : vector<16xf32>
        %add3A_1081 = arith.addf %mul3A_1073, %mul3A_1080 : vector<16xf32>
        %get3A_1082 = arith.index_cast %add3A_1066 : i32 to index
        %get3A_1083 = arith.constant 32 : index
        %get3A_1084 = tpu.vector_load %arg12[%get3A_1082, %get3A_1083] {strides = array<i32>} : memref<80x128xf32, #tpu.memory_space<vmem>>, vector<16xf32>,
        %get3A_1085 = arith.index_cast %add3A_1066 : i32 to index
        %get3A_1086 = arith.constant 32 : index
        %get3A_1087 = tpu.vector_load %arg13[%get3A_1085, %get3A_1086] {strides = array<i32>} : memref<80x128xf32, #tpu.memory_space<vmem>>, vector<16xf32>,
        %mul3A_1088 = arith.mulf %get3A_1084, %get3A_1087 : vector<16xf32>
        %add3A_1089 = arith.addf %add3A_1081, %mul3A_1088 : vector<16xf32>
        %get3A_1090 = arith.index_cast %add3A_1066 : i32 to index
        %get3A_1091 = arith.constant 48 : index
        %get3A_1092 = tpu.vector_load %arg12[%get3A_1090, %get3A_1091] {strides = array<i32>} : memref<80x128xf32, #tpu.memory_space<vmem>>, vector<16xf32>,
        %get3A_1093 = arith.index_cast %add3A_1066 : i32 to index
        %get3A_1094 = arith.constant 48 : index
        %get3A_1095 = tpu.vector_load %arg13[%get3A_1093, %get3A_1094] {strides = array<i32>} : memref<80x128xf32, #tpu.memory_space<vmem>>, vector<16xf32>,
        %mul3A_1096 = arith.mulf %get3A_1092, %get3A_1095 : vector<16xf32>
        %add3A_1097 = arith.addf %add3A_1089, %mul3A_1096 : vector<16xf32>
        %get3A_1098 = arith.index_cast %add3A_1066 : i32 to index
        %get3A_1099 = arith.constant 64 : index
        %get3A_1100 = tpu.vector_load %arg12[%get3A_1098, %get3A_1099] {strides = array<i32>} : memref<80x128xf32, #tpu.memory_space<vmem>>, vector<16xf32>,
        %get3A_1101 = arith.index_cast %add3A_1066 : i32 to index
        %get3A_1102 = arith.constant 64 : index
        %get3A_1103 = tpu.vector_load %arg13[%get3A_1101, %get3A_1102] {strides = array<i32>} : memref<80x128xf32, #tpu.memory_space<vmem>>, vector<16xf32>,
        %mul3A_1104 = arith.mulf %get3A_1100, %get3A_1103 : vector<16xf32>
        %add3A_1105 = arith.addf %add3A_1097, %mul3A_1104 : vector<16xf32>
        %get3A_1106 = arith.index_cast %add3A_1066 : i32 to index
        %get3A_1107 = arith.constant 80 : index
        %get3A_1108 = tpu.vector_load %arg12[%get3A_1106, %get3A_1107] {strides = array<i32>} : memref<80x128xf32, #tpu.memory_space<vmem>>, vector<16xf32>,
        %get3A_1109 = arith.index_cast %add3A_1066 : i32 to index
        %get3A_1110 = arith.constant 80 : index
        %get3A_1111 = tpu.vector_load %arg13[%get3A_1109, %get3A_1110] {strides = array<i32>} : memref<80x128xf32, #tpu.memory_space<vmem>>, vector<16xf32>,
        %mul3A_1112 = arith.mulf %get3A_1108, %get3A_1111 : vector<16xf32>
        %add3A_1113 = arith.addf %add3A_1105, %mul3A_1112 : vector<16xf32>
        %get3A_1114 = arith.index_cast %add3A_1066 : i32 to index
        %get3A_1115 = arith.constant 96 : index
        %get3A_1116 = tpu.vector_load %arg12[%get3A_1114, %get3A_1115] {strides = array<i32>} : memref<80x128xf32, #tpu.memory_space<vmem>>, vector<16xf32>,
        %get3A_1117 = arith.index_cast %add3A_1066 : i32 to index
        %get3A_1118 = arith.constant 96 : index
        %get3A_1119 = tpu.vector_load %arg13[%get3A_1117, %get3A_1118] {strides = array<i32>} : memref<80x128xf32, #tpu.memory_space<vmem>>, vector<16xf32>,
        %mul3A_1120 = arith.mulf %get3A_1116, %get3A_1119 : vector<16xf32>
        %add3A_1121 = arith.addf %add3A_1113, %mul3A_1120 : vector<16xf32>
        %get3A_1122 = arith.index_cast %add3A_1066 : i32 to index
        %get3A_1123 = arith.constant 112 : index
        %get3A_1124 = tpu.vector_load %arg12[%get3A_1122, %get3A_1123] {strides = array<i32>} : memref<80x128xf32, #tpu.memory_space<vmem>>, vector<16xf32>,
        %get3A_1125 = arith.index_cast %add3A_1066 : i32 to index
        %get3A_1126 = arith.constant 112 : index
        %get3A_1127 = tpu.vector_load %arg13[%get3A_1125, %get3A_1126] {strides = array<i32>} : memref<80x128xf32, #tpu.memory_space<vmem>>, vector<16xf32>,
        %mul3A_1128 = arith.mulf %get3A_1124, %get3A_1127 : vector<16xf32>
        %add3A_1129 = arith.addf %add3A_1121, %mul3A_1128 : vector<16xf32>
        %swap3A_1130 = arith.constant 224 : index
        %swap3A_1131 = tpu.vector_load %arg14[%swap3A_1130] {strides = array<i32>} : memref<256xf32, #tpu.memory_space<vmem>>, vector<16xf32>,
        tpu.vector_store %arg14[%swap3A_1130], %add3A_1129 {strides = array<i32>} : memref<256xf32, #tpu.memory_space<vmem>>, vector<16xf32>,
        %mul3A_1132 = arith.constant 16 : i32
        %mul3A_1133 = arith.muli %scan3A_96, %mul3A_1132 : i32
        %add3A_1134 = arith.constant 15 : i32
        %add3A_1135 = arith.addi %mul3A_1133, %add3A_1134 : i32
        %get3A_1136 = arith.index_cast %add3A_1135 : i32 to index
        %get3A_1137 = arith.constant 0 : index
        %get3A_1138 = tpu.vector_load %arg12[%get3A_1136, %get3A_1137] {strides = array<i32>} : memref<80x128xf32, #tpu.memory_space<vmem>>, vector<16xf32>,
        %get3A_1139 = arith.index_cast %add3A_1135 : i32 to index
        %get3A_1140 = arith.constant 0 : index
        %get3A_1141 = tpu.vector_load %arg13[%get3A_1139, %get3A_1140] {strides = array<i32>} : memref<80x128xf32, #tpu.memory_space<vmem>>, vector<16xf32>,
        %mul3A_1142 = arith.mulf %get3A_1138, %get3A_1141 : vector<16xf32>
        %get3A_1143 = arith.index_cast %add3A_1135 : i32 to index
        %get3A_1144 = arith.constant 16 : index
        %get3A_1145 = tpu.vector_load %arg12[%get3A_1143, %get3A_1144] {strides = array<i32>} : memref<80x128xf32, #tpu.memory_space<vmem>>, vector<16xf32>,
        %get3A_1146 = arith.index_cast %add3A_1135 : i32 to index
        %get3A_1147 = arith.constant 16 : index
        %get3A_1148 = tpu.vector_load %arg13[%get3A_1146, %get3A_1147] {strides = array<i32>} : memref<80x128xf32, #tpu.memory_space<vmem>>, vector<16xf32>,
        %mul3A_1149 = arith.mulf %get3A_1145, %get3A_1148 : vector<16xf32>
        %add3A_1150 = arith.addf %mul3A_1142, %mul3A_1149 : vector<16xf32>
        %get3A_1151 = arith.index_cast %add3A_1135 : i32 to index
        %get3A_1152 = arith.constant 32 : index
        %get3A_1153 = tpu.vector_load %arg12[%get3A_1151, %get3A_1152] {strides = array<i32>} : memref<80x128xf32, #tpu.memory_space<vmem>>, vector<16xf32>,
        %get3A_1154 = arith.index_cast %add3A_1135 : i32 to index
        %get3A_1155 = arith.constant 32 : index
        %get3A_1156 = tpu.vector_load %arg13[%get3A_1154, %get3A_1155] {strides = array<i32>} : memref<80x128xf32, #tpu.memory_space<vmem>>, vector<16xf32>,
        %mul3A_1157 = arith.mulf %get3A_1153, %get3A_1156 : vector<16xf32>
        %add3A_1158 = arith.addf %add3A_1150, %mul3A_1157 : vector<16xf32>
        %get3A_1159 = arith.index_cast %add3A_1135 : i32 to index
        %get3A_1160 = arith.constant 48 : index
        %get3A_1161 = tpu.vector_load %arg12[%get3A_1159, %get3A_1160] {strides = array<i32>} : memref<80x128xf32, #tpu.memory_space<vmem>>, vector<16xf32>,
        %get3A_1162 = arith.index_cast %add3A_1135 : i32 to index
        %get3A_1163 = arith.constant 48 : index
        %get3A_1164 = tpu.vector_load %arg13[%get3A_1162, %get3A_1163] {strides = array<i32>} : memref<80x128xf32, #tpu.memory_space<vmem>>, vector<16xf32>,
        %mul3A_1165 = arith.mulf %get3A_1161, %get3A_1164 : vector<16xf32>
        %add3A_1166 = arith.addf %add3A_1158, %mul3A_1165 : vector<16xf32>
        %get3A_1167 = arith.index_cast %add3A_1135 : i32 to index
        %get3A_1168 = arith.constant 64 : index
        %get3A_1169 = tpu.vector_load %arg12[%get3A_1167, %get3A_1168] {strides = array<i32>} : memref<80x128xf32, #tpu.memory_space<vmem>>, vector<16xf32>,
        %get3A_1170 = arith.index_cast %add3A_1135 : i32 to index
        %get3A_1171 = arith.constant 64 : index
        %get3A_1172 = tpu.vector_load %arg13[%get3A_1170, %get3A_1171] {strides = array<i32>} : memref<80x128xf32, #tpu.memory_space<vmem>>, vector<16xf32>,
        %mul3A_1173 = arith.mulf %get3A_1169, %get3A_1172 : vector<16xf32>
        %add3A_1174 = arith.addf %add3A_1166, %mul3A_1173 : vector<16xf32>
        %get3A_1175 = arith.index_cast %add3A_1135 : i32 to index
        %get3A_1176 = arith.constant 80 : index
        %get3A_1177 = tpu.vector_load %arg12[%get3A_1175, %get3A_1176] {strides = array<i32>} : memref<80x128xf32, #tpu.memory_space<vmem>>, vector<16xf32>,
        %get3A_1178 = arith.index_cast %add3A_1135 : i32 to index
        %get3A_1179 = arith.constant 80 : index
        %get3A_1180 = tpu.vector_load %arg13[%get3A_1178, %get3A_1179] {strides = array<i32>} : memref<80x128xf32, #tpu.memory_space<vmem>>, vector<16xf32>,
        %mul3A_1181 = arith.mulf %get3A_1177, %get3A_1180 : vector<16xf32>
        %add3A_1182 = arith.addf %add3A_1174, %mul3A_1181 : vector<16xf32>
        %get3A_1183 = arith.index_cast %add3A_1135 : i32 to index
        %get3A_1184 = arith.constant 96 : index
        %get3A_1185 = tpu.vector_load %arg12[%get3A_1183, %get3A_1184] {strides = array<i32>} : memref<80x128xf32, #tpu.memory_space<vmem>>, vector<16xf32>,
        %get3A_1186 = arith.index_cast %add3A_1135 : i32 to index
        %get3A_1187 = arith.constant 96 : index
        %get3A_1188 = tpu.vector_load %arg13[%get3A_1186, %get3A_1187] {strides = array<i32>} : memref<80x128xf32, #tpu.memory_space<vmem>>, vector<16xf32>,
        %mul3A_1189 = arith.mulf %get3A_1185, %get3A_1188 : vector<16xf32>
        %add3A_1190 = arith.addf %add3A_1182, %mul3A_1189 : vector<16xf32>
        %get3A_1191 = arith.index_cast %add3A_1135 : i32 to index
        %get3A_1192 = arith.constant 112 : index
        %get3A_1193 = tpu.vector_load %arg12[%get3A_1191, %get3A_1192] {strides = array<i32>} : memref<80x128xf32, #tpu.memory_space<vmem>>, vector<16xf32>,
        %get3A_1194 = arith.index_cast %add3A_1135 : i32 to index
        %get3A_1195 = arith.constant 112 : index
        %get3A_1196 = tpu.vector_load %arg13[%get3A_1194, %get3A_1195] {strides = array<i32>} : memref<80x128xf32, #tpu.memory_space<vmem>>, vector<16xf32>,
        %mul3A_1197 = arith.mulf %get3A_1193, %get3A_1196 : vector<16xf32>
        %add3A_1198 = arith.addf %add3A_1190, %mul3A_1197 : vector<16xf32>
        %swap3A_1199 = arith.constant 240 : index
        %swap3A_1200 = tpu.vector_load %arg14[%swap3A_1199] {strides = array<i32>} : memref<256xf32, #tpu.memory_space<vmem>>, vector<16xf32>,
        tpu.vector_store %arg14[%swap3A_1199], %add3A_1198 {strides = array<i32>} : memref<256xf32, #tpu.memory_space<vmem>>, vector<16xf32>,
        %mul3A_1201 = arith.constant 16 : i32
        %mul3A_1202 = vector.broadcast %mul3A_1201 : i32 to vector<16xi32>
        %mul3A_1203 = arith.muli %iota3A, %mul3A_1202 : vector<16xi32>
        %gather3A = tpu.vector_load_idx %arg14[%mul3A_1203] : memref<256xf32, #tpu.memory_space<vmem>>[vector<16xi32>], vector<16xf32>,
        %add3A_1204 = arith.constant 1 : i32
        %add3A_1205 = vector.broadcast %add3A_1204 : i32 to vector<16xi32>
        %add3A_1206 = arith.addi %mul3A_1203, %add3A_1205 : vector<16xi32>
        %gather3A_1207 = tpu.vector_load_idx %arg14[%add3A_1206] : memref<256xf32, #tpu.memory_space<vmem>>[vector<16xi32>], vector<16xf32>,
        %add3A_1208 = arith.constant 2 : i32
        %add3A_1209 = vector.broadcast %add3A_1208 : i32 to vector<16xi32>
        %add3A_1210 = arith.addi %mul3A_1203, %add3A_1209 : vector<16xi32>
        %gather3A_1211 = tpu.vector_load_idx %arg14[%add3A_1210] : memref<256xf32, #tpu.memory_space<vmem>>[vector<16xi32>], vector<16xf32>,
        %add3A_1212 = arith.constant 3 : i32
        %add3A_1213 = vector.broadcast %add3A_1212 : i32 to vector<16xi32>
        %add3A_1214 = arith.addi %mul3A_1203, %add3A_1213 : vector<16xi32>
        %gather3A_1215 = tpu.vector_load_idx %arg14[%add3A_1214] : memref<256xf32, #tpu.memory_space<vmem>>[vector<16xi32>], vector<16xf32>,
        %add3A_1216 = arith.constant 4 : i32
        %add3A_1217 = vector.broadcast %add3A_1216 : i32 to vector<16xi32>
        %add3A_1218 = arith.addi %mul3A_1203, %add3A_1217 : vector<16xi32>
        %gather3A_1219 = tpu.vector_load_idx %arg14[%add3A_1218] : memref<256xf32, #tpu.memory_space<vmem>>[vector<16xi32>], vector<16xf32>,
        %add3A_1220 = arith.addf %gather3A, %gather3A_1219 : vector<16xf32>
        %add3A_1221 = arith.constant 5 : i32
        %add3A_1222 = vector.broadcast %add3A_1221 : i32 to vector<16xi32>
        %add3A_1223 = arith.addi %mul3A_1203, %add3A_1222 : vector<16xi32>
        %gather3A_1224 = tpu.vector_load_idx %arg14[%add3A_1223] : memref<256xf32, #tpu.memory_space<vmem>>[vector<16xi32>], vector<16xf32>,
        %add3A_1225 = arith.addf %gather3A_1207, %gather3A_1224 : vector<16xf32>
        %add3A_1226 = arith.constant 6 : i32
        %add3A_1227 = vector.broadcast %add3A_1226 : i32 to vector<16xi32>
        %add3A_1228 = arith.addi %mul3A_1203, %add3A_1227 : vector<16xi32>
        %gather3A_1229 = tpu.vector_load_idx %arg14[%add3A_1228] : memref<256xf32, #tpu.memory_space<vmem>>[vector<16xi32>], vector<16xf32>,
        %add3A_1230 = arith.addf %gather3A_1211, %gather3A_1229 : vector<16xf32>
        %add3A_1231 = arith.constant 7 : i32
        %add3A_1232 = vector.broadcast %add3A_1231 : i32 to vector<16xi32>
        %add3A_1233 = arith.addi %mul3A_1203, %add3A_1232 : vector<16xi32>
        %gather3A_1234 = tpu.vector_load_idx %arg14[%add3A_1233] : memref<256xf32, #tpu.memory_space<vmem>>[vector<16xi32>], vector<16xf32>,
        %add3A_1235 = arith.addf %gather3A_1215, %gather3A_1234 : vector<16xf32>
        %add3A_1236 = arith.constant 8 : i32
        %add3A_1237 = vector.broadcast %add3A_1236 : i32 to vector<16xi32>
        %add3A_1238 = arith.addi %mul3A_1203, %add3A_1237 : vector<16xi32>
        %gather3A_1239 = tpu.vector_load_idx %arg14[%add3A_1238] : memref<256xf32, #tpu.memory_space<vmem>>[vector<16xi32>], vector<16xf32>,
        %add3A_1240 = arith.addf %add3A_1220, %gather3A_1239 : vector<16xf32>
        %add3A_1241 = arith.constant 9 : i32
        %add3A_1242 = vector.broadcast %add3A_1241 : i32 to vector<16xi32>
        %add3A_1243 = arith.addi %mul3A_1203, %add3A_1242 : vector<16xi32>
        %gather3A_1244 = tpu.vector_load_idx %arg14[%add3A_1243] : memref<256xf32, #tpu.memory_space<vmem>>[vector<16xi32>], vector<16xf32>,
        %add3A_1245 = arith.addf %add3A_1225, %gather3A_1244 : vector<16xf32>
        %add3A_1246 = arith.constant 10 : i32
        %add3A_1247 = vector.broadcast %add3A_1246 : i32 to vector<16xi32>
        %add3A_1248 = arith.addi %mul3A_1203, %add3A_1247 : vector<16xi32>
        %gather3A_1249 = tpu.vector_load_idx %arg14[%add3A_1248] : memref<256xf32, #tpu.memory_space<vmem>>[vector<16xi32>], vector<16xf32>,
        %add3A_1250 = arith.addf %add3A_1230, %gather3A_1249 : vector<16xf32>
        %add3A_1251 = arith.constant 11 : i32
        %add3A_1252 = vector.broadcast %add3A_1251 : i32 to vector<16xi32>
        %add3A_1253 = arith.addi %mul3A_1203, %add3A_1252 : vector<16xi32>
        %gather3A_1254 = tpu.vector_load_idx %arg14[%add3A_1253] : memref<256xf32, #tpu.memory_space<vmem>>[vector<16xi32>], vector<16xf32>,
        %add3A_1255 = arith.addf %add3A_1235, %gather3A_1254 : vector<16xf32>
        %add3A_1256 = arith.constant 12 : i32
        %add3A_1257 = vector.broadcast %add3A_1256 : i32 to vector<16xi32>
        %add3A_1258 = arith.addi %mul3A_1203, %add3A_1257 : vector<16xi32>
        %gather3A_1259 = tpu.vector_load_idx %arg14[%add3A_1258] : memref<256xf32, #tpu.memory_space<vmem>>[vector<16xi32>], vector<16xf32>,
        %add3A_1260 = arith.addf %add3A_1240, %gather3A_1259 : vector<16xf32>
        %add3A_1261 = arith.constant 13 : i32
        %add3A_1262 = vector.broadcast %add3A_1261 : i32 to vector<16xi32>
        %add3A_1263 = arith.addi %mul3A_1203, %add3A_1262 : vector<16xi32>
        %gather3A_1264 = tpu.vector_load_idx %arg14[%add3A_1263] : memref<256xf32, #tpu.memory_space<vmem>>[vector<16xi32>], vector<16xf32>,
        %add3A_1265 = arith.addf %add3A_1245, %gather3A_1264 : vector<16xf32>
        %add3A_1266 = arith.constant 14 : i32
        %add3A_1267 = vector.broadcast %add3A_1266 : i32 to vector<16xi32>
        %add3A_1268 = arith.addi %mul3A_1203, %add3A_1267 : vector<16xi32>
        %gather3A_1269 = tpu.vector_load_idx %arg14[%add3A_1268] : memref<256xf32, #tpu.memory_space<vmem>>[vector<16xi32>], vector<16xf32>,
        %add3A_1270 = arith.addf %add3A_1250, %gather3A_1269 : vector<16xf32>
        %add3A_1271 = arith.constant 15 : i32
        %add3A_1272 = vector.broadcast %add3A_1271 : i32 to vector<16xi32>
        %add3A_1273 = arith.addi %mul3A_1203, %add3A_1272 : vector<16xi32>
        %gather3A_1274 = tpu.vector_load_idx %arg14[%add3A_1273] : memref<256xf32, #tpu.memory_space<vmem>>[vector<16xi32>], vector<16xf32>,
        %add3A_1275 = arith.addf %add3A_1255, %gather3A_1274 : vector<16xf32>
        %add3A_1276 = arith.addf %add3A_1260, %add3A_1265 : vector<16xf32>
        %add3A_1277 = arith.addf %add3A_1270, %add3A_1275 : vector<16xf32>
        %add3A_1278 = arith.addf %add3A_1276, %add3A_1277 : vector<16xf32>
        %neg3A = arith.constant 0.000000e+00 : f32
        %neg3A_1279 = vector.broadcast %neg3A : f32 to vector<16xf32>
        %neg3A_1280 = arith.subf %neg3A_1279, %add3A_1278 : vector<16xf32>
        %exp3A = math.exp %neg3A_1280 : vector<16xf32>
        %add3A_1281 = arith.constant 1.000000e+00 : f32
        %add3A_1282 = vector.broadcast %add3A_1281 : f32 to vector<16xf32>
        %add3A_1283 = arith.addf %add3A_1282, %exp3A : vector<16xf32>
        %div3A = arith.constant 1.000000e+00 : f32
        %div3A_1284 = vector.broadcast %div3A : f32 to vector<16xf32>
        %div3A_1285 = arith.divf %div3A_1284, %add3A_1283 : vector<16xf32>
        %sub3A = arith.constant 1.000000e+00 : f32
        %sub3A_1286 = vector.broadcast %sub3A : f32 to vector<16xf32>
        %sub3A_1287 = arith.subf %sub3A_1286, %div3A_1285 : vector<16xf32>
        %add3A_1288 = arith.constant 1.000000e-15 : f32
        %add3A_1289 = vector.broadcast %add3A_1288 : f32 to vector<16xf32>
        %add3A_1290 = arith.addf %sub3A_1287, %add3A_1289 : vector<16xf32>
        %add3A_1291 = arith.constant 1.000000e-15 : f32
        %add3A_1292 = vector.broadcast %add3A_1291 : f32 to vector<16xf32>
        %add3A_1293 = arith.addf %div3A_1285, %add3A_1292 : vector<16xf32>
        %select_n3A = arith.select %broadcast_in_dim3A, %add3A_1290, %add3A_1293 : vector<16xi1>, vector<16xf32>
        %bitcast3A = vector.bitcast %select_n3A : vector<16xf32> to vector<16xi32>
        %shift_right_arithmetic3A = arith.constant 23 : i32
        %shift_right_arithmetic3A_1294 = vector.broadcast %shift_right_arithmetic3A : i32 to vector<16xi32>
        %shift_right_arithmetic3A_1295 = arith.shrsi %bitcast3A, %shift_right_arithmetic3A_1294 : vector<16xi32>
        %sub3A_1296 = arith.constant 127 : i32
        %sub3A_1297 = vector.broadcast %sub3A_1296 : i32 to vector<16xi32>
        %sub3A_1298 = arith.subi %shift_right_arithmetic3A_1295, %sub3A_1297 : vector<16xi32>
        %and3A = arith.constant 8388607 : i32
        %and3A_1299 = vector.broadcast %and3A : i32 to vector<16xi32>
        %and3A_1300 = arith.andi %bitcast3A, %and3A_1299 : vector<16xi32>
        %or3A = arith.constant 1065353216 : i32
        %or3A_1301 = vector.broadcast %or3A : i32 to vector<16xi32>
        %or3A_1302 = arith.ori %and3A_1300, %or3A_1301 : vector<16xi32>
        %bitcast3A_1303 = vector.bitcast %or3A_1302 : vector<16xi32> to vector<16xf32>
        %ge3A_1304 = arith.constant 1.41421354 : f32
        %ge3A_1305 = vector.broadcast %ge3A_1304 : f32 to vector<16xf32>
        %ge3A_1306 = arith.cmpf oge, %bitcast3A_1303, %ge3A_1305 : vector<16xf32>
        %mul3A_1307 = arith.constant 5.000000e-01 : f32
        %mul3A_1308 = vector.broadcast %mul3A_1307 : f32 to vector<16xf32>
        %mul3A_1309 = arith.mulf %bitcast3A_1303, %mul3A_1308 : vector<16xf32>
        %select_n3A_1310 = arith.select %ge3A_1306, %mul3A_1309, %bitcast3A_1303 : vector<16xi1>, vector<16xf32>
        %convert_element_type3A_1311 = arith.extui %ge3A_1306 : vector<16xi1> to vector<16xi32>
        %add3A_1312 = arith.addi %sub3A_1298, %convert_element_type3A_1311 : vector<16xi32>
        %convert_element_type3A_1313 = arith.sitofp %add3A_1312 : vector<16xi32> to vector<16xf32>
        %sub3A_1314 = arith.constant 1.000000e+00 : f32
        %sub3A_1315 = vector.broadcast %sub3A_1314 : f32 to vector<16xf32>
        %sub3A_1316 = arith.subf %select_n3A_1310, %sub3A_1315 : vector<16xf32>
        %add3A_1317 = arith.constant 1.000000e+00 : f32
        %add3A_1318 = vector.broadcast %add3A_1317 : f32 to vector<16xf32>
        %add3A_1319 = arith.addf %select_n3A_1310, %add3A_1318 : vector<16xf32>
        %div3A_1320 = arith.divf %sub3A_1316, %add3A_1319 : vector<16xf32>
        %mul3A_1321 = arith.mulf %div3A_1320, %div3A_1320 : vector<16xf32>
        %mul3A_1322 = arith.constant 0.0909090936 : f32
        %mul3A_1323 = vector.broadcast %mul3A_1322 : f32 to vector<16xf32>
        %mul3A_1324 = arith.mulf %mul3A_1323, %mul3A_1321 : vector<16xf32>
        %add3A_1325 = arith.constant 0.111111112 : f32
        %add3A_1326 = vector.broadcast %add3A_1325 : f32 to vector<16xf32>
        %add3A_1327 = arith.addf %mul3A_1324, %add3A_1326 : vector<16xf32>
        %mul3A_1328 = arith.mulf %add3A_1327, %mul3A_1321 : vector<16xf32>
        %add3A_1329 = arith.constant 0.142857149 : f32
        %add3A_1330 = vector.broadcast %add3A_1329 : f32 to vector<16xf32>
        %add3A_1331 = arith.addf %mul3A_1328, %add3A_1330 : vector<16xf32>
        %mul3A_1332 = arith.mulf %add3A_1331, %mul3A_1321 : vector<16xf32>
        %add3A_1333 = arith.constant 2.000000e-01 : f32
        %add3A_1334 = vector.broadcast %add3A_1333 : f32 to vector<16xf32>
        %add3A_1335 = arith.addf %mul3A_1332, %add3A_1334 : vector<16xf32>
        %mul3A_1336 = arith.mulf %add3A_1335, %mul3A_1321 : vector<16xf32>
        %add3A_1337 = arith.constant 0.333333343 : f32
        %add3A_1338 = vector.broadcast %add3A_1337 : f32 to vector<16xf32>
        %add3A_1339 = arith.addf %mul3A_1336, %add3A_1338 : vector<16xf32>
        %mul3A_1340 = arith.constant 0.693147182 : f32
        %mul3A_1341 = vector.broadcast %mul3A_1340 : f32 to vector<16xf32>
        %mul3A_1342 = arith.mulf %convert_element_type3A_1313, %mul3A_1341 : vector<16xf32>
        %mul3A_1343 = arith.constant 2.000000e+00 : f32
        %mul3A_1344 = vector.broadcast %mul3A_1343 : f32 to vector<16xf32>
        %mul3A_1345 = arith.mulf %mul3A_1344, %div3A_1320 : vector<16xf32>
        %mul3A_1346 = arith.mulf %mul3A_1321, %add3A_1339 : vector<16xf32>
        %add3A_1347 = arith.constant 1.000000e+00 : f32
        %add3A_1348 = vector.broadcast %add3A_1347 : f32 to vector<16xf32>
        %add3A_1349 = arith.addf %add3A_1348, %mul3A_1346 : vector<16xf32>
        %mul3A_1350 = arith.mulf %mul3A_1345, %add3A_1349 : vector<16xf32>
        %add3A_1351 = arith.addf %mul3A_1342, %mul3A_1350 : vector<16xf32>
        %sub3A_1352 = arith.subf %scan3A_97, %add3A_1351 : vector<16xf32>
        scf.yield %sub3A_1352 : vector<16xf32>
      }
      %scan3A_95 = arith.constant 5 : i32
      scf.yield %scan3A_94 : vector<16xf32>
    }
    %scan3A_27 = arith.constant 125 : i32
    %swap3A = arith.constant 0 : index
    %swap3A_28 = tpu.vector_load %arg15[%swap3A] {strides = array<i32>} : memref<16xf32, #tpu.memory_space<vmem>>, vector<16xf32>,
    tpu.vector_store %arg15[%swap3A], %scan3A_26 {strides = array<i32>} : memref<16xf32, #tpu.memory_space<vmem>>, vector<16xf32>,
    "tpu.region"() ({
      %run_scoped3A = tpu.sem_alloc : memref<!tpu.dma_semaphore, #tpu.memory_space<semaphore_mem>>
      %dma_start3A_35 = arith.constant 0 : i32
      %dma_start3A_36 = tpu.memref_slice %arg18[%arg1, %dma_start3A_35] : memref<16x16xf32, #tpu.memory_space<vmem_shared>> -> memref<1x16xf32, #tpu.memory_space<vmem_shared>>
      %dma_start3A_37 = tpu.memref_squeeze %dma_start3A_36 : memref<1x16xf32, #tpu.memory_space<vmem_shared>> -> memref<16xf32, #tpu.memory_space<vmem_shared>>
      %dma_start3A_38 = arith.constant 0 : i32
      %dma_start3A_39 = tpu.memref_slice %arg18[%arg1, %dma_start3A_38] : memref<16x16xf32, #tpu.memory_space<vmem_shared>> -> memref<1x16xf32, #tpu.memory_space<vmem_shared>>
      %dma_start3A_40 = tpu.memref_squeeze %dma_start3A_39 : memref<1x16xf32, #tpu.memory_space<vmem_shared>> -> memref<16xf32, #tpu.memory_space<vmem_shared>>
      tpu.enqueue_dma source(%arg15 : memref<16xf32, #tpu.memory_space<vmem>>) target(%dma_start3A_40 : memref<16xf32, #tpu.memory_space<vmem_shared>>) target_semaphore(%run_scoped3A : memref<!tpu.dma_semaphore, #tpu.memory_space<semaphore_mem>>)
      %dma_wait3A = arith.constant 0 : i32
      %dma_wait3A_41 = tpu.memref_slice %arg18[%arg1, %dma_wait3A] : memref<16x16xf32, #tpu.memory_space<vmem_shared>> -> memref<1x16xf32, #tpu.memory_space<vmem_shared>>
      %dma_wait3A_42 = tpu.memref_squeeze %dma_wait3A_41 : memref<1x16xf32, #tpu.memory_space<vmem_shared>> -> memref<16xf32, #tpu.memory_space<vmem_shared>>
      %dma_wait3A_43 = arith.constant 0 : i32
      %dma_wait3A_44 = tpu.memref_slice %arg18[%arg1, %dma_wait3A_43] : memref<16x16xf32, #tpu.memory_space<vmem_shared>> -> memref<1x16xf32, #tpu.memory_space<vmem_shared>>
      %dma_wait3A_45 = tpu.memref_squeeze %dma_wait3A_44 : memref<1x16xf32, #tpu.memory_space<vmem_shared>> -> memref<16xf32, #tpu.memory_space<vmem_shared>>
      tpu.wait_dma2 semaphore(%run_scoped3A : memref<!tpu.dma_semaphore, #tpu.memory_space<semaphore_mem>>) src(%arg15 : memref<16xf32, #tpu.memory_space<vmem>>) dst(%dma_wait3A_45 : memref<16xf32, #tpu.memory_space<vmem_shared>>)
      tpu.yield
    }) : () -> ()
    %barrier3A_29 = arith.constant 0 : index
    tpu.barrier barrier_id(%barrier3A_29)
    %eq3A_30 = arith.constant 0 : i32
    %eq3A_31 = arith.cmpi eq, %arg1, %eq3A_30 : i32
    %convert_element_type3A_32 = arith.extui %eq3A_31 : i1 to i32
    %cond3A_33 = arith.constant 0 : i32
    %cond3A_34 = arith.cmpi ne, %convert_element_type3A_32, %cond3A_33 : i32
    scf.if %cond3A_34 {
      "tpu.region"() ({
        %run_scoped3A = tpu.sem_alloc : memref<!tpu.dma_semaphore, #tpu.memory_space<semaphore_mem>>
        tpu.enqueue_dma source(%arg18 : memref<16x16xf32, #tpu.memory_space<vmem_shared>>) target(%arg16 : memref<16x16xf32, #tpu.memory_space<vmem>>) target_semaphore(%run_scoped3A : memref<!tpu.dma_semaphore, #tpu.memory_space<semaphore_mem>>)
        tpu.wait_dma2 semaphore(%run_scoped3A : memref<!tpu.dma_semaphore, #tpu.memory_space<semaphore_mem>>) src(%arg18 : memref<16x16xf32, #tpu.memory_space<vmem_shared>>) dst(%arg16 : memref<16x16xf32, #tpu.memory_space<vmem>>)
        tpu.yield
      }) : () -> ()
      %get3A = arith.constant 0 : i32
      %get3A_35 = arith.index_cast %get3A : i32 to index
      %get3A_36 = arith.constant 0 : index
      %get3A_37 = tpu.vector_load %arg16[%get3A_35, %get3A_36] {strides = array<i32>} : memref<16x16xf32, #tpu.memory_space<vmem>>, vector<16xf32>,
      %get3A_38 = arith.constant 1 : i32
      %get3A_39 = arith.index_cast %get3A_38 : i32 to index
      %get3A_40 = arith.constant 0 : index
      %get3A_41 = tpu.vector_load %arg16[%get3A_39, %get3A_40] {strides = array<i32>} : memref<16x16xf32, #tpu.memory_space<vmem>>, vector<16xf32>,
      %add3A_42 = arith.addf %get3A_37, %get3A_41 : vector<16xf32>
      %get3A_43 = arith.constant 2 : i32
      %get3A_44 = arith.index_cast %get3A_43 : i32 to index
      %get3A_45 = arith.constant 0 : index
      %get3A_46 = tpu.vector_load %arg16[%get3A_44, %get3A_45] {strides = array<i32>} : memref<16x16xf32, #tpu.memory_space<vmem>>, vector<16xf32>,
      %add3A_47 = arith.addf %add3A_42, %get3A_46 : vector<16xf32>
      %get3A_48 = arith.constant 3 : i32
      %get3A_49 = arith.index_cast %get3A_48 : i32 to index
      %get3A_50 = arith.constant 0 : index
      %get3A_51 = tpu.vector_load %arg16[%get3A_49, %get3A_50] {strides = array<i32>} : memref<16x16xf32, #tpu.memory_space<vmem>>, vector<16xf32>,
      %add3A_52 = arith.addf %add3A_47, %get3A_51 : vector<16xf32>
      %get3A_53 = arith.constant 4 : i32
      %get3A_54 = arith.index_cast %get3A_53 : i32 to index
      %get3A_55 = arith.constant 0 : index
      %get3A_56 = tpu.vector_load %arg16[%get3A_54, %get3A_55] {strides = array<i32>} : memref<16x16xf32, #tpu.memory_space<vmem>>, vector<16xf32>,
      %add3A_57 = arith.addf %add3A_52, %get3A_56 : vector<16xf32>
      %get3A_58 = arith.constant 5 : i32
      %get3A_59 = arith.index_cast %get3A_58 : i32 to index
      %get3A_60 = arith.constant 0 : index
      %get3A_61 = tpu.vector_load %arg16[%get3A_59, %get3A_60] {strides = array<i32>} : memref<16x16xf32, #tpu.memory_space<vmem>>, vector<16xf32>,
      %add3A_62 = arith.addf %add3A_57, %get3A_61 : vector<16xf32>
      %get3A_63 = arith.constant 6 : i32
      %get3A_64 = arith.index_cast %get3A_63 : i32 to index
      %get3A_65 = arith.constant 0 : index
      %get3A_66 = tpu.vector_load %arg16[%get3A_64, %get3A_65] {strides = array<i32>} : memref<16x16xf32, #tpu.memory_space<vmem>>, vector<16xf32>,
      %add3A_67 = arith.addf %add3A_62, %get3A_66 : vector<16xf32>
      %get3A_68 = arith.constant 7 : i32
      %get3A_69 = arith.index_cast %get3A_68 : i32 to index
      %get3A_70 = arith.constant 0 : index
      %get3A_71 = tpu.vector_load %arg16[%get3A_69, %get3A_70] {strides = array<i32>} : memref<16x16xf32, #tpu.memory_space<vmem>>, vector<16xf32>,
      %add3A_72 = arith.addf %add3A_67, %get3A_71 : vector<16xf32>
      %get3A_73 = arith.constant 8 : i32
      %get3A_74 = arith.index_cast %get3A_73 : i32 to index
      %get3A_75 = arith.constant 0 : index
      %get3A_76 = tpu.vector_load %arg16[%get3A_74, %get3A_75] {strides = array<i32>} : memref<16x16xf32, #tpu.memory_space<vmem>>, vector<16xf32>,
      %add3A_77 = arith.addf %add3A_72, %get3A_76 : vector<16xf32>
      %get3A_78 = arith.constant 9 : i32
      %get3A_79 = arith.index_cast %get3A_78 : i32 to index
      %get3A_80 = arith.constant 0 : index
      %get3A_81 = tpu.vector_load %arg16[%get3A_79, %get3A_80] {strides = array<i32>} : memref<16x16xf32, #tpu.memory_space<vmem>>, vector<16xf32>,
      %add3A_82 = arith.addf %add3A_77, %get3A_81 : vector<16xf32>
      %get3A_83 = arith.constant 10 : i32
      %get3A_84 = arith.index_cast %get3A_83 : i32 to index
      %get3A_85 = arith.constant 0 : index
      %get3A_86 = tpu.vector_load %arg16[%get3A_84, %get3A_85] {strides = array<i32>} : memref<16x16xf32, #tpu.memory_space<vmem>>, vector<16xf32>,
      %add3A_87 = arith.addf %add3A_82, %get3A_86 : vector<16xf32>
      %get3A_88 = arith.constant 11 : i32
      %get3A_89 = arith.index_cast %get3A_88 : i32 to index
      %get3A_90 = arith.constant 0 : index
      %get3A_91 = tpu.vector_load %arg16[%get3A_89, %get3A_90] {strides = array<i32>} : memref<16x16xf32, #tpu.memory_space<vmem>>, vector<16xf32>,
      %add3A_92 = arith.addf %add3A_87, %get3A_91 : vector<16xf32>
      %get3A_93 = arith.constant 12 : i32
      %get3A_94 = arith.index_cast %get3A_93 : i32 to index
      %get3A_95 = arith.constant 0 : index
      %get3A_96 = tpu.vector_load %arg16[%get3A_94, %get3A_95] {strides = array<i32>} : memref<16x16xf32, #tpu.memory_space<vmem>>, vector<16xf32>,
      %add3A_97 = arith.addf %add3A_92, %get3A_96 : vector<16xf32>
      %get3A_98 = arith.constant 13 : i32
      %get3A_99 = arith.index_cast %get3A_98 : i32 to index
      %get3A_100 = arith.constant 0 : index
      %get3A_101 = tpu.vector_load %arg16[%get3A_99, %get3A_100] {strides = array<i32>} : memref<16x16xf32, #tpu.memory_space<vmem>>, vector<16xf32>,
      %add3A_102 = arith.addf %add3A_97, %get3A_101 : vector<16xf32>
      %get3A_103 = arith.constant 14 : i32
      %get3A_104 = arith.index_cast %get3A_103 : i32 to index
      %get3A_105 = arith.constant 0 : index
      %get3A_106 = tpu.vector_load %arg16[%get3A_104, %get3A_105] {strides = array<i32>} : memref<16x16xf32, #tpu.memory_space<vmem>>, vector<16xf32>,
      %add3A_107 = arith.addf %add3A_102, %get3A_106 : vector<16xf32>
      %get3A_108 = arith.constant 15 : i32
      %get3A_109 = arith.index_cast %get3A_108 : i32 to index
      %get3A_110 = arith.constant 0 : index
      %get3A_111 = tpu.vector_load %arg16[%get3A_109, %get3A_110] {strides = array<i32>} : memref<16x16xf32, #tpu.memory_space<vmem>>, vector<16xf32>,
      %add3A_112 = arith.addf %add3A_107, %get3A_111 : vector<16xf32>
      %reduce_sum3A = arith.constant true
      %reduce_sum3A_113 = vector.broadcast %reduce_sum3A : i1 to vector<16xi1>
      %reduce_sum3A_114 = tpu.scan <sum>, %add3A_112 masked %reduce_sum3A_113 : vector<16xf32>, vector<16xi1> -> vector<16xf32>
      %reduce_sum3A_115 = vector.extract %reduce_sum3A_114[15] : f32 from vector<16xf32>
      %mul3A_116 = arith.constant 3.125000e-06 : f32
      %mul3A_117 = arith.mulf %reduce_sum3A_115, %mul3A_116 : f32
      %broadcast_in_dim3A_118 = vector.broadcast %mul3A_117 : f32 to vector<16xf32>
      %swap3A_119 = arith.constant 0 : index
      %swap3A_120 = tpu.vector_load %arg17[%swap3A_119] {strides = array<i32>} : memref<16xf32, #tpu.memory_space<vmem>>, vector<16xf32>,
      tpu.vector_store %arg17[%swap3A_119], %broadcast_in_dim3A_118 {strides = array<i32>} : memref<16xf32, #tpu.memory_space<vmem>>, vector<16xf32>,
      "tpu.region"() ({
        %run_scoped3A = tpu.sem_alloc : memref<!tpu.dma_semaphore, #tpu.memory_space<semaphore_mem>>
        %dma_start3A_121 = arith.constant 0 : i32
        %dma_start3A_122 = tpu.memref_slice %arg5[%arg0, %dma_start3A_121] : memref<2x16xf32, #tpu.memory_space<hbm>> -> memref<1x16xf32, #tpu.memory_space<hbm>>
        %dma_start3A_123 = tpu.memref_squeeze %dma_start3A_122 : memref<1x16xf32, #tpu.memory_space<hbm>> -> memref<16xf32, #tpu.memory_space<hbm>>
        %dma_start3A_124 = arith.constant 0 : i32
        %dma_start3A_125 = tpu.memref_slice %arg5[%arg0, %dma_start3A_124] : memref<2x16xf32, #tpu.memory_space<hbm>> -> memref<1x16xf32, #tpu.memory_space<hbm>>
        %dma_start3A_126 = tpu.memref_squeeze %dma_start3A_125 : memref<1x16xf32, #tpu.memory_space<hbm>> -> memref<16xf32, #tpu.memory_space<hbm>>
        tpu.enqueue_dma source(%arg17 : memref<16xf32, #tpu.memory_space<vmem>>) target(%dma_start3A_126 : memref<16xf32, #tpu.memory_space<hbm>>) target_semaphore(%run_scoped3A : memref<!tpu.dma_semaphore, #tpu.memory_space<semaphore_mem>>)
        %dma_wait3A = arith.constant 0 : i32
        %dma_wait3A_127 = tpu.memref_slice %arg5[%arg0, %dma_wait3A] : memref<2x16xf32, #tpu.memory_space<hbm>> -> memref<1x16xf32, #tpu.memory_space<hbm>>
        %dma_wait3A_128 = tpu.memref_squeeze %dma_wait3A_127 : memref<1x16xf32, #tpu.memory_space<hbm>> -> memref<16xf32, #tpu.memory_space<hbm>>
        %dma_wait3A_129 = arith.constant 0 : i32
        %dma_wait3A_130 = tpu.memref_slice %arg5[%arg0, %dma_wait3A_129] : memref<2x16xf32, #tpu.memory_space<hbm>> -> memref<1x16xf32, #tpu.memory_space<hbm>>
        %dma_wait3A_131 = tpu.memref_squeeze %dma_wait3A_130 : memref<1x16xf32, #tpu.memory_space<hbm>> -> memref<16xf32, #tpu.memory_space<hbm>>
        tpu.wait_dma2 semaphore(%run_scoped3A : memref<!tpu.dma_semaphore, #tpu.memory_space<semaphore_mem>>) src(%arg17 : memref<16xf32, #tpu.memory_space<vmem>>) dst(%dma_wait3A_131 : memref<16xf32, #tpu.memory_space<hbm>>)
        tpu.yield
      }) : () -> ()
    } else {
    }
    return
  }
}

</mosaic_0001>

<sc_bundles>
// kernel: kernel.3.cloned.1.call-start
scs
__scs_entry_jumppad:
0x0: {  	(pc) =	sbr.rel $0x88, $3  }
0x1: {  	(tag) =	ssettag $0x0;
	lr =	simm.s32 $0x1  }
0x2: {  	[smem:$0x3F9E] =	sst lr;
	_ =	strace $0xD0000000  }
0x3: {  	_ = 	snop  }
0x4: {  	_ = 	snop  }
0x5: {  	_ = 	snop  }
0x6: {  	_ = 	snop  }
0x7: {  	_ = 	snop  }
__scs_overlays_trampoline_lowered:
0x8: {  	[smem:$0x3FAD] =	sst s0  }
0x9: {  	[smem:$0x3FAE] =	sst s1  }
0xa: {  	[smem:$0x3FAF] =	sst s2  }
0xb: {  	[smem:$0x3FB0] =	sst s3  }
0xc: {  	[smem:$0x3FB1] =	sst s4  }
0xd: {  	[smem:$0x3FB2] =	sst s5  }
0xe: {  	[smem:$0x3FB3] =	sst s6  }
0xf: {  	[smem:$0x3FB4] =	sst s7  }
0x10: {  	[smem:$0x3FB5] =	sst s8  }
0x11: {  	[smem:$0x3FB6] =	sst s9;
	s0 =	simm.s32 @!p0 $0x0  }
0x12: {  	s1 =	sld [smem:$0x3F9C];
	s0 =	simm.s32 @p0 $0x1  }
0x13: {  	[smem:$0x3FB7] =	sst s0;
	s0 =	simm.s32 @!p1 $0x0  }
0x14: {  	s2 =	sld [smem:$0x3F9B];
	s0 =	simm.s32 @p1 $0x1  }
0x15: {  	[smem:$0x3FB8] =	sst s0;
	s0 =	simm.s32 @!p2 $0x0  }
0x16: {  	s3 =	sld [smem:$0x3FDB];
	s0 =	simm.s32 @p2 $0x1  }
0x17: {  	s4 =	simm.s32 $0x1BF5;
	[smem:$0x3FBA] =	sst s0  }
0x18: {  	s0 =	sld [smem:$0x3F9D];
	_ =	swait.ge [sflag:s4], $0x0  }
0x19: {  	s7 =	sld [smem:$0x3F9E]  }
0x1a: {  	s8 =	sadd.s32 $0xFFFFE003, lr  }
0x1b: {  	s9 =	sadd.s32 $0xFFFFFEF7, lr;
	s5 =	simm.s32 $0xFFFFFFFF;
	p2 =	slt.u32 s8, $0xFFFFF086  }
0x1c: {  	p1 =	slt.u32 s9, $0xF7A;
	s5 =	simm.s32 @!p2 $0x0  }
0x1d: {  	s5 =	simm.s32 @p1 $0x1;
	p0 =	seq.s32 s7, s2  }
0x1e: {  	s7 =	smul.u32 @!p0 $0xF7A, s2;
	p2 =	seq.s32 @!p0 s5, $0x0  }
0x1f: {  	s9 =	smul.u32 $0xF7A, s1;
	s8 =	simm.s32 @!p0 $0x1BF5;
	p2 =	por !p2, p0  }
0x20: {  	[sflag:s8] =	ssyncset.s32 @!p0 $0xFFFFF086;
	s6 =	sadd.s32 @!p0 s3, s7;
	s7 =	simm.s32 @!p0 $0x108  }
0x21: {  	s3 =	sadd.s32 s3, s9;
	s6 =	sadd.s32 @!p0 $0x88, s6;
	s7 =	simm.s32 @p2 $0x1082  }
0x22: {  	[simem:s7], [sflag:s8] =	dma.local @!p0 [hbm:s6], $0xF7A  }
0x23: {  	s9 =	sor.u32 $0xD0000000, s2;
	s6 =	simm.s32 $0x108;
	_ =	swait.ge @!p0 [sflag:s8], $0x0  }
0x24: {  	s3 =	sadd.s32 $0x88, s3;
	s6 =	simm.s32 @!p1 $0x1082;
	[sflag:s4] =	ssyncset.s32 $0xFFFFF086  }
0x25: {  	[simem:s6], [sflag:s4] =	dma.local [hbm:s3], $0xF7A  }
0x26: {  	[smem:$0x3F9E] =	sst s1;
	(tag) =	ssettag s2;
	_ =	strace s9  }
0x27: {  	s1 =	sld [smem:$0x3FAE]  }
0x28: {  	s2 =	sld [smem:$0x3FAF]  }
0x29: {  	s4 =	sld [smem:$0x3FB1]  }
0x2a: {  	p0 =	seq.s32 s5, $0x0;
	s5 =	sld [smem:$0x3FB2]  }
0x2b: {  	s6 =	sld [smem:$0x3FB3]  }
0x2c: {  	s7 =	sld [smem:$0x3FB4]  }
0x2d: {  	s3 =	simm.s32 $0x108;
	s8 =	sld [smem:$0x3FB5]  }
0x2e: {  	s3 =	simm.s32 @!p0 $0x1082;
	s9 =	sld [smem:$0x3FB6]  }
0x2f: {  	lr =	sadd.s32 s0, s3;
	s0 =	sld [smem:$0x3FAD]  }
0x30: {  	s3 =	sld [smem:$0x3FB0]  }
0x31: {  	[smem:$0x3FB9] =	sst s10  }
0x32: {  	s10 =	sld [smem:$0x3FB7];
	_ =	sdelay $0x3  }
0x33: {  	p0 =	seq.s32 s10, $0x1;
	s10 =	sld [smem:$0x3FB9];
	_ =	sdelay $0x3  }
0x34: {  	[smem:$0x3FB9] =	sst s10  }
0x35: {  	s10 =	sld [smem:$0x3FB8];
	_ =	sdelay $0x3  }
0x36: {  	p1 =	seq.s32 s10, $0x1;
	s10 =	sld [smem:$0x3FB9];
	_ =	sdelay $0x3  }
0x37: {  	[smem:$0x3FB9] =	sst s10  }
0x38: {  	s10 =	sld [smem:$0x3FBA]  }
0x39: {  	_ = 	snop;
	(pc) =	sbr.ind lr, $3  }
0x3a: {  	_ = 	snop  }
0x3b: {  	_ = 	snop  }
0x3c: {  	p2 =	seq.s32 s10, $0x1;
	s10 =	sld [smem:$0x3FB9]  }
0x3d: {  	_ =	shalt  }
0x3e: {  	_ =	shalt  }
0x3f: {  	_ =	shalt  }
0x40: {  	_ =	shalt  }
0x41: {  	_ =	shalt  }
0x42: {  	_ =	shalt  }
0x43: {  	_ =	shalt  }
0x44: {  	_ =	shalt  }
0x45: {  	_ =	shalt  }
0x46: {  	_ =	shalt  }
0x47: {  	_ =	shalt  }
0x48: {  	_ =	shalt  }
0x49: {  	_ =	shalt  }
0x4a: {  	_ =	shalt  }
0x4b: {  	_ =	shalt  }
0x4c: {  	_ =	shalt  }
0x4d: {  	_ =	shalt  }
0x4e: {  	_ =	shalt  }
0x4f: {  	_ =	shalt  }
0x50: {  	_ =	shalt  }
0x51: {  	_ =	shalt  }
0x52: {  	_ =	shalt  }
0x53: {  	_ =	shalt  }
0x54: {  	_ =	shalt  }
0x55: {  	_ =	shalt  }
0x56: {  	_ =	shalt  }
0x57: {  	_ =	shalt  }
0x58: {  	_ =	shalt  }
0x59: {  	_ =	shalt  }
0x5a: {  	_ =	shalt  }
0x5b: {  	_ =	shalt  }
0x5c: {  	_ =	shalt  }
0x5d: {  	_ =	shalt  }
0x5e: {  	_ =	shalt  }
0x5f: {  	_ =	shalt  }
0x60: {  	_ =	shalt  }
0x61: {  	_ =	shalt  }
0x62: {  	_ =	shalt  }
0x63: {  	_ =	shalt  }
0x64: {  	_ =	shalt  }
0x65: {  	_ =	shalt  }
0x66: {  	_ =	shalt  }
0x67: {  	_ =	shalt  }
0x68: {  	_ =	shalt  }
0x69: {  	_ =	shalt  }
0x6a: {  	_ =	shalt  }
0x6b: {  	_ =	shalt  }
0x6c: {  	_ =	shalt  }
0x6d: {  	_ =	shalt  }
0x6e: {  	_ =	shalt  }
0x6f: {  	_ =	shalt  }
0x70: {  	_ =	shalt  }
0x71: {  	_ =	shalt  }
0x72: {  	_ =	shalt  }
0x73: {  	_ =	shalt  }
0x74: {  	_ =	shalt  }
0x75: {  	_ =	shalt  }
0x76: {  	_ =	shalt  }
0x77: {  	_ =	shalt  }
0x78: {  	_ =	shalt  }
0x79: {  	_ =	shalt  }
0x7a: {  	_ =	shalt  }
0x7b: {  	_ =	shalt  }
0x7c: {  	_ =	shalt  }
0x7d: {  	_ =	shalt  }
0x7e: {  	_ =	shalt  }
0x7f: {  	_ =	shalt  }
0x80: {  	_ =	shalt  }
0x81: {  	_ =	shalt  }
0x82: {  	_ =	shalt  }
0x83: {  	_ =	shalt  }
0x84: {  	_ =	shalt  }
0x85: {  	_ =	shalt  }
0x86: {  	_ =	shalt  }
0x87: {  	_ =	shalt  }
.Lfunc_end0:
.L_simem_size_0:
called_computation_lowered:
.L_overlay_start_0:
0x88: {  	s2 =	sld [smem:$0x3FD9]  }
0x89: {  	s3 =	sld [smem:$0x3FFE];
	_ =	sdelay $0x1  }
0x8a: {  	s1 =	srdreg.scid  }
0x8b: {  	s0 =	sand.u32 $0x1, s1  }
0x8c: {  	s17 =	sshll.u32 s0, $0xA;
	s2 =	sadd.s32 s3, s2  }
0x8d: {  	s2 =	sadd.s32 s2, s17  }
0x8e: {  	[smem:$0x3FC5] =	sst s2  }
0x8f: {  	_ = 	snop  }
0x90: {  	s2 =	sld [smem:$0x3FC9];
	(tm) =	ssettm $0x1  }
0x91: {  	s18 =	sld [smem:$0x3FFB];
	_ =	sdelay $0x3  }
0x92: {  	_ =	strace s18  }
0x93: {  	s3 =	sld [smem:$0x3FFC];
	_ =	sdelay $0x3  }
0x94: {  	_ =	strace s3  }
0x95: {  	s3 =	sld [smem:$0x3FFD];
	_ =	sdelay $0x3  }
0x96: {  	_ =	strace s3  }
0x97: {  	_ =	strace $0x8FFFFFFF  }
0x98: {  	s19 =	sld [smem:$0x3FDB];
	_ =	sdelay $0x1  }
0x99: {  	s4 =	simm.s32 $_scs_section_size  }
0x9a: {  	s5 =	simm.s32 $_size__tile_overlayer_lowered;
	s6 =	simm.s32 $_tile_overlayer_lowered  }
0x9b: {  	s22 =	simm.s32 $0x1BFF;
	s21 =	sshll.u32 s6, $0x1;
	s3 =	sadd.s32 s4, s19  }
0x9c: {  	s7 =	simm.s32 $0x0;
	s20 =	sshll.u32 s5, $0x1;
	s5 =	sadd.s32 s21, s3  }
0x9d: {  	[timem:s7], [sflag:s22] =	dma.local [hbm:s5], s20  }
0x9e: {  	_ =	swait.ge [sflag:s22], s20  }
0x9f: {  	s4 =	ssub.s32 $0x0, s20;
	[sflag:s22] =	ssyncset.done $0x0  }
0xa0: {  	[sflag:s22] =	ssyncadd.s32 s4;
	_ =	sdelay $0x1  }
0xa1: {  	s23 =	simm.s32 $0x1B8B  }
0xa2: {  	_ =	swait.ge [sflag:s23], $0x1  }
0xa3: {  	[sflag:s23] =	ssyncset.done $0x0  }
0xa4: {  	s25 =	simm.s32 $0x1B8E;
	s24 =	sld [smem:$0x3FFE];
	[sflag:s23] =	ssyncadd.s32 $0xFFFFFFFF  }
0xa5: {  	s26 =	simm.s32 $execute0_lowered;
	[smem:$0x3FD2] =	sst s25  }
0xa6: {  	s5 =	sshll.u32 s26, $0x1;
	_ =	strace $0x80000046;
	[dreg:$0x1] =	wrdreg $0xFFFFFFFF  }
0xa7: {  	s28 =	simm.s32 $_size_execute0_lowered;
	s3 =	sadd.s32 s3, s5;
	[dreg:$0x0] =	wrdreg $0x0  }
0xa8: {  	s5 =	sshll.u32 s28, $0x1;
	[dreg:$0x2] =	wrdreg s3  }
0xa9: {  	[dreg:$0x3] =	wrdreg s5  }
0xaa: {  	[dreg:$0x4] =	wrdreg $0xC0  }
0xab: {  	_ =	task [dreg:s7], $0x5FFFF  }
0xac: {  	[dreg:$0x1] =	wrdreg $0xFFFFFFFF  }
0xad: {  	[dreg:$0x0] =	wrdreg $0x60  }
0xae: {  	[dreg:$0x2] =	wrdreg s2  }
0xaf: {  	[dreg:$0x3] =	wrdreg s24  }
0xb0: {  	[dreg:$0x4] =	wrdreg $0xAC000  }
0xb1: {  	[dreg:$0x5] =	wrdreg $0xAC100  }
0xb2: {  	[dreg:$0x6] =	wrdreg $0x9  }
0xb3: {  	_ =	task.clear_ibuf [dreg:s7], $0x7FFFF;
	_ =	strace $0x90000046  }
0xb4: {  	s29 =	simm.s32 $0x9;
	_ =	strace $0x80000048  }
0xb5: {  	_ =	swait.ge [sflag:s29], $0x1  }
0xb6: {  	[sflag:s29] =	ssyncadd.s32 $0xFFFFFFFF  }
0xb7: {  	_ =	strace $0x90000048  }
0xb8: {  	_ =	sfence  }
0xb9: {  	s30 =	sld [smem:$0x0];
	_ =	sdelay $0x2  }
0xba: {  	s31 =	sshll.u32 s1, $0xD;
	s1 =	sshrl.u32 s1, $0x2  }
0xbb: {  	s3 =	sand.u32 $0x4000, s31;
	s1 =	sadd.s32 s1, s30  }
0xbc: {  	s0 =	sor.u32 s3, s0;
	s1 =	sshll.u32 s1, $0x11  }
0xbd: {  	s0 =	sor.u32 s1, s0  }
0xbe: {  	s0 =	sadd.s32 $0x8F2B, s0  }
0xbf: {  	[sflag:s0] =	ssyncadd.remote.s32 $0x1  }
0xc0: {  	_ =	sfence.sel $0xFFFF  }
0xc1: {  	[dreg:$0x0] =	wrdreg $0xFFFFFFFF;
	(pc) =	sbr.abs _section_cstart, $3  }
0xc2: {  	[dreg:$0x1] =	wrdreg $0xFFFFFFFF  }
0xc3: {  	_ =	task.clear_ibuf [dreg:s7], $0x2FFFF;
	_ =	strace $0x9FFFFFFF  }
0xc4: {  	(tm) =	ssettm $0x7FFFFFFF  }
0xc5: {  	_ =	shalt  }
tec
execute0_lowered:
.L_overlay_start_1:
0x0: {  	(tag) =	ssettag $0x1  }
0x1: {  	s0 =	rddreg [dreg:$0x0]  }
0x2: {  	s1 =	rddreg [dreg:$0x1]  }
0x3: {  	s14 =	rddreg [dreg:$0x2]  }
0x4: {  	s3 =	rddreg [dreg:$0x3];
	s4 =	simm.s32 $0x0;
	s2 =	srdreg.scid  }
0x5: {  	s6 =	stileid.u32;
	s28 =	simm.s32 $0x2;
	s29 =	simm.s32 $0x5200  }
0x6: {  	s30 =	simm.s32 $0x7A00;
	s31 =	simm.s32 $0x3;
	[smem:$0x7FF] =	sst s4  }
0x7: {  	s5 =	sadd.s32 $0x13A00, s1;
	s2 =	sand.u32 $0x1, s2;
	s9 =	smul.u32 $0x4E000, s6  }
0x8: {  	s7 =	sshll.u32 s6, $0x1;
	s10 =	smul.u32 $0x2700, s6;
	p0 =	sgt.u32 s6, $0x7  }
0x9: {  	s17 =	sadd.s32 $0x124800, s3;
	s26 =	sshll.u32 s6, $0x7;
	p1 =	seq.s32 s6, $0xF  }
0xa: {  	p2 =	sne.s32 s6, $0x0;
	_ =	strace $0x80000047;
	s8 =	sshll.u32 s2, $0x4  }
0xb: {  	s7 =	sor.u32 s2, s7;
	s2 =	ssub.s32 $0x2, s2;
	s14 =	sadd.s32 s26, s14  }
0xc: {  	s17 =	sshrl.u32 @p1 s17, $0x3;
	s26 =	simm.s32 $0x180;
	s15 =	sadd.s32 s8, s1  }
0xd: {  	s7 =	smul.u32 $0x4E20, s7;
	s20 =	sshrl.u32 s2, $0x1;
	s21 =	sadd.s32 s0, s10  }
0xe: {  	s9 =	sshrl.u32 s9, $0x2;
	s0 =	sadd.s32 $0x24900, s0;
	[dreg:$0x5] =	wrdreg s21  }
0xf: {  	v0 =	vlaneseq.u32;
	s2 =	ssub.s32 s2, s20;
	s19 =	sadd.s32 s9, s3;
	[dreg:$0x6] =	wrdreg s0  }
0x10: {  	v0 =	vmul.u32 $0x10, v0;
	s15 =	sadd.s32 $0x27400, s15;
	s0 =	sshll.u32 @!p1 s6, $0x6;
	s20 =	simm.s32 $0x5  }
0x11: {  	v16 =	vimm.s32 $0x0;
	s22 =	sshrl.u32 s7, $0x3;
	s12 =	sadd.s32 $0xA0, s7;
	s13 =	sadd.s32 $0xF0, s7  }
0x12: {  	v1 =	vor.u32 $0x1, v0;
	v2 =	vor.u32 $0x2, v0;
	v3 =	vor.u32 $0x3, v0;
	s16 =	smax.u32 s2, $0x1;
	s18 =	sor.u32 @!p1 $0x1C05, s0;
	s19 =	sshrl.u32 @!p1 s19, $0x3  }
0x13: {  	v4 =	vor.u32 $0x4, v0;
	v5 =	vor.u32 $0x5, v0;
	v6 =	vor.u32 $0x6, v0;
	s0 =	simm.s32 $0xA200;
	s2 =	simm.s32 $0x4;
	s23 =	sadd.s32 s1, s22  }
0x14: {  	v7 =	vor.u32 $0x7, v0;
	v8 =	vor.u32 $0x8, v0;
	v9 =	vor.u32 $0x9, v0;
	s24 =	sadd.s32 $0xA, s22;
	s25 =	sadd.s32 s5, s22;
	[dreg:$0x7] =	wrdreg s23  }
0x15: {  	v10 =	vor.u32 $0xA, v0;
	v11 =	vor.u32 $0xB, v0;
	v12 =	vor.u32 $0xC, v0;
	s22 =	simm.s32 $0x50;
	[dreg:$0x8] =	wrdreg s25;
	s10 =	sadd.s32 s1, s24  }
0x16: {  	v13 =	vor.u32 $0xD, v0;
	v14 =	vor.u32 $0xE, v0;
	v15 =	vor.u32 $0xF, v0;
	s11 =	sadd.s32 s5, s24;
	s25 =	simm.s32 $0x100;
	s24 =	simm.s32 $0x0  }
.LBB2_1:
0x17: {  	s6 =	simm.s32 @p1 $0x1FC5;
	s7 =	rddreg [dreg:$0x6]  }
0x18: {  	[spmem:s17], [sflag:s6] =	dma.local @p1 [hbm:s7], $0x2800  }
0x19: {  	s6 =	simm.s32 @p1 $0x5  }
0x1a: {  	_ =	swait.ge @p1 [sflag:s6], $0x2800  }
0x1b: {  	[sflag:s6] =	ssyncset.done @p1 $0x0  }
0x1c: {  	[sflag:s6] =	ssyncadd.s32 @p1 $0xFFFFD800;
	s6 =	rddreg [dreg:$0x5]  }
0x1d: {  	[spmem:s19], [sflag:s18] =	dma.local @!p1 [hbm:s6], $0x2700  }
0x1e: {  	s6 =	simm.s32 @!p1 $0x5  }
0x1f: {  	_ =	swait.ge @!p1 [sflag:s6], $0x2700  }
0x20: {  	[sflag:s6] =	ssyncset.done @!p1 $0x0  }
0x21: {  	[sflag:s6] =	ssyncadd.s32 @!p1 $0xFFFFD900  }
0x22: {  	[bflag:$0x0] =	sbarrier.arrive $0xFFFF  }
0x23: {  	s7 =	rddreg [dreg:$0x7]  }
0x24: {  	[tilespmem:s4], [sflag:$0x5] =	stream.linear.gather [hbm4b:s7+s4], $0x50, $0x38;
	[tilespmem:$0x1E490] =	vst v63  }
0x25: {  	_ =	swait.ge [sflag:s20], $0x50  }
0x26: {  	[sflag:s20] =	ssyncset.done $0x0  }
0x27: {  	s9 =	simm.s32 $0x80;
	s8 =	rddreg [dreg:$0x8];
	[sflag:s20] =	ssyncadd.s32 $0xFFFFFFB0  }
0x28: {  	[tilespmem:s9], [sflag:$0x5] =	stream.linear.gather [hbm4b:s8+s4], $0x50, $0x38;
	[tilespmem:$0x1E490] =	vst v63  }
0x29: {  	_ =	swait.ge [sflag:s20], $0x50  }
0x2a: {  	[sflag:s20] =	ssyncset.done $0x0  }
0x2b: {  	s21 =	simm.s32 $0x200;
	[sflag:s20] =	ssyncadd.s32 $0xFFFFFFB0  }
0x2c: {  	[tilespmem:s21], [sflag:$0x3] =	stream.indirect.gather [spmem:s3], $0x80, s4, s22, $0xb8;
	[tilespmem:$0x1E490] =	vst v63  }
0x2d: {  	s23 =	simm.s32 $0x2A00  }
0x2e: {  	[tilespmem:s23], [sflag:$0x3] =	stream.indirect.gather [spmem:s3], $0x80, s9, s22, $0xb8;
	[tilespmem:$0x1E490] =	vst v63  }
0x2f: {  	_ = 	snop  }
0x30: {  	[tilespmem:s25], [sflag:$0x2] =	stream.linear.gather [hbm4b:s10+s4], $0x50, $0x38;
	[tilespmem:$0x1E490] =	vst v63  }
0x31: {  	s23 =	simm.s32 $0x0  }
0x32: {  	v17 =	vimm.f32 $0.0e+00;
	[tilespmem:s26], [sflag:$0x2] =	stream.linear.gather [hbm4b:s11+s4], $0x50, $0x38;
	[tilespmem:$0x1E490] =	vst v63  }
.LBB2_2:
0x33: {  	_ =	swait.ge [sflag:s28], $0x50  }
0x34: {  	[sflag:s28] =	ssyncset.done $0x0  }
0x35: {  	p3 =	seq.s32 s23, $0x7C;
	[sflag:s28] =	ssyncadd.s32 $0xFFFFFFB0  }
0x36: {  	s6 =	smul.u32 @!p3 $0xA0, s23;
	_ =	swait.ge [sflag:s28], $0x50  }
0x37: {  	[sflag:s28] =	ssyncset.done $0x0  }
0x38: {  	s7 =	sadd.s32 @!p3 s6, s12;
	[sflag:s28] =	ssyncadd.s32 $0xFFFFFFB0  }
0x39: {  	[tilespmem:s29], [sflag:$0x4] =	stream.indirect.gather [spmem:s3], $0x80, s25, s22, $0xb8;
	[tilespmem:$0x1E490] =	vst v63  }
0x3a: {  	s7 =	sshrl.u32 @!p3 s7, $0x3  }
0x3b: {  	[tilespmem:s30], [sflag:$0x4] =	stream.indirect.gather [spmem:s3], $0x80, s26, s22, $0xb8;
	[tilespmem:$0x1E490] =	vst v63  }
0x3c: {  	s8 =	simm.s32 @!p3 $0x0;
	s21 =	sadd.s32 @!p3 s1, s7  }
0x3d: {  	[tilespmem:s8], [sflag:$0x1] =	stream.linear.gather @!p3 [hbm4b:s21+s8], $0x50, $0x38;
	[tilespmem:$0x1E490] =	vst v63  }
0x3e: {  	s7 =	sadd.s32 @!p3 s5, s7;
	s21 =	simm.s32 @!p3 $0x80  }
0x3f: {  	[tilespmem:s21], [sflag:$0x1] =	stream.linear.gather @!p3 [hbm4b:s7+s8], $0x50, $0x38;
	[tilespmem:$0x1E490] =	vst v63  }
0x40: {  	_ =	swait.ge [sflag:s31], $0x2800  }
0x41: {  	[sflag:s31] =	ssyncset.done $0x0  }
0x42: {  	[sflag:s31] =	ssyncadd.s32 $0xFFFFD800  }
0x43: {  	_ =	swait.ge [sflag:s31], $0x2800  }
0x44: {  	[sflag:s31] =	ssyncset.done $0x0  }
0x45: {  	s21 =	simm.s32 $0x0;
	[sflag:s31] =	ssyncadd.s32 $0xFFFFD800  }
.LBB2_3:
0x46: {  	s7 =	sshll.u32 s21, $0xB  }
0x47: {  	v18 =	vld [tilespmem:s7+$0x200]  }
0x48: {  	v19 =	vld [tilespmem:s7+$0x2A00]  }
0x49: {  	v20 =	vld [tilespmem:s7+$0x210]  }
0x4a: {  	v21 =	vld [tilespmem:s7+$0x2A10]  }
0x4b: {  	v22 =	vld [tilespmem:s7+$0x220]  }
0x4c: {  	v23 =	vld [tilespmem:s7+$0x2A20]  }
0x4d: {  	v24 =	vld [tilespmem:s7+$0x230]  }
0x4e: {  	v25 =	vld [tilespmem:s7+$0x2A30]  }
0x4f: {  	v54 =	vld [tilespmem:s7+$0x240];
	v18 =	vmul.f32 v19, v18;
	v19 =	vmul.f32 v21, v20  }
0x50: {  	v55 =	vld [tilespmem:s7+$0x2A40]  }
0x51: {  	v56 =	vld [tilespmem:s7+$0x250];
	v18 =	vadd.f32 v19, v18;
	v19 =	vmul.f32 v23, v22  }
0x52: {  	v57 =	vld [tilespmem:s7+$0x2A50]  }
0x53: {  	v58 =	vld [tilespmem:s7+$0x260];
	v18 =	vadd.f32 v19, v18;
	v19 =	vmul.f32 v25, v24  }
0x54: {  	v59 =	vld [tilespmem:s7+$0x2A60]  }
0x55: {  	v60 =	vld [tilespmem:s7+$0x270];
	v18 =	vadd.f32 v19, v18;
	v19 =	vmul.f32 v55, v54  }
0x56: {  	v61 =	vld [tilespmem:s7+$0x2A70]  }
0x57: {  	v18 =	vadd.f32 v19, v18;
	v19 =	vmul.f32 v57, v56;
	_ =	sdelay $0x1  }
0x58: {  	v18 =	vadd.f32 v19, v18;
	v19 =	vmul.f32 v59, v58;
	_ =	sdelay $0x1  }
0x59: {  	v18 =	vadd.f32 v19, v18;
	v19 =	vmul.f32 v61, v60;
	_ =	sdelay $0x1  }
0x5a: {  	v18 =	vadd.f32 v19, v18;
	_ =	sdelay $0x1  }
0x5b: {  	[tilespmem:$0xA200] =	vst v18  }
0x5c: {  	v18 =	vld [tilespmem:s7+$0x280]  }
0x5d: {  	v19 =	vld [tilespmem:s7+$0x2A80]  }
0x5e: {  	v62 =	vld [tilespmem:s7+$0x290]  }
0x5f: {  	v63 =	vld [tilespmem:s7+$0x2A90]  }
0x60: {  	v28 =	vld [tilespmem:s7+$0x2A0]  }
0x61: {  	v29 =	vld [tilespmem:s7+$0x2AA0]  }
0x62: {  	v30 =	vld [tilespmem:s7+$0x2B0]  }
0x63: {  	v31 =	vld [tilespmem:s7+$0x2AB0]  }
0x64: {  	v32 =	vld [tilespmem:s7+$0x2C0];
	v18 =	vmul.f32 v19, v18;
	v19 =	vmul.f32 v63, v62  }
0x65: {  	v33 =	vld [tilespmem:s7+$0x2AC0]  }
0x66: {  	v34 =	vld [tilespmem:s7+$0x2D0];
	v18 =	vadd.f32 v19, v18;
	v19 =	vmul.f32 v29, v28  }
0x67: {  	v35 =	vld [tilespmem:s7+$0x2AD0]  }
0x68: {  	v36 =	vld [tilespmem:s7+$0x2E0];
	v18 =	vadd.f32 v19, v18;
	v19 =	vmul.f32 v31, v30  }
0x69: {  	v37 =	vld [tilespmem:s7+$0x2AE0]  }
0x6a: {  	v38 =	vld [tilespmem:s7+$0x2F0];
	v18 =	vadd.f32 v19, v18;
	v19 =	vmul.f32 v33, v32  }
0x6b: {  	v39 =	vld [tilespmem:s7+$0x2AF0]  }
0x6c: {  	v18 =	vadd.f32 v19, v18;
	v19 =	vmul.f32 v35, v34;
	_ =	sdelay $0x1  }
0x6d: {  	v18 =	vadd.f32 v19, v18;
	v19 =	vmul.f32 v37, v36;
	_ =	sdelay $0x1  }
0x6e: {  	v18 =	vadd.f32 v19, v18;
	v19 =	vmul.f32 v39, v38;
	_ =	sdelay $0x1  }
0x6f: {  	v18 =	vadd.f32 v19, v18;
	_ =	sdelay $0x1  }
0x70: {  	[tilespmem:$0xA210] =	vst v18  }
0x71: {  	v18 =	vld [tilespmem:s7+$0x300]  }
0x72: {  	v19 =	vld [tilespmem:s7+$0x2B00]  }
0x73: {  	v40 =	vld [tilespmem:s7+$0x310]  }
0x74: {  	v41 =	vld [tilespmem:s7+$0x2B10]  }
0x75: {  	v42 =	vld [tilespmem:s7+$0x320]  }
0x76: {  	v43 =	vld [tilespmem:s7+$0x2B20]  }
0x77: {  	v44 =	vld [tilespmem:s7+$0x330]  }
0x78: {  	v45 =	vld [tilespmem:s7+$0x2B30]  }
0x79: {  	v46 =	vld [tilespmem:s7+$0x340];
	v18 =	vmul.f32 v19, v18;
	v19 =	vmul.f32 v41, v40  }
0x7a: {  	v47 =	vld [tilespmem:s7+$0x2B40]  }
0x7b: {  	v48 =	vld [tilespmem:s7+$0x350];
	v18 =	vadd.f32 v19, v18;
	v19 =	vmul.f32 v43, v42  }
0x7c: {  	v49 =	vld [tilespmem:s7+$0x2B50]  }
0x7d: {  	v50 =	vld [tilespmem:s7+$0x360];
	v18 =	vadd.f32 v19, v18;
	v19 =	vmul.f32 v45, v44  }
0x7e: {  	v51 =	vld [tilespmem:s7+$0x2B60]  }
0x7f: {  	v52 =	vld [tilespmem:s7+$0x370];
	v18 =	vadd.f32 v19, v18;
	v19 =	vmul.f32 v47, v46  }
0x80: {  	v53 =	vld [tilespmem:s7+$0x2B70]  }
0x81: {  	v18 =	vadd.f32 v19, v18;
	v19 =	vmul.f32 v49, v48;
	_ =	sdelay $0x1  }
0x82: {  	v18 =	vadd.f32 v19, v18;
	v19 =	vmul.f32 v51, v50;
	_ =	sdelay $0x1  }
0x83: {  	v18 =	vadd.f32 v19, v18;
	v19 =	vmul.f32 v53, v52;
	_ =	sdelay $0x1  }
0x84: {  	v18 =	vadd.f32 v19, v18;
	_ =	sdelay $0x1  }
0x85: {  	[tilespmem:$0xA220] =	vst v18  }
0x86: {  	v18 =	vld [tilespmem:s7+$0x380]  }
0x87: {  	v19 =	vld [tilespmem:s7+$0x2B80]  }
0x88: {  	v54 =	vld [tilespmem:s7+$0x390]  }
0x89: {  	v55 =	vld [tilespmem:s7+$0x2B90]  }
0x8a: {  	v56 =	vld [tilespmem:s7+$0x3A0]  }
0x8b: {  	v57 =	vld [tilespmem:s7+$0x2BA0]  }
0x8c: {  	v58 =	vld [tilespmem:s7+$0x3B0]  }
0x8d: {  	v59 =	vld [tilespmem:s7+$0x2BB0]  }
0x8e: {  	v60 =	vld [tilespmem:s7+$0x3C0];
	v18 =	vmul.f32 v19, v18;
	v19 =	vmul.f32 v55, v54  }
0x8f: {  	v61 =	vld [tilespmem:s7+$0x2BC0]  }
0x90: {  	v62 =	vld [tilespmem:s7+$0x3D0];
	v18 =	vadd.f32 v19, v18;
	v19 =	vmul.f32 v57, v56  }
0x91: {  	v63 =	vld [tilespmem:s7+$0x2BD0]  }
0x92: {  	v28 =	vld [tilespmem:s7+$0x3E0];
	v18 =	vadd.f32 v19, v18;
	v19 =	vmul.f32 v59, v58  }
0x93: {  	v29 =	vld [tilespmem:s7+$0x2BE0]  }
0x94: {  	v30 =	vld [tilespmem:s7+$0x3F0];
	v18 =	vadd.f32 v19, v18;
	v19 =	vmul.f32 v61, v60  }
0x95: {  	v31 =	vld [tilespmem:s7+$0x2BF0]  }
0x96: {  	v18 =	vadd.f32 v19, v18;
	v19 =	vmul.f32 v63, v62;
	_ =	sdelay $0x1  }
0x97: {  	v18 =	vadd.f32 v19, v18;
	v19 =	vmul.f32 v29, v28;
	_ =	sdelay $0x1  }
0x98: {  	v18 =	vadd.f32 v19, v18;
	v19 =	vmul.f32 v31, v30;
	_ =	sdelay $0x1  }
0x99: {  	v18 =	vadd.f32 v19, v18;
	_ =	sdelay $0x1  }
0x9a: {  	[tilespmem:$0xA230] =	vst v18  }
0x9b: {  	v18 =	vld [tilespmem:s7+$0x400]  }
0x9c: {  	v19 =	vld [tilespmem:s7+$0x2C00]  }
0x9d: {  	v32 =	vld [tilespmem:s7+$0x410]  }
0x9e: {  	v33 =	vld [tilespmem:s7+$0x2C10]  }
0x9f: {  	v34 =	vld [tilespmem:s7+$0x420]  }
0xa0: {  	v35 =	vld [tilespmem:s7+$0x2C20]  }
0xa1: {  	v36 =	vld [tilespmem:s7+$0x430]  }
0xa2: {  	v37 =	vld [tilespmem:s7+$0x2C30]  }
0xa3: {  	v38 =	vld [tilespmem:s7+$0x440];
	v18 =	vmul.f32 v19, v18;
	v19 =	vmul.f32 v33, v32  }
0xa4: {  	v39 =	vld [tilespmem:s7+$0x2C40]  }
0xa5: {  	v40 =	vld [tilespmem:s7+$0x450];
	v18 =	vadd.f32 v19, v18;
	v19 =	vmul.f32 v35, v34  }
0xa6: {  	v41 =	vld [tilespmem:s7+$0x2C50]  }
0xa7: {  	v42 =	vld [tilespmem:s7+$0x460];
	v18 =	vadd.f32 v19, v18;
	v19 =	vmul.f32 v37, v36  }
0xa8: {  	v43 =	vld [tilespmem:s7+$0x2C60]  }
0xa9: {  	v44 =	vld [tilespmem:s7+$0x470];
	v18 =	vadd.f32 v19, v18;
	v19 =	vmul.f32 v39, v38  }
0xaa: {  	v45 =	vld [tilespmem:s7+$0x2C70]  }
0xab: {  	v18 =	vadd.f32 v19, v18;
	v19 =	vmul.f32 v41, v40;
	_ =	sdelay $0x1  }
0xac: {  	v18 =	vadd.f32 v19, v18;
	v19 =	vmul.f32 v43, v42;
	_ =	sdelay $0x1  }
0xad: {  	v18 =	vadd.f32 v19, v18;
	v19 =	vmul.f32 v45, v44;
	_ =	sdelay $0x1  }
0xae: {  	v18 =	vadd.f32 v19, v18;
	_ =	sdelay $0x1  }
0xaf: {  	[tilespmem:$0xA240] =	vst v18  }
0xb0: {  	v18 =	vld [tilespmem:s7+$0x480]  }
0xb1: {  	v19 =	vld [tilespmem:s7+$0x2C80]  }
0xb2: {  	v46 =	vld [tilespmem:s7+$0x490]  }
0xb3: {  	v47 =	vld [tilespmem:s7+$0x2C90]  }
0xb4: {  	v48 =	vld [tilespmem:s7+$0x4A0]  }
0xb5: {  	v49 =	vld [tilespmem:s7+$0x2CA0]  }
0xb6: {  	v50 =	vld [tilespmem:s7+$0x4B0]  }
0xb7: {  	v51 =	vld [tilespmem:s7+$0x2CB0]  }
0xb8: {  	v52 =	vld [tilespmem:s7+$0x4C0];
	v18 =	vmul.f32 v19, v18;
	v19 =	vmul.f32 v47, v46  }
0xb9: {  	v53 =	vld [tilespmem:s7+$0x2CC0]  }
0xba: {  	v54 =	vld [tilespmem:s7+$0x4D0];
	v18 =	vadd.f32 v19, v18;
	v19 =	vmul.f32 v49, v48  }
0xbb: {  	v55 =	vld [tilespmem:s7+$0x2CD0]  }
0xbc: {  	v56 =	vld [tilespmem:s7+$0x4E0];
	v18 =	vadd.f32 v19, v18;
	v19 =	vmul.f32 v51, v50  }
0xbd: {  	v57 =	vld [tilespmem:s7+$0x2CE0]  }
0xbe: {  	v58 =	vld [tilespmem:s7+$0x4F0];
	v18 =	vadd.f32 v19, v18;
	v19 =	vmul.f32 v53, v52  }
0xbf: {  	v59 =	vld [tilespmem:s7+$0x2CF0]  }
0xc0: {  	v18 =	vadd.f32 v19, v18;
	v19 =	vmul.f32 v55, v54;
	_ =	sdelay $0x1  }
0xc1: {  	v18 =	vadd.f32 v19, v18;
	v19 =	vmul.f32 v57, v56;
	_ =	sdelay $0x1  }
0xc2: {  	v18 =	vadd.f32 v19, v18;
	v19 =	vmul.f32 v59, v58;
	_ =	sdelay $0x1  }
0xc3: {  	v18 =	vadd.f32 v19, v18;
	_ =	sdelay $0x1  }
0xc4: {  	[tilespmem:$0xA250] =	vst v18  }
0xc5: {  	v18 =	vld [tilespmem:s7+$0x500]  }
0xc6: {  	v19 =	vld [tilespmem:s7+$0x2D00]  }
0xc7: {  	v60 =	vld [tilespmem:s7+$0x510]  }
0xc8: {  	v61 =	vld [tilespmem:s7+$0x2D10]  }
0xc9: {  	v62 =	vld [tilespmem:s7+$0x520]  }
0xca: {  	v63 =	vld [tilespmem:s7+$0x2D20]  }
0xcb: {  	v28 =	vld [tilespmem:s7+$0x530]  }
0xcc: {  	v29 =	vld [tilespmem:s7+$0x2D30]  }
0xcd: {  	v30 =	vld [tilespmem:s7+$0x540];
	v18 =	vmul.f32 v19, v18;
	v19 =	vmul.f32 v61, v60  }
0xce: {  	v31 =	vld [tilespmem:s7+$0x2D40]  }
0xcf: {  	v32 =	vld [tilespmem:s7+$0x550];
	v18 =	vadd.f32 v19, v18;
	v19 =	vmul.f32 v63, v62  }
0xd0: {  	v33 =	vld [tilespmem:s7+$0x2D50]  }
0xd1: {  	v34 =	vld [tilespmem:s7+$0x560];
	v18 =	vadd.f32 v19, v18;
	v19 =	vmul.f32 v29, v28  }
0xd2: {  	v35 =	vld [tilespmem:s7+$0x2D60]  }
0xd3: {  	v36 =	vld [tilespmem:s7+$0x570];
	v18 =	vadd.f32 v19, v18;
	v19 =	vmul.f32 v31, v30  }
0xd4: {  	v37 =	vld [tilespmem:s7+$0x2D70]  }
0xd5: {  	v18 =	vadd.f32 v19, v18;
	v19 =	vmul.f32 v33, v32;
	_ =	sdelay $0x1  }
0xd6: {  	v18 =	vadd.f32 v19, v18;
	v19 =	vmul.f32 v35, v34;
	_ =	sdelay $0x1  }
0xd7: {  	v18 =	vadd.f32 v19, v18;
	v19 =	vmul.f32 v37, v36;
	_ =	sdelay $0x1  }
0xd8: {  	v18 =	vadd.f32 v19, v18;
	_ =	sdelay $0x1  }
0xd9: {  	[tilespmem:$0xA260] =	vst v18  }
0xda: {  	v18 =	vld [tilespmem:s7+$0x580]  }
0xdb: {  	v19 =	vld [tilespmem:s7+$0x2D80]  }
0xdc: {  	v38 =	vld [tilespmem:s7+$0x590]  }
0xdd: {  	v39 =	vld [tilespmem:s7+$0x2D90]  }
0xde: {  	v40 =	vld [tilespmem:s7+$0x5A0]  }
0xdf: {  	v41 =	vld [tilespmem:s7+$0x2DA0]  }
0xe0: {  	v42 =	vld [tilespmem:s7+$0x5B0]  }
0xe1: {  	v43 =	vld [tilespmem:s7+$0x2DB0]  }
0xe2: {  	v44 =	vld [tilespmem:s7+$0x5C0];
	v18 =	vmul.f32 v19, v18;
	v19 =	vmul.f32 v39, v38  }
0xe3: {  	v45 =	vld [tilespmem:s7+$0x2DC0]  }
0xe4: {  	v46 =	vld [tilespmem:s7+$0x5D0];
	v18 =	vadd.f32 v19, v18;
	v19 =	vmul.f32 v41, v40  }
0xe5: {  	v47 =	vld [tilespmem:s7+$0x2DD0]  }
0xe6: {  	v48 =	vld [tilespmem:s7+$0x5E0];
	v18 =	vadd.f32 v19, v18;
	v19 =	vmul.f32 v43, v42  }
0xe7: {  	v49 =	vld [tilespmem:s7+$0x2DE0]  }
0xe8: {  	v50 =	vld [tilespmem:s7+$0x5F0];
	v18 =	vadd.f32 v19, v18;
	v19 =	vmul.f32 v45, v44  }
0xe9: {  	v51 =	vld [tilespmem:s7+$0x2DF0]  }
0xea: {  	v18 =	vadd.f32 v19, v18;
	v19 =	vmul.f32 v47, v46;
	_ =	sdelay $0x1  }
0xeb: {  	v18 =	vadd.f32 v19, v18;
	v19 =	vmul.f32 v49, v48;
	_ =	sdelay $0x1  }
0xec: {  	v18 =	vadd.f32 v19, v18;
	v19 =	vmul.f32 v51, v50;
	_ =	sdelay $0x1  }
0xed: {  	v18 =	vadd.f32 v19, v18;
	_ =	sdelay $0x1  }
0xee: {  	[tilespmem:$0xA270] =	vst v18  }
0xef: {  	v18 =	vld [tilespmem:s7+$0x600]  }
0xf0: {  	v19 =	vld [tilespmem:s7+$0x2E00]  }
0xf1: {  	v52 =	vld [tilespmem:s7+$0x610]  }
0xf2: {  	v53 =	vld [tilespmem:s7+$0x2E10]  }
0xf3: {  	v54 =	vld [tilespmem:s7+$0x620]  }
0xf4: {  	v55 =	vld [tilespmem:s7+$0x2E20]  }
0xf5: {  	v56 =	vld [tilespmem:s7+$0x630]  }
0xf6: {  	v57 =	vld [tilespmem:s7+$0x2E30]  }
0xf7: {  	v58 =	vld [tilespmem:s7+$0x640];
	v18 =	vmul.f32 v19, v18;
	v19 =	vmul.f32 v53, v52  }
0xf8: {  	v59 =	vld [tilespmem:s7+$0x2E40]  }
0xf9: {  	v60 =	vld [tilespmem:s7+$0x650];
	v18 =	vadd.f32 v19, v18;
	v19 =	vmul.f32 v55, v54  }
0xfa: {  	v61 =	vld [tilespmem:s7+$0x2E50]  }
0xfb: {  	v62 =	vld [tilespmem:s7+$0x660];
	v18 =	vadd.f32 v19, v18;
	v19 =	vmul.f32 v57, v56  }
0xfc: {  	v63 =	vld [tilespmem:s7+$0x2E60]  }
0xfd: {  	v26 =	vld [tilespmem:s7+$0x670];
	v18 =	vadd.f32 v19, v18;
	v19 =	vmul.f32 v59, v58  }
0xfe: {  	v27 =	vld [tilespmem:s7+$0x2E70]  }
0xff: {  	v18 =	vadd.f32 v19, v18;
	v19 =	vmul.f32 v61, v60;
	_ =	sdelay $0x1  }
0x100: {  	v18 =	vadd.f32 v19, v18;
	v19 =	vmul.f32 v63, v62;
	_ =	sdelay $0x1  }
0x101: {  	v18 =	vadd.f32 v19, v18;
	v19 =	vmul.f32 v27, v26;
	_ =	sdelay $0x1  }
0x102: {  	v18 =	vadd.f32 v19, v18;
	_ =	sdelay $0x1  }
0x103: {  	[tilespmem:$0xA280] =	vst v18  }
0x104: {  	v18 =	vld [tilespmem:s7+$0x680]  }
0x105: {  	v19 =	vld [tilespmem:s7+$0x2E80]  }
0x106: {  	v28 =	vld [tilespmem:s7+$0x690]  }
0x107: {  	v29 =	vld [tilespmem:s7+$0x2E90]  }
0x108: {  	v30 =	vld [tilespmem:s7+$0x6A0]  }
0x109: {  	v31 =	vld [tilespmem:s7+$0x2EA0]  }
0x10a: {  	v32 =	vld [tilespmem:s7+$0x6B0]  }
0x10b: {  	v33 =	vld [tilespmem:s7+$0x2EB0]  }
0x10c: {  	v34 =	vld [tilespmem:s7+$0x6C0];
	v18 =	vmul.f32 v19, v18;
	v19 =	vmul.f32 v29, v28  }
0x10d: {  	v35 =	vld [tilespmem:s7+$0x2EC0]  }
0x10e: {  	v36 =	vld [tilespmem:s7+$0x6D0];
	v18 =	vadd.f32 v19, v18;
	v19 =	vmul.f32 v31, v30  }
0x10f: {  	v37 =	vld [tilespmem:s7+$0x2ED0]  }
0x110: {  	v38 =	vld [tilespmem:s7+$0x6E0];
	v18 =	vadd.f32 v19, v18;
	v19 =	vmul.f32 v33, v32  }
0x111: {  	v39 =	vld [tilespmem:s7+$0x2EE0]  }
0x112: {  	v40 =	vld [tilespmem:s7+$0x6F0];
	v18 =	vadd.f32 v19, v18;
	v19 =	vmul.f32 v35, v34  }
0x113: {  	v41 =	vld [tilespmem:s7+$0x2EF0]  }
0x114: {  	v18 =	vadd.f32 v19, v18;
	v19 =	vmul.f32 v37, v36;
	_ =	sdelay $0x1  }
0x115: {  	v18 =	vadd.f32 v19, v18;
	v19 =	vmul.f32 v39, v38;
	_ =	sdelay $0x1  }
0x116: {  	v18 =	vadd.f32 v19, v18;
	v19 =	vmul.f32 v41, v40;
	_ =	sdelay $0x1  }
0x117: {  	v18 =	vadd.f32 v19, v18;
	_ =	sdelay $0x1  }
0x118: {  	[tilespmem:$0xA290] =	vst v18  }
0x119: {  	v18 =	vld [tilespmem:s7+$0x700]  }
0x11a: {  	v19 =	vld [tilespmem:s7+$0x2F00]  }
0x11b: {  	v42 =	vld [tilespmem:s7+$0x710]  }
0x11c: {  	v43 =	vld [tilespmem:s7+$0x2F10]  }
0x11d: {  	v44 =	vld [tilespmem:s7+$0x720]  }
0x11e: {  	v45 =	vld [tilespmem:s7+$0x2F20]  }
0x11f: {  	v46 =	vld [tilespmem:s7+$0x730]  }
0x120: {  	v47 =	vld [tilespmem:s7+$0x2F30]  }
0x121: {  	v48 =	vld [tilespmem:s7+$0x740];
	v18 =	vmul.f32 v19, v18;
	v19 =	vmul.f32 v43, v42  }
0x122: {  	v49 =	vld [tilespmem:s7+$0x2F40]  }
0x123: {  	v50 =	vld [tilespmem:s7+$0x750];
	v18 =	vadd.f32 v19, v18;
	v19 =	vmul.f32 v45, v44  }
0x124: {  	v51 =	vld [tilespmem:s7+$0x2F50]  }
0x125: {  	v52 =	vld [tilespmem:s7+$0x760];
	v18 =	vadd.f32 v19, v18;
	v19 =	vmul.f32 v47, v46  }
0x126: {  	v53 =	vld [tilespmem:s7+$0x2F60]  }
0x127: {  	v54 =	vld [tilespmem:s7+$0x770];
	v18 =	vadd.f32 v19, v18;
	v19 =	vmul.f32 v49, v48  }
0x128: {  	v55 =	vld [tilespmem:s7+$0x2F70]  }
0x129: {  	v18 =	vadd.f32 v19, v18;
	v19 =	vmul.f32 v51, v50;
	_ =	sdelay $0x1  }
0x12a: {  	v18 =	vadd.f32 v19, v18;
	v19 =	vmul.f32 v53, v52;
	_ =	sdelay $0x1  }
0x12b: {  	v18 =	vadd.f32 v19, v18;
	v19 =	vmul.f32 v55, v54;
	_ =	sdelay $0x1  }
0x12c: {  	v18 =	vadd.f32 v19, v18;
	_ =	sdelay $0x1  }
0x12d: {  	[tilespmem:$0xA2A0] =	vst v18  }
0x12e: {  	v18 =	vld [tilespmem:s7+$0x780]  }
0x12f: {  	v19 =	vld [tilespmem:s7+$0x2F80]  }
0x130: {  	v56 =	vld [tilespmem:s7+$0x790]  }
0x131: {  	v57 =	vld [tilespmem:s7+$0x2F90]  }
0x132: {  	v58 =	vld [tilespmem:s7+$0x7A0]  }
0x133: {  	v59 =	vld [tilespmem:s7+$0x2FA0]  }
0x134: {  	v60 =	vld [tilespmem:s7+$0x7B0]  }
0x135: {  	v61 =	vld [tilespmem:s7+$0x2FB0]  }
0x136: {  	v62 =	vld [tilespmem:s7+$0x7C0];
	v18 =	vmul.f32 v19, v18;
	v19 =	vmul.f32 v57, v56  }
0x137: {  	v63 =	vld [tilespmem:s7+$0x2FC0]  }
0x138: {  	v28 =	vld [tilespmem:s7+$0x7D0];
	v18 =	vadd.f32 v19, v18;
	v19 =	vmul.f32 v59, v58  }
0x139: {  	v29 =	vld [tilespmem:s7+$0x2FD0]  }
0x13a: {  	v30 =	vld [tilespmem:s7+$0x7E0];
	v18 =	vadd.f32 v19, v18;
	v19 =	vmul.f32 v61, v60  }
0x13b: {  	v31 =	vld [tilespmem:s7+$0x2FE0]  }
0x13c: {  	v32 =	vld [tilespmem:s7+$0x7F0];
	v18 =	vadd.f32 v19, v18;
	v19 =	vmul.f32 v63, v62  }
0x13d: {  	v33 =	vld [tilespmem:s7+$0x2FF0]  }
0x13e: {  	v18 =	vadd.f32 v19, v18;
	v19 =	vmul.f32 v29, v28;
	_ =	sdelay $0x1  }
0x13f: {  	v18 =	vadd.f32 v19, v18;
	v19 =	vmul.f32 v31, v30;
	_ =	sdelay $0x1  }
0x140: {  	v18 =	vadd.f32 v19, v18;
	v19 =	vmul.f32 v33, v32;
	_ =	sdelay $0x1  }
0x141: {  	v18 =	vadd.f32 v19, v18;
	_ =	sdelay $0x1  }
0x142: {  	[tilespmem:$0xA2B0] =	vst v18  }
0x143: {  	v18 =	vld [tilespmem:s7+$0x800]  }
0x144: {  	v19 =	vld [tilespmem:s7+$0x3000]  }
0x145: {  	v34 =	vld [tilespmem:s7+$0x810]  }
0x146: {  	v35 =	vld [tilespmem:s7+$0x3010]  }
0x147: {  	v36 =	vld [tilespmem:s7+$0x820]  }
0x148: {  	v37 =	vld [tilespmem:s7+$0x3020]  }
0x149: {  	v38 =	vld [tilespmem:s7+$0x830]  }
0x14a: {  	v39 =	vld [tilespmem:s7+$0x3030]  }
0x14b: {  	v40 =	vld [tilespmem:s7+$0x840];
	v18 =	vmul.f32 v19, v18;
	v19 =	vmul.f32 v35, v34  }
0x14c: {  	v41 =	vld [tilespmem:s7+$0x3040]  }
0x14d: {  	v42 =	vld [tilespmem:s7+$0x850];
	v18 =	vadd.f32 v19, v18;
	v19 =	vmul.f32 v37, v36  }
0x14e: {  	v43 =	vld [tilespmem:s7+$0x3050]  }
0x14f: {  	v44 =	vld [tilespmem:s7+$0x860];
	v18 =	vadd.f32 v19, v18;
	v19 =	vmul.f32 v39, v38  }
0x150: {  	v45 =	vld [tilespmem:s7+$0x3060]  }
0x151: {  	v46 =	vld [tilespmem:s7+$0x870];
	v18 =	vadd.f32 v19, v18;
	v19 =	vmul.f32 v41, v40  }
0x152: {  	v47 =	vld [tilespmem:s7+$0x3070]  }
0x153: {  	v18 =	vadd.f32 v19, v18;
	v19 =	vmul.f32 v43, v42;
	_ =	sdelay $0x1  }
0x154: {  	v18 =	vadd.f32 v19, v18;
	v19 =	vmul.f32 v45, v44;
	_ =	sdelay $0x1  }
0x155: {  	v18 =	vadd.f32 v19, v18;
	v19 =	vmul.f32 v47, v46;
	_ =	sdelay $0x1  }
0x156: {  	v18 =	vadd.f32 v19, v18;
	_ =	sdelay $0x1  }
0x157: {  	[tilespmem:$0xA2C0] =	vst v18  }
0x158: {  	v18 =	vld [tilespmem:s7+$0x880]  }
0x159: {  	v19 =	vld [tilespmem:s7+$0x3080]  }
0x15a: {  	v48 =	vld [tilespmem:s7+$0x890]  }
0x15b: {  	v49 =	vld [tilespmem:s7+$0x3090]  }
0x15c: {  	v50 =	vld [tilespmem:s7+$0x8A0]  }
0x15d: {  	v51 =	vld [tilespmem:s7+$0x30A0]  }
0x15e: {  	v52 =	vld [tilespmem:s7+$0x8B0]  }
0x15f: {  	v53 =	vld [tilespmem:s7+$0x30B0]  }
0x160: {  	v54 =	vld [tilespmem:s7+$0x8C0];
	v18 =	vmul.f32 v19, v18;
	v19 =	vmul.f32 v49, v48  }
0x161: {  	v55 =	vld [tilespmem:s7+$0x30C0]  }
0x162: {  	v56 =	vld [tilespmem:s7+$0x8D0];
	v18 =	vadd.f32 v19, v18;
	v19 =	vmul.f32 v51, v50  }
0x163: {  	v57 =	vld [tilespmem:s7+$0x30D0]  }
0x164: {  	v58 =	vld [tilespmem:s7+$0x8E0];
	v18 =	vadd.f32 v19, v18;
	v19 =	vmul.f32 v53, v52  }
0x165: {  	v59 =	vld [tilespmem:s7+$0x30E0]  }
0x166: {  	v60 =	vld [tilespmem:s7+$0x8F0];
	v18 =	vadd.f32 v19, v18;
	v19 =	vmul.f32 v55, v54  }
0x167: {  	v61 =	vld [tilespmem:s7+$0x30F0]  }
0x168: {  	v18 =	vadd.f32 v19, v18;
	v19 =	vmul.f32 v57, v56;
	_ =	sdelay $0x1  }
0x169: {  	v18 =	vadd.f32 v19, v18;
	v19 =	vmul.f32 v59, v58;
	_ =	sdelay $0x1  }
0x16a: {  	v18 =	vadd.f32 v19, v18;
	v19 =	vmul.f32 v61, v60;
	_ =	sdelay $0x1  }
0x16b: {  	v18 =	vadd.f32 v19, v18;
	_ =	sdelay $0x1  }
0x16c: {  	[tilespmem:$0xA2D0] =	vst v18  }
0x16d: {  	v18 =	vld [tilespmem:s7+$0x900]  }
0x16e: {  	v19 =	vld [tilespmem:s7+$0x3100]  }
0x16f: {  	v62 =	vld [tilespmem:s7+$0x910]  }
0x170: {  	v63 =	vld [tilespmem:s7+$0x3110]  }
0x171: {  	v28 =	vld [tilespmem:s7+$0x920]  }
0x172: {  	v29 =	vld [tilespmem:s7+$0x3120]  }
0x173: {  	v30 =	vld [tilespmem:s7+$0x930]  }
0x174: {  	v31 =	vld [tilespmem:s7+$0x3130]  }
0x175: {  	v32 =	vld [tilespmem:s7+$0x940];
	v18 =	vmul.f32 v19, v18;
	v19 =	vmul.f32 v63, v62  }
0x176: {  	v33 =	vld [tilespmem:s7+$0x3140]  }
0x177: {  	v34 =	vld [tilespmem:s7+$0x950];
	v18 =	vadd.f32 v19, v18;
	v19 =	vmul.f32 v29, v28  }
0x178: {  	v35 =	vld [tilespmem:s7+$0x3150]  }
0x179: {  	v36 =	vld [tilespmem:s7+$0x960];
	v18 =	vadd.f32 v19, v18;
	v19 =	vmul.f32 v31, v30  }
0x17a: {  	v37 =	vld [tilespmem:s7+$0x3160]  }
0x17b: {  	v38 =	vld [tilespmem:s7+$0x970];
	v18 =	vadd.f32 v19, v18;
	v19 =	vmul.f32 v33, v32  }
0x17c: {  	v39 =	vld [tilespmem:s7+$0x3170]  }
0x17d: {  	v18 =	vadd.f32 v19, v18;
	v19 =	vmul.f32 v35, v34;
	_ =	sdelay $0x1  }
0x17e: {  	v18 =	vadd.f32 v19, v18;
	v19 =	vmul.f32 v37, v36;
	_ =	sdelay $0x1  }
0x17f: {  	v18 =	vadd.f32 v19, v18;
	v19 =	vmul.f32 v39, v38;
	_ =	sdelay $0x1  }
0x180: {  	v18 =	vadd.f32 v19, v18;
	_ =	sdelay $0x1  }
0x181: {  	[tilespmem:$0xA2E0] =	vst v18  }
0x182: {  	v18 =	vld [tilespmem:s7+$0x980]  }
0x183: {  	v19 =	vld [tilespmem:s7+$0x3180]  }
0x184: {  	v40 =	vld [tilespmem:s7+$0x990]  }
0x185: {  	v41 =	vld [tilespmem:s7+$0x3190]  }
0x186: {  	v42 =	vld [tilespmem:s7+$0x9A0]  }
0x187: {  	v43 =	vld [tilespmem:s7+$0x31A0]  }
0x188: {  	v44 =	vld [tilespmem:s7+$0x9B0]  }
0x189: {  	v45 =	vld [tilespmem:s7+$0x31B0]  }
0x18a: {  	v46 =	vld [tilespmem:s7+$0x9C0];
	v18 =	vmul.f32 v19, v18;
	v19 =	vmul.f32 v41, v40  }
0x18b: {  	v47 =	vld [tilespmem:s7+$0x31C0]  }
0x18c: {  	v48 =	vld [tilespmem:s7+$0x9D0];
	v18 =	vadd.f32 v19, v18;
	v19 =	vmul.f32 v43, v42  }
0x18d: {  	v49 =	vld [tilespmem:s7+$0x31D0]  }
0x18e: {  	v50 =	vld [tilespmem:s7+$0x9E0];
	v18 =	vadd.f32 v19, v18;
	v19 =	vmul.f32 v45, v44  }
0x18f: {  	v51 =	vld [tilespmem:s7+$0x31E0]  }
0x190: {  	v52 =	vld [tilespmem:s7+$0x9F0];
	v18 =	vadd.f32 v19, v18;
	v19 =	vmul.f32 v47, v46  }
0x191: {  	v53 =	vld [tilespmem:s7+$0x31F0]  }
0x192: {  	v18 =	vadd.f32 v19, v18;
	v19 =	vmul.f32 v49, v48;
	_ =	sdelay $0x1  }
0x193: {  	v18 =	vadd.f32 v19, v18;
	v19 =	vmul.f32 v51, v50;
	_ =	sdelay $0x1  }
0x194: {  	v18 =	vadd.f32 v19, v18;
	v19 =	vmul.f32 v53, v52;
	_ =	sdelay $0x1  }
0x195: {  	v18 =	vadd.f32 v19, v18;
	_ =	sdelay $0x1  }
0x196: {  	[tilespmem:$0xA2F0] =	vst v18  }
0x197: {  	v18 =	vld.idx.msk [tilespmem:v0+s0+$0x0], $0xffff  }
0x198: {  	v19 =	vld.idx.msk [tilespmem:v1+s0+$0x0], $0xffff  }
0x199: {  	v54 =	vld.idx.msk [tilespmem:v2+s0+$0x0], $0xffff  }
0x19a: {  	v55 =	vld.idx.msk [tilespmem:v3+s0+$0x0], $0xffff  }
0x19b: {  	v56 =	vld.idx.msk [tilespmem:v4+s0+$0x0], $0xffff  }
0x19c: {  	v57 =	vld.idx.msk [tilespmem:v5+s0+$0x0], $0xffff  }
0x19d: {  	v58 =	vld.idx.msk [tilespmem:v6+s0+$0x0], $0xffff  }
0x19e: {  	v59 =	vld.idx.msk [tilespmem:v7+s0+$0x0], $0xffff  }
0x19f: {  	v26 =	vld.idx.msk [tilespmem:v8+s0+$0x0], $0xffff  }
0x1a0: {  	v27 =	vld.idx.msk [tilespmem:v9+s0+$0x0], $0xffff  }
0x1a1: {  	v28 =	vld.idx.msk [tilespmem:v10+s0+$0x0], $0xffff  }
0x1a2: {  	v29 =	vld.idx.msk [tilespmem:v11+s0+$0x0], $0xffff  }
0x1a3: {  	v30 =	vld.idx.msk [tilespmem:v12+s0+$0x0], $0xffff  }
0x1a4: {  	v31 =	vld.idx.msk [tilespmem:v13+s0+$0x0], $0xffff  }
0x1a5: {  	v32 =	vld.idx.msk [tilespmem:v14+s0+$0x0], $0xffff  }
0x1a6: {  	v60 =	vld.idx.msk [tilespmem:v15+s0+$0x0], $0xffff;
	v18 =	vadd.f32 v56, v18;
	v19 =	vadd.f32 v57, v19  }
0x1a7: {  	v20 =	vadd.f32 v58, v54;
	v21 =	vadd.f32 v59, v55  }
0x1a8: {  	v18 =	vadd.f32 v26, v18;
	v19 =	vadd.f32 v27, v19  }
0x1a9: {  	v20 =	vadd.f32 v28, v20;
	v21 =	vadd.f32 v29, v21  }
0x1aa: {  	v18 =	vadd.f32 v30, v18;
	v19 =	vadd.f32 v31, v19  }
0x1ab: {  	v20 =	vadd.f32 v32, v20;
	v21 =	vadd.f32 v60, v21;
	_ =	sdelay $0x1  }
0x1ac: {  	v18 =	vadd.f32 v19, v18;
	v19 =	vadd.f32 v21, v20;
	_ =	sdelay $0x1  }
0x1ad: {  	v18 =	vadd.f32 v19, v18;
	_ =	sdelay $0x1  }
0x1ae: {  	v18 =	vsub.f32 $0.0e+00, v18;
	_ =	sdelay $0x1  }
0x1af: {  	v18 =	vmul.f32 $1.442695020e+00, v18;
	_ =	sdelay $0x1  }
0x1b0: {  	(erf) = vpow2.f32 v18;
	_ =	sdelay $0x8  }
0x1b1: {  	v18 =	vpop (erf)  }
0x1b2: {  	v18 =	vadd.f32 $1.000000000e+00, v18;
	_ =	sdelay $0x1  }
0x1b3: {  	(erf) = vrcp.f32 v18;
	_ =	sdelay $0x8  }
0x1b4: {  	v18 =	vpop (erf)  }
0x1b5: {  	v19 =	vsub.f32 $1.000000000e+00, v18;
	_ =	sdelay $0x1  }
0x1b6: {  	v18 =	vpsel p0, v19, v18  }
0x1b7: {  	v18 =	vadd.f32 $1.000000000e-15, v18;
	_ =	sdelay $0x1  }
0x1b8: {  	v19 =	vand.u32 $0x7FFFFF, v18  }
0x1b9: {  	v19 =	vor.u32 $0x3F800000, v19  }
0x1ba: {  	v61 =	vmul.f32 $5.000000000e-01, v19  }
0x1bb: {  	vm0 =	vge.f32 v19, $1.414213540e+00  }
0x1bc: {  	v19 =	vsel vm0, v61, v19  }
0x1bd: {  	v20 =	vadd.f32 $1.000000000e+00, v19;
	_ =	sdelay $0x1  }
0x1be: {  	(erf) = vrcp.f32 v20;
	_ =	sdelay $0x7  }
0x1bf: {  	v19 =	vadd.f32 $-1.000000000e+00, v19  }
0x1c0: {  	v20 =	vpop (erf)  }
0x1c1: {  	v19 =	vmul.f32 v20, v19;
	_ =	sdelay $0x1  }
0x1c2: {  	v20 =	vmul.f32 v19, v19;
	_ =	sdelay $0x1  }
0x1c3: {  	v62 =	vmul.f32 $9.090909360e-02, v20;
	_ =	sdelay $0x1  }
0x1c4: {  	v21 =	vadd.f32 $1.111111120e-01, v62;
	_ =	sdelay $0x1  }
0x1c5: {  	v21 =	vmul.f32 v21, v20;
	_ =	sdelay $0x1  }
0x1c6: {  	v21 =	vadd.f32 $1.428571490e-01, v21;
	_ =	sdelay $0x1  }
0x1c7: {  	v21 =	vmul.f32 v21, v20;
	_ =	sdelay $0x1  }
0x1c8: {  	v21 =	vadd.f32 $2.000000030e-01, v21;
	_ =	sdelay $0x1  }
0x1c9: {  	v21 =	vmul.f32 v21, v20;
	_ =	sdelay $0x1  }
0x1ca: {  	v21 =	vadd.f32 $3.333333430e-01, v21  }
0x1cb: {  	v18 =	vshra.s32 v18, $0x17;
	v63 =	vsel vm0, $0x1, v16  }
0x1cc: {  	v18 =	vadd.s32 v63, v18;
	v20 =	vmul.f32 v21, v20  }
0x1cd: {  	v18 =	vadd.s32 $0xFFFFFF81, v18  }
0x1ce: {  	v18 =	vcvt.s32.f32 v18;
	v19 =	vadd.f32 v19, v19;
	v20 =	vadd.f32 $1.000000000e+00, v20  }
0x1cf: {  	p4 =	sne.s32 s21, $0x4  }
.Ltmp0:
0x1d0: {  	v18 =	vmul.f32 $6.931471820e-01, v18;
	v19 =	vmul.f32 v20, v19;
	(pc) =	sbr.rel @p4 .LBB2_3-.Ltmp0, $3  }
0x1d1: {  	_ = 	snop  }
0x1d2: {  	v18 =	vadd.f32 v19, v18;
	_ =	sdelay $0x1  }
0x1d3: {  	s21 =	sadd.s32 $0x1, s21;
	v17 =	vsub.f32 v17, v18  }
0x1d4: {  	s7 =	simm.s32 @!p3 $0x1  }
0x1d5: {  	_ =	swait.ge @!p3 [sflag:s7], $0x50  }
0x1d6: {  	[sflag:s7] =	ssyncset.done @!p3 $0x0  }
0x1d7: {  	[sflag:s7] =	ssyncadd.s32 @!p3 $0xFFFFFFB0  }
0x1d8: {  	_ =	swait.ge @!p3 [sflag:s7], $0x50  }
0x1d9: {  	s8 =	simm.s32 @!p3 $0x0;
	s21 =	simm.s32 @!p3 $0x200;
	[sflag:s7] =	ssyncset.done @!p3 $0x0  }
0x1da: {  	s6 =	sadd.s32 @!p3 s6, s13;
	[sflag:s7] =	ssyncadd.s32 @!p3 $0xFFFFFFB0;
	s7 =	simm.s32 @!p3 $0x50  }
0x1db: {  	[tilespmem:s21], [sflag:$0x3] =	stream.indirect.gather @!p3 [spmem:s3], $0x80, s8, s7, $0xb8;
	[tilespmem:$0x1E490] =	vst v63  }
0x1dc: {  	s9 =	simm.s32 @!p3 $0x2A00;
	s6 =	sshrl.u32 @!p3 s6, $0x3;
	s21 =	simm.s32 @!p3 $0x80  }
0x1dd: {  	[tilespmem:s9], [sflag:$0x3] =	stream.indirect.gather @!p3 [spmem:s3], $0x80, s21, s7, $0xb8;
	[tilespmem:$0x1E490] =	vst v63  }
0x1de: {  	s7 =	sadd.s32 @!p3 s1, s6;
	s9 =	simm.s32 @!p3 $0x100  }
0x1df: {  	[tilespmem:s9], [sflag:$0x2] =	stream.linear.gather @!p3 [hbm4b:s7+s8], $0x50, $0x38;
	[tilespmem:$0x1E490] =	vst v63  }
0x1e0: {  	s6 =	sadd.s32 @!p3 s5, s6;
	s7 =	simm.s32 @!p3 $0x180  }
0x1e1: {  	[tilespmem:s7], [sflag:$0x2] =	stream.linear.gather @!p3 [hbm4b:s6+s8], $0x50, $0x38;
	[tilespmem:$0x1E490] =	vst v63  }
0x1e2: {  	_ =	swait.ge [sflag:s2], $0x2800  }
0x1e3: {  	[sflag:s2] =	ssyncset.done $0x0  }
0x1e4: {  	[sflag:s2] =	ssyncadd.s32 $0xFFFFD800  }
0x1e5: {  	_ =	swait.ge [sflag:s2], $0x2800  }
0x1e6: {  	[sflag:s2] =	ssyncset.done $0x0  }
0x1e7: {  	s6 =	simm.s32 $0x0;
	[sflag:s2] =	ssyncadd.s32 $0xFFFFD800  }
.LBB2_5:
0x1e8: {  	s7 =	sshll.u32 s6, $0xB  }
0x1e9: {  	v18 =	vld [tilespmem:s7+$0x5200]  }
0x1ea: {  	v19 =	vld [tilespmem:s7+$0x7A00]  }
0x1eb: {  	v20 =	vld [tilespmem:s7+$0x5210]  }
0x1ec: {  	v21 =	vld [tilespmem:s7+$0x7A10]  }
0x1ed: {  	v22 =	vld [tilespmem:s7+$0x5220]  }
0x1ee: {  	v23 =	vld [tilespmem:s7+$0x7A20]  }
0x1ef: {  	v24 =	vld [tilespmem:s7+$0x5230]  }
0x1f0: {  	v25 =	vld [tilespmem:s7+$0x7A30]  }
0x1f1: {  	v54 =	vld [tilespmem:s7+$0x5240];
	v18 =	vmul.f32 v19, v18;
	v19 =	vmul.f32 v21, v20  }
0x1f2: {  	v55 =	vld [tilespmem:s7+$0x7A40]  }
0x1f3: {  	v56 =	vld [tilespmem:s7+$0x5250];
	v18 =	vadd.f32 v19, v18;
	v19 =	vmul.f32 v23, v22  }
0x1f4: {  	v57 =	vld [tilespmem:s7+$0x7A50]  }
0x1f5: {  	v58 =	vld [tilespmem:s7+$0x5260];
	v18 =	vadd.f32 v19, v18;
	v19 =	vmul.f32 v25, v24  }
0x1f6: {  	v59 =	vld [tilespmem:s7+$0x7A60]  }
0x1f7: {  	v60 =	vld [tilespmem:s7+$0x5270];
	v18 =	vadd.f32 v19, v18;
	v19 =	vmul.f32 v55, v54  }
0x1f8: {  	v61 =	vld [tilespmem:s7+$0x7A70]  }
0x1f9: {  	v18 =	vadd.f32 v19, v18;
	v19 =	vmul.f32 v57, v56;
	_ =	sdelay $0x1  }
0x1fa: {  	v18 =	vadd.f32 v19, v18;
	v19 =	vmul.f32 v59, v58;
	_ =	sdelay $0x1  }
0x1fb: {  	v18 =	vadd.f32 v19, v18;
	v19 =	vmul.f32 v61, v60;
	_ =	sdelay $0x1  }
0x1fc: {  	v18 =	vadd.f32 v19, v18;
	_ =	sdelay $0x1  }
0x1fd: {  	[tilespmem:$0xA200] =	vst v18  }
0x1fe: {  	v18 =	vld [tilespmem:s7+$0x5280]  }
0x1ff: {  	v19 =	vld [tilespmem:s7+$0x7A80]  }
0x200: {  	v62 =	vld [tilespmem:s7+$0x5290]  }
0x201: {  	v63 =	vld [tilespmem:s7+$0x7A90]  }
0x202: {  	v28 =	vld [tilespmem:s7+$0x52A0]  }
0x203: {  	v29 =	vld [tilespmem:s7+$0x7AA0]  }
0x204: {  	v30 =	vld [tilespmem:s7+$0x52B0]  }
0x205: {  	v31 =	vld [tilespmem:s7+$0x7AB0]  }
0x206: {  	v32 =	vld [tilespmem:s7+$0x52C0];
	v18 =	vmul.f32 v19, v18;
	v19 =	vmul.f32 v63, v62  }
0x207: {  	v33 =	vld [tilespmem:s7+$0x7AC0]  }
0x208: {  	v34 =	vld [tilespmem:s7+$0x52D0];
	v18 =	vadd.f32 v19, v18;
	v19 =	vmul.f32 v29, v28  }
0x209: {  	v35 =	vld [tilespmem:s7+$0x7AD0]  }
0x20a: {  	v36 =	vld [tilespmem:s7+$0x52E0];
	v18 =	vadd.f32 v19, v18;
	v19 =	vmul.f32 v31, v30  }
0x20b: {  	v37 =	vld [tilespmem:s7+$0x7AE0]  }
0x20c: {  	v38 =	vld [tilespmem:s7+$0x52F0];
	v18 =	vadd.f32 v19, v18;
	v19 =	vmul.f32 v33, v32  }
0x20d: {  	v39 =	vld [tilespmem:s7+$0x7AF0]  }
0x20e: {  	v18 =	vadd.f32 v19, v18;
	v19 =	vmul.f32 v35, v34;
	_ =	sdelay $0x1  }
0x20f: {  	v18 =	vadd.f32 v19, v18;
	v19 =	vmul.f32 v37, v36;
	_ =	sdelay $0x1  }
0x210: {  	v18 =	vadd.f32 v19, v18;
	v19 =	vmul.f32 v39, v38;
	_ =	sdelay $0x1  }
0x211: {  	v18 =	vadd.f32 v19, v18;
	_ =	sdelay $0x1  }
0x212: {  	[tilespmem:$0xA210] =	vst v18  }
0x213: {  	v18 =	vld [tilespmem:s7+$0x5300]  }
0x214: {  	v19 =	vld [tilespmem:s7+$0x7B00]  }
0x215: {  	v40 =	vld [tilespmem:s7+$0x5310]  }
0x216: {  	v41 =	vld [tilespmem:s7+$0x7B10]  }
0x217: {  	v42 =	vld [tilespmem:s7+$0x5320]  }
0x218: {  	v43 =	vld [tilespmem:s7+$0x7B20]  }
0x219: {  	v44 =	vld [tilespmem:s7+$0x5330]  }
0x21a: {  	v45 =	vld [tilespmem:s7+$0x7B30]  }
0x21b: {  	v46 =	vld [tilespmem:s7+$0x5340];
	v18 =	vmul.f32 v19, v18;
	v19 =	vmul.f32 v41, v40  }
0x21c: {  	v47 =	vld [tilespmem:s7+$0x7B40]  }
0x21d: {  	v48 =	vld [tilespmem:s7+$0x5350];
	v18 =	vadd.f32 v19, v18;
	v19 =	vmul.f32 v43, v42  }
0x21e: {  	v49 =	vld [tilespmem:s7+$0x7B50]  }
0x21f: {  	v50 =	vld [tilespmem:s7+$0x5360];
	v18 =	vadd.f32 v19, v18;
	v19 =	vmul.f32 v45, v44  }
0x220: {  	v51 =	vld [tilespmem:s7+$0x7B60]  }
0x221: {  	v52 =	vld [tilespmem:s7+$0x5370];
	v18 =	vadd.f32 v19, v18;
	v19 =	vmul.f32 v47, v46  }
0x222: {  	v53 =	vld [tilespmem:s7+$0x7B70]  }
0x223: {  	v18 =	vadd.f32 v19, v18;
	v19 =	vmul.f32 v49, v48;
	_ =	sdelay $0x1  }
0x224: {  	v18 =	vadd.f32 v19, v18;
	v19 =	vmul.f32 v51, v50;
	_ =	sdelay $0x1  }
0x225: {  	v18 =	vadd.f32 v19, v18;
	v19 =	vmul.f32 v53, v52;
	_ =	sdelay $0x1  }
0x226: {  	v18 =	vadd.f32 v19, v18;
	_ =	sdelay $0x1  }
0x227: {  	[tilespmem:$0xA220] =	vst v18  }
0x228: {  	v18 =	vld [tilespmem:s7+$0x5380]  }
0x229: {  	v19 =	vld [tilespmem:s7+$0x7B80]  }
0x22a: {  	v54 =	vld [tilespmem:s7+$0x5390]  }
0x22b: {  	v55 =	vld [tilespmem:s7+$0x7B90]  }
0x22c: {  	v56 =	vld [tilespmem:s7+$0x53A0]  }
0x22d: {  	v57 =	vld [tilespmem:s7+$0x7BA0]  }
0x22e: {  	v58 =	vld [tilespmem:s7+$0x53B0]  }
0x22f: {  	v59 =	vld [tilespmem:s7+$0x7BB0]  }
0x230: {  	v60 =	vld [tilespmem:s7+$0x53C0];
	v18 =	vmul.f32 v19, v18;
	v19 =	vmul.f32 v55, v54  }
0x231: {  	v61 =	vld [tilespmem:s7+$0x7BC0]  }
0x232: {  	v62 =	vld [tilespmem:s7+$0x53D0];
	v18 =	vadd.f32 v19, v18;
	v19 =	vmul.f32 v57, v56  }
0x233: {  	v63 =	vld [tilespmem:s7+$0x7BD0]  }
0x234: {  	v28 =	vld [tilespmem:s7+$0x53E0];
	v18 =	vadd.f32 v19, v18;
	v19 =	vmul.f32 v59, v58  }
0x235: {  	v29 =	vld [tilespmem:s7+$0x7BE0]  }
0x236: {  	v30 =	vld [tilespmem:s7+$0x53F0];
	v18 =	vadd.f32 v19, v18;
	v19 =	vmul.f32 v61, v60  }
0x237: {  	v31 =	vld [tilespmem:s7+$0x7BF0]  }
0x238: {  	v18 =	vadd.f32 v19, v18;
	v19 =	vmul.f32 v63, v62;
	_ =	sdelay $0x1  }
0x239: {  	v18 =	vadd.f32 v19, v18;
	v19 =	vmul.f32 v29, v28;
	_ =	sdelay $0x1  }
0x23a: {  	v18 =	vadd.f32 v19, v18;
	v19 =	vmul.f32 v31, v30;
	_ =	sdelay $0x1  }
0x23b: {  	v18 =	vadd.f32 v19, v18;
	_ =	sdelay $0x1  }
0x23c: {  	[tilespmem:$0xA230] =	vst v18  }
0x23d: {  	v18 =	vld [tilespmem:s7+$0x5400]  }
0x23e: {  	v19 =	vld [tilespmem:s7+$0x7C00]  }
0x23f: {  	v32 =	vld [tilespmem:s7+$0x5410]  }
0x240: {  	v33 =	vld [tilespmem:s7+$0x7C10]  }
0x241: {  	v34 =	vld [tilespmem:s7+$0x5420]  }
0x242: {  	v35 =	vld [tilespmem:s7+$0x7C20]  }
0x243: {  	v36 =	vld [tilespmem:s7+$0x5430]  }
0x244: {  	v37 =	vld [tilespmem:s7+$0x7C30]  }
0x245: {  	v38 =	vld [tilespmem:s7+$0x5440];
	v18 =	vmul.f32 v19, v18;
	v19 =	vmul.f32 v33, v32  }
0x246: {  	v39 =	vld [tilespmem:s7+$0x7C40]  }
0x247: {  	v40 =	vld [tilespmem:s7+$0x5450];
	v18 =	vadd.f32 v19, v18;
	v19 =	vmul.f32 v35, v34  }
0x248: {  	v41 =	vld [tilespmem:s7+$0x7C50]  }
0x249: {  	v42 =	vld [tilespmem:s7+$0x5460];
	v18 =	vadd.f32 v19, v18;
	v19 =	vmul.f32 v37, v36  }
0x24a: {  	v43 =	vld [tilespmem:s7+$0x7C60]  }
0x24b: {  	v44 =	vld [tilespmem:s7+$0x5470];
	v18 =	vadd.f32 v19, v18;
	v19 =	vmul.f32 v39, v38  }
0x24c: {  	v45 =	vld [tilespmem:s7+$0x7C70]  }
0x24d: {  	v18 =	vadd.f32 v19, v18;
	v19 =	vmul.f32 v41, v40;
	_ =	sdelay $0x1  }
0x24e: {  	v18 =	vadd.f32 v19, v18;
	v19 =	vmul.f32 v43, v42;
	_ =	sdelay $0x1  }
0x24f: {  	v18 =	vadd.f32 v19, v18;
	v19 =	vmul.f32 v45, v44;
	_ =	sdelay $0x1  }
0x250: {  	v18 =	vadd.f32 v19, v18;
	_ =	sdelay $0x1  }
0x251: {  	[tilespmem:$0xA240] =	vst v18  }
0x252: {  	v18 =	vld [tilespmem:s7+$0x5480]  }
0x253: {  	v19 =	vld [tilespmem:s7+$0x7C80]  }
0x254: {  	v46 =	vld [tilespmem:s7+$0x5490]  }
0x255: {  	v47 =	vld [tilespmem:s7+$0x7C90]  }
0x256: {  	v48 =	vld [tilespmem:s7+$0x54A0]  }
0x257: {  	v49 =	vld [tilespmem:s7+$0x7CA0]  }
0x258: {  	v50 =	vld [tilespmem:s7+$0x54B0]  }
0x259: {  	v51 =	vld [tilespmem:s7+$0x7CB0]  }
0x25a: {  	v52 =	vld [tilespmem:s7+$0x54C0];
	v18 =	vmul.f32 v19, v18;
	v19 =	vmul.f32 v47, v46  }
0x25b: {  	v53 =	vld [tilespmem:s7+$0x7CC0]  }
0x25c: {  	v54 =	vld [tilespmem:s7+$0x54D0];
	v18 =	vadd.f32 v19, v18;
	v19 =	vmul.f32 v49, v48  }
0x25d: {  	v55 =	vld [tilespmem:s7+$0x7CD0]  }
0x25e: {  	v56 =	vld [tilespmem:s7+$0x54E0];
	v18 =	vadd.f32 v19, v18;
	v19 =	vmul.f32 v51, v50  }
0x25f: {  	v57 =	vld [tilespmem:s7+$0x7CE0]  }
0x260: {  	v58 =	vld [tilespmem:s7+$0x54F0];
	v18 =	vadd.f32 v19, v18;
	v19 =	vmul.f32 v53, v52  }
0x261: {  	v59 =	vld [tilespmem:s7+$0x7CF0]  }
0x262: {  	v18 =	vadd.f32 v19, v18;
	v19 =	vmul.f32 v55, v54;
	_ =	sdelay $0x1  }
0x263: {  	v18 =	vadd.f32 v19, v18;
	v19 =	vmul.f32 v57, v56;
	_ =	sdelay $0x1  }
0x264: {  	v18 =	vadd.f32 v19, v18;
	v19 =	vmul.f32 v59, v58;
	_ =	sdelay $0x1  }
0x265: {  	v18 =	vadd.f32 v19, v18;
	_ =	sdelay $0x1  }
0x266: {  	[tilespmem:$0xA250] =	vst v18  }
0x267: {  	v18 =	vld [tilespmem:s7+$0x5500]  }
0x268: {  	v19 =	vld [tilespmem:s7+$0x7D00]  }
0x269: {  	v60 =	vld [tilespmem:s7+$0x5510]  }
0x26a: {  	v61 =	vld [tilespmem:s7+$0x7D10]  }
0x26b: {  	v62 =	vld [tilespmem:s7+$0x5520]  }
0x26c: {  	v63 =	vld [tilespmem:s7+$0x7D20]  }
0x26d: {  	v28 =	vld [tilespmem:s7+$0x5530]  }
0x26e: {  	v29 =	vld [tilespmem:s7+$0x7D30]  }
0x26f: {  	v30 =	vld [tilespmem:s7+$0x5540];
	v18 =	vmul.f32 v19, v18;
	v19 =	vmul.f32 v61, v60  }
0x270: {  	v31 =	vld [tilespmem:s7+$0x7D40]  }
0x271: {  	v32 =	vld [tilespmem:s7+$0x5550];
	v18 =	vadd.f32 v19, v18;
	v19 =	vmul.f32 v63, v62  }
0x272: {  	v33 =	vld [tilespmem:s7+$0x7D50]  }
0x273: {  	v34 =	vld [tilespmem:s7+$0x5560];
	v18 =	vadd.f32 v19, v18;
	v19 =	vmul.f32 v29, v28  }
0x274: {  	v35 =	vld [tilespmem:s7+$0x7D60]  }
0x275: {  	v36 =	vld [tilespmem:s7+$0x5570];
	v18 =	vadd.f32 v19, v18;
	v19 =	vmul.f32 v31, v30  }
0x276: {  	v37 =	vld [tilespmem:s7+$0x7D70]  }
0x277: {  	v18 =	vadd.f32 v19, v18;
	v19 =	vmul.f32 v33, v32;
	_ =	sdelay $0x1  }
0x278: {  	v18 =	vadd.f32 v19, v18;
	v19 =	vmul.f32 v35, v34;
	_ =	sdelay $0x1  }
0x279: {  	v18 =	vadd.f32 v19, v18;
	v19 =	vmul.f32 v37, v36;
	_ =	sdelay $0x1  }
0x27a: {  	v18 =	vadd.f32 v19, v18;
	_ =	sdelay $0x1  }
0x27b: {  	[tilespmem:$0xA260] =	vst v18  }
0x27c: {  	v18 =	vld [tilespmem:s7+$0x5580]  }
0x27d: {  	v19 =	vld [tilespmem:s7+$0x7D80]  }
0x27e: {  	v38 =	vld [tilespmem:s7+$0x5590]  }
0x27f: {  	v39 =	vld [tilespmem:s7+$0x7D90]  }
0x280: {  	v40 =	vld [tilespmem:s7+$0x55A0]  }
0x281: {  	v41 =	vld [tilespmem:s7+$0x7DA0]  }
0x282: {  	v42 =	vld [tilespmem:s7+$0x55B0]  }
0x283: {  	v43 =	vld [tilespmem:s7+$0x7DB0]  }
0x284: {  	v44 =	vld [tilespmem:s7+$0x55C0];
	v18 =	vmul.f32 v19, v18;
	v19 =	vmul.f32 v39, v38  }
0x285: {  	v45 =	vld [tilespmem:s7+$0x7DC0]  }
0x286: {  	v46 =	vld [tilespmem:s7+$0x55D0];
	v18 =	vadd.f32 v19, v18;
	v19 =	vmul.f32 v41, v40  }
0x287: {  	v47 =	vld [tilespmem:s7+$0x7DD0]  }
0x288: {  	v48 =	vld [tilespmem:s7+$0x55E0];
	v18 =	vadd.f32 v19, v18;
	v19 =	vmul.f32 v43, v42  }
0x289: {  	v49 =	vld [tilespmem:s7+$0x7DE0]  }
0x28a: {  	v50 =	vld [tilespmem:s7+$0x55F0];
	v18 =	vadd.f32 v19, v18;
	v19 =	vmul.f32 v45, v44  }
0x28b: {  	v51 =	vld [tilespmem:s7+$0x7DF0]  }
0x28c: {  	v18 =	vadd.f32 v19, v18;
	v19 =	vmul.f32 v47, v46;
	_ =	sdelay $0x1  }
0x28d: {  	v18 =	vadd.f32 v19, v18;
	v19 =	vmul.f32 v49, v48;
	_ =	sdelay $0x1  }
0x28e: {  	v18 =	vadd.f32 v19, v18;
	v19 =	vmul.f32 v51, v50;
	_ =	sdelay $0x1  }
0x28f: {  	v18 =	vadd.f32 v19, v18;
	_ =	sdelay $0x1  }
0x290: {  	[tilespmem:$0xA270] =	vst v18  }
0x291: {  	v18 =	vld [tilespmem:s7+$0x5600]  }
0x292: {  	v19 =	vld [tilespmem:s7+$0x7E00]  }
0x293: {  	v52 =	vld [tilespmem:s7+$0x5610]  }
0x294: {  	v53 =	vld [tilespmem:s7+$0x7E10]  }
0x295: {  	v54 =	vld [tilespmem:s7+$0x5620]  }
0x296: {  	v55 =	vld [tilespmem:s7+$0x7E20]  }
0x297: {  	v56 =	vld [tilespmem:s7+$0x5630]  }
0x298: {  	v57 =	vld [tilespmem:s7+$0x7E30]  }
0x299: {  	v58 =	vld [tilespmem:s7+$0x5640];
	v18 =	vmul.f32 v19, v18;
	v19 =	vmul.f32 v53, v52  }
0x29a: {  	v59 =	vld [tilespmem:s7+$0x7E40]  }
0x29b: {  	v60 =	vld [tilespmem:s7+$0x5650];
	v18 =	vadd.f32 v19, v18;
	v19 =	vmul.f32 v55, v54  }
0x29c: {  	v61 =	vld [tilespmem:s7+$0x7E50]  }
0x29d: {  	v62 =	vld [tilespmem:s7+$0x5660];
	v18 =	vadd.f32 v19, v18;
	v19 =	vmul.f32 v57, v56  }
0x29e: {  	v63 =	vld [tilespmem:s7+$0x7E60]  }
0x29f: {  	v26 =	vld [tilespmem:s7+$0x5670];
	v18 =	vadd.f32 v19, v18;
	v19 =	vmul.f32 v59, v58  }
0x2a0: {  	v27 =	vld [tilespmem:s7+$0x7E70]  }
0x2a1: {  	v18 =	vadd.f32 v19, v18;
	v19 =	vmul.f32 v61, v60;
	_ =	sdelay $0x1  }
0x2a2: {  	v18 =	vadd.f32 v19, v18;
	v19 =	vmul.f32 v63, v62;
	_ =	sdelay $0x1  }
0x2a3: {  	v18 =	vadd.f32 v19, v18;
	v19 =	vmul.f32 v27, v26;
	_ =	sdelay $0x1  }
0x2a4: {  	v18 =	vadd.f32 v19, v18;
	_ =	sdelay $0x1  }
0x2a5: {  	[tilespmem:$0xA280] =	vst v18  }
0x2a6: {  	v18 =	vld [tilespmem:s7+$0x5680]  }
0x2a7: {  	v19 =	vld [tilespmem:s7+$0x7E80]  }
0x2a8: {  	v28 =	vld [tilespmem:s7+$0x5690]  }
0x2a9: {  	v29 =	vld [tilespmem:s7+$0x7E90]  }
0x2aa: {  	v30 =	vld [tilespmem:s7+$0x56A0]  }
0x2ab: {  	v31 =	vld [tilespmem:s7+$0x7EA0]  }
0x2ac: {  	v32 =	vld [tilespmem:s7+$0x56B0]  }
0x2ad: {  	v33 =	vld [tilespmem:s7+$0x7EB0]  }
0x2ae: {  	v34 =	vld [tilespmem:s7+$0x56C0];
	v18 =	vmul.f32 v19, v18;
	v19 =	vmul.f32 v29, v28  }
0x2af: {  	v35 =	vld [tilespmem:s7+$0x7EC0]  }
0x2b0: {  	v36 =	vld [tilespmem:s7+$0x56D0];
	v18 =	vadd.f32 v19, v18;
	v19 =	vmul.f32 v31, v30  }
0x2b1: {  	v37 =	vld [tilespmem:s7+$0x7ED0]  }
0x2b2: {  	v38 =	vld [tilespmem:s7+$0x56E0];
	v18 =	vadd.f32 v19, v18;
	v19 =	vmul.f32 v33, v32  }
0x2b3: {  	v39 =	vld [tilespmem:s7+$0x7EE0]  }
0x2b4: {  	v40 =	vld [tilespmem:s7+$0x56F0];
	v18 =	vadd.f32 v19, v18;
	v19 =	vmul.f32 v35, v34  }
0x2b5: {  	v41 =	vld [tilespmem:s7+$0x7EF0]  }
0x2b6: {  	v18 =	vadd.f32 v19, v18;
	v19 =	vmul.f32 v37, v36;
	_ =	sdelay $0x1  }
0x2b7: {  	v18 =	vadd.f32 v19, v18;
	v19 =	vmul.f32 v39, v38;
	_ =	sdelay $0x1  }
0x2b8: {  	v18 =	vadd.f32 v19, v18;
	v19 =	vmul.f32 v41, v40;
	_ =	sdelay $0x1  }
0x2b9: {  	v18 =	vadd.f32 v19, v18;
	_ =	sdelay $0x1  }
0x2ba: {  	[tilespmem:$0xA290] =	vst v18  }
0x2bb: {  	v18 =	vld [tilespmem:s7+$0x5700]  }
0x2bc: {  	v19 =	vld [tilespmem:s7+$0x7F00]  }
0x2bd: {  	v42 =	vld [tilespmem:s7+$0x5710]  }
0x2be: {  	v43 =	vld [tilespmem:s7+$0x7F10]  }
0x2bf: {  	v44 =	vld [tilespmem:s7+$0x5720]  }
0x2c0: {  	v45 =	vld [tilespmem:s7+$0x7F20]  }
0x2c1: {  	v46 =	vld [tilespmem:s7+$0x5730]  }
0x2c2: {  	v47 =	vld [tilespmem:s7+$0x7F30]  }
0x2c3: {  	v48 =	vld [tilespmem:s7+$0x5740];
	v18 =	vmul.f32 v19, v18;
	v19 =	vmul.f32 v43, v42  }
0x2c4: {  	v49 =	vld [tilespmem:s7+$0x7F40]  }
0x2c5: {  	v50 =	vld [tilespmem:s7+$0x5750];
	v18 =	vadd.f32 v19, v18;
	v19 =	vmul.f32 v45, v44  }
0x2c6: {  	v51 =	vld [tilespmem:s7+$0x7F50]  }
0x2c7: {  	v52 =	vld [tilespmem:s7+$0x5760];
	v18 =	vadd.f32 v19, v18;
	v19 =	vmul.f32 v47, v46  }
0x2c8: {  	v53 =	vld [tilespmem:s7+$0x7F60]  }
0x2c9: {  	v54 =	vld [tilespmem:s7+$0x5770];
	v18 =	vadd.f32 v19, v18;
	v19 =	vmul.f32 v49, v48  }
0x2ca: {  	v55 =	vld [tilespmem:s7+$0x7F70]  }
0x2cb: {  	v18 =	vadd.f32 v19, v18;
	v19 =	vmul.f32 v51, v50;
	_ =	sdelay $0x1  }
0x2cc: {  	v18 =	vadd.f32 v19, v18;
	v19 =	vmul.f32 v53, v52;
	_ =	sdelay $0x1  }
0x2cd: {  	v18 =	vadd.f32 v19, v18;
	v19 =	vmul.f32 v55, v54;
	_ =	sdelay $0x1  }
0x2ce: {  	v18 =	vadd.f32 v19, v18;
	_ =	sdelay $0x1  }
0x2cf: {  	[tilespmem:$0xA2A0] =	vst v18  }
0x2d0: {  	v18 =	vld [tilespmem:s7+$0x5780]  }
0x2d1: {  	v19 =	vld [tilespmem:s7+$0x7F80]  }
0x2d2: {  	v56 =	vld [tilespmem:s7+$0x5790]  }
0x2d3: {  	v57 =	vld [tilespmem:s7+$0x7F90]  }
0x2d4: {  	v58 =	vld [tilespmem:s7+$0x57A0]  }
0x2d5: {  	v59 =	vld [tilespmem:s7+$0x7FA0]  }
0x2d6: {  	v60 =	vld [tilespmem:s7+$0x57B0]  }
0x2d7: {  	v61 =	vld [tilespmem:s7+$0x7FB0]  }
0x2d8: {  	v62 =	vld [tilespmem:s7+$0x57C0];
	v18 =	vmul.f32 v19, v18;
	v19 =	vmul.f32 v57, v56  }
0x2d9: {  	v63 =	vld [tilespmem:s7+$0x7FC0]  }
0x2da: {  	v28 =	vld [tilespmem:s7+$0x57D0];
	v18 =	vadd.f32 v19, v18;
	v19 =	vmul.f32 v59, v58  }
0x2db: {  	v29 =	vld [tilespmem:s7+$0x7FD0]  }
0x2dc: {  	v30 =	vld [tilespmem:s7+$0x57E0];
	v18 =	vadd.f32 v19, v18;
	v19 =	vmul.f32 v61, v60  }
0x2dd: {  	v31 =	vld [tilespmem:s7+$0x7FE0]  }
0x2de: {  	v32 =	vld [tilespmem:s7+$0x57F0];
	v18 =	vadd.f32 v19, v18;
	v19 =	vmul.f32 v63, v62  }
0x2df: {  	v33 =	vld [tilespmem:s7+$0x7FF0]  }
0x2e0: {  	v18 =	vadd.f32 v19, v18;
	v19 =	vmul.f32 v29, v28;
	_ =	sdelay $0x1  }
0x2e1: {  	v18 =	vadd.f32 v19, v18;
	v19 =	vmul.f32 v31, v30;
	_ =	sdelay $0x1  }
0x2e2: {  	v18 =	vadd.f32 v19, v18;
	v19 =	vmul.f32 v33, v32;
	_ =	sdelay $0x1  }
0x2e3: {  	v18 =	vadd.f32 v19, v18;
	_ =	sdelay $0x1  }
0x2e4: {  	[tilespmem:$0xA2B0] =	vst v18  }
0x2e5: {  	v18 =	vld [tilespmem:s7+$0x5800]  }
0x2e6: {  	v19 =	vld [tilespmem:s7+$0x8000]  }
0x2e7: {  	v34 =	vld [tilespmem:s7+$0x5810]  }
0x2e8: {  	v35 =	vld [tilespmem:s7+$0x8010]  }
0x2e9: {  	v36 =	vld [tilespmem:s7+$0x5820]  }
0x2ea: {  	v37 =	vld [tilespmem:s7+$0x8020]  }
0x2eb: {  	v38 =	vld [tilespmem:s7+$0x5830]  }
0x2ec: {  	v39 =	vld [tilespmem:s7+$0x8030]  }
0x2ed: {  	v40 =	vld [tilespmem:s7+$0x5840];
	v18 =	vmul.f32 v19, v18;
	v19 =	vmul.f32 v35, v34  }
0x2ee: {  	v41 =	vld [tilespmem:s7+$0x8040]  }
0x2ef: {  	v42 =	vld [tilespmem:s7+$0x5850];
	v18 =	vadd.f32 v19, v18;
	v19 =	vmul.f32 v37, v36  }
0x2f0: {  	v43 =	vld [tilespmem:s7+$0x8050]  }
0x2f1: {  	v44 =	vld [tilespmem:s7+$0x5860];
	v18 =	vadd.f32 v19, v18;
	v19 =	vmul.f32 v39, v38  }
0x2f2: {  	v45 =	vld [tilespmem:s7+$0x8060]  }
0x2f3: {  	v46 =	vld [tilespmem:s7+$0x5870];
	v18 =	vadd.f32 v19, v18;
	v19 =	vmul.f32 v41, v40  }
0x2f4: {  	v47 =	vld [tilespmem:s7+$0x8070]  }
0x2f5: {  	v18 =	vadd.f32 v19, v18;
	v19 =	vmul.f32 v43, v42;
	_ =	sdelay $0x1  }
0x2f6: {  	v18 =	vadd.f32 v19, v18;
	v19 =	vmul.f32 v45, v44;
	_ =	sdelay $0x1  }
0x2f7: {  	v18 =	vadd.f32 v19, v18;
	v19 =	vmul.f32 v47, v46;
	_ =	sdelay $0x1  }
0x2f8: {  	v18 =	vadd.f32 v19, v18;
	_ =	sdelay $0x1  }
0x2f9: {  	[tilespmem:$0xA2C0] =	vst v18  }
0x2fa: {  	v18 =	vld [tilespmem:s7+$0x5880]  }
0x2fb: {  	v19 =	vld [tilespmem:s7+$0x8080]  }
0x2fc: {  	v48 =	vld [tilespmem:s7+$0x5890]  }
0x2fd: {  	v49 =	vld [tilespmem:s7+$0x8090]  }
0x2fe: {  	v50 =	vld [tilespmem:s7+$0x58A0]  }
0x2ff: {  	v51 =	vld [tilespmem:s7+$0x80A0]  }
0x300: {  	v52 =	vld [tilespmem:s7+$0x58B0]  }
0x301: {  	v53 =	vld [tilespmem:s7+$0x80B0]  }
0x302: {  	v54 =	vld [tilespmem:s7+$0x58C0];
	v18 =	vmul.f32 v19, v18;
	v19 =	vmul.f32 v49, v48  }
0x303: {  	v55 =	vld [tilespmem:s7+$0x80C0]  }
0x304: {  	v56 =	vld [tilespmem:s7+$0x58D0];
	v18 =	vadd.f32 v19, v18;
	v19 =	vmul.f32 v51, v50  }
0x305: {  	v57 =	vld [tilespmem:s7+$0x80D0]  }
0x306: {  	v58 =	vld [tilespmem:s7+$0x58E0];
	v18 =	vadd.f32 v19, v18;
	v19 =	vmul.f32 v53, v52  }
0x307: {  	v59 =	vld [tilespmem:s7+$0x80E0]  }
0x308: {  	v60 =	vld [tilespmem:s7+$0x58F0];
	v18 =	vadd.f32 v19, v18;
	v19 =	vmul.f32 v55, v54  }
0x309: {  	v61 =	vld [tilespmem:s7+$0x80F0]  }
0x30a: {  	v18 =	vadd.f32 v19, v18;
	v19 =	vmul.f32 v57, v56;
	_ =	sdelay $0x1  }
0x30b: {  	v18 =	vadd.f32 v19, v18;
	v19 =	vmul.f32 v59, v58;
	_ =	sdelay $0x1  }
0x30c: {  	v18 =	vadd.f32 v19, v18;
	v19 =	vmul.f32 v61, v60;
	_ =	sdelay $0x1  }
0x30d: {  	v18 =	vadd.f32 v19, v18;
	_ =	sdelay $0x1  }
0x30e: {  	[tilespmem:$0xA2D0] =	vst v18  }
0x30f: {  	v18 =	vld [tilespmem:s7+$0x5900]  }
0x310: {  	v19 =	vld [tilespmem:s7+$0x8100]  }
0x311: {  	v62 =	vld [tilespmem:s7+$0x5910]  }
0x312: {  	v63 =	vld [tilespmem:s7+$0x8110]  }
0x313: {  	v28 =	vld [tilespmem:s7+$0x5920]  }
0x314: {  	v29 =	vld [tilespmem:s7+$0x8120]  }
0x315: {  	v30 =	vld [tilespmem:s7+$0x5930]  }
0x316: {  	v31 =	vld [tilespmem:s7+$0x8130]  }
0x317: {  	v32 =	vld [tilespmem:s7+$0x5940];
	v18 =	vmul.f32 v19, v18;
	v19 =	vmul.f32 v63, v62  }
0x318: {  	v33 =	vld [tilespmem:s7+$0x8140]  }
0x319: {  	v34 =	vld [tilespmem:s7+$0x5950];
	v18 =	vadd.f32 v19, v18;
	v19 =	vmul.f32 v29, v28  }
0x31a: {  	v35 =	vld [tilespmem:s7+$0x8150]  }
0x31b: {  	v36 =	vld [tilespmem:s7+$0x5960];
	v18 =	vadd.f32 v19, v18;
	v19 =	vmul.f32 v31, v30  }
0x31c: {  	v37 =	vld [tilespmem:s7+$0x8160]  }
0x31d: {  	v38 =	vld [tilespmem:s7+$0x5970];
	v18 =	vadd.f32 v19, v18;
	v19 =	vmul.f32 v33, v32  }
0x31e: {  	v39 =	vld [tilespmem:s7+$0x8170]  }
0x31f: {  	v18 =	vadd.f32 v19, v18;
	v19 =	vmul.f32 v35, v34;
	_ =	sdelay $0x1  }
0x320: {  	v18 =	vadd.f32 v19, v18;
	v19 =	vmul.f32 v37, v36;
	_ =	sdelay $0x1  }
0x321: {  	v18 =	vadd.f32 v19, v18;
	v19 =	vmul.f32 v39, v38;
	_ =	sdelay $0x1  }
0x322: {  	v18 =	vadd.f32 v19, v18;
	_ =	sdelay $0x1  }
0x323: {  	[tilespmem:$0xA2E0] =	vst v18  }
0x324: {  	v18 =	vld [tilespmem:s7+$0x5980]  }
0x325: {  	v19 =	vld [tilespmem:s7+$0x8180]  }
0x326: {  	v40 =	vld [tilespmem:s7+$0x5990]  }
0x327: {  	v41 =	vld [tilespmem:s7+$0x8190]  }
0x328: {  	v42 =	vld [tilespmem:s7+$0x59A0]  }
0x329: {  	v43 =	vld [tilespmem:s7+$0x81A0]  }
0x32a: {  	v44 =	vld [tilespmem:s7+$0x59B0]  }
0x32b: {  	v45 =	vld [tilespmem:s7+$0x81B0]  }
0x32c: {  	v46 =	vld [tilespmem:s7+$0x59C0];
	v18 =	vmul.f32 v19, v18;
	v19 =	vmul.f32 v41, v40  }
0x32d: {  	v47 =	vld [tilespmem:s7+$0x81C0]  }
0x32e: {  	v48 =	vld [tilespmem:s7+$0x59D0];
	v18 =	vadd.f32 v19, v18;
	v19 =	vmul.f32 v43, v42  }
0x32f: {  	v49 =	vld [tilespmem:s7+$0x81D0]  }
0x330: {  	v50 =	vld [tilespmem:s7+$0x59E0];
	v18 =	vadd.f32 v19, v18;
	v19 =	vmul.f32 v45, v44  }
0x331: {  	v51 =	vld [tilespmem:s7+$0x81E0]  }
0x332: {  	v52 =	vld [tilespmem:s7+$0x59F0];
	v18 =	vadd.f32 v19, v18;
	v19 =	vmul.f32 v47, v46  }
0x333: {  	v53 =	vld [tilespmem:s7+$0x81F0]  }
0x334: {  	v18 =	vadd.f32 v19, v18;
	v19 =	vmul.f32 v49, v48;
	_ =	sdelay $0x1  }
0x335: {  	v18 =	vadd.f32 v19, v18;
	v19 =	vmul.f32 v51, v50;
	_ =	sdelay $0x1  }
0x336: {  	v18 =	vadd.f32 v19, v18;
	v19 =	vmul.f32 v53, v52;
	_ =	sdelay $0x1  }
0x337: {  	v18 =	vadd.f32 v19, v18;
	_ =	sdelay $0x1  }
0x338: {  	[tilespmem:$0xA2F0] =	vst v18  }
0x339: {  	v18 =	vld.idx.msk [tilespmem:v0+s0+$0x0], $0xffff  }
0x33a: {  	v19 =	vld.idx.msk [tilespmem:v1+s0+$0x0], $0xffff  }
0x33b: {  	v54 =	vld.idx.msk [tilespmem:v2+s0+$0x0], $0xffff  }
0x33c: {  	v55 =	vld.idx.msk [tilespmem:v3+s0+$0x0], $0xffff  }
0x33d: {  	v56 =	vld.idx.msk [tilespmem:v4+s0+$0x0], $0xffff  }
0x33e: {  	v57 =	vld.idx.msk [tilespmem:v5+s0+$0x0], $0xffff  }
0x33f: {  	v58 =	vld.idx.msk [tilespmem:v6+s0+$0x0], $0xffff  }
0x340: {  	v59 =	vld.idx.msk [tilespmem:v7+s0+$0x0], $0xffff  }
0x341: {  	v26 =	vld.idx.msk [tilespmem:v8+s0+$0x0], $0xffff  }
0x342: {  	v27 =	vld.idx.msk [tilespmem:v9+s0+$0x0], $0xffff  }
0x343: {  	v28 =	vld.idx.msk [tilespmem:v10+s0+$0x0], $0xffff  }
0x344: {  	v29 =	vld.idx.msk [tilespmem:v11+s0+$0x0], $0xffff  }
0x345: {  	v30 =	vld.idx.msk [tilespmem:v12+s0+$0x0], $0xffff  }
0x346: {  	v31 =	vld.idx.msk [tilespmem:v13+s0+$0x0], $0xffff  }
0x347: {  	v32 =	vld.idx.msk [tilespmem:v14+s0+$0x0], $0xffff  }
0x348: {  	v60 =	vld.idx.msk [tilespmem:v15+s0+$0x0], $0xffff;
	v18 =	vadd.f32 v56, v18;
	v19 =	vadd.f32 v57, v19  }
0x349: {  	v20 =	vadd.f32 v58, v54;
	v21 =	vadd.f32 v59, v55  }
0x34a: {  	v18 =	vadd.f32 v26, v18;
	v19 =	vadd.f32 v27, v19  }
0x34b: {  	v20 =	vadd.f32 v28, v20;
	v21 =	vadd.f32 v29, v21  }
0x34c: {  	v18 =	vadd.f32 v30, v18;
	v19 =	vadd.f32 v31, v19  }
0x34d: {  	v20 =	vadd.f32 v32, v20;
	v21 =	vadd.f32 v60, v21;
	_ =	sdelay $0x1  }
0x34e: {  	v18 =	vadd.f32 v19, v18;
	v19 =	vadd.f32 v21, v20;
	_ =	sdelay $0x1  }
0x34f: {  	v18 =	vadd.f32 v19, v18;
	_ =	sdelay $0x1  }
0x350: {  	v18 =	vsub.f32 $0.0e+00, v18;
	_ =	sdelay $0x1  }
0x351: {  	v18 =	vmul.f32 $1.442695020e+00, v18;
	_ =	sdelay $0x1  }
0x352: {  	(erf) = vpow2.f32 v18;
	_ =	sdelay $0x8  }
0x353: {  	v18 =	vpop (erf)  }
0x354: {  	v18 =	vadd.f32 $1.000000000e+00, v18;
	_ =	sdelay $0x1  }
0x355: {  	(erf) = vrcp.f32 v18;
	_ =	sdelay $0x8  }
0x356: {  	v18 =	vpop (erf)  }
0x357: {  	v19 =	vsub.f32 $1.000000000e+00, v18;
	_ =	sdelay $0x1  }
0x358: {  	v18 =	vpsel p0, v19, v18  }
0x359: {  	v18 =	vadd.f32 $1.000000000e-15, v18;
	_ =	sdelay $0x1  }
0x35a: {  	v19 =	vand.u32 $0x7FFFFF, v18  }
0x35b: {  	v19 =	vor.u32 $0x3F800000, v19  }
0x35c: {  	v61 =	vmul.f32 $5.000000000e-01, v19  }
0x35d: {  	vm0 =	vge.f32 v19, $1.414213540e+00  }
0x35e: {  	v19 =	vsel vm0, v61, v19  }
0x35f: {  	v20 =	vadd.f32 $1.000000000e+00, v19;
	_ =	sdelay $0x1  }
0x360: {  	(erf) = vrcp.f32 v20;
	_ =	sdelay $0x7  }
0x361: {  	v19 =	vadd.f32 $-1.000000000e+00, v19  }
0x362: {  	v20 =	vpop (erf)  }
0x363: {  	v19 =	vmul.f32 v20, v19;
	_ =	sdelay $0x1  }
0x364: {  	v20 =	vmul.f32 v19, v19;
	_ =	sdelay $0x1  }
0x365: {  	v62 =	vmul.f32 $9.090909360e-02, v20;
	_ =	sdelay $0x1  }
0x366: {  	v21 =	vadd.f32 $1.111111120e-01, v62;
	_ =	sdelay $0x1  }
0x367: {  	v21 =	vmul.f32 v21, v20;
	_ =	sdelay $0x1  }
0x368: {  	v21 =	vadd.f32 $1.428571490e-01, v21;
	_ =	sdelay $0x1  }
0x369: {  	v21 =	vmul.f32 v21, v20;
	_ =	sdelay $0x1  }
0x36a: {  	v21 =	vadd.f32 $2.000000030e-01, v21;
	_ =	sdelay $0x1  }
0x36b: {  	v21 =	vmul.f32 v21, v20;
	_ =	sdelay $0x1  }
0x36c: {  	v21 =	vadd.f32 $3.333333430e-01, v21  }
0x36d: {  	v18 =	vshra.s32 v18, $0x17;
	v63 =	vsel vm0, $0x1, v16  }
0x36e: {  	v18 =	vadd.s32 v63, v18;
	v20 =	vmul.f32 v21, v20  }
0x36f: {  	v18 =	vadd.s32 $0xFFFFFF81, v18  }
0x370: {  	v18 =	vcvt.s32.f32 v18;
	v19 =	vadd.f32 v19, v19;
	v20 =	vadd.f32 $1.000000000e+00, v20  }
0x371: {  	p3 =	sne.s32 s6, $0x4  }
.Ltmp1:
0x372: {  	v18 =	vmul.f32 $6.931471820e-01, v18;
	v19 =	vmul.f32 v20, v19;
	(pc) =	sbr.rel @p3 .LBB2_5-.Ltmp1, $3  }
0x373: {  	_ = 	snop  }
0x374: {  	v18 =	vadd.f32 v19, v18;
	_ =	sdelay $0x1  }
0x375: {  	s6 =	sadd.s32 $0x1, s6;
	v17 =	vsub.f32 v17, v18  }
0x376: {  	s23 =	sadd.s32 $0x1, s23  }
0x377: {  	p3 =	sne.s32 s23, $0x7D  }
.Ltmp2:
0x378: {  	_ = 	snop;
	(pc) =	sbr.rel @p3 .LBB2_2-.Ltmp2, $1  }
0x379: {  	_ =	sdelay $0x3  }
0x37a: {  	[tilespmem:$0xA300] =	vst v17;
	s6 =	simm.s32 $0xA300  }
0x37b: {  	[spmem:s14] =	stream.linear.scatter [tilespmem:s6], [sflag:$0x5], $0x80, $0x38;
	[tilespmem:$0x1E490] =	vst v63  }
0x37c: {  	_ =	swait.ge [sflag:s20], $0x80  }
0x37d: {  	[sflag:s20] =	ssyncset.done $0x0  }
0x37e: {  	[sflag:s20] =	ssyncadd.s32 $0xFFFFFF80  }
0x37f: {  	[bflag:$0x0] =	sbarrier.arrive $0xFFFF  }
0x380: {  	s6 =	simm.s32 @!p2 $0xA380;
	s7 =	rddreg [dreg:$0x2]  }
0x381: {  	[tilespmem:s6], [sflag:$0x5] =	stream.linear.gather @!p2 [spmem:s7], $0x800, $0x38;
	[tilespmem:$0x1E490] =	vst v63  }
0x382: {  	s6 =	simm.s32 @!p2 $0x5  }
0x383: {  	_ =	swait.ge @!p2 [sflag:s6], $0x800  }
0x384: {  	[sflag:s6] =	ssyncset.done @!p2 $0x0  }
0x385: {  	[sflag:s6] =	ssyncadd.s32 @!p2 $0xFFFFF800  }
0x386: {  	v17 =	vld @!p2 [tilespmem:$0xA380]  }
0x387: {  	v18 =	vld @!p2 [tilespmem:$0xA400];
	_ =	sdelay $0x1  }
0x388: {  	v19 =	vld @!p2 [tilespmem:$0xA480];
	_ =	sdelay $0x1  }
0x389: {  	v20 =	vld @!p2 [tilespmem:$0xA500]  }
0x38a: {  	v17 =	vadd.f32 @!p2 v18, v17  }
0x38b: {  	v18 =	vld @!p2 [tilespmem:$0xA580]  }
0x38c: {  	v17 =	vadd.f32 @!p2 v19, v17  }
0x38d: {  	v19 =	vld @!p2 [tilespmem:$0xA600]  }
0x38e: {  	v17 =	vadd.f32 @!p2 v20, v17  }
0x38f: {  	v20 =	vld @!p2 [tilespmem:$0xA680]  }
0x390: {  	v17 =	vadd.f32 @!p2 v18, v17  }
0x391: {  	v18 =	vld @!p2 [tilespmem:$0xA700]  }
0x392: {  	v17 =	vadd.f32 @!p2 v19, v17  }
0x393: {  	v19 =	vld @!p2 [tilespmem:$0xA780]  }
0x394: {  	v17 =	vadd.f32 @!p2 v20, v17  }
0x395: {  	v20 =	vld @!p2 [tilespmem:$0xA800]  }
0x396: {  	v17 =	vadd.f32 @!p2 v18, v17  }
0x397: {  	v18 =	vld @!p2 [tilespmem:$0xA880]  }
0x398: {  	v17 =	vadd.f32 @!p2 v19, v17  }
0x399: {  	v19 =	vld @!p2 [tilespmem:$0xA900]  }
0x39a: {  	v17 =	vadd.f32 @!p2 v20, v17  }
0x39b: {  	v20 =	vld @!p2 [tilespmem:$0xA980]  }
0x39c: {  	v17 =	vadd.f32 @!p2 v18, v17  }
0x39d: {  	v18 =	vld @!p2 [tilespmem:$0xAA00]  }
0x39e: {  	v17 =	vadd.f32 @!p2 v19, v17  }
0x39f: {  	v19 =	vld @!p2 [tilespmem:$0xAA80]  }
0x3a0: {  	v17 =	vadd.f32 @!p2 v20, v17  }
0x3a1: {  	v20 =	vld @!p2 [tilespmem:$0xAB00]  }
0x3a2: {  	v17 =	vadd.f32 @!p2 v18, v17;
	_ =	sdelay $0x1  }
0x3a3: {  	v17 =	vadd.f32 @!p2 v19, v17;
	_ =	sdelay $0x1  }
0x3a4: {  	v17 =	vadd.f32 @!p2 v20, v17;
	_ =	sdelay $0x1  }
0x3a5: {  	(xrf2) =	vadd.scan.msk.f32 @!p2 $0xffff, v17;
	_ =	sdelay $0x9  }
0x3a6: {  	v17, _, _ =	vpop @!p2 (xrf2)  }
0x3a7: {  	(v2sf) =	vpush @!p2 v17, $0xF;
	_ =	sdelay $0xe  }
0x3a8: {  	s7 =	spop @!p2 (v2sf)  }
0x3a9: {  	s7 =	smul.f32 @!p2 $3.124999920e-06, s7  }
0x3aa: {  	s24 =	sadd.s32 $0x1, s24  }
0x3ab: {  	p3 =	sne.s32 s24, s16;
	v17 =	vmov @!p2 s7  }
.Ltmp3:
0x3ac: {  	s8 =	simm.s32 @!p2 $0xAB80;
	s7 =	simm.s32 @!p2 $0x0;
	[tilespmem:$0xAB80] =	vst @!p2 v17;
	(pc) =	sbr.rel @p3 .LBB2_1-.Ltmp3, $4  }
0x3ad: {  	[hbm4b:s15+s7] =	stream.linear.scatter @!p2 [tilespmem:s8], [sflag:$0x5], $0x80, $0x38;
	[tilespmem:$0x1E490] =	vst v63  }
0x3ae: {  	_ =	swait.ge @!p2 [sflag:s6], $0x80  }
0x3af: {  	[sflag:s6] =	ssyncset.done @!p2 $0x0  }
0x3b0: {  	[sflag:s6] =	ssyncadd.s32 @!p2 $0xFFFFFF80  }
0x3b1: {  	_ =	sfence.sel $0x180000  }
0x3b2: {  	[bflag:$0x0] =	sbarrier.arrive $0xFFFF  }
0x3b3: {  	_ =	strace $0x90000047  }
0x3b4: {  	[bflag:$0x2] =	sbarrier.arrive $0xFFFF  }
0x3b5: {  	s0 =	rddreg [dreg:$0x4]  }
0x3b6: {  	s0 =	sadd.s32 @!p2 $0x100000, s0  }
0x3b7: {  	[sflag:s0] =	ssyncadd.tile.s32 @!p2 $0x1;
	_ =	shalt  }
.Lfunc_end2:
_tile_overlayer_lowered:
.L_overlay_start_2:
0x3b8: {  	(tag) =	ssettag $0x2  }
0x3b9: {  	s0 =	rddreg [dreg:$0x0];
	s2 =	stileid.u32  }
0x3ba: {  	s1 =	rddreg [dreg:$0x1];
	p0 =	sne.s32 s2, $0x0  }
0x3bb: {  	s3 =	rddreg [dreg:$0x2];
	[bflag:$0x3] =	sbarrier.arrive $0xFFFF;
	s2 =	simm.s32 @!p0 $0x1C05  }
0x3bc: {  	[timem:s3], [sflag:s2] =	dma.local @!p0 [hbm:s0], s1  }
0x3bd: {  	s0 =	simm.s32 @!p0 $0x5  }
0x3be: {  	_ =	swait.ge @!p0 [sflag:s0], s1  }
0x3bf: {  	s1 =	ssub.s32 @!p0 $0x0, s1;
	[sflag:s0] =	ssyncset.done @!p0 $0x0  }
0x3c0: {  	[sflag:s0] =	ssyncadd.s32 @!p0 s1  }
0x3c1: {  	[bflag:$0x3] =	sbarrier.arrive $0xFFFF  }
0x3c2: {  	_ =	shalt  }

</sc_bundles>
